<compile_context>
chip_gen: v7x
topology: tpu7x:2x2x1
jax: 0.10.2.dev20260603
libtpu: 0.0.44.dev20260713+nightly
codegen_flags: <defaults>
</compile_context>

<pallas_src>
import functools

import jax
import jax.numpy as jnp
from jax import lax
from jax.experimental import pallas as pl
from jax.experimental.pallas import tpu as pltpu
from jax.experimental.pallas import tpu_sc as plsc

_N = 10000
_E = 320000
_D = 128
_HD = 64
_NC = 2
_NS = 16
_CH = 128
_NCH = 80
_EP = _NC * _NS * _NCH * _CH
_TRASH = 10016
_NACC = 10240
_RPT = _NACC // _NS
_DEGPAD = 10240
_BLKH = 1000
_GRID = _N // (2 * _BLKH)
_DEPTH = 5

_SC_PARAMS = pltpu.CompilerParams(use_tc_tiling_on_sc=False)



def _deg_body(dst_hbm, out_hbm, idx_v, ones_v, zb_v, acc_sh):
    c = lax.axis_index("c")
    s = lax.axis_index("s")
    pltpu.sync_copy(dst_hbm.at[c].at[s], idx_v)
    ones16 = jnp.ones((16,), jnp.float32)
    zeros16 = jnp.zeros((16,), jnp.float32)
    for i in range(8):
        ones_v[pl.ds(i * 16, 16)] = ones16

    def zfill(i, carry):
        zb_v[pl.ds(i * 16, 16)] = zeros16
        return carry

    lax.fori_loop(0, 40, zfill, 0)
    pltpu.sync_copy(zb_v, acc_sh.at[pl.ds(s * 640, 640)])
    plsc.subcore_barrier()

    def body(j, carry):
        pltpu.sync_copy(ones_v, acc_sh.at[idx_v.at[j]], add=True)
        return carry

    lax.fori_loop(0, _NCH, body, 0)
    plsc.subcore_barrier()
    pltpu.sync_copy(acc_sh.at[pl.ds(s * 640, 640)],
                    out_hbm.at[pl.ds(c * _DEGPAD + s * 640, 640)])


def _spmm_body(g_hbm, src_hbm, dst_hbm, out_hbm, srcv, dstv, *rest):
    bufs = rest[:_DEPTH]
    zrow_v = rest[_DEPTH]
    acc_sh = rest[_DEPTH + 1]
    sems = rest[_DEPTH + 2:]
    c = lax.axis_index("c")
    s = lax.axis_index("s")
    pltpu.sync_copy(src_hbm.at[c].at[s], srcv)
    pltpu.sync_copy(dst_hbm.at[c].at[s], dstv)
    zeros16 = jnp.zeros((16,), jnp.float32)

    def zfill(r, carry):
        for k in range(4):
            zrow_v[r, pl.ds(k * 16, 16)] = zeros16
        return carry

    lax.fori_loop(0, 128, zfill, 0)

    for h in range(2):
        for k in range(5):
            pltpu.sync_copy(zrow_v, acc_sh.at[pl.ds(s * _RPT + k * 128, 128)])
        plsc.subcore_barrier()

        for u in range(_DEPTH):
            pltpu.async_copy(g_hbm.at[h].at[srcv.at[u]], bufs[u], sems[u])

        def body(jj, carry):
            j = jj * _DEPTH
            for u in range(_DEPTH):
                pltpu.make_async_copy(g_hbm.at[h].at[srcv.at[j + u]],
                                      bufs[u], sems[u]).wait()
                pltpu.sync_copy(bufs[u], acc_sh.at[dstv.at[j + u]], add=True)

                @pl.when(j + u + _DEPTH < _NCH)
                def _():
                    pltpu.async_copy(g_hbm.at[h].at[srcv.at[j + u + _DEPTH]],
                                     bufs[u], sems[u])

            return carry

        lax.fori_loop(0, _NCH // _DEPTH, body, 0)
        plsc.subcore_barrier()
        pltpu.sync_copy(acc_sh.at[pl.ds(s * _RPT, _RPT)],
                        out_hbm.at[c].at[h].at[pl.ds(s * _RPT, _RPT)])


@functools.lru_cache(maxsize=None)
def _deg_call():
    mesh = plsc.VectorSubcoreMesh(core_axis_name="c", subcore_axis_name="s")
    return pl.kernel(
        _deg_body,
        out_type=jax.ShapeDtypeStruct((_NC * _DEGPAD,), jnp.float32),
        mesh=mesh,
        compiler_params=_SC_PARAMS,
        scratch_types=[
            pltpu.VMEM((_NCH, _CH), jnp.int32),
            pltpu.VMEM((128,), jnp.float32),
            pltpu.VMEM((640,), jnp.float32),
            pltpu.VMEM_SHARED((_DEGPAD,), jnp.float32),
        ],
    )


@functools.lru_cache(maxsize=None)
def _spmm_call():
    mesh = plsc.VectorSubcoreMesh(core_axis_name="c", subcore_axis_name="s")
    return pl.kernel(
        _spmm_body,
        out_type=jax.ShapeDtypeStruct((_NC, 2, _NACC, _HD), jnp.float32),
        mesh=mesh,
        compiler_params=_SC_PARAMS,
        scratch_types=[
            pltpu.VMEM((_NCH, _CH), jnp.int32),
            pltpu.VMEM((_NCH, _CH), jnp.int32),
        ] + [pltpu.VMEM((_CH, _HD), jnp.float32) for _ in range(_DEPTH)] + [
            pltpu.VMEM((128, _HD), jnp.float32),
            pltpu.VMEM_SHARED((_NACC, _HD), jnp.float32),
        ] + [pltpu.SemaphoreType.DMA for _ in range(_DEPTH)],
    )



def _pack_scaled(re, ro, dp):
    ge = dp[:, 0:1] * re
    go = dp[:, _HD:_HD + 1] * ro
    return (jnp.concatenate([ge[:, :_HD], go[:, :_HD]], axis=1),
            jnp.concatenate([ge[:, _HD:], go[:, _HD:]], axis=1))


def _tc1_body(xe_ref, xo_ref, w_ref, dp_ref, g_ref):
    dp = dp_ref[...]
    re = jnp.dot(xe_ref[...], w_ref[...], preferred_element_type=jnp.float32)
    ro = jnp.dot(xo_ref[...], w_ref[...], preferred_element_type=jnp.float32)
    g0, g1 = _pack_scaled(re, ro, dp)
    g_ref[0, :, :] = g0
    g_ref[1, :, :] = g1


def _ypack(p_ref, g_ref, dp, b_ref):
    y0 = dp * (p_ref[0, 0] + p_ref[1, 0] + g_ref[0]) + b_ref[0]
    y1 = dp * (p_ref[0, 1] + p_ref[1, 1] + g_ref[1]) + b_ref[1]
    return y0, y1


def _tc_mid_body(p_ref, g_ref, dp_ref, b_ref, w_ref, gout_ref):
    dp = dp_ref[...]
    y0, y1 = _ypack(p_ref, g_ref, dp, b_ref)
    wt = w_ref[:_HD, :]
    wb = w_ref[_HD:, :]
    re = (jnp.dot(y0[:, :_HD], wt, preferred_element_type=jnp.float32)
          + jnp.dot(y1[:, :_HD], wb, preferred_element_type=jnp.float32))
    ro = (jnp.dot(y0[:, _HD:], wt, preferred_element_type=jnp.float32)
          + jnp.dot(y1[:, _HD:], wb, preferred_element_type=jnp.float32))
    g0, g1 = _pack_scaled(re, ro, dp)
    gout_ref[0, :, :] = g0
    gout_ref[1, :, :] = g1


def _tc_out_body(p_ref, g_ref, dp_ref, b_ref, out_ref):
    dp = dp_ref[...]
    y0, y1 = _ypack(p_ref, g_ref, dp, b_ref)
    out_ref[0, :, :] = jnp.concatenate([y0[:, :_HD], y1[:, :_HD]], axis=1)
    out_ref[1, :, :] = jnp.concatenate([y0[:, _HD:], y1[:, _HD:]], axis=1)


def _gspec():
    return pl.BlockSpec((2, _BLKH, _D), lambda i: (0, i, 0))


def _pspec():
    return pl.BlockSpec((_NC, 2, _BLKH, _D), lambda i: (0, 0, i, 0))


def _dpspec():
    return pl.BlockSpec((_BLKH, _D), lambda i: (i, 0))


def _tc1(xe, xo, w, dpack):
    return pl.pallas_call(
        _tc1_body,
        grid=(_GRID,),
        in_specs=[
            _dpspec(),
            _dpspec(),
            pl.BlockSpec((_D, _D), lambda i: (0, 0)),
            _dpspec(),
        ],
        out_specs=_gspec(),
        out_shape=jax.ShapeDtypeStruct((2, _N // 2, _D), jnp.float32),
    )(xe, xo, w, dpack)


def _tc_mid(p, g, dpack, bpack, w):
    return pl.pallas_call(
        _tc_mid_body,
        grid=(_GRID,),
        in_specs=[
            _pspec(),
            _gspec(),
            _dpspec(),
            pl.BlockSpec((2, 1, _D), lambda i: (0, 0, 0)),
            pl.BlockSpec((_D, _D), lambda i: (0, 0)),
        ],
        out_specs=_gspec(),
        out_shape=jax.ShapeDtypeStruct((2, _N // 2, _D), jnp.float32),
    )(p, g, dpack, bpack, w)


def _tc_out(p, g, dpack, bpack):
    return pl.pallas_call(
        _tc_out_body,
        grid=(_GRID,),
        in_specs=[
            _pspec(),
            _gspec(),
            _dpspec(),
            pl.BlockSpec((2, 1, _D), lambda i: (0, 0, 0)),
        ],
        out_specs=_gspec(),
        out_shape=jax.ShapeDtypeStruct((2, _N // 2, _D), jnp.float32),
    )(p, g, dpack, bpack)



def kernel(x, edge_index, W1, b1, W2, b2, W3, b3):
    src = jnp.pad(edge_index[0], (0, _EP - _E)).reshape(_NC, _NS, _NCH, _CH)
    pad_dst = _N + jnp.arange(_EP - _E, dtype=jnp.int32) % (_NACC - _N)
    dst = jnp.concatenate([edge_index[1], pad_dst]).reshape(
        _NC, _NS, _NCH, _CH)

    degp = _deg_call()(dst)
    dinv = lax.rsqrt(degp[:_N] + degp[_DEGPAD:_DEGPAD + _N] + 1.0)
    dpack = jnp.repeat(dinv, _HD).reshape(_N // 2, _D)

    xe = x[0::2]
    xo = x[1::2]

    def bpack(b):
        return jnp.concatenate([jnp.tile(b[:_HD], 2),
                                jnp.tile(b[_HD:], 2)]).reshape(2, 1, _D)

    g = _tc1(xe, xo, W1, dpack)
    p = _spmm_call()(g.reshape(2, _N, _HD), src, dst)
    g = _tc_mid(p.reshape(_NC, 2, _NACC // 2, _D), g, dpack, bpack(b1), W2)
    p = _spmm_call()(g.reshape(2, _N, _HD), src, dst)
    g = _tc_mid(p.reshape(_NC, 2, _NACC // 2, _D), g, dpack, bpack(b2), W3)
    p = _spmm_call()(g.reshape(2, _N, _HD), src, dst)
    eo = _tc_out(p.reshape(_NC, 2, _NACC // 2, _D), g, dpack, bpack(b3))
    return jnp.stack([eo[0], eo[1]], axis=1).reshape(_N, _D)

# --- scband reference (transcript-rebuilt; emitter-appended) ---
"""Pipeline reference for scband-mplp-gcn-34866544508931 (READ-ONLY COPY).

The authoritative reference and input builder live on the scoring server;
editing this copy changes nothing except your own understanding.
"""

import jax, jax.numpy as jnp
import numpy as np

N = 10000
E = 320000
D = 128


def setup_inputs(seed: int = 0) -> dict:
    key = jax.random.key(seed)
    ks = jax.random.split(key, 9)
    x = jax.random.normal(ks[0], (N, D), dtype=jnp.float32)
    edge_index = jax.random.randint(ks[1], (2, E), 0, N, dtype=jnp.int32)
    # GCNConv params: lin weight (in,out layout for x @ W) + bias, 3 layers 128->128->128->128
    W1 = jax.random.normal(ks[2], (D, D), dtype=jnp.float32) * 0.05
    b1 = jnp.zeros((D,), dtype=jnp.float32)
    W2 = jax.random.normal(ks[3], (D, D), dtype=jnp.float32) * 0.05
    b2 = jnp.zeros((D,), dtype=jnp.float32)
    W3 = jax.random.normal(ks[4], (D, D), dtype=jnp.float32) * 0.05
    b3 = jnp.zeros((D,), dtype=jnp.float32)
    return {"x": x, "edge_index": edge_index, "W1": W1, "b1": b1, "W2": W2, "b2": b2, "W3": W3, "b3": b3}


def _gcn_layer(x, W, b, src, dst):
    # faithful PyG GCNConv: h = x @ W; gcn_norm with add_self_loops=True,
    # symmetric normalization deg^{-1/2}[src] * deg^{-1/2}[dst]; scatter-add to dst; + bias
    h = x @ W
    loop = jnp.arange(N, dtype=src.dtype)
    s = jnp.concatenate([src, loop])
    d = jnp.concatenate([dst, loop])
    ones = jnp.ones((s.shape[0],), dtype=jnp.float32)
    deg = jax.ops.segment_sum(ones, d, num_segments=N)
    dinv = jnp.where(deg > 0, jax.lax.rsqrt(jnp.where(deg > 0, deg, 1.0)), 0.0)
    norm = dinv[s] * dinv[d]
    msg = h[s] * norm[:, None]
    out = jax.ops.segment_sum(msg, d, num_segments=N)
    return out + b


def reference(x, edge_index, W1, b1, W2, b2, W3, b3):
    # MPLP_GCN.forward (eval mode): xemb is just Dropout(0.0) -> identity;
    # use_feature=True, embedding=None, jk=False; convs applied sequentially with no activation.
    src = edge_index[0]
    dst = edge_index[1]
    h = _gcn_layer(x, W1, b1, src, dst)
    h = _gcn_layer(h, W2, b2, src, dst)
    h = _gcn_layer(h, W3, b3, src, dst)
    return h


if False:  # reference __main__ guard neutralized (emitter)
    inp = setup_inputs()
    out = reference(**inp)
    print(out.shape, out.dtype)

if __name__ == "__main__":
    import jax
    _d = setup_inputs()
    print(jax.jit(kernel)(*tuple(_d.values())))

</pallas_src>

<mosaic_0001>
#map = affine_map<(d0, d1) -> (0, 0, 0)>
#map1 = affine_map<(d0, d1) -> (0, 0, 0, 0)>
module attributes {stable_mosaic.version = 14 : i64} {
  func.func @_spmm_body(%arg0: i32, %arg1: i32, %arg2: memref<2x10000x64xf32, #tpu.memory_space<hbm>>, %arg3: memref<2x16x80x128xi32, #tpu.memory_space<hbm>>, %arg4: memref<2x16x80x128xi32, #tpu.memory_space<hbm>>, %arg5: memref<2x2x10240x64xf32, #tpu.memory_space<hbm>>, %arg6: memref<80x128xi32, #tpu.memory_space<vmem>>, %arg7: memref<80x128xi32, #tpu.memory_space<vmem>>, %arg8: memref<128x64xf32, #tpu.memory_space<vmem>>, %arg9: memref<128x64xf32, #tpu.memory_space<vmem>>, %arg10: memref<128x64xf32, #tpu.memory_space<vmem>>, %arg11: memref<128x64xf32, #tpu.memory_space<vmem>>, %arg12: memref<128x64xf32, #tpu.memory_space<vmem>>, %arg13: memref<128x64xf32, #tpu.memory_space<vmem>>, %arg14: memref<10240x64xf32, #tpu.memory_space<vmem_shared>>, %arg15: memref<!tpu.dma_semaphore, #tpu.memory_space<semaphore_mem>>, %arg16: memref<!tpu.dma_semaphore, #tpu.memory_space<semaphore_mem>>, %arg17: memref<!tpu.dma_semaphore, #tpu.memory_space<semaphore_mem>>, %arg18: memref<!tpu.dma_semaphore, #tpu.memory_space<semaphore_mem>>, %arg19: memref<!tpu.dma_semaphore, #tpu.memory_space<semaphore_mem>>) attributes {dimension_semantics = [#tpu.dimension_semantics<core_parallel>, #tpu.dimension_semantics<subcore_parallel>], iteration_bounds = array<i64: 2, 16>, scalar_prefetch = 0 : i64, scratch_operands = 14 : i64, tpu.core_type = #tpu.core_type<sc_vector_subcore>, window_params = [{transform_indices = #map}, {transform_indices = #map1}, {transform_indices = #map1}, {transform_indices = #map1}]} {
    "tpu.region"() ({
      %run_scoped3A_187 = tpu.sem_alloc : memref<!tpu.dma_semaphore, #tpu.memory_space<semaphore_mem>>
      %dma_start3A_188 = arith.constant 0 : i32
      %dma_start3A_189 = arith.constant 0 : i32
      %dma_start3A_190 = arith.constant 0 : i32
      %dma_start3A_191 = tpu.memref_slice %arg3[%arg0, %dma_start3A_188, %dma_start3A_189, %dma_start3A_190] : memref<2x16x80x128xi32, #tpu.memory_space<hbm>> -> memref<1x16x80x128xi32, #tpu.memory_space<hbm>>
      %dma_start3A_192 = tpu.memref_squeeze %dma_start3A_191 : memref<1x16x80x128xi32, #tpu.memory_space<hbm>> -> memref<16x80x128xi32, #tpu.memory_space<hbm>>
      %dma_start3A_193 = arith.constant 0 : i32
      %dma_start3A_194 = arith.constant 0 : i32
      %dma_start3A_195 = tpu.memref_slice %dma_start3A_192[%arg1, %dma_start3A_193, %dma_start3A_194] : memref<16x80x128xi32, #tpu.memory_space<hbm>> -> memref<1x80x128xi32, #tpu.memory_space<hbm>>
      %dma_start3A_196 = tpu.memref_squeeze %dma_start3A_195 : memref<1x80x128xi32, #tpu.memory_space<hbm>> -> memref<80x128xi32, #tpu.memory_space<hbm>>
      %dma_start3A_197 = arith.constant 0 : i32
      %dma_start3A_198 = arith.constant 0 : i32
      %dma_start3A_199 = arith.constant 0 : i32
      %dma_start3A_200 = tpu.memref_slice %arg3[%arg0, %dma_start3A_197, %dma_start3A_198, %dma_start3A_199] : memref<2x16x80x128xi32, #tpu.memory_space<hbm>> -> memref<1x16x80x128xi32, #tpu.memory_space<hbm>>
      %dma_start3A_201 = tpu.memref_squeeze %dma_start3A_200 : memref<1x16x80x128xi32, #tpu.memory_space<hbm>> -> memref<16x80x128xi32, #tpu.memory_space<hbm>>
      %dma_start3A_202 = arith.constant 0 : i32
      %dma_start3A_203 = arith.constant 0 : i32
      %dma_start3A_204 = tpu.memref_slice %dma_start3A_201[%arg1, %dma_start3A_202, %dma_start3A_203] : memref<16x80x128xi32, #tpu.memory_space<hbm>> -> memref<1x80x128xi32, #tpu.memory_space<hbm>>
      %dma_start3A_205 = tpu.memref_squeeze %dma_start3A_204 : memref<1x80x128xi32, #tpu.memory_space<hbm>> -> memref<80x128xi32, #tpu.memory_space<hbm>>
      tpu.enqueue_dma source(%dma_start3A_205 : memref<80x128xi32, #tpu.memory_space<hbm>>) target(%arg6 : memref<80x128xi32, #tpu.memory_space<vmem>>) target_semaphore(%run_scoped3A_187 : memref<!tpu.dma_semaphore, #tpu.memory_space<semaphore_mem>>)
      %dma_wait3A = arith.constant 0 : i32
      %dma_wait3A_206 = arith.constant 0 : i32
      %dma_wait3A_207 = arith.constant 0 : i32
      %dma_wait3A_208 = tpu.memref_slice %arg3[%arg0, %dma_wait3A, %dma_wait3A_206, %dma_wait3A_207] : memref<2x16x80x128xi32, #tpu.memory_space<hbm>> -> memref<1x16x80x128xi32, #tpu.memory_space<hbm>>
      %dma_wait3A_209 = tpu.memref_squeeze %dma_wait3A_208 : memref<1x16x80x128xi32, #tpu.memory_space<hbm>> -> memref<16x80x128xi32, #tpu.memory_space<hbm>>
      %dma_wait3A_210 = arith.constant 0 : i32
      %dma_wait3A_211 = arith.constant 0 : i32
      %dma_wait3A_212 = tpu.memref_slice %dma_wait3A_209[%arg1, %dma_wait3A_210, %dma_wait3A_211] : memref<16x80x128xi32, #tpu.memory_space<hbm>> -> memref<1x80x128xi32, #tpu.memory_space<hbm>>
      %dma_wait3A_213 = tpu.memref_squeeze %dma_wait3A_212 : memref<1x80x128xi32, #tpu.memory_space<hbm>> -> memref<80x128xi32, #tpu.memory_space<hbm>>
      %dma_wait3A_214 = arith.constant 0 : i32
      %dma_wait3A_215 = arith.constant 0 : i32
      %dma_wait3A_216 = arith.constant 0 : i32
      %dma_wait3A_217 = tpu.memref_slice %arg3[%arg0, %dma_wait3A_214, %dma_wait3A_215, %dma_wait3A_216] : memref<2x16x80x128xi32, #tpu.memory_space<hbm>> -> memref<1x16x80x128xi32, #tpu.memory_space<hbm>>
      %dma_wait3A_218 = tpu.memref_squeeze %dma_wait3A_217 : memref<1x16x80x128xi32, #tpu.memory_space<hbm>> -> memref<16x80x128xi32, #tpu.memory_space<hbm>>
      %dma_wait3A_219 = arith.constant 0 : i32
      %dma_wait3A_220 = arith.constant 0 : i32
      %dma_wait3A_221 = tpu.memref_slice %dma_wait3A_218[%arg1, %dma_wait3A_219, %dma_wait3A_220] : memref<16x80x128xi32, #tpu.memory_space<hbm>> -> memref<1x80x128xi32, #tpu.memory_space<hbm>>
      %dma_wait3A_222 = tpu.memref_squeeze %dma_wait3A_221 : memref<1x80x128xi32, #tpu.memory_space<hbm>> -> memref<80x128xi32, #tpu.memory_space<hbm>>
      tpu.wait_dma2 semaphore(%run_scoped3A_187 : memref<!tpu.dma_semaphore, #tpu.memory_space<semaphore_mem>>) src(%dma_wait3A_222 : memref<80x128xi32, #tpu.memory_space<hbm>>) dst(%arg6 : memref<80x128xi32, #tpu.memory_space<vmem>>)
      tpu.yield
    }) : () -> ()
    "tpu.region"() ({
      %run_scoped3A_187 = tpu.sem_alloc : memref<!tpu.dma_semaphore, #tpu.memory_space<semaphore_mem>>
      %dma_start3A_188 = arith.constant 0 : i32
      %dma_start3A_189 = arith.constant 0 : i32
      %dma_start3A_190 = arith.constant 0 : i32
      %dma_start3A_191 = tpu.memref_slice %arg4[%arg0, %dma_start3A_188, %dma_start3A_189, %dma_start3A_190] : memref<2x16x80x128xi32, #tpu.memory_space<hbm>> -> memref<1x16x80x128xi32, #tpu.memory_space<hbm>>
      %dma_start3A_192 = tpu.memref_squeeze %dma_start3A_191 : memref<1x16x80x128xi32, #tpu.memory_space<hbm>> -> memref<16x80x128xi32, #tpu.memory_space<hbm>>
      %dma_start3A_193 = arith.constant 0 : i32
      %dma_start3A_194 = arith.constant 0 : i32
      %dma_start3A_195 = tpu.memref_slice %dma_start3A_192[%arg1, %dma_start3A_193, %dma_start3A_194] : memref<16x80x128xi32, #tpu.memory_space<hbm>> -> memref<1x80x128xi32, #tpu.memory_space<hbm>>
      %dma_start3A_196 = tpu.memref_squeeze %dma_start3A_195 : memref<1x80x128xi32, #tpu.memory_space<hbm>> -> memref<80x128xi32, #tpu.memory_space<hbm>>
      %dma_start3A_197 = arith.constant 0 : i32
      %dma_start3A_198 = arith.constant 0 : i32
      %dma_start3A_199 = arith.constant 0 : i32
      %dma_start3A_200 = tpu.memref_slice %arg4[%arg0, %dma_start3A_197, %dma_start3A_198, %dma_start3A_199] : memref<2x16x80x128xi32, #tpu.memory_space<hbm>> -> memref<1x16x80x128xi32, #tpu.memory_space<hbm>>
      %dma_start3A_201 = tpu.memref_squeeze %dma_start3A_200 : memref<1x16x80x128xi32, #tpu.memory_space<hbm>> -> memref<16x80x128xi32, #tpu.memory_space<hbm>>
      %dma_start3A_202 = arith.constant 0 : i32
      %dma_start3A_203 = arith.constant 0 : i32
      %dma_start3A_204 = tpu.memref_slice %dma_start3A_201[%arg1, %dma_start3A_202, %dma_start3A_203] : memref<16x80x128xi32, #tpu.memory_space<hbm>> -> memref<1x80x128xi32, #tpu.memory_space<hbm>>
      %dma_start3A_205 = tpu.memref_squeeze %dma_start3A_204 : memref<1x80x128xi32, #tpu.memory_space<hbm>> -> memref<80x128xi32, #tpu.memory_space<hbm>>
      tpu.enqueue_dma source(%dma_start3A_205 : memref<80x128xi32, #tpu.memory_space<hbm>>) target(%arg7 : memref<80x128xi32, #tpu.memory_space<vmem>>) target_semaphore(%run_scoped3A_187 : memref<!tpu.dma_semaphore, #tpu.memory_space<semaphore_mem>>)
      %dma_wait3A = arith.constant 0 : i32
      %dma_wait3A_206 = arith.constant 0 : i32
      %dma_wait3A_207 = arith.constant 0 : i32
      %dma_wait3A_208 = tpu.memref_slice %arg4[%arg0, %dma_wait3A, %dma_wait3A_206, %dma_wait3A_207] : memref<2x16x80x128xi32, #tpu.memory_space<hbm>> -> memref<1x16x80x128xi32, #tpu.memory_space<hbm>>
      %dma_wait3A_209 = tpu.memref_squeeze %dma_wait3A_208 : memref<1x16x80x128xi32, #tpu.memory_space<hbm>> -> memref<16x80x128xi32, #tpu.memory_space<hbm>>
      %dma_wait3A_210 = arith.constant 0 : i32
      %dma_wait3A_211 = arith.constant 0 : i32
      %dma_wait3A_212 = tpu.memref_slice %dma_wait3A_209[%arg1, %dma_wait3A_210, %dma_wait3A_211] : memref<16x80x128xi32, #tpu.memory_space<hbm>> -> memref<1x80x128xi32, #tpu.memory_space<hbm>>
      %dma_wait3A_213 = tpu.memref_squeeze %dma_wait3A_212 : memref<1x80x128xi32, #tpu.memory_space<hbm>> -> memref<80x128xi32, #tpu.memory_space<hbm>>
      %dma_wait3A_214 = arith.constant 0 : i32
      %dma_wait3A_215 = arith.constant 0 : i32
      %dma_wait3A_216 = arith.constant 0 : i32
      %dma_wait3A_217 = tpu.memref_slice %arg4[%arg0, %dma_wait3A_214, %dma_wait3A_215, %dma_wait3A_216] : memref<2x16x80x128xi32, #tpu.memory_space<hbm>> -> memref<1x16x80x128xi32, #tpu.memory_space<hbm>>
      %dma_wait3A_218 = tpu.memref_squeeze %dma_wait3A_217 : memref<1x16x80x128xi32, #tpu.memory_space<hbm>> -> memref<16x80x128xi32, #tpu.memory_space<hbm>>
      %dma_wait3A_219 = arith.constant 0 : i32
      %dma_wait3A_220 = arith.constant 0 : i32
      %dma_wait3A_221 = tpu.memref_slice %dma_wait3A_218[%arg1, %dma_wait3A_219, %dma_wait3A_220] : memref<16x80x128xi32, #tpu.memory_space<hbm>> -> memref<1x80x128xi32, #tpu.memory_space<hbm>>
      %dma_wait3A_222 = tpu.memref_squeeze %dma_wait3A_221 : memref<1x80x128xi32, #tpu.memory_space<hbm>> -> memref<80x128xi32, #tpu.memory_space<hbm>>
      tpu.wait_dma2 semaphore(%run_scoped3A_187 : memref<!tpu.dma_semaphore, #tpu.memory_space<semaphore_mem>>) src(%dma_wait3A_222 : memref<80x128xi32, #tpu.memory_space<hbm>>) dst(%arg7 : memref<80x128xi32, #tpu.memory_space<vmem>>)
      tpu.yield
    }) : () -> ()
    %broadcast_in_dim3A = arith.constant 0.000000e+00 : f32
    %broadcast_in_dim3A_0 = vector.broadcast %broadcast_in_dim3A : f32 to vector<16xf32>
    %scan3A = arith.constant 0 : i32
    %scan3A_1 = arith.constant 0 : i32
    %scan3A_2 = arith.constant 128 : i32
    %scan3A_3 = arith.addi %scan3A_1, %scan3A_2 : i32
    %scan3A_4 = arith.constant 1 : i32
    scf.for %scan3A_187 = %scan3A_1 to %scan3A_3 step %scan3A_4  : i32 {
      %swap3A = arith.index_cast %scan3A_187 : i32 to index
      %swap3A_188 = arith.constant 0 : index
      %swap3A_189 = tpu.vector_load %arg13[%swap3A, %swap3A_188] {strides = array<i32>} : memref<128x64xf32, #tpu.memory_space<vmem>>, vector<1x16xf32>,
      %swap3A_190 = vector.shape_cast %swap3A_189 : vector<1x16xf32> to vector<16xf32>
      %swap3A_191 = vector.shape_cast %broadcast_in_dim3A_0 : vector<16xf32> to vector<1x16xf32>
      tpu.vector_store %arg13[%swap3A, %swap3A_188], %swap3A_191 {strides = array<i32>} : memref<128x64xf32, #tpu.memory_space<vmem>>, vector<1x16xf32>,
      %swap3A_192 = arith.index_cast %scan3A_187 : i32 to index
      %swap3A_193 = arith.constant 16 : index
      %swap3A_194 = tpu.vector_load %arg13[%swap3A_192, %swap3A_193] {strides = array<i32>} : memref<128x64xf32, #tpu.memory_space<vmem>>, vector<1x16xf32>,
      %swap3A_195 = vector.shape_cast %swap3A_194 : vector<1x16xf32> to vector<16xf32>
      %swap3A_196 = vector.shape_cast %broadcast_in_dim3A_0 : vector<16xf32> to vector<1x16xf32>
      tpu.vector_store %arg13[%swap3A_192, %swap3A_193], %swap3A_196 {strides = array<i32>} : memref<128x64xf32, #tpu.memory_space<vmem>>, vector<1x16xf32>,
      %swap3A_197 = arith.index_cast %scan3A_187 : i32 to index
      %swap3A_198 = arith.constant 32 : index
      %swap3A_199 = tpu.vector_load %arg13[%swap3A_197, %swap3A_198] {strides = array<i32>} : memref<128x64xf32, #tpu.memory_space<vmem>>, vector<1x16xf32>,
      %swap3A_200 = vector.shape_cast %swap3A_199 : vector<1x16xf32> to vector<16xf32>
      %swap3A_201 = vector.shape_cast %broadcast_in_dim3A_0 : vector<16xf32> to vector<1x16xf32>
      tpu.vector_store %arg13[%swap3A_197, %swap3A_198], %swap3A_201 {strides = array<i32>} : memref<128x64xf32, #tpu.memory_space<vmem>>, vector<1x16xf32>,
      %swap3A_202 = arith.index_cast %scan3A_187 : i32 to index
      %swap3A_203 = arith.constant 48 : index
      %swap3A_204 = tpu.vector_load %arg13[%swap3A_202, %swap3A_203] {strides = array<i32>} : memref<128x64xf32, #tpu.memory_space<vmem>>, vector<1x16xf32>,
      %swap3A_205 = vector.shape_cast %swap3A_204 : vector<1x16xf32> to vector<16xf32>
      %swap3A_206 = vector.shape_cast %broadcast_in_dim3A_0 : vector<16xf32> to vector<1x16xf32>
      tpu.vector_store %arg13[%swap3A_202, %swap3A_203], %swap3A_206 {strides = array<i32>} : memref<128x64xf32, #tpu.memory_space<vmem>>, vector<1x16xf32>,
    }
    %scan3A_5 = arith.constant 128 : i32
    %mul3A = arith.constant 640 : i32
    %mul3A_6 = arith.muli %arg1, %mul3A : i32
    %add3A = arith.constant 0 : i32
    %add3A_7 = arith.addi %mul3A_6, %add3A : i32
    "tpu.region"() ({
      %run_scoped3A_187 = tpu.sem_alloc : memref<!tpu.dma_semaphore, #tpu.memory_space<semaphore_mem>>
      %dma_start3A_188 = arith.constant 0 : i32
      %dma_start3A_189 = tpu.memref_slice %arg14[%add3A_7, %dma_start3A_188] : memref<10240x64xf32, #tpu.memory_space<vmem_shared>> -> memref<128x64xf32, #tpu.memory_space<vmem_shared>>
      %dma_start3A_190 = arith.constant 0 : i32
      %dma_start3A_191 = tpu.memref_slice %arg14[%add3A_7, %dma_start3A_190] : memref<10240x64xf32, #tpu.memory_space<vmem_shared>> -> memref<128x64xf32, #tpu.memory_space<vmem_shared>>
      tpu.enqueue_dma source(%arg13 : memref<128x64xf32, #tpu.memory_space<vmem>>) target(%dma_start3A_191 : memref<128x64xf32, #tpu.memory_space<vmem_shared>>) target_semaphore(%run_scoped3A_187 : memref<!tpu.dma_semaphore, #tpu.memory_space<semaphore_mem>>)
      %dma_wait3A = arith.constant 0 : i32
      %dma_wait3A_192 = tpu.memref_slice %arg14[%add3A_7, %dma_wait3A] : memref<10240x64xf32, #tpu.memory_space<vmem_shared>> -> memref<128x64xf32, #tpu.memory_space<vmem_shared>>
      %dma_wait3A_193 = arith.constant 0 : i32
      %dma_wait3A_194 = tpu.memref_slice %arg14[%add3A_7, %dma_wait3A_193] : memref<10240x64xf32, #tpu.memory_space<vmem_shared>> -> memref<128x64xf32, #tpu.memory_space<vmem_shared>>
      tpu.wait_dma2 semaphore(%run_scoped3A_187 : memref<!tpu.dma_semaphore, #tpu.memory_space<semaphore_mem>>) src(%arg13 : memref<128x64xf32, #tpu.memory_space<vmem>>) dst(%dma_wait3A_194 : memref<128x64xf32, #tpu.memory_space<vmem_shared>>)
      tpu.yield
    }) : () -> ()
    %mul3A_8 = arith.constant 640 : i32
    %mul3A_9 = arith.muli %arg1, %mul3A_8 : i32
    %add3A_10 = arith.constant 128 : i32
    %add3A_11 = arith.addi %mul3A_9, %add3A_10 : i32
    "tpu.region"() ({
      %run_scoped3A_187 = tpu.sem_alloc : memref<!tpu.dma_semaphore, #tpu.memory_space<semaphore_mem>>
      %dma_start3A_188 = arith.constant 0 : i32
      %dma_start3A_189 = tpu.memref_slice %arg14[%add3A_11, %dma_start3A_188] : memref<10240x64xf32, #tpu.memory_space<vmem_shared>> -> memref<128x64xf32, #tpu.memory_space<vmem_shared>>
      %dma_start3A_190 = arith.constant 0 : i32
      %dma_start3A_191 = tpu.memref_slice %arg14[%add3A_11, %dma_start3A_190] : memref<10240x64xf32, #tpu.memory_space<vmem_shared>> -> memref<128x64xf32, #tpu.memory_space<vmem_shared>>
      tpu.enqueue_dma source(%arg13 : memref<128x64xf32, #tpu.memory_space<vmem>>) target(%dma_start3A_191 : memref<128x64xf32, #tpu.memory_space<vmem_shared>>) target_semaphore(%run_scoped3A_187 : memref<!tpu.dma_semaphore, #tpu.memory_space<semaphore_mem>>)
      %dma_wait3A = arith.constant 0 : i32
      %dma_wait3A_192 = tpu.memref_slice %arg14[%add3A_11, %dma_wait3A] : memref<10240x64xf32, #tpu.memory_space<vmem_shared>> -> memref<128x64xf32, #tpu.memory_space<vmem_shared>>
      %dma_wait3A_193 = arith.constant 0 : i32
      %dma_wait3A_194 = tpu.memref_slice %arg14[%add3A_11, %dma_wait3A_193] : memref<10240x64xf32, #tpu.memory_space<vmem_shared>> -> memref<128x64xf32, #tpu.memory_space<vmem_shared>>
      tpu.wait_dma2 semaphore(%run_scoped3A_187 : memref<!tpu.dma_semaphore, #tpu.memory_space<semaphore_mem>>) src(%arg13 : memref<128x64xf32, #tpu.memory_space<vmem>>) dst(%dma_wait3A_194 : memref<128x64xf32, #tpu.memory_space<vmem_shared>>)
      tpu.yield
    }) : () -> ()
    %mul3A_12 = arith.constant 640 : i32
    %mul3A_13 = arith.muli %arg1, %mul3A_12 : i32
    %add3A_14 = arith.constant 256 : i32
    %add3A_15 = arith.addi %mul3A_13, %add3A_14 : i32
    "tpu.region"() ({
      %run_scoped3A_187 = tpu.sem_alloc : memref<!tpu.dma_semaphore, #tpu.memory_space<semaphore_mem>>
      %dma_start3A_188 = arith.constant 0 : i32
      %dma_start3A_189 = tpu.memref_slice %arg14[%add3A_15, %dma_start3A_188] : memref<10240x64xf32, #tpu.memory_space<vmem_shared>> -> memref<128x64xf32, #tpu.memory_space<vmem_shared>>
      %dma_start3A_190 = arith.constant 0 : i32
      %dma_start3A_191 = tpu.memref_slice %arg14[%add3A_15, %dma_start3A_190] : memref<10240x64xf32, #tpu.memory_space<vmem_shared>> -> memref<128x64xf32, #tpu.memory_space<vmem_shared>>
      tpu.enqueue_dma source(%arg13 : memref<128x64xf32, #tpu.memory_space<vmem>>) target(%dma_start3A_191 : memref<128x64xf32, #tpu.memory_space<vmem_shared>>) target_semaphore(%run_scoped3A_187 : memref<!tpu.dma_semaphore, #tpu.memory_space<semaphore_mem>>)
      %dma_wait3A = arith.constant 0 : i32
      %dma_wait3A_192 = tpu.memref_slice %arg14[%add3A_15, %dma_wait3A] : memref<10240x64xf32, #tpu.memory_space<vmem_shared>> -> memref<128x64xf32, #tpu.memory_space<vmem_shared>>
      %dma_wait3A_193 = arith.constant 0 : i32
      %dma_wait3A_194 = tpu.memref_slice %arg14[%add3A_15, %dma_wait3A_193] : memref<10240x64xf32, #tpu.memory_space<vmem_shared>> -> memref<128x64xf32, #tpu.memory_space<vmem_shared>>
      tpu.wait_dma2 semaphore(%run_scoped3A_187 : memref<!tpu.dma_semaphore, #tpu.memory_space<semaphore_mem>>) src(%arg13 : memref<128x64xf32, #tpu.memory_space<vmem>>) dst(%dma_wait3A_194 : memref<128x64xf32, #tpu.memory_space<vmem_shared>>)
      tpu.yield
    }) : () -> ()
    %mul3A_16 = arith.constant 640 : i32
    %mul3A_17 = arith.muli %arg1, %mul3A_16 : i32
    %add3A_18 = arith.constant 384 : i32
    %add3A_19 = arith.addi %mul3A_17, %add3A_18 : i32
    "tpu.region"() ({
      %run_scoped3A_187 = tpu.sem_alloc : memref<!tpu.dma_semaphore, #tpu.memory_space<semaphore_mem>>
      %dma_start3A_188 = arith.constant 0 : i32
      %dma_start3A_189 = tpu.memref_slice %arg14[%add3A_19, %dma_start3A_188] : memref<10240x64xf32, #tpu.memory_space<vmem_shared>> -> memref<128x64xf32, #tpu.memory_space<vmem_shared>>
      %dma_start3A_190 = arith.constant 0 : i32
      %dma_start3A_191 = tpu.memref_slice %arg14[%add3A_19, %dma_start3A_190] : memref<10240x64xf32, #tpu.memory_space<vmem_shared>> -> memref<128x64xf32, #tpu.memory_space<vmem_shared>>
      tpu.enqueue_dma source(%arg13 : memref<128x64xf32, #tpu.memory_space<vmem>>) target(%dma_start3A_191 : memref<128x64xf32, #tpu.memory_space<vmem_shared>>) target_semaphore(%run_scoped3A_187 : memref<!tpu.dma_semaphore, #tpu.memory_space<semaphore_mem>>)
      %dma_wait3A = arith.constant 0 : i32
      %dma_wait3A_192 = tpu.memref_slice %arg14[%add3A_19, %dma_wait3A] : memref<10240x64xf32, #tpu.memory_space<vmem_shared>> -> memref<128x64xf32, #tpu.memory_space<vmem_shared>>
      %dma_wait3A_193 = arith.constant 0 : i32
      %dma_wait3A_194 = tpu.memref_slice %arg14[%add3A_19, %dma_wait3A_193] : memref<10240x64xf32, #tpu.memory_space<vmem_shared>> -> memref<128x64xf32, #tpu.memory_space<vmem_shared>>
      tpu.wait_dma2 semaphore(%run_scoped3A_187 : memref<!tpu.dma_semaphore, #tpu.memory_space<semaphore_mem>>) src(%arg13 : memref<128x64xf32, #tpu.memory_space<vmem>>) dst(%dma_wait3A_194 : memref<128x64xf32, #tpu.memory_space<vmem_shared>>)
      tpu.yield
    }) : () -> ()
    %mul3A_20 = arith.constant 640 : i32
    %mul3A_21 = arith.muli %arg1, %mul3A_20 : i32
    %add3A_22 = arith.constant 512 : i32
    %add3A_23 = arith.addi %mul3A_21, %add3A_22 : i32
    "tpu.region"() ({
      %run_scoped3A_187 = tpu.sem_alloc : memref<!tpu.dma_semaphore, #tpu.memory_space<semaphore_mem>>
      %dma_start3A_188 = arith.constant 0 : i32
      %dma_start3A_189 = tpu.memref_slice %arg14[%add3A_23, %dma_start3A_188] : memref<10240x64xf32, #tpu.memory_space<vmem_shared>> -> memref<128x64xf32, #tpu.memory_space<vmem_shared>>
      %dma_start3A_190 = arith.constant 0 : i32
      %dma_start3A_191 = tpu.memref_slice %arg14[%add3A_23, %dma_start3A_190] : memref<10240x64xf32, #tpu.memory_space<vmem_shared>> -> memref<128x64xf32, #tpu.memory_space<vmem_shared>>
      tpu.enqueue_dma source(%arg13 : memref<128x64xf32, #tpu.memory_space<vmem>>) target(%dma_start3A_191 : memref<128x64xf32, #tpu.memory_space<vmem_shared>>) target_semaphore(%run_scoped3A_187 : memref<!tpu.dma_semaphore, #tpu.memory_space<semaphore_mem>>)
      %dma_wait3A = arith.constant 0 : i32
      %dma_wait3A_192 = tpu.memref_slice %arg14[%add3A_23, %dma_wait3A] : memref<10240x64xf32, #tpu.memory_space<vmem_shared>> -> memref<128x64xf32, #tpu.memory_space<vmem_shared>>
      %dma_wait3A_193 = arith.constant 0 : i32
      %dma_wait3A_194 = tpu.memref_slice %arg14[%add3A_23, %dma_wait3A_193] : memref<10240x64xf32, #tpu.memory_space<vmem_shared>> -> memref<128x64xf32, #tpu.memory_space<vmem_shared>>
      tpu.wait_dma2 semaphore(%run_scoped3A_187 : memref<!tpu.dma_semaphore, #tpu.memory_space<semaphore_mem>>) src(%arg13 : memref<128x64xf32, #tpu.memory_space<vmem>>) dst(%dma_wait3A_194 : memref<128x64xf32, #tpu.memory_space<vmem_shared>>)
      tpu.yield
    }) : () -> ()
    %barrier3A = arith.constant 0 : index
    tpu.barrier barrier_id(%barrier3A)
    %dma_start3A = arith.constant 0 : i32
    %dma_start3A_24 = arith.constant 0 : i32
    %dma_start3A_25 = arith.constant 0 : i32
    %dma_start3A_26 = tpu.memref_slice %arg6[%dma_start3A_24, %dma_start3A_25] : memref<80x128xi32, #tpu.memory_space<vmem>> -> memref<1x128xi32, #tpu.memory_space<vmem>>
    %dma_start3A_27 = tpu.memref_squeeze %dma_start3A_26 : memref<1x128xi32, #tpu.memory_space<vmem>> -> memref<128xi32, #tpu.memory_space<vmem>>
    %dma_start3A_28 = arith.constant 0 : i32
    %dma_start3A_29 = arith.constant 0 : i32
    %dma_start3A_30 = tpu.memref_slice %arg2[%dma_start3A, %dma_start3A_28, %dma_start3A_29] : memref<2x10000x64xf32, #tpu.memory_space<hbm>> -> memref<1x10000x64xf32, #tpu.memory_space<hbm>>
    %dma_start3A_31 = tpu.memref_squeeze %dma_start3A_30 : memref<1x10000x64xf32, #tpu.memory_space<hbm>> -> memref<10000x64xf32, #tpu.memory_space<hbm>>
    %dma_start3A_32 = arith.constant 0 : i32
    %dma_start3A_33 = arith.constant 0 : i32
    %dma_start3A_34 = tpu.memref_slice %dma_start3A_31[%dma_start3A_32, %dma_start3A_33] : memref<10000x64xf32, #tpu.memory_space<hbm>> -> memref<10000x64xf32, #tpu.memory_space<hbm>>
    tpu.enqueue_indirect_dma source(%dma_start3A_34 : memref<10000x64xf32, #tpu.memory_space<hbm>>) target(%arg8 : memref<128x64xf32, #tpu.memory_space<vmem>>) offsets(%dma_start3A_27 : memref<128xi32, #tpu.memory_space<vmem>>) semaphore(%arg15 : memref<!tpu.dma_semaphore, #tpu.memory_space<semaphore_mem>>)
    %dma_start3A_35 = arith.constant 0 : i32
    %dma_start3A_36 = arith.constant 1 : i32
    %dma_start3A_37 = arith.constant 0 : i32
    %dma_start3A_38 = tpu.memref_slice %arg6[%dma_start3A_36, %dma_start3A_37] : memref<80x128xi32, #tpu.memory_space<vmem>> -> memref<1x128xi32, #tpu.memory_space<vmem>>
    %dma_start3A_39 = tpu.memref_squeeze %dma_start3A_38 : memref<1x128xi32, #tpu.memory_space<vmem>> -> memref<128xi32, #tpu.memory_space<vmem>>
    %dma_start3A_40 = arith.constant 0 : i32
    %dma_start3A_41 = arith.constant 0 : i32
    %dma_start3A_42 = tpu.memref_slice %arg2[%dma_start3A_35, %dma_start3A_40, %dma_start3A_41] : memref<2x10000x64xf32, #tpu.memory_space<hbm>> -> memref<1x10000x64xf32, #tpu.memory_space<hbm>>
    %dma_start3A_43 = tpu.memref_squeeze %dma_start3A_42 : memref<1x10000x64xf32, #tpu.memory_space<hbm>> -> memref<10000x64xf32, #tpu.memory_space<hbm>>
    %dma_start3A_44 = arith.constant 0 : i32
    %dma_start3A_45 = arith.constant 0 : i32
    %dma_start3A_46 = tpu.memref_slice %dma_start3A_43[%dma_start3A_44, %dma_start3A_45] : memref<10000x64xf32, #tpu.memory_space<hbm>> -> memref<10000x64xf32, #tpu.memory_space<hbm>>
    tpu.enqueue_indirect_dma source(%dma_start3A_46 : memref<10000x64xf32, #tpu.memory_space<hbm>>) target(%arg9 : memref<128x64xf32, #tpu.memory_space<vmem>>) offsets(%dma_start3A_39 : memref<128xi32, #tpu.memory_space<vmem>>) semaphore(%arg16 : memref<!tpu.dma_semaphore, #tpu.memory_space<semaphore_mem>>)
    %dma_start3A_47 = arith.constant 0 : i32
    %dma_start3A_48 = arith.constant 2 : i32
    %dma_start3A_49 = arith.constant 0 : i32
    %dma_start3A_50 = tpu.memref_slice %arg6[%dma_start3A_48, %dma_start3A_49] : memref<80x128xi32, #tpu.memory_space<vmem>> -> memref<1x128xi32, #tpu.memory_space<vmem>>
    %dma_start3A_51 = tpu.memref_squeeze %dma_start3A_50 : memref<1x128xi32, #tpu.memory_space<vmem>> -> memref<128xi32, #tpu.memory_space<vmem>>
    %dma_start3A_52 = arith.constant 0 : i32
    %dma_start3A_53 = arith.constant 0 : i32
    %dma_start3A_54 = tpu.memref_slice %arg2[%dma_start3A_47, %dma_start3A_52, %dma_start3A_53] : memref<2x10000x64xf32, #tpu.memory_space<hbm>> -> memref<1x10000x64xf32, #tpu.memory_space<hbm>>
    %dma_start3A_55 = tpu.memref_squeeze %dma_start3A_54 : memref<1x10000x64xf32, #tpu.memory_space<hbm>> -> memref<10000x64xf32, #tpu.memory_space<hbm>>
    %dma_start3A_56 = arith.constant 0 : i32
    %dma_start3A_57 = arith.constant 0 : i32
    %dma_start3A_58 = tpu.memref_slice %dma_start3A_55[%dma_start3A_56, %dma_start3A_57] : memref<10000x64xf32, #tpu.memory_space<hbm>> -> memref<10000x64xf32, #tpu.memory_space<hbm>>
    tpu.enqueue_indirect_dma source(%dma_start3A_58 : memref<10000x64xf32, #tpu.memory_space<hbm>>) target(%arg10 : memref<128x64xf32, #tpu.memory_space<vmem>>) offsets(%dma_start3A_51 : memref<128xi32, #tpu.memory_space<vmem>>) semaphore(%arg17 : memref<!tpu.dma_semaphore, #tpu.memory_space<semaphore_mem>>)
    %dma_start3A_59 = arith.constant 0 : i32
    %dma_start3A_60 = arith.constant 3 : i32
    %dma_start3A_61 = arith.constant 0 : i32
    %dma_start3A_62 = tpu.memref_slice %arg6[%dma_start3A_60, %dma_start3A_61] : memref<80x128xi32, #tpu.memory_space<vmem>> -> memref<1x128xi32, #tpu.memory_space<vmem>>
    %dma_start3A_63 = tpu.memref_squeeze %dma_start3A_62 : memref<1x128xi32, #tpu.memory_space<vmem>> -> memref<128xi32, #tpu.memory_space<vmem>>
    %dma_start3A_64 = arith.constant 0 : i32
    %dma_start3A_65 = arith.constant 0 : i32
    %dma_start3A_66 = tpu.memref_slice %arg2[%dma_start3A_59, %dma_start3A_64, %dma_start3A_65] : memref<2x10000x64xf32, #tpu.memory_space<hbm>> -> memref<1x10000x64xf32, #tpu.memory_space<hbm>>
    %dma_start3A_67 = tpu.memref_squeeze %dma_start3A_66 : memref<1x10000x64xf32, #tpu.memory_space<hbm>> -> memref<10000x64xf32, #tpu.memory_space<hbm>>
    %dma_start3A_68 = arith.constant 0 : i32
    %dma_start3A_69 = arith.constant 0 : i32
    %dma_start3A_70 = tpu.memref_slice %dma_start3A_67[%dma_start3A_68, %dma_start3A_69] : memref<10000x64xf32, #tpu.memory_space<hbm>> -> memref<10000x64xf32, #tpu.memory_space<hbm>>
    tpu.enqueue_indirect_dma source(%dma_start3A_70 : memref<10000x64xf32, #tpu.memory_space<hbm>>) target(%arg11 : memref<128x64xf32, #tpu.memory_space<vmem>>) offsets(%dma_start3A_63 : memref<128xi32, #tpu.memory_space<vmem>>) semaphore(%arg18 : memref<!tpu.dma_semaphore, #tpu.memory_space<semaphore_mem>>)
    %dma_start3A_71 = arith.constant 0 : i32
    %dma_start3A_72 = arith.constant 4 : i32
    %dma_start3A_73 = arith.constant 0 : i32
    %dma_start3A_74 = tpu.memref_slice %arg6[%dma_start3A_72, %dma_start3A_73] : memref<80x128xi32, #tpu.memory_space<vmem>> -> memref<1x128xi32, #tpu.memory_space<vmem>>
    %dma_start3A_75 = tpu.memref_squeeze %dma_start3A_74 : memref<1x128xi32, #tpu.memory_space<vmem>> -> memref<128xi32, #tpu.memory_space<vmem>>
    %dma_start3A_76 = arith.constant 0 : i32
    %dma_start3A_77 = arith.constant 0 : i32
    %dma_start3A_78 = tpu.memref_slice %arg2[%dma_start3A_71, %dma_start3A_76, %dma_start3A_77] : memref<2x10000x64xf32, #tpu.memory_space<hbm>> -> memref<1x10000x64xf32, #tpu.memory_space<hbm>>
    %dma_start3A_79 = tpu.memref_squeeze %dma_start3A_78 : memref<1x10000x64xf32, #tpu.memory_space<hbm>> -> memref<10000x64xf32, #tpu.memory_space<hbm>>
    %dma_start3A_80 = arith.constant 0 : i32
    %dma_start3A_81 = arith.constant 0 : i32
    %dma_start3A_82 = tpu.memref_slice %dma_start3A_79[%dma_start3A_80, %dma_start3A_81] : memref<10000x64xf32, #tpu.memory_space<hbm>> -> memref<10000x64xf32, #tpu.memory_space<hbm>>
    tpu.enqueue_indirect_dma source(%dma_start3A_82 : memref<10000x64xf32, #tpu.memory_space<hbm>>) target(%arg12 : memref<128x64xf32, #tpu.memory_space<vmem>>) offsets(%dma_start3A_75 : memref<128xi32, #tpu.memory_space<vmem>>) semaphore(%arg19 : memref<!tpu.dma_semaphore, #tpu.memory_space<semaphore_mem>>)
    %scan3A_83 = arith.constant 0 : i32
    %scan3A_84 = arith.constant 0 : i32
    %scan3A_85 = arith.constant 16 : i32
    %scan3A_86 = arith.addi %scan3A_84, %scan3A_85 : i32
    %scan3A_87 = arith.constant 1 : i32
    scf.for %scan3A_187 = %scan3A_84 to %scan3A_86 step %scan3A_87  : i32 {
      %mul3A_188 = arith.constant 5 : i32
      %mul3A_189 = arith.muli %scan3A_187, %mul3A_188 : i32
      %add3A_190 = arith.constant 0 : i32
      %add3A_191 = arith.addi %mul3A_189, %add3A_190 : i32
      %dma_wait3A = arith.constant 0 : i32
      %dma_wait3A_192 = arith.constant 0 : i32
      %dma_wait3A_193 = tpu.memref_slice %arg6[%add3A_191, %dma_wait3A_192] : memref<80x128xi32, #tpu.memory_space<vmem>> -> memref<1x128xi32, #tpu.memory_space<vmem>>
      %dma_wait3A_194 = tpu.memref_squeeze %dma_wait3A_193 : memref<1x128xi32, #tpu.memory_space<vmem>> -> memref<128xi32, #tpu.memory_space<vmem>>
      %dma_wait3A_195 = arith.constant 0 : i32
      %dma_wait3A_196 = arith.constant 0 : i32
      %dma_wait3A_197 = tpu.memref_slice %arg2[%dma_wait3A, %dma_wait3A_195, %dma_wait3A_196] : memref<2x10000x64xf32, #tpu.memory_space<hbm>> -> memref<1x10000x64xf32, #tpu.memory_space<hbm>>
      %dma_wait3A_198 = tpu.memref_squeeze %dma_wait3A_197 : memref<1x10000x64xf32, #tpu.memory_space<hbm>> -> memref<10000x64xf32, #tpu.memory_space<hbm>>
      %dma_wait3A_199 = arith.constant 0 : i32
      %dma_wait3A_200 = arith.constant 0 : i32
      %dma_wait3A_201 = tpu.memref_slice %dma_wait3A_198[%dma_wait3A_199, %dma_wait3A_200] : memref<10000x64xf32, #tpu.memory_space<hbm>> -> memref<10000x64xf32, #tpu.memory_space<hbm>>
      tpu.wait_indirect_dma semaphore(%arg15 : memref<!tpu.dma_semaphore, #tpu.memory_space<semaphore_mem>>) src(%dma_wait3A_201 : memref<10000x64xf32, #tpu.memory_space<hbm>>) dst(%arg8 : memref<128x64xf32, #tpu.memory_space<vmem>>)
      %add3A_202 = arith.constant 0 : i32
      %add3A_203 = arith.addi %mul3A_189, %add3A_202 : i32
      "tpu.region"() ({
        %run_scoped3A_306 = tpu.sem_alloc : memref<!tpu.dma_semaphore, #tpu.memory_space<semaphore_mem>>
        %dma_start3A_307 = arith.constant 0 : i32
        %dma_start3A_308 = tpu.memref_slice %arg7[%add3A_203, %dma_start3A_307] : memref<80x128xi32, #tpu.memory_space<vmem>> -> memref<1x128xi32, #tpu.memory_space<vmem>>
        %dma_start3A_309 = tpu.memref_squeeze %dma_start3A_308 : memref<1x128xi32, #tpu.memory_space<vmem>> -> memref<128xi32, #tpu.memory_space<vmem>>
        %dma_start3A_310 = arith.constant 0 : i32
        %dma_start3A_311 = arith.constant 0 : i32
        %dma_start3A_312 = tpu.memref_slice %arg14[%dma_start3A_310, %dma_start3A_311] : memref<10240x64xf32, #tpu.memory_space<vmem_shared>> -> memref<10240x64xf32, #tpu.memory_space<vmem_shared>>
        tpu.enqueue_indirect_dma source(%arg8 : memref<128x64xf32, #tpu.memory_space<vmem>>) target(%dma_start3A_312 : memref<10240x64xf32, #tpu.memory_space<vmem_shared>>) offsets(%dma_start3A_309 : memref<128xi32, #tpu.memory_space<vmem>>) semaphore(%run_scoped3A_306 : memref<!tpu.dma_semaphore, #tpu.memory_space<semaphore_mem>>) {add = true}
        %dma_wait3A_313 = arith.constant 0 : i32
        %dma_wait3A_314 = tpu.memref_slice %arg7[%add3A_203, %dma_wait3A_313] : memref<80x128xi32, #tpu.memory_space<vmem>> -> memref<1x128xi32, #tpu.memory_space<vmem>>
        %dma_wait3A_315 = tpu.memref_squeeze %dma_wait3A_314 : memref<1x128xi32, #tpu.memory_space<vmem>> -> memref<128xi32, #tpu.memory_space<vmem>>
        %dma_wait3A_316 = arith.constant 0 : i32
        %dma_wait3A_317 = arith.constant 0 : i32
        %dma_wait3A_318 = tpu.memref_slice %arg14[%dma_wait3A_316, %dma_wait3A_317] : memref<10240x64xf32, #tpu.memory_space<vmem_shared>> -> memref<10240x64xf32, #tpu.memory_space<vmem_shared>>
        tpu.wait_indirect_dma semaphore(%run_scoped3A_306 : memref<!tpu.dma_semaphore, #tpu.memory_space<semaphore_mem>>) src(%arg8 : memref<128x64xf32, #tpu.memory_space<vmem>>) dst(%dma_wait3A_318 : memref<10240x64xf32, #tpu.memory_space<vmem_shared>>)
        tpu.yield
      }) : () -> ()
      %add3A_204 = arith.constant 0 : i32
      %add3A_205 = arith.addi %mul3A_189, %add3A_204 : i32
      %add3A_206 = arith.constant 5 : i32
      %add3A_207 = arith.addi %add3A_205, %add3A_206 : i32
      %lt3A = arith.constant 80 : i32
      %lt3A_208 = arith.cmpi slt, %add3A_207, %lt3A : i32
      %convert_element_type3A = arith.extui %lt3A_208 : i1 to i32
      %cond3A = arith.constant 0 : i32
      %cond3A_209 = arith.cmpi ne, %convert_element_type3A, %cond3A : i32
      scf.if %cond3A_209 {
        %add3A_306 = arith.constant 0 : i32
        %add3A_307 = arith.addi %mul3A_189, %add3A_306 : i32
        %add3A_308 = arith.constant 5 : i32
        %add3A_309 = arith.addi %add3A_307, %add3A_308 : i32
        %dma_start3A_310 = arith.constant 0 : i32
        %dma_start3A_311 = arith.constant 0 : i32
        %dma_start3A_312 = tpu.memref_slice %arg6[%add3A_309, %dma_start3A_311] : memref<80x128xi32, #tpu.memory_space<vmem>> -> memref<1x128xi32, #tpu.memory_space<vmem>>
        %dma_start3A_313 = tpu.memref_squeeze %dma_start3A_312 : memref<1x128xi32, #tpu.memory_space<vmem>> -> memref<128xi32, #tpu.memory_space<vmem>>
        %dma_start3A_314 = arith.constant 0 : i32
        %dma_start3A_315 = arith.constant 0 : i32
        %dma_start3A_316 = tpu.memref_slice %arg2[%dma_start3A_310, %dma_start3A_314, %dma_start3A_315] : memref<2x10000x64xf32, #tpu.memory_space<hbm>> -> memref<1x10000x64xf32, #tpu.memory_space<hbm>>
        %dma_start3A_317 = tpu.memref_squeeze %dma_start3A_316 : memref<1x10000x64xf32, #tpu.memory_space<hbm>> -> memref<10000x64xf32, #tpu.memory_space<hbm>>
        %dma_start3A_318 = arith.constant 0 : i32
        %dma_start3A_319 = arith.constant 0 : i32
        %dma_start3A_320 = tpu.memref_slice %dma_start3A_317[%dma_start3A_318, %dma_start3A_319] : memref<10000x64xf32, #tpu.memory_space<hbm>> -> memref<10000x64xf32, #tpu.memory_space<hbm>>
        tpu.enqueue_indirect_dma source(%dma_start3A_320 : memref<10000x64xf32, #tpu.memory_space<hbm>>) target(%arg8 : memref<128x64xf32, #tpu.memory_space<vmem>>) offsets(%dma_start3A_313 : memref<128xi32, #tpu.memory_space<vmem>>) semaphore(%arg15 : memref<!tpu.dma_semaphore, #tpu.memory_space<semaphore_mem>>)
      } else {
      }
      %add3A_210 = arith.constant 1 : i32
      %add3A_211 = arith.addi %mul3A_189, %add3A_210 : i32
      %dma_wait3A_212 = arith.constant 0 : i32
      %dma_wait3A_213 = arith.constant 0 : i32
      %dma_wait3A_214 = tpu.memref_slice %arg6[%add3A_211, %dma_wait3A_213] : memref<80x128xi32, #tpu.memory_space<vmem>> -> memref<1x128xi32, #tpu.memory_space<vmem>>
      %dma_wait3A_215 = tpu.memref_squeeze %dma_wait3A_214 : memref<1x128xi32, #tpu.memory_space<vmem>> -> memref<128xi32, #tpu.memory_space<vmem>>
      %dma_wait3A_216 = arith.constant 0 : i32
      %dma_wait3A_217 = arith.constant 0 : i32
      %dma_wait3A_218 = tpu.memref_slice %arg2[%dma_wait3A_212, %dma_wait3A_216, %dma_wait3A_217] : memref<2x10000x64xf32, #tpu.memory_space<hbm>> -> memref<1x10000x64xf32, #tpu.memory_space<hbm>>
      %dma_wait3A_219 = tpu.memref_squeeze %dma_wait3A_218 : memref<1x10000x64xf32, #tpu.memory_space<hbm>> -> memref<10000x64xf32, #tpu.memory_space<hbm>>
      %dma_wait3A_220 = arith.constant 0 : i32
      %dma_wait3A_221 = arith.constant 0 : i32
      %dma_wait3A_222 = tpu.memref_slice %dma_wait3A_219[%dma_wait3A_220, %dma_wait3A_221] : memref<10000x64xf32, #tpu.memory_space<hbm>> -> memref<10000x64xf32, #tpu.memory_space<hbm>>
      tpu.wait_indirect_dma semaphore(%arg16 : memref<!tpu.dma_semaphore, #tpu.memory_space<semaphore_mem>>) src(%dma_wait3A_222 : memref<10000x64xf32, #tpu.memory_space<hbm>>) dst(%arg9 : memref<128x64xf32, #tpu.memory_space<vmem>>)
      %add3A_223 = arith.constant 1 : i32
      %add3A_224 = arith.addi %mul3A_189, %add3A_223 : i32
      "tpu.region"() ({
        %run_scoped3A_306 = tpu.sem_alloc : memref<!tpu.dma_semaphore, #tpu.memory_space<semaphore_mem>>
        %dma_start3A_307 = arith.constant 0 : i32
        %dma_start3A_308 = tpu.memref_slice %arg7[%add3A_224, %dma_start3A_307] : memref<80x128xi32, #tpu.memory_space<vmem>> -> memref<1x128xi32, #tpu.memory_space<vmem>>
        %dma_start3A_309 = tpu.memref_squeeze %dma_start3A_308 : memref<1x128xi32, #tpu.memory_space<vmem>> -> memref<128xi32, #tpu.memory_space<vmem>>
        %dma_start3A_310 = arith.constant 0 : i32
        %dma_start3A_311 = arith.constant 0 : i32
        %dma_start3A_312 = tpu.memref_slice %arg14[%dma_start3A_310, %dma_start3A_311] : memref<10240x64xf32, #tpu.memory_space<vmem_shared>> -> memref<10240x64xf32, #tpu.memory_space<vmem_shared>>
        tpu.enqueue_indirect_dma source(%arg9 : memref<128x64xf32, #tpu.memory_space<vmem>>) target(%dma_start3A_312 : memref<10240x64xf32, #tpu.memory_space<vmem_shared>>) offsets(%dma_start3A_309 : memref<128xi32, #tpu.memory_space<vmem>>) semaphore(%run_scoped3A_306 : memref<!tpu.dma_semaphore, #tpu.memory_space<semaphore_mem>>) {add = true}
        %dma_wait3A_313 = arith.constant 0 : i32
        %dma_wait3A_314 = tpu.memref_slice %arg7[%add3A_224, %dma_wait3A_313] : memref<80x128xi32, #tpu.memory_space<vmem>> -> memref<1x128xi32, #tpu.memory_space<vmem>>
        %dma_wait3A_315 = tpu.memref_squeeze %dma_wait3A_314 : memref<1x128xi32, #tpu.memory_space<vmem>> -> memref<128xi32, #tpu.memory_space<vmem>>
        %dma_wait3A_316 = arith.constant 0 : i32
        %dma_wait3A_317 = arith.constant 0 : i32
        %dma_wait3A_318 = tpu.memref_slice %arg14[%dma_wait3A_316, %dma_wait3A_317] : memref<10240x64xf32, #tpu.memory_space<vmem_shared>> -> memref<10240x64xf32, #tpu.memory_space<vmem_shared>>
        tpu.wait_indirect_dma semaphore(%run_scoped3A_306 : memref<!tpu.dma_semaphore, #tpu.memory_space<semaphore_mem>>) src(%arg9 : memref<128x64xf32, #tpu.memory_space<vmem>>) dst(%dma_wait3A_318 : memref<10240x64xf32, #tpu.memory_space<vmem_shared>>)
        tpu.yield
      }) : () -> ()
      %add3A_225 = arith.constant 1 : i32
      %add3A_226 = arith.addi %mul3A_189, %add3A_225 : i32
      %add3A_227 = arith.constant 5 : i32
      %add3A_228 = arith.addi %add3A_226, %add3A_227 : i32
      %lt3A_229 = arith.constant 80 : i32
      %lt3A_230 = arith.cmpi slt, %add3A_228, %lt3A_229 : i32
      %convert_element_type3A_231 = arith.extui %lt3A_230 : i1 to i32
      %cond3A_232 = arith.constant 0 : i32
      %cond3A_233 = arith.cmpi ne, %convert_element_type3A_231, %cond3A_232 : i32
      scf.if %cond3A_233 {
        %add3A_306 = arith.constant 1 : i32
        %add3A_307 = arith.addi %mul3A_189, %add3A_306 : i32
        %add3A_308 = arith.constant 5 : i32
        %add3A_309 = arith.addi %add3A_307, %add3A_308 : i32
        %dma_start3A_310 = arith.constant 0 : i32
        %dma_start3A_311 = arith.constant 0 : i32
        %dma_start3A_312 = tpu.memref_slice %arg6[%add3A_309, %dma_start3A_311] : memref<80x128xi32, #tpu.memory_space<vmem>> -> memref<1x128xi32, #tpu.memory_space<vmem>>
        %dma_start3A_313 = tpu.memref_squeeze %dma_start3A_312 : memref<1x128xi32, #tpu.memory_space<vmem>> -> memref<128xi32, #tpu.memory_space<vmem>>
        %dma_start3A_314 = arith.constant 0 : i32
        %dma_start3A_315 = arith.constant 0 : i32
        %dma_start3A_316 = tpu.memref_slice %arg2[%dma_start3A_310, %dma_start3A_314, %dma_start3A_315] : memref<2x10000x64xf32, #tpu.memory_space<hbm>> -> memref<1x10000x64xf32, #tpu.memory_space<hbm>>
        %dma_start3A_317 = tpu.memref_squeeze %dma_start3A_316 : memref<1x10000x64xf32, #tpu.memory_space<hbm>> -> memref<10000x64xf32, #tpu.memory_space<hbm>>
        %dma_start3A_318 = arith.constant 0 : i32
        %dma_start3A_319 = arith.constant 0 : i32
        %dma_start3A_320 = tpu.memref_slice %dma_start3A_317[%dma_start3A_318, %dma_start3A_319] : memref<10000x64xf32, #tpu.memory_space<hbm>> -> memref<10000x64xf32, #tpu.memory_space<hbm>>
        tpu.enqueue_indirect_dma source(%dma_start3A_320 : memref<10000x64xf32, #tpu.memory_space<hbm>>) target(%arg9 : memref<128x64xf32, #tpu.memory_space<vmem>>) offsets(%dma_start3A_313 : memref<128xi32, #tpu.memory_space<vmem>>) semaphore(%arg16 : memref<!tpu.dma_semaphore, #tpu.memory_space<semaphore_mem>>)
      } else {
      }
      %add3A_234 = arith.constant 2 : i32
      %add3A_235 = arith.addi %mul3A_189, %add3A_234 : i32
      %dma_wait3A_236 = arith.constant 0 : i32
      %dma_wait3A_237 = arith.constant 0 : i32
      %dma_wait3A_238 = tpu.memref_slice %arg6[%add3A_235, %dma_wait3A_237] : memref<80x128xi32, #tpu.memory_space<vmem>> -> memref<1x128xi32, #tpu.memory_space<vmem>>
      %dma_wait3A_239 = tpu.memref_squeeze %dma_wait3A_238 : memref<1x128xi32, #tpu.memory_space<vmem>> -> memref<128xi32, #tpu.memory_space<vmem>>
      %dma_wait3A_240 = arith.constant 0 : i32
      %dma_wait3A_241 = arith.constant 0 : i32
      %dma_wait3A_242 = tpu.memref_slice %arg2[%dma_wait3A_236, %dma_wait3A_240, %dma_wait3A_241] : memref<2x10000x64xf32, #tpu.memory_space<hbm>> -> memref<1x10000x64xf32, #tpu.memory_space<hbm>>
      %dma_wait3A_243 = tpu.memref_squeeze %dma_wait3A_242 : memref<1x10000x64xf32, #tpu.memory_space<hbm>> -> memref<10000x64xf32, #tpu.memory_space<hbm>>
      %dma_wait3A_244 = arith.constant 0 : i32
      %dma_wait3A_245 = arith.constant 0 : i32
      %dma_wait3A_246 = tpu.memref_slice %dma_wait3A_243[%dma_wait3A_244, %dma_wait3A_245] : memref<10000x64xf32, #tpu.memory_space<hbm>> -> memref<10000x64xf32, #tpu.memory_space<hbm>>
      tpu.wait_indirect_dma semaphore(%arg17 : memref<!tpu.dma_semaphore, #tpu.memory_space<semaphore_mem>>) src(%dma_wait3A_246 : memref<10000x64xf32, #tpu.memory_space<hbm>>) dst(%arg10 : memref<128x64xf32, #tpu.memory_space<vmem>>)
      %add3A_247 = arith.constant 2 : i32
      %add3A_248 = arith.addi %mul3A_189, %add3A_247 : i32
      "tpu.region"() ({
        %run_scoped3A_306 = tpu.sem_alloc : memref<!tpu.dma_semaphore, #tpu.memory_space<semaphore_mem>>
        %dma_start3A_307 = arith.constant 0 : i32
        %dma_start3A_308 = tpu.memref_slice %arg7[%add3A_248, %dma_start3A_307] : memref<80x128xi32, #tpu.memory_space<vmem>> -> memref<1x128xi32, #tpu.memory_space<vmem>>
        %dma_start3A_309 = tpu.memref_squeeze %dma_start3A_308 : memref<1x128xi32, #tpu.memory_space<vmem>> -> memref<128xi32, #tpu.memory_space<vmem>>
        %dma_start3A_310 = arith.constant 0 : i32
        %dma_start3A_311 = arith.constant 0 : i32
        %dma_start3A_312 = tpu.memref_slice %arg14[%dma_start3A_310, %dma_start3A_311] : memref<10240x64xf32, #tpu.memory_space<vmem_shared>> -> memref<10240x64xf32, #tpu.memory_space<vmem_shared>>
        tpu.enqueue_indirect_dma source(%arg10 : memref<128x64xf32, #tpu.memory_space<vmem>>) target(%dma_start3A_312 : memref<10240x64xf32, #tpu.memory_space<vmem_shared>>) offsets(%dma_start3A_309 : memref<128xi32, #tpu.memory_space<vmem>>) semaphore(%run_scoped3A_306 : memref<!tpu.dma_semaphore, #tpu.memory_space<semaphore_mem>>) {add = true}
        %dma_wait3A_313 = arith.constant 0 : i32
        %dma_wait3A_314 = tpu.memref_slice %arg7[%add3A_248, %dma_wait3A_313] : memref<80x128xi32, #tpu.memory_space<vmem>> -> memref<1x128xi32, #tpu.memory_space<vmem>>
        %dma_wait3A_315 = tpu.memref_squeeze %dma_wait3A_314 : memref<1x128xi32, #tpu.memory_space<vmem>> -> memref<128xi32, #tpu.memory_space<vmem>>
        %dma_wait3A_316 = arith.constant 0 : i32
        %dma_wait3A_317 = arith.constant 0 : i32
        %dma_wait3A_318 = tpu.memref_slice %arg14[%dma_wait3A_316, %dma_wait3A_317] : memref<10240x64xf32, #tpu.memory_space<vmem_shared>> -> memref<10240x64xf32, #tpu.memory_space<vmem_shared>>
        tpu.wait_indirect_dma semaphore(%run_scoped3A_306 : memref<!tpu.dma_semaphore, #tpu.memory_space<semaphore_mem>>) src(%arg10 : memref<128x64xf32, #tpu.memory_space<vmem>>) dst(%dma_wait3A_318 : memref<10240x64xf32, #tpu.memory_space<vmem_shared>>)
        tpu.yield
      }) : () -> ()
      %add3A_249 = arith.constant 2 : i32
      %add3A_250 = arith.addi %mul3A_189, %add3A_249 : i32
      %add3A_251 = arith.constant 5 : i32
      %add3A_252 = arith.addi %add3A_250, %add3A_251 : i32
      %lt3A_253 = arith.constant 80 : i32
      %lt3A_254 = arith.cmpi slt, %add3A_252, %lt3A_253 : i32
      %convert_element_type3A_255 = arith.extui %lt3A_254 : i1 to i32
      %cond3A_256 = arith.constant 0 : i32
      %cond3A_257 = arith.cmpi ne, %convert_element_type3A_255, %cond3A_256 : i32
      scf.if %cond3A_257 {
        %add3A_306 = arith.constant 2 : i32
        %add3A_307 = arith.addi %mul3A_189, %add3A_306 : i32
        %add3A_308 = arith.constant 5 : i32
        %add3A_309 = arith.addi %add3A_307, %add3A_308 : i32
        %dma_start3A_310 = arith.constant 0 : i32
        %dma_start3A_311 = arith.constant 0 : i32
        %dma_start3A_312 = tpu.memref_slice %arg6[%add3A_309, %dma_start3A_311] : memref<80x128xi32, #tpu.memory_space<vmem>> -> memref<1x128xi32, #tpu.memory_space<vmem>>
        %dma_start3A_313 = tpu.memref_squeeze %dma_start3A_312 : memref<1x128xi32, #tpu.memory_space<vmem>> -> memref<128xi32, #tpu.memory_space<vmem>>
        %dma_start3A_314 = arith.constant 0 : i32
        %dma_start3A_315 = arith.constant 0 : i32
        %dma_start3A_316 = tpu.memref_slice %arg2[%dma_start3A_310, %dma_start3A_314, %dma_start3A_315] : memref<2x10000x64xf32, #tpu.memory_space<hbm>> -> memref<1x10000x64xf32, #tpu.memory_space<hbm>>
        %dma_start3A_317 = tpu.memref_squeeze %dma_start3A_316 : memref<1x10000x64xf32, #tpu.memory_space<hbm>> -> memref<10000x64xf32, #tpu.memory_space<hbm>>
        %dma_start3A_318 = arith.constant 0 : i32
        %dma_start3A_319 = arith.constant 0 : i32
        %dma_start3A_320 = tpu.memref_slice %dma_start3A_317[%dma_start3A_318, %dma_start3A_319] : memref<10000x64xf32, #tpu.memory_space<hbm>> -> memref<10000x64xf32, #tpu.memory_space<hbm>>
        tpu.enqueue_indirect_dma source(%dma_start3A_320 : memref<10000x64xf32, #tpu.memory_space<hbm>>) target(%arg10 : memref<128x64xf32, #tpu.memory_space<vmem>>) offsets(%dma_start3A_313 : memref<128xi32, #tpu.memory_space<vmem>>) semaphore(%arg17 : memref<!tpu.dma_semaphore, #tpu.memory_space<semaphore_mem>>)
      } else {
      }
      %add3A_258 = arith.constant 3 : i32
      %add3A_259 = arith.addi %mul3A_189, %add3A_258 : i32
      %dma_wait3A_260 = arith.constant 0 : i32
      %dma_wait3A_261 = arith.constant 0 : i32
      %dma_wait3A_262 = tpu.memref_slice %arg6[%add3A_259, %dma_wait3A_261] : memref<80x128xi32, #tpu.memory_space<vmem>> -> memref<1x128xi32, #tpu.memory_space<vmem>>
      %dma_wait3A_263 = tpu.memref_squeeze %dma_wait3A_262 : memref<1x128xi32, #tpu.memory_space<vmem>> -> memref<128xi32, #tpu.memory_space<vmem>>
      %dma_wait3A_264 = arith.constant 0 : i32
      %dma_wait3A_265 = arith.constant 0 : i32
      %dma_wait3A_266 = tpu.memref_slice %arg2[%dma_wait3A_260, %dma_wait3A_264, %dma_wait3A_265] : memref<2x10000x64xf32, #tpu.memory_space<hbm>> -> memref<1x10000x64xf32, #tpu.memory_space<hbm>>
      %dma_wait3A_267 = tpu.memref_squeeze %dma_wait3A_266 : memref<1x10000x64xf32, #tpu.memory_space<hbm>> -> memref<10000x64xf32, #tpu.memory_space<hbm>>
      %dma_wait3A_268 = arith.constant 0 : i32
      %dma_wait3A_269 = arith.constant 0 : i32
      %dma_wait3A_270 = tpu.memref_slice %dma_wait3A_267[%dma_wait3A_268, %dma_wait3A_269] : memref<10000x64xf32, #tpu.memory_space<hbm>> -> memref<10000x64xf32, #tpu.memory_space<hbm>>
      tpu.wait_indirect_dma semaphore(%arg18 : memref<!tpu.dma_semaphore, #tpu.memory_space<semaphore_mem>>) src(%dma_wait3A_270 : memref<10000x64xf32, #tpu.memory_space<hbm>>) dst(%arg11 : memref<128x64xf32, #tpu.memory_space<vmem>>)
      %add3A_271 = arith.constant 3 : i32
      %add3A_272 = arith.addi %mul3A_189, %add3A_271 : i32
      "tpu.region"() ({
        %run_scoped3A_306 = tpu.sem_alloc : memref<!tpu.dma_semaphore, #tpu.memory_space<semaphore_mem>>
        %dma_start3A_307 = arith.constant 0 : i32
        %dma_start3A_308 = tpu.memref_slice %arg7[%add3A_272, %dma_start3A_307] : memref<80x128xi32, #tpu.memory_space<vmem>> -> memref<1x128xi32, #tpu.memory_space<vmem>>
        %dma_start3A_309 = tpu.memref_squeeze %dma_start3A_308 : memref<1x128xi32, #tpu.memory_space<vmem>> -> memref<128xi32, #tpu.memory_space<vmem>>
        %dma_start3A_310 = arith.constant 0 : i32
        %dma_start3A_311 = arith.constant 0 : i32
        %dma_start3A_312 = tpu.memref_slice %arg14[%dma_start3A_310, %dma_start3A_311] : memref<10240x64xf32, #tpu.memory_space<vmem_shared>> -> memref<10240x64xf32, #tpu.memory_space<vmem_shared>>
        tpu.enqueue_indirect_dma source(%arg11 : memref<128x64xf32, #tpu.memory_space<vmem>>) target(%dma_start3A_312 : memref<10240x64xf32, #tpu.memory_space<vmem_shared>>) offsets(%dma_start3A_309 : memref<128xi32, #tpu.memory_space<vmem>>) semaphore(%run_scoped3A_306 : memref<!tpu.dma_semaphore, #tpu.memory_space<semaphore_mem>>) {add = true}
        %dma_wait3A_313 = arith.constant 0 : i32
        %dma_wait3A_314 = tpu.memref_slice %arg7[%add3A_272, %dma_wait3A_313] : memref<80x128xi32, #tpu.memory_space<vmem>> -> memref<1x128xi32, #tpu.memory_space<vmem>>
        %dma_wait3A_315 = tpu.memref_squeeze %dma_wait3A_314 : memref<1x128xi32, #tpu.memory_space<vmem>> -> memref<128xi32, #tpu.memory_space<vmem>>
        %dma_wait3A_316 = arith.constant 0 : i32
        %dma_wait3A_317 = arith.constant 0 : i32
        %dma_wait3A_318 = tpu.memref_slice %arg14[%dma_wait3A_316, %dma_wait3A_317] : memref<10240x64xf32, #tpu.memory_space<vmem_shared>> -> memref<10240x64xf32, #tpu.memory_space<vmem_shared>>
        tpu.wait_indirect_dma semaphore(%run_scoped3A_306 : memref<!tpu.dma_semaphore, #tpu.memory_space<semaphore_mem>>) src(%arg11 : memref<128x64xf32, #tpu.memory_space<vmem>>) dst(%dma_wait3A_318 : memref<10240x64xf32, #tpu.memory_space<vmem_shared>>)
        tpu.yield
      }) : () -> ()
      %add3A_273 = arith.constant 3 : i32
      %add3A_274 = arith.addi %mul3A_189, %add3A_273 : i32
      %add3A_275 = arith.constant 5 : i32
      %add3A_276 = arith.addi %add3A_274, %add3A_275 : i32
      %lt3A_277 = arith.constant 80 : i32
      %lt3A_278 = arith.cmpi slt, %add3A_276, %lt3A_277 : i32
      %convert_element_type3A_279 = arith.extui %lt3A_278 : i1 to i32
      %cond3A_280 = arith.constant 0 : i32
      %cond3A_281 = arith.cmpi ne, %convert_element_type3A_279, %cond3A_280 : i32
      scf.if %cond3A_281 {
        %add3A_306 = arith.constant 3 : i32
        %add3A_307 = arith.addi %mul3A_189, %add3A_306 : i32
        %add3A_308 = arith.constant 5 : i32
        %add3A_309 = arith.addi %add3A_307, %add3A_308 : i32
        %dma_start3A_310 = arith.constant 0 : i32
        %dma_start3A_311 = arith.constant 0 : i32
        %dma_start3A_312 = tpu.memref_slice %arg6[%add3A_309, %dma_start3A_311] : memref<80x128xi32, #tpu.memory_space<vmem>> -> memref<1x128xi32, #tpu.memory_space<vmem>>
        %dma_start3A_313 = tpu.memref_squeeze %dma_start3A_312 : memref<1x128xi32, #tpu.memory_space<vmem>> -> memref<128xi32, #tpu.memory_space<vmem>>
        %dma_start3A_314 = arith.constant 0 : i32
        %dma_start3A_315 = arith.constant 0 : i32
        %dma_start3A_316 = tpu.memref_slice %arg2[%dma_start3A_310, %dma_start3A_314, %dma_start3A_315] : memref<2x10000x64xf32, #tpu.memory_space<hbm>> -> memref<1x10000x64xf32, #tpu.memory_space<hbm>>
        %dma_start3A_317 = tpu.memref_squeeze %dma_start3A_316 : memref<1x10000x64xf32, #tpu.memory_space<hbm>> -> memref<10000x64xf32, #tpu.memory_space<hbm>>
        %dma_start3A_318 = arith.constant 0 : i32
        %dma_start3A_319 = arith.constant 0 : i32
        %dma_start3A_320 = tpu.memref_slice %dma_start3A_317[%dma_start3A_318, %dma_start3A_319] : memref<10000x64xf32, #tpu.memory_space<hbm>> -> memref<10000x64xf32, #tpu.memory_space<hbm>>
        tpu.enqueue_indirect_dma source(%dma_start3A_320 : memref<10000x64xf32, #tpu.memory_space<hbm>>) target(%arg11 : memref<128x64xf32, #tpu.memory_space<vmem>>) offsets(%dma_start3A_313 : memref<128xi32, #tpu.memory_space<vmem>>) semaphore(%arg18 : memref<!tpu.dma_semaphore, #tpu.memory_space<semaphore_mem>>)
      } else {
      }
      %add3A_282 = arith.constant 4 : i32
      %add3A_283 = arith.addi %mul3A_189, %add3A_282 : i32
      %dma_wait3A_284 = arith.constant 0 : i32
      %dma_wait3A_285 = arith.constant 0 : i32
      %dma_wait3A_286 = tpu.memref_slice %arg6[%add3A_283, %dma_wait3A_285] : memref<80x128xi32, #tpu.memory_space<vmem>> -> memref<1x128xi32, #tpu.memory_space<vmem>>
      %dma_wait3A_287 = tpu.memref_squeeze %dma_wait3A_286 : memref<1x128xi32, #tpu.memory_space<vmem>> -> memref<128xi32, #tpu.memory_space<vmem>>
      %dma_wait3A_288 = arith.constant 0 : i32
      %dma_wait3A_289 = arith.constant 0 : i32
      %dma_wait3A_290 = tpu.memref_slice %arg2[%dma_wait3A_284, %dma_wait3A_288, %dma_wait3A_289] : memref<2x10000x64xf32, #tpu.memory_space<hbm>> -> memref<1x10000x64xf32, #tpu.memory_space<hbm>>
      %dma_wait3A_291 = tpu.memref_squeeze %dma_wait3A_290 : memref<1x10000x64xf32, #tpu.memory_space<hbm>> -> memref<10000x64xf32, #tpu.memory_space<hbm>>
      %dma_wait3A_292 = arith.constant 0 : i32
      %dma_wait3A_293 = arith.constant 0 : i32
      %dma_wait3A_294 = tpu.memref_slice %dma_wait3A_291[%dma_wait3A_292, %dma_wait3A_293] : memref<10000x64xf32, #tpu.memory_space<hbm>> -> memref<10000x64xf32, #tpu.memory_space<hbm>>
      tpu.wait_indirect_dma semaphore(%arg19 : memref<!tpu.dma_semaphore, #tpu.memory_space<semaphore_mem>>) src(%dma_wait3A_294 : memref<10000x64xf32, #tpu.memory_space<hbm>>) dst(%arg12 : memref<128x64xf32, #tpu.memory_space<vmem>>)
      %add3A_295 = arith.constant 4 : i32
      %add3A_296 = arith.addi %mul3A_189, %add3A_295 : i32
      "tpu.region"() ({
        %run_scoped3A_306 = tpu.sem_alloc : memref<!tpu.dma_semaphore, #tpu.memory_space<semaphore_mem>>
        %dma_start3A_307 = arith.constant 0 : i32
        %dma_start3A_308 = tpu.memref_slice %arg7[%add3A_296, %dma_start3A_307] : memref<80x128xi32, #tpu.memory_space<vmem>> -> memref<1x128xi32, #tpu.memory_space<vmem>>
        %dma_start3A_309 = tpu.memref_squeeze %dma_start3A_308 : memref<1x128xi32, #tpu.memory_space<vmem>> -> memref<128xi32, #tpu.memory_space<vmem>>
        %dma_start3A_310 = arith.constant 0 : i32
        %dma_start3A_311 = arith.constant 0 : i32
        %dma_start3A_312 = tpu.memref_slice %arg14[%dma_start3A_310, %dma_start3A_311] : memref<10240x64xf32, #tpu.memory_space<vmem_shared>> -> memref<10240x64xf32, #tpu.memory_space<vmem_shared>>
        tpu.enqueue_indirect_dma source(%arg12 : memref<128x64xf32, #tpu.memory_space<vmem>>) target(%dma_start3A_312 : memref<10240x64xf32, #tpu.memory_space<vmem_shared>>) offsets(%dma_start3A_309 : memref<128xi32, #tpu.memory_space<vmem>>) semaphore(%run_scoped3A_306 : memref<!tpu.dma_semaphore, #tpu.memory_space<semaphore_mem>>) {add = true}
        %dma_wait3A_313 = arith.constant 0 : i32
        %dma_wait3A_314 = tpu.memref_slice %arg7[%add3A_296, %dma_wait3A_313] : memref<80x128xi32, #tpu.memory_space<vmem>> -> memref<1x128xi32, #tpu.memory_space<vmem>>
        %dma_wait3A_315 = tpu.memref_squeeze %dma_wait3A_314 : memref<1x128xi32, #tpu.memory_space<vmem>> -> memref<128xi32, #tpu.memory_space<vmem>>
        %dma_wait3A_316 = arith.constant 0 : i32
        %dma_wait3A_317 = arith.constant 0 : i32
        %dma_wait3A_318 = tpu.memref_slice %arg14[%dma_wait3A_316, %dma_wait3A_317] : memref<10240x64xf32, #tpu.memory_space<vmem_shared>> -> memref<10240x64xf32, #tpu.memory_space<vmem_shared>>
        tpu.wait_indirect_dma semaphore(%run_scoped3A_306 : memref<!tpu.dma_semaphore, #tpu.memory_space<semaphore_mem>>) src(%arg12 : memref<128x64xf32, #tpu.memory_space<vmem>>) dst(%dma_wait3A_318 : memref<10240x64xf32, #tpu.memory_space<vmem_shared>>)
        tpu.yield
      }) : () -> ()
      %add3A_297 = arith.constant 4 : i32
      %add3A_298 = arith.addi %mul3A_189, %add3A_297 : i32
      %add3A_299 = arith.constant 5 : i32
      %add3A_300 = arith.addi %add3A_298, %add3A_299 : i32
      %lt3A_301 = arith.constant 80 : i32
      %lt3A_302 = arith.cmpi slt, %add3A_300, %lt3A_301 : i32
      %convert_element_type3A_303 = arith.extui %lt3A_302 : i1 to i32
      %cond3A_304 = arith.constant 0 : i32
      %cond3A_305 = arith.cmpi ne, %convert_element_type3A_303, %cond3A_304 : i32
      scf.if %cond3A_305 {
        %add3A_306 = arith.constant 4 : i32
        %add3A_307 = arith.addi %mul3A_189, %add3A_306 : i32
        %add3A_308 = arith.constant 5 : i32
        %add3A_309 = arith.addi %add3A_307, %add3A_308 : i32
        %dma_start3A_310 = arith.constant 0 : i32
        %dma_start3A_311 = arith.constant 0 : i32
        %dma_start3A_312 = tpu.memref_slice %arg6[%add3A_309, %dma_start3A_311] : memref<80x128xi32, #tpu.memory_space<vmem>> -> memref<1x128xi32, #tpu.memory_space<vmem>>
        %dma_start3A_313 = tpu.memref_squeeze %dma_start3A_312 : memref<1x128xi32, #tpu.memory_space<vmem>> -> memref<128xi32, #tpu.memory_space<vmem>>
        %dma_start3A_314 = arith.constant 0 : i32
        %dma_start3A_315 = arith.constant 0 : i32
        %dma_start3A_316 = tpu.memref_slice %arg2[%dma_start3A_310, %dma_start3A_314, %dma_start3A_315] : memref<2x10000x64xf32, #tpu.memory_space<hbm>> -> memref<1x10000x64xf32, #tpu.memory_space<hbm>>
        %dma_start3A_317 = tpu.memref_squeeze %dma_start3A_316 : memref<1x10000x64xf32, #tpu.memory_space<hbm>> -> memref<10000x64xf32, #tpu.memory_space<hbm>>
        %dma_start3A_318 = arith.constant 0 : i32
        %dma_start3A_319 = arith.constant 0 : i32
        %dma_start3A_320 = tpu.memref_slice %dma_start3A_317[%dma_start3A_318, %dma_start3A_319] : memref<10000x64xf32, #tpu.memory_space<hbm>> -> memref<10000x64xf32, #tpu.memory_space<hbm>>
        tpu.enqueue_indirect_dma source(%dma_start3A_320 : memref<10000x64xf32, #tpu.memory_space<hbm>>) target(%arg12 : memref<128x64xf32, #tpu.memory_space<vmem>>) offsets(%dma_start3A_313 : memref<128xi32, #tpu.memory_space<vmem>>) semaphore(%arg19 : memref<!tpu.dma_semaphore, #tpu.memory_space<semaphore_mem>>)
      } else {
      }
    }
    %scan3A_88 = arith.constant 16 : i32
    %barrier3A_89 = arith.constant 0 : index
    tpu.barrier barrier_id(%barrier3A_89)
    %mul3A_90 = arith.constant 640 : i32
    %mul3A_91 = arith.muli %arg1, %mul3A_90 : i32
    %mul3A_92 = arith.constant 640 : i32
    %mul3A_93 = arith.muli %arg1, %mul3A_92 : i32
    %run_scoped3A = arith.constant 0 : i32
    "tpu.region"() ({
      %run_scoped3A_187 = tpu.sem_alloc : memref<!tpu.dma_semaphore, #tpu.memory_space<semaphore_mem>>
      %dma_start3A_188 = arith.constant 0 : i32
      %dma_start3A_189 = arith.constant 0 : i32
      %dma_start3A_190 = arith.constant 0 : i32
      %dma_start3A_191 = tpu.memref_slice %arg5[%arg0, %dma_start3A_188, %dma_start3A_189, %dma_start3A_190] : memref<2x2x10240x64xf32, #tpu.memory_space<hbm>> -> memref<1x2x10240x64xf32, #tpu.memory_space<hbm>>
      %dma_start3A_192 = tpu.memref_squeeze %dma_start3A_191 : memref<1x2x10240x64xf32, #tpu.memory_space<hbm>> -> memref<2x10240x64xf32, #tpu.memory_space<hbm>>
      %dma_start3A_193 = arith.constant 0 : i32
      %dma_start3A_194 = arith.constant 0 : i32
      %dma_start3A_195 = tpu.memref_slice %dma_start3A_192[%run_scoped3A, %dma_start3A_193, %dma_start3A_194] : memref<2x10240x64xf32, #tpu.memory_space<hbm>> -> memref<1x10240x64xf32, #tpu.memory_space<hbm>>
      %dma_start3A_196 = tpu.memref_squeeze %dma_start3A_195 : memref<1x10240x64xf32, #tpu.memory_space<hbm>> -> memref<10240x64xf32, #tpu.memory_space<hbm>>
      %dma_start3A_197 = arith.constant 0 : i32
      %dma_start3A_198 = tpu.memref_slice %dma_start3A_196[%mul3A_93, %dma_start3A_197] : memref<10240x64xf32, #tpu.memory_space<hbm>> -> memref<640x64xf32, #tpu.memory_space<hbm>>
      %dma_start3A_199 = arith.constant 0 : i32
      %dma_start3A_200 = tpu.memref_slice %arg14[%mul3A_91, %dma_start3A_199] : memref<10240x64xf32, #tpu.memory_space<vmem_shared>> -> memref<640x64xf32, #tpu.memory_space<vmem_shared>>
      tpu.enqueue_dma source(%dma_start3A_200 : memref<640x64xf32, #tpu.memory_space<vmem_shared>>) target(%dma_start3A_198 : memref<640x64xf32, #tpu.memory_space<hbm>>) target_semaphore(%run_scoped3A_187 : memref<!tpu.dma_semaphore, #tpu.memory_space<semaphore_mem>>)
      %dma_wait3A = arith.constant 0 : i32
      %dma_wait3A_201 = arith.constant 0 : i32
      %dma_wait3A_202 = arith.constant 0 : i32
      %dma_wait3A_203 = tpu.memref_slice %arg5[%arg0, %dma_wait3A, %dma_wait3A_201, %dma_wait3A_202] : memref<2x2x10240x64xf32, #tpu.memory_space<hbm>> -> memref<1x2x10240x64xf32, #tpu.memory_space<hbm>>
      %dma_wait3A_204 = tpu.memref_squeeze %dma_wait3A_203 : memref<1x2x10240x64xf32, #tpu.memory_space<hbm>> -> memref<2x10240x64xf32, #tpu.memory_space<hbm>>
      %dma_wait3A_205 = arith.constant 0 : i32
      %dma_wait3A_206 = arith.constant 0 : i32
      %dma_wait3A_207 = tpu.memref_slice %dma_wait3A_204[%run_scoped3A, %dma_wait3A_205, %dma_wait3A_206] : memref<2x10240x64xf32, #tpu.memory_space<hbm>> -> memref<1x10240x64xf32, #tpu.memory_space<hbm>>
      %dma_wait3A_208 = tpu.memref_squeeze %dma_wait3A_207 : memref<1x10240x64xf32, #tpu.memory_space<hbm>> -> memref<10240x64xf32, #tpu.memory_space<hbm>>
      %dma_wait3A_209 = arith.constant 0 : i32
      %dma_wait3A_210 = tpu.memref_slice %dma_wait3A_208[%mul3A_93, %dma_wait3A_209] : memref<10240x64xf32, #tpu.memory_space<hbm>> -> memref<640x64xf32, #tpu.memory_space<hbm>>
      %dma_wait3A_211 = arith.constant 0 : i32
      %dma_wait3A_212 = tpu.memref_slice %arg14[%mul3A_91, %dma_wait3A_211] : memref<10240x64xf32, #tpu.memory_space<vmem_shared>> -> memref<640x64xf32, #tpu.memory_space<vmem_shared>>
      tpu.wait_dma2 semaphore(%run_scoped3A_187 : memref<!tpu.dma_semaphore, #tpu.memory_space<semaphore_mem>>) src(%dma_wait3A_212 : memref<640x64xf32, #tpu.memory_space<vmem_shared>>) dst(%dma_wait3A_210 : memref<640x64xf32, #tpu.memory_space<hbm>>)
      tpu.yield
    }) : () -> ()
    %mul3A_94 = arith.constant 640 : i32
    %mul3A_95 = arith.muli %arg1, %mul3A_94 : i32
    %add3A_96 = arith.constant 0 : i32
    %add3A_97 = arith.addi %mul3A_95, %add3A_96 : i32
    "tpu.region"() ({
      %run_scoped3A_187 = tpu.sem_alloc : memref<!tpu.dma_semaphore, #tpu.memory_space<semaphore_mem>>
      %dma_start3A_188 = arith.constant 0 : i32
      %dma_start3A_189 = tpu.memref_slice %arg14[%add3A_97, %dma_start3A_188] : memref<10240x64xf32, #tpu.memory_space<vmem_shared>> -> memref<128x64xf32, #tpu.memory_space<vmem_shared>>
      %dma_start3A_190 = arith.constant 0 : i32
      %dma_start3A_191 = tpu.memref_slice %arg14[%add3A_97, %dma_start3A_190] : memref<10240x64xf32, #tpu.memory_space<vmem_shared>> -> memref<128x64xf32, #tpu.memory_space<vmem_shared>>
      tpu.enqueue_dma source(%arg13 : memref<128x64xf32, #tpu.memory_space<vmem>>) target(%dma_start3A_191 : memref<128x64xf32, #tpu.memory_space<vmem_shared>>) target_semaphore(%run_scoped3A_187 : memref<!tpu.dma_semaphore, #tpu.memory_space<semaphore_mem>>)
      %dma_wait3A = arith.constant 0 : i32
      %dma_wait3A_192 = tpu.memref_slice %arg14[%add3A_97, %dma_wait3A] : memref<10240x64xf32, #tpu.memory_space<vmem_shared>> -> memref<128x64xf32, #tpu.memory_space<vmem_shared>>
      %dma_wait3A_193 = arith.constant 0 : i32
      %dma_wait3A_194 = tpu.memref_slice %arg14[%add3A_97, %dma_wait3A_193] : memref<10240x64xf32, #tpu.memory_space<vmem_shared>> -> memref<128x64xf32, #tpu.memory_space<vmem_shared>>
      tpu.wait_dma2 semaphore(%run_scoped3A_187 : memref<!tpu.dma_semaphore, #tpu.memory_space<semaphore_mem>>) src(%arg13 : memref<128x64xf32, #tpu.memory_space<vmem>>) dst(%dma_wait3A_194 : memref<128x64xf32, #tpu.memory_space<vmem_shared>>)
      tpu.yield
    }) : () -> ()
    %mul3A_98 = arith.constant 640 : i32
    %mul3A_99 = arith.muli %arg1, %mul3A_98 : i32
    %add3A_100 = arith.constant 128 : i32
    %add3A_101 = arith.addi %mul3A_99, %add3A_100 : i32
    "tpu.region"() ({
      %run_scoped3A_187 = tpu.sem_alloc : memref<!tpu.dma_semaphore, #tpu.memory_space<semaphore_mem>>
      %dma_start3A_188 = arith.constant 0 : i32
      %dma_start3A_189 = tpu.memref_slice %arg14[%add3A_101, %dma_start3A_188] : memref<10240x64xf32, #tpu.memory_space<vmem_shared>> -> memref<128x64xf32, #tpu.memory_space<vmem_shared>>
      %dma_start3A_190 = arith.constant 0 : i32
      %dma_start3A_191 = tpu.memref_slice %arg14[%add3A_101, %dma_start3A_190] : memref<10240x64xf32, #tpu.memory_space<vmem_shared>> -> memref<128x64xf32, #tpu.memory_space<vmem_shared>>
      tpu.enqueue_dma source(%arg13 : memref<128x64xf32, #tpu.memory_space<vmem>>) target(%dma_start3A_191 : memref<128x64xf32, #tpu.memory_space<vmem_shared>>) target_semaphore(%run_scoped3A_187 : memref<!tpu.dma_semaphore, #tpu.memory_space<semaphore_mem>>)
      %dma_wait3A = arith.constant 0 : i32
      %dma_wait3A_192 = tpu.memref_slice %arg14[%add3A_101, %dma_wait3A] : memref<10240x64xf32, #tpu.memory_space<vmem_shared>> -> memref<128x64xf32, #tpu.memory_space<vmem_shared>>
      %dma_wait3A_193 = arith.constant 0 : i32
      %dma_wait3A_194 = tpu.memref_slice %arg14[%add3A_101, %dma_wait3A_193] : memref<10240x64xf32, #tpu.memory_space<vmem_shared>> -> memref<128x64xf32, #tpu.memory_space<vmem_shared>>
      tpu.wait_dma2 semaphore(%run_scoped3A_187 : memref<!tpu.dma_semaphore, #tpu.memory_space<semaphore_mem>>) src(%arg13 : memref<128x64xf32, #tpu.memory_space<vmem>>) dst(%dma_wait3A_194 : memref<128x64xf32, #tpu.memory_space<vmem_shared>>)
      tpu.yield
    }) : () -> ()
    %mul3A_102 = arith.constant 640 : i32
    %mul3A_103 = arith.muli %arg1, %mul3A_102 : i32
    %add3A_104 = arith.constant 256 : i32
    %add3A_105 = arith.addi %mul3A_103, %add3A_104 : i32
    "tpu.region"() ({
      %run_scoped3A_187 = tpu.sem_alloc : memref<!tpu.dma_semaphore, #tpu.memory_space<semaphore_mem>>
      %dma_start3A_188 = arith.constant 0 : i32
      %dma_start3A_189 = tpu.memref_slice %arg14[%add3A_105, %dma_start3A_188] : memref<10240x64xf32, #tpu.memory_space<vmem_shared>> -> memref<128x64xf32, #tpu.memory_space<vmem_shared>>
      %dma_start3A_190 = arith.constant 0 : i32
      %dma_start3A_191 = tpu.memref_slice %arg14[%add3A_105, %dma_start3A_190] : memref<10240x64xf32, #tpu.memory_space<vmem_shared>> -> memref<128x64xf32, #tpu.memory_space<vmem_shared>>
      tpu.enqueue_dma source(%arg13 : memref<128x64xf32, #tpu.memory_space<vmem>>) target(%dma_start3A_191 : memref<128x64xf32, #tpu.memory_space<vmem_shared>>) target_semaphore(%run_scoped3A_187 : memref<!tpu.dma_semaphore, #tpu.memory_space<semaphore_mem>>)
      %dma_wait3A = arith.constant 0 : i32
      %dma_wait3A_192 = tpu.memref_slice %arg14[%add3A_105, %dma_wait3A] : memref<10240x64xf32, #tpu.memory_space<vmem_shared>> -> memref<128x64xf32, #tpu.memory_space<vmem_shared>>
      %dma_wait3A_193 = arith.constant 0 : i32
      %dma_wait3A_194 = tpu.memref_slice %arg14[%add3A_105, %dma_wait3A_193] : memref<10240x64xf32, #tpu.memory_space<vmem_shared>> -> memref<128x64xf32, #tpu.memory_space<vmem_shared>>
      tpu.wait_dma2 semaphore(%run_scoped3A_187 : memref<!tpu.dma_semaphore, #tpu.memory_space<semaphore_mem>>) src(%arg13 : memref<128x64xf32, #tpu.memory_space<vmem>>) dst(%dma_wait3A_194 : memref<128x64xf32, #tpu.memory_space<vmem_shared>>)
      tpu.yield
    }) : () -> ()
    %mul3A_106 = arith.constant 640 : i32
    %mul3A_107 = arith.muli %arg1, %mul3A_106 : i32
    %add3A_108 = arith.constant 384 : i32
    %add3A_109 = arith.addi %mul3A_107, %add3A_108 : i32
    "tpu.region"() ({
      %run_scoped3A_187 = tpu.sem_alloc : memref<!tpu.dma_semaphore, #tpu.memory_space<semaphore_mem>>
      %dma_start3A_188 = arith.constant 0 : i32
      %dma_start3A_189 = tpu.memref_slice %arg14[%add3A_109, %dma_start3A_188] : memref<10240x64xf32, #tpu.memory_space<vmem_shared>> -> memref<128x64xf32, #tpu.memory_space<vmem_shared>>
      %dma_start3A_190 = arith.constant 0 : i32
      %dma_start3A_191 = tpu.memref_slice %arg14[%add3A_109, %dma_start3A_190] : memref<10240x64xf32, #tpu.memory_space<vmem_shared>> -> memref<128x64xf32, #tpu.memory_space<vmem_shared>>
      tpu.enqueue_dma source(%arg13 : memref<128x64xf32, #tpu.memory_space<vmem>>) target(%dma_start3A_191 : memref<128x64xf32, #tpu.memory_space<vmem_shared>>) target_semaphore(%run_scoped3A_187 : memref<!tpu.dma_semaphore, #tpu.memory_space<semaphore_mem>>)
      %dma_wait3A = arith.constant 0 : i32
      %dma_wait3A_192 = tpu.memref_slice %arg14[%add3A_109, %dma_wait3A] : memref<10240x64xf32, #tpu.memory_space<vmem_shared>> -> memref<128x64xf32, #tpu.memory_space<vmem_shared>>
      %dma_wait3A_193 = arith.constant 0 : i32
      %dma_wait3A_194 = tpu.memref_slice %arg14[%add3A_109, %dma_wait3A_193] : memref<10240x64xf32, #tpu.memory_space<vmem_shared>> -> memref<128x64xf32, #tpu.memory_space<vmem_shared>>
      tpu.wait_dma2 semaphore(%run_scoped3A_187 : memref<!tpu.dma_semaphore, #tpu.memory_space<semaphore_mem>>) src(%arg13 : memref<128x64xf32, #tpu.memory_space<vmem>>) dst(%dma_wait3A_194 : memref<128x64xf32, #tpu.memory_space<vmem_shared>>)
      tpu.yield
    }) : () -> ()
    %mul3A_110 = arith.constant 640 : i32
    %mul3A_111 = arith.muli %arg1, %mul3A_110 : i32
    %add3A_112 = arith.constant 512 : i32
    %add3A_113 = arith.addi %mul3A_111, %add3A_112 : i32
    "tpu.region"() ({
      %run_scoped3A_187 = tpu.sem_alloc : memref<!tpu.dma_semaphore, #tpu.memory_space<semaphore_mem>>
      %dma_start3A_188 = arith.constant 0 : i32
      %dma_start3A_189 = tpu.memref_slice %arg14[%add3A_113, %dma_start3A_188] : memref<10240x64xf32, #tpu.memory_space<vmem_shared>> -> memref<128x64xf32, #tpu.memory_space<vmem_shared>>
      %dma_start3A_190 = arith.constant 0 : i32
      %dma_start3A_191 = tpu.memref_slice %arg14[%add3A_113, %dma_start3A_190] : memref<10240x64xf32, #tpu.memory_space<vmem_shared>> -> memref<128x64xf32, #tpu.memory_space<vmem_shared>>
      tpu.enqueue_dma source(%arg13 : memref<128x64xf32, #tpu.memory_space<vmem>>) target(%dma_start3A_191 : memref<128x64xf32, #tpu.memory_space<vmem_shared>>) target_semaphore(%run_scoped3A_187 : memref<!tpu.dma_semaphore, #tpu.memory_space<semaphore_mem>>)
      %dma_wait3A = arith.constant 0 : i32
      %dma_wait3A_192 = tpu.memref_slice %arg14[%add3A_113, %dma_wait3A] : memref<10240x64xf32, #tpu.memory_space<vmem_shared>> -> memref<128x64xf32, #tpu.memory_space<vmem_shared>>
      %dma_wait3A_193 = arith.constant 0 : i32
      %dma_wait3A_194 = tpu.memref_slice %arg14[%add3A_113, %dma_wait3A_193] : memref<10240x64xf32, #tpu.memory_space<vmem_shared>> -> memref<128x64xf32, #tpu.memory_space<vmem_shared>>
      tpu.wait_dma2 semaphore(%run_scoped3A_187 : memref<!tpu.dma_semaphore, #tpu.memory_space<semaphore_mem>>) src(%arg13 : memref<128x64xf32, #tpu.memory_space<vmem>>) dst(%dma_wait3A_194 : memref<128x64xf32, #tpu.memory_space<vmem_shared>>)
      tpu.yield
    }) : () -> ()
    %barrier3A_114 = arith.constant 0 : index
    tpu.barrier barrier_id(%barrier3A_114)
    %dma_start3A_115 = arith.constant 1 : i32
    %dma_start3A_116 = arith.constant 0 : i32
    %dma_start3A_117 = arith.constant 0 : i32
    %dma_start3A_118 = tpu.memref_slice %arg6[%dma_start3A_116, %dma_start3A_117] : memref<80x128xi32, #tpu.memory_space<vmem>> -> memref<1x128xi32, #tpu.memory_space<vmem>>
    %dma_start3A_119 = tpu.memref_squeeze %dma_start3A_118 : memref<1x128xi32, #tpu.memory_space<vmem>> -> memref<128xi32, #tpu.memory_space<vmem>>
    %dma_start3A_120 = arith.constant 0 : i32
    %dma_start3A_121 = arith.constant 0 : i32
    %dma_start3A_122 = tpu.memref_slice %arg2[%dma_start3A_115, %dma_start3A_120, %dma_start3A_121] : memref<2x10000x64xf32, #tpu.memory_space<hbm>> -> memref<1x10000x64xf32, #tpu.memory_space<hbm>>
    %dma_start3A_123 = tpu.memref_squeeze %dma_start3A_122 : memref<1x10000x64xf32, #tpu.memory_space<hbm>> -> memref<10000x64xf32, #tpu.memory_space<hbm>>
    %dma_start3A_124 = arith.constant 0 : i32
    %dma_start3A_125 = arith.constant 0 : i32
    %dma_start3A_126 = tpu.memref_slice %dma_start3A_123[%dma_start3A_124, %dma_start3A_125] : memref<10000x64xf32, #tpu.memory_space<hbm>> -> memref<10000x64xf32, #tpu.memory_space<hbm>>
    tpu.enqueue_indirect_dma source(%dma_start3A_126 : memref<10000x64xf32, #tpu.memory_space<hbm>>) target(%arg8 : memref<128x64xf32, #tpu.memory_space<vmem>>) offsets(%dma_start3A_119 : memref<128xi32, #tpu.memory_space<vmem>>) semaphore(%arg15 : memref<!tpu.dma_semaphore, #tpu.memory_space<semaphore_mem>>)
    %dma_start3A_127 = arith.constant 1 : i32
    %dma_start3A_128 = arith.constant 1 : i32
    %dma_start3A_129 = arith.constant 0 : i32
    %dma_start3A_130 = tpu.memref_slice %arg6[%dma_start3A_128, %dma_start3A_129] : memref<80x128xi32, #tpu.memory_space<vmem>> -> memref<1x128xi32, #tpu.memory_space<vmem>>
    %dma_start3A_131 = tpu.memref_squeeze %dma_start3A_130 : memref<1x128xi32, #tpu.memory_space<vmem>> -> memref<128xi32, #tpu.memory_space<vmem>>
    %dma_start3A_132 = arith.constant 0 : i32
    %dma_start3A_133 = arith.constant 0 : i32
    %dma_start3A_134 = tpu.memref_slice %arg2[%dma_start3A_127, %dma_start3A_132, %dma_start3A_133] : memref<2x10000x64xf32, #tpu.memory_space<hbm>> -> memref<1x10000x64xf32, #tpu.memory_space<hbm>>
    %dma_start3A_135 = tpu.memref_squeeze %dma_start3A_134 : memref<1x10000x64xf32, #tpu.memory_space<hbm>> -> memref<10000x64xf32, #tpu.memory_space<hbm>>
    %dma_start3A_136 = arith.constant 0 : i32
    %dma_start3A_137 = arith.constant 0 : i32
    %dma_start3A_138 = tpu.memref_slice %dma_start3A_135[%dma_start3A_136, %dma_start3A_137] : memref<10000x64xf32, #tpu.memory_space<hbm>> -> memref<10000x64xf32, #tpu.memory_space<hbm>>
    tpu.enqueue_indirect_dma source(%dma_start3A_138 : memref<10000x64xf32, #tpu.memory_space<hbm>>) target(%arg9 : memref<128x64xf32, #tpu.memory_space<vmem>>) offsets(%dma_start3A_131 : memref<128xi32, #tpu.memory_space<vmem>>) semaphore(%arg16 : memref<!tpu.dma_semaphore, #tpu.memory_space<semaphore_mem>>)
    %dma_start3A_139 = arith.constant 1 : i32
    %dma_start3A_140 = arith.constant 2 : i32
    %dma_start3A_141 = arith.constant 0 : i32
    %dma_start3A_142 = tpu.memref_slice %arg6[%dma_start3A_140, %dma_start3A_141] : memref<80x128xi32, #tpu.memory_space<vmem>> -> memref<1x128xi32, #tpu.memory_space<vmem>>
    %dma_start3A_143 = tpu.memref_squeeze %dma_start3A_142 : memref<1x128xi32, #tpu.memory_space<vmem>> -> memref<128xi32, #tpu.memory_space<vmem>>
    %dma_start3A_144 = arith.constant 0 : i32
    %dma_start3A_145 = arith.constant 0 : i32
    %dma_start3A_146 = tpu.memref_slice %arg2[%dma_start3A_139, %dma_start3A_144, %dma_start3A_145] : memref<2x10000x64xf32, #tpu.memory_space<hbm>> -> memref<1x10000x64xf32, #tpu.memory_space<hbm>>
    %dma_start3A_147 = tpu.memref_squeeze %dma_start3A_146 : memref<1x10000x64xf32, #tpu.memory_space<hbm>> -> memref<10000x64xf32, #tpu.memory_space<hbm>>
    %dma_start3A_148 = arith.constant 0 : i32
    %dma_start3A_149 = arith.constant 0 : i32
    %dma_start3A_150 = tpu.memref_slice %dma_start3A_147[%dma_start3A_148, %dma_start3A_149] : memref<10000x64xf32, #tpu.memory_space<hbm>> -> memref<10000x64xf32, #tpu.memory_space<hbm>>
    tpu.enqueue_indirect_dma source(%dma_start3A_150 : memref<10000x64xf32, #tpu.memory_space<hbm>>) target(%arg10 : memref<128x64xf32, #tpu.memory_space<vmem>>) offsets(%dma_start3A_143 : memref<128xi32, #tpu.memory_space<vmem>>) semaphore(%arg17 : memref<!tpu.dma_semaphore, #tpu.memory_space<semaphore_mem>>)
    %dma_start3A_151 = arith.constant 1 : i32
    %dma_start3A_152 = arith.constant 3 : i32
    %dma_start3A_153 = arith.constant 0 : i32
    %dma_start3A_154 = tpu.memref_slice %arg6[%dma_start3A_152, %dma_start3A_153] : memref<80x128xi32, #tpu.memory_space<vmem>> -> memref<1x128xi32, #tpu.memory_space<vmem>>
    %dma_start3A_155 = tpu.memref_squeeze %dma_start3A_154 : memref<1x128xi32, #tpu.memory_space<vmem>> -> memref<128xi32, #tpu.memory_space<vmem>>
    %dma_start3A_156 = arith.constant 0 : i32
    %dma_start3A_157 = arith.constant 0 : i32
    %dma_start3A_158 = tpu.memref_slice %arg2[%dma_start3A_151, %dma_start3A_156, %dma_start3A_157] : memref<2x10000x64xf32, #tpu.memory_space<hbm>> -> memref<1x10000x64xf32, #tpu.memory_space<hbm>>
    %dma_start3A_159 = tpu.memref_squeeze %dma_start3A_158 : memref<1x10000x64xf32, #tpu.memory_space<hbm>> -> memref<10000x64xf32, #tpu.memory_space<hbm>>
    %dma_start3A_160 = arith.constant 0 : i32
    %dma_start3A_161 = arith.constant 0 : i32
    %dma_start3A_162 = tpu.memref_slice %dma_start3A_159[%dma_start3A_160, %dma_start3A_161] : memref<10000x64xf32, #tpu.memory_space<hbm>> -> memref<10000x64xf32, #tpu.memory_space<hbm>>
    tpu.enqueue_indirect_dma source(%dma_start3A_162 : memref<10000x64xf32, #tpu.memory_space<hbm>>) target(%arg11 : memref<128x64xf32, #tpu.memory_space<vmem>>) offsets(%dma_start3A_155 : memref<128xi32, #tpu.memory_space<vmem>>) semaphore(%arg18 : memref<!tpu.dma_semaphore, #tpu.memory_space<semaphore_mem>>)
    %dma_start3A_163 = arith.constant 1 : i32
    %dma_start3A_164 = arith.constant 4 : i32
    %dma_start3A_165 = arith.constant 0 : i32
    %dma_start3A_166 = tpu.memref_slice %arg6[%dma_start3A_164, %dma_start3A_165] : memref<80x128xi32, #tpu.memory_space<vmem>> -> memref<1x128xi32, #tpu.memory_space<vmem>>
    %dma_start3A_167 = tpu.memref_squeeze %dma_start3A_166 : memref<1x128xi32, #tpu.memory_space<vmem>> -> memref<128xi32, #tpu.memory_space<vmem>>
    %dma_start3A_168 = arith.constant 0 : i32
    %dma_start3A_169 = arith.constant 0 : i32
    %dma_start3A_170 = tpu.memref_slice %arg2[%dma_start3A_163, %dma_start3A_168, %dma_start3A_169] : memref<2x10000x64xf32, #tpu.memory_space<hbm>> -> memref<1x10000x64xf32, #tpu.memory_space<hbm>>
    %dma_start3A_171 = tpu.memref_squeeze %dma_start3A_170 : memref<1x10000x64xf32, #tpu.memory_space<hbm>> -> memref<10000x64xf32, #tpu.memory_space<hbm>>
    %dma_start3A_172 = arith.constant 0 : i32
    %dma_start3A_173 = arith.constant 0 : i32
    %dma_start3A_174 = tpu.memref_slice %dma_start3A_171[%dma_start3A_172, %dma_start3A_173] : memref<10000x64xf32, #tpu.memory_space<hbm>> -> memref<10000x64xf32, #tpu.memory_space<hbm>>
    tpu.enqueue_indirect_dma source(%dma_start3A_174 : memref<10000x64xf32, #tpu.memory_space<hbm>>) target(%arg12 : memref<128x64xf32, #tpu.memory_space<vmem>>) offsets(%dma_start3A_167 : memref<128xi32, #tpu.memory_space<vmem>>) semaphore(%arg19 : memref<!tpu.dma_semaphore, #tpu.memory_space<semaphore_mem>>)
    %scan3A_175 = arith.constant 0 : i32
    %scan3A_176 = arith.constant 0 : i32
    %scan3A_177 = arith.constant 16 : i32
    %scan3A_178 = arith.addi %scan3A_176, %scan3A_177 : i32
    %scan3A_179 = arith.constant 1 : i32
    scf.for %scan3A_187 = %scan3A_176 to %scan3A_178 step %scan3A_179  : i32 {
      %mul3A_188 = arith.constant 5 : i32
      %mul3A_189 = arith.muli %scan3A_187, %mul3A_188 : i32
      %add3A_190 = arith.constant 0 : i32
      %add3A_191 = arith.addi %mul3A_189, %add3A_190 : i32
      %dma_wait3A = arith.constant 1 : i32
      %dma_wait3A_192 = arith.constant 0 : i32
      %dma_wait3A_193 = tpu.memref_slice %arg6[%add3A_191, %dma_wait3A_192] : memref<80x128xi32, #tpu.memory_space<vmem>> -> memref<1x128xi32, #tpu.memory_space<vmem>>
      %dma_wait3A_194 = tpu.memref_squeeze %dma_wait3A_193 : memref<1x128xi32, #tpu.memory_space<vmem>> -> memref<128xi32, #tpu.memory_space<vmem>>
      %dma_wait3A_195 = arith.constant 0 : i32
      %dma_wait3A_196 = arith.constant 0 : i32
      %dma_wait3A_197 = tpu.memref_slice %arg2[%dma_wait3A, %dma_wait3A_195, %dma_wait3A_196] : memref<2x10000x64xf32, #tpu.memory_space<hbm>> -> memref<1x10000x64xf32, #tpu.memory_space<hbm>>
      %dma_wait3A_198 = tpu.memref_squeeze %dma_wait3A_197 : memref<1x10000x64xf32, #tpu.memory_space<hbm>> -> memref<10000x64xf32, #tpu.memory_space<hbm>>
      %dma_wait3A_199 = arith.constant 0 : i32
      %dma_wait3A_200 = arith.constant 0 : i32
      %dma_wait3A_201 = tpu.memref_slice %dma_wait3A_198[%dma_wait3A_199, %dma_wait3A_200] : memref<10000x64xf32, #tpu.memory_space<hbm>> -> memref<10000x64xf32, #tpu.memory_space<hbm>>
      tpu.wait_indirect_dma semaphore(%arg15 : memref<!tpu.dma_semaphore, #tpu.memory_space<semaphore_mem>>) src(%dma_wait3A_201 : memref<10000x64xf32, #tpu.memory_space<hbm>>) dst(%arg8 : memref<128x64xf32, #tpu.memory_space<vmem>>)
      %add3A_202 = arith.constant 0 : i32
      %add3A_203 = arith.addi %mul3A_189, %add3A_202 : i32
      "tpu.region"() ({
        %run_scoped3A_306 = tpu.sem_alloc : memref<!tpu.dma_semaphore, #tpu.memory_space<semaphore_mem>>
        %dma_start3A_307 = arith.constant 0 : i32
        %dma_start3A_308 = tpu.memref_slice %arg7[%add3A_203, %dma_start3A_307] : memref<80x128xi32, #tpu.memory_space<vmem>> -> memref<1x128xi32, #tpu.memory_space<vmem>>
        %dma_start3A_309 = tpu.memref_squeeze %dma_start3A_308 : memref<1x128xi32, #tpu.memory_space<vmem>> -> memref<128xi32, #tpu.memory_space<vmem>>
        %dma_start3A_310 = arith.constant 0 : i32
        %dma_start3A_311 = arith.constant 0 : i32
        %dma_start3A_312 = tpu.memref_slice %arg14[%dma_start3A_310, %dma_start3A_311] : memref<10240x64xf32, #tpu.memory_space<vmem_shared>> -> memref<10240x64xf32, #tpu.memory_space<vmem_shared>>
        tpu.enqueue_indirect_dma source(%arg8 : memref<128x64xf32, #tpu.memory_space<vmem>>) target(%dma_start3A_312 : memref<10240x64xf32, #tpu.memory_space<vmem_shared>>) offsets(%dma_start3A_309 : memref<128xi32, #tpu.memory_space<vmem>>) semaphore(%run_scoped3A_306 : memref<!tpu.dma_semaphore, #tpu.memory_space<semaphore_mem>>) {add = true}
        %dma_wait3A_313 = arith.constant 0 : i32
        %dma_wait3A_314 = tpu.memref_slice %arg7[%add3A_203, %dma_wait3A_313] : memref<80x128xi32, #tpu.memory_space<vmem>> -> memref<1x128xi32, #tpu.memory_space<vmem>>
        %dma_wait3A_315 = tpu.memref_squeeze %dma_wait3A_314 : memref<1x128xi32, #tpu.memory_space<vmem>> -> memref<128xi32, #tpu.memory_space<vmem>>
        %dma_wait3A_316 = arith.constant 0 : i32
        %dma_wait3A_317 = arith.constant 0 : i32
        %dma_wait3A_318 = tpu.memref_slice %arg14[%dma_wait3A_316, %dma_wait3A_317] : memref<10240x64xf32, #tpu.memory_space<vmem_shared>> -> memref<10240x64xf32, #tpu.memory_space<vmem_shared>>
        tpu.wait_indirect_dma semaphore(%run_scoped3A_306 : memref<!tpu.dma_semaphore, #tpu.memory_space<semaphore_mem>>) src(%arg8 : memref<128x64xf32, #tpu.memory_space<vmem>>) dst(%dma_wait3A_318 : memref<10240x64xf32, #tpu.memory_space<vmem_shared>>)
        tpu.yield
      }) : () -> ()
      %add3A_204 = arith.constant 0 : i32
      %add3A_205 = arith.addi %mul3A_189, %add3A_204 : i32
      %add3A_206 = arith.constant 5 : i32
      %add3A_207 = arith.addi %add3A_205, %add3A_206 : i32
      %lt3A = arith.constant 80 : i32
      %lt3A_208 = arith.cmpi slt, %add3A_207, %lt3A : i32
      %convert_element_type3A = arith.extui %lt3A_208 : i1 to i32
      %cond3A = arith.constant 0 : i32
      %cond3A_209 = arith.cmpi ne, %convert_element_type3A, %cond3A : i32
      scf.if %cond3A_209 {
        %add3A_306 = arith.constant 0 : i32
        %add3A_307 = arith.addi %mul3A_189, %add3A_306 : i32
        %add3A_308 = arith.constant 5 : i32
        %add3A_309 = arith.addi %add3A_307, %add3A_308 : i32
        %dma_start3A_310 = arith.constant 1 : i32
        %dma_start3A_311 = arith.constant 0 : i32
        %dma_start3A_312 = tpu.memref_slice %arg6[%add3A_309, %dma_start3A_311] : memref<80x128xi32, #tpu.memory_space<vmem>> -> memref<1x128xi32, #tpu.memory_space<vmem>>
        %dma_start3A_313 = tpu.memref_squeeze %dma_start3A_312 : memref<1x128xi32, #tpu.memory_space<vmem>> -> memref<128xi32, #tpu.memory_space<vmem>>
        %dma_start3A_314 = arith.constant 0 : i32
        %dma_start3A_315 = arith.constant 0 : i32
        %dma_start3A_316 = tpu.memref_slice %arg2[%dma_start3A_310, %dma_start3A_314, %dma_start3A_315] : memref<2x10000x64xf32, #tpu.memory_space<hbm>> -> memref<1x10000x64xf32, #tpu.memory_space<hbm>>
        %dma_start3A_317 = tpu.memref_squeeze %dma_start3A_316 : memref<1x10000x64xf32, #tpu.memory_space<hbm>> -> memref<10000x64xf32, #tpu.memory_space<hbm>>
        %dma_start3A_318 = arith.constant 0 : i32
        %dma_start3A_319 = arith.constant 0 : i32
        %dma_start3A_320 = tpu.memref_slice %dma_start3A_317[%dma_start3A_318, %dma_start3A_319] : memref<10000x64xf32, #tpu.memory_space<hbm>> -> memref<10000x64xf32, #tpu.memory_space<hbm>>
        tpu.enqueue_indirect_dma source(%dma_start3A_320 : memref<10000x64xf32, #tpu.memory_space<hbm>>) target(%arg8 : memref<128x64xf32, #tpu.memory_space<vmem>>) offsets(%dma_start3A_313 : memref<128xi32, #tpu.memory_space<vmem>>) semaphore(%arg15 : memref<!tpu.dma_semaphore, #tpu.memory_space<semaphore_mem>>)
      } else {
      }
      %add3A_210 = arith.constant 1 : i32
      %add3A_211 = arith.addi %mul3A_189, %add3A_210 : i32
      %dma_wait3A_212 = arith.constant 1 : i32
      %dma_wait3A_213 = arith.constant 0 : i32
      %dma_wait3A_214 = tpu.memref_slice %arg6[%add3A_211, %dma_wait3A_213] : memref<80x128xi32, #tpu.memory_space<vmem>> -> memref<1x128xi32, #tpu.memory_space<vmem>>
      %dma_wait3A_215 = tpu.memref_squeeze %dma_wait3A_214 : memref<1x128xi32, #tpu.memory_space<vmem>> -> memref<128xi32, #tpu.memory_space<vmem>>
      %dma_wait3A_216 = arith.constant 0 : i32
      %dma_wait3A_217 = arith.constant 0 : i32
      %dma_wait3A_218 = tpu.memref_slice %arg2[%dma_wait3A_212, %dma_wait3A_216, %dma_wait3A_217] : memref<2x10000x64xf32, #tpu.memory_space<hbm>> -> memref<1x10000x64xf32, #tpu.memory_space<hbm>>
      %dma_wait3A_219 = tpu.memref_squeeze %dma_wait3A_218 : memref<1x10000x64xf32, #tpu.memory_space<hbm>> -> memref<10000x64xf32, #tpu.memory_space<hbm>>
      %dma_wait3A_220 = arith.constant 0 : i32
      %dma_wait3A_221 = arith.constant 0 : i32
      %dma_wait3A_222 = tpu.memref_slice %dma_wait3A_219[%dma_wait3A_220, %dma_wait3A_221] : memref<10000x64xf32, #tpu.memory_space<hbm>> -> memref<10000x64xf32, #tpu.memory_space<hbm>>
      tpu.wait_indirect_dma semaphore(%arg16 : memref<!tpu.dma_semaphore, #tpu.memory_space<semaphore_mem>>) src(%dma_wait3A_222 : memref<10000x64xf32, #tpu.memory_space<hbm>>) dst(%arg9 : memref<128x64xf32, #tpu.memory_space<vmem>>)
      %add3A_223 = arith.constant 1 : i32
      %add3A_224 = arith.addi %mul3A_189, %add3A_223 : i32
      "tpu.region"() ({
        %run_scoped3A_306 = tpu.sem_alloc : memref<!tpu.dma_semaphore, #tpu.memory_space<semaphore_mem>>
        %dma_start3A_307 = arith.constant 0 : i32
        %dma_start3A_308 = tpu.memref_slice %arg7[%add3A_224, %dma_start3A_307] : memref<80x128xi32, #tpu.memory_space<vmem>> -> memref<1x128xi32, #tpu.memory_space<vmem>>
        %dma_start3A_309 = tpu.memref_squeeze %dma_start3A_308 : memref<1x128xi32, #tpu.memory_space<vmem>> -> memref<128xi32, #tpu.memory_space<vmem>>
        %dma_start3A_310 = arith.constant 0 : i32
        %dma_start3A_311 = arith.constant 0 : i32
        %dma_start3A_312 = tpu.memref_slice %arg14[%dma_start3A_310, %dma_start3A_311] : memref<10240x64xf32, #tpu.memory_space<vmem_shared>> -> memref<10240x64xf32, #tpu.memory_space<vmem_shared>>
        tpu.enqueue_indirect_dma source(%arg9 : memref<128x64xf32, #tpu.memory_space<vmem>>) target(%dma_start3A_312 : memref<10240x64xf32, #tpu.memory_space<vmem_shared>>) offsets(%dma_start3A_309 : memref<128xi32, #tpu.memory_space<vmem>>) semaphore(%run_scoped3A_306 : memref<!tpu.dma_semaphore, #tpu.memory_space<semaphore_mem>>) {add = true}
        %dma_wait3A_313 = arith.constant 0 : i32
        %dma_wait3A_314 = tpu.memref_slice %arg7[%add3A_224, %dma_wait3A_313] : memref<80x128xi32, #tpu.memory_space<vmem>> -> memref<1x128xi32, #tpu.memory_space<vmem>>
        %dma_wait3A_315 = tpu.memref_squeeze %dma_wait3A_314 : memref<1x128xi32, #tpu.memory_space<vmem>> -> memref<128xi32, #tpu.memory_space<vmem>>
        %dma_wait3A_316 = arith.constant 0 : i32
        %dma_wait3A_317 = arith.constant 0 : i32
        %dma_wait3A_318 = tpu.memref_slice %arg14[%dma_wait3A_316, %dma_wait3A_317] : memref<10240x64xf32, #tpu.memory_space<vmem_shared>> -> memref<10240x64xf32, #tpu.memory_space<vmem_shared>>
        tpu.wait_indirect_dma semaphore(%run_scoped3A_306 : memref<!tpu.dma_semaphore, #tpu.memory_space<semaphore_mem>>) src(%arg9 : memref<128x64xf32, #tpu.memory_space<vmem>>) dst(%dma_wait3A_318 : memref<10240x64xf32, #tpu.memory_space<vmem_shared>>)
        tpu.yield
      }) : () -> ()
      %add3A_225 = arith.constant 1 : i32
      %add3A_226 = arith.addi %mul3A_189, %add3A_225 : i32
      %add3A_227 = arith.constant 5 : i32
      %add3A_228 = arith.addi %add3A_226, %add3A_227 : i32
      %lt3A_229 = arith.constant 80 : i32
      %lt3A_230 = arith.cmpi slt, %add3A_228, %lt3A_229 : i32
      %convert_element_type3A_231 = arith.extui %lt3A_230 : i1 to i32
      %cond3A_232 = arith.constant 0 : i32
      %cond3A_233 = arith.cmpi ne, %convert_element_type3A_231, %cond3A_232 : i32
      scf.if %cond3A_233 {
        %add3A_306 = arith.constant 1 : i32
        %add3A_307 = arith.addi %mul3A_189, %add3A_306 : i32
        %add3A_308 = arith.constant 5 : i32
        %add3A_309 = arith.addi %add3A_307, %add3A_308 : i32
        %dma_start3A_310 = arith.constant 1 : i32
        %dma_start3A_311 = arith.constant 0 : i32
        %dma_start3A_312 = tpu.memref_slice %arg6[%add3A_309, %dma_start3A_311] : memref<80x128xi32, #tpu.memory_space<vmem>> -> memref<1x128xi32, #tpu.memory_space<vmem>>
        %dma_start3A_313 = tpu.memref_squeeze %dma_start3A_312 : memref<1x128xi32, #tpu.memory_space<vmem>> -> memref<128xi32, #tpu.memory_space<vmem>>
        %dma_start3A_314 = arith.constant 0 : i32
        %dma_start3A_315 = arith.constant 0 : i32
        %dma_start3A_316 = tpu.memref_slice %arg2[%dma_start3A_310, %dma_start3A_314, %dma_start3A_315] : memref<2x10000x64xf32, #tpu.memory_space<hbm>> -> memref<1x10000x64xf32, #tpu.memory_space<hbm>>
        %dma_start3A_317 = tpu.memref_squeeze %dma_start3A_316 : memref<1x10000x64xf32, #tpu.memory_space<hbm>> -> memref<10000x64xf32, #tpu.memory_space<hbm>>
        %dma_start3A_318 = arith.constant 0 : i32
        %dma_start3A_319 = arith.constant 0 : i32
        %dma_start3A_320 = tpu.memref_slice %dma_start3A_317[%dma_start3A_318, %dma_start3A_319] : memref<10000x64xf32, #tpu.memory_space<hbm>> -> memref<10000x64xf32, #tpu.memory_space<hbm>>
        tpu.enqueue_indirect_dma source(%dma_start3A_320 : memref<10000x64xf32, #tpu.memory_space<hbm>>) target(%arg9 : memref<128x64xf32, #tpu.memory_space<vmem>>) offsets(%dma_start3A_313 : memref<128xi32, #tpu.memory_space<vmem>>) semaphore(%arg16 : memref<!tpu.dma_semaphore, #tpu.memory_space<semaphore_mem>>)
      } else {
      }
      %add3A_234 = arith.constant 2 : i32
      %add3A_235 = arith.addi %mul3A_189, %add3A_234 : i32
      %dma_wait3A_236 = arith.constant 1 : i32
      %dma_wait3A_237 = arith.constant 0 : i32
      %dma_wait3A_238 = tpu.memref_slice %arg6[%add3A_235, %dma_wait3A_237] : memref<80x128xi32, #tpu.memory_space<vmem>> -> memref<1x128xi32, #tpu.memory_space<vmem>>
      %dma_wait3A_239 = tpu.memref_squeeze %dma_wait3A_238 : memref<1x128xi32, #tpu.memory_space<vmem>> -> memref<128xi32, #tpu.memory_space<vmem>>
      %dma_wait3A_240 = arith.constant 0 : i32
      %dma_wait3A_241 = arith.constant 0 : i32
      %dma_wait3A_242 = tpu.memref_slice %arg2[%dma_wait3A_236, %dma_wait3A_240, %dma_wait3A_241] : memref<2x10000x64xf32, #tpu.memory_space<hbm>> -> memref<1x10000x64xf32, #tpu.memory_space<hbm>>
      %dma_wait3A_243 = tpu.memref_squeeze %dma_wait3A_242 : memref<1x10000x64xf32, #tpu.memory_space<hbm>> -> memref<10000x64xf32, #tpu.memory_space<hbm>>
      %dma_wait3A_244 = arith.constant 0 : i32
      %dma_wait3A_245 = arith.constant 0 : i32
      %dma_wait3A_246 = tpu.memref_slice %dma_wait3A_243[%dma_wait3A_244, %dma_wait3A_245] : memref<10000x64xf32, #tpu.memory_space<hbm>> -> memref<10000x64xf32, #tpu.memory_space<hbm>>
      tpu.wait_indirect_dma semaphore(%arg17 : memref<!tpu.dma_semaphore, #tpu.memory_space<semaphore_mem>>) src(%dma_wait3A_246 : memref<10000x64xf32, #tpu.memory_space<hbm>>) dst(%arg10 : memref<128x64xf32, #tpu.memory_space<vmem>>)
      %add3A_247 = arith.constant 2 : i32
      %add3A_248 = arith.addi %mul3A_189, %add3A_247 : i32
      "tpu.region"() ({
        %run_scoped3A_306 = tpu.sem_alloc : memref<!tpu.dma_semaphore, #tpu.memory_space<semaphore_mem>>
        %dma_start3A_307 = arith.constant 0 : i32
        %dma_start3A_308 = tpu.memref_slice %arg7[%add3A_248, %dma_start3A_307] : memref<80x128xi32, #tpu.memory_space<vmem>> -> memref<1x128xi32, #tpu.memory_space<vmem>>
        %dma_start3A_309 = tpu.memref_squeeze %dma_start3A_308 : memref<1x128xi32, #tpu.memory_space<vmem>> -> memref<128xi32, #tpu.memory_space<vmem>>
        %dma_start3A_310 = arith.constant 0 : i32
        %dma_start3A_311 = arith.constant 0 : i32
        %dma_start3A_312 = tpu.memref_slice %arg14[%dma_start3A_310, %dma_start3A_311] : memref<10240x64xf32, #tpu.memory_space<vmem_shared>> -> memref<10240x64xf32, #tpu.memory_space<vmem_shared>>
        tpu.enqueue_indirect_dma source(%arg10 : memref<128x64xf32, #tpu.memory_space<vmem>>) target(%dma_start3A_312 : memref<10240x64xf32, #tpu.memory_space<vmem_shared>>) offsets(%dma_start3A_309 : memref<128xi32, #tpu.memory_space<vmem>>) semaphore(%run_scoped3A_306 : memref<!tpu.dma_semaphore, #tpu.memory_space<semaphore_mem>>) {add = true}
        %dma_wait3A_313 = arith.constant 0 : i32
        %dma_wait3A_314 = tpu.memref_slice %arg7[%add3A_248, %dma_wait3A_313] : memref<80x128xi32, #tpu.memory_space<vmem>> -> memref<1x128xi32, #tpu.memory_space<vmem>>
        %dma_wait3A_315 = tpu.memref_squeeze %dma_wait3A_314 : memref<1x128xi32, #tpu.memory_space<vmem>> -> memref<128xi32, #tpu.memory_space<vmem>>
        %dma_wait3A_316 = arith.constant 0 : i32
        %dma_wait3A_317 = arith.constant 0 : i32
        %dma_wait3A_318 = tpu.memref_slice %arg14[%dma_wait3A_316, %dma_wait3A_317] : memref<10240x64xf32, #tpu.memory_space<vmem_shared>> -> memref<10240x64xf32, #tpu.memory_space<vmem_shared>>
        tpu.wait_indirect_dma semaphore(%run_scoped3A_306 : memref<!tpu.dma_semaphore, #tpu.memory_space<semaphore_mem>>) src(%arg10 : memref<128x64xf32, #tpu.memory_space<vmem>>) dst(%dma_wait3A_318 : memref<10240x64xf32, #tpu.memory_space<vmem_shared>>)
        tpu.yield
      }) : () -> ()
      %add3A_249 = arith.constant 2 : i32
      %add3A_250 = arith.addi %mul3A_189, %add3A_249 : i32
      %add3A_251 = arith.constant 5 : i32
      %add3A_252 = arith.addi %add3A_250, %add3A_251 : i32
      %lt3A_253 = arith.constant 80 : i32
      %lt3A_254 = arith.cmpi slt, %add3A_252, %lt3A_253 : i32
      %convert_element_type3A_255 = arith.extui %lt3A_254 : i1 to i32
      %cond3A_256 = arith.constant 0 : i32
      %cond3A_257 = arith.cmpi ne, %convert_element_type3A_255, %cond3A_256 : i32
      scf.if %cond3A_257 {
        %add3A_306 = arith.constant 2 : i32
        %add3A_307 = arith.addi %mul3A_189, %add3A_306 : i32
        %add3A_308 = arith.constant 5 : i32
        %add3A_309 = arith.addi %add3A_307, %add3A_308 : i32
        %dma_start3A_310 = arith.constant 1 : i32
        %dma_start3A_311 = arith.constant 0 : i32
        %dma_start3A_312 = tpu.memref_slice %arg6[%add3A_309, %dma_start3A_311] : memref<80x128xi32, #tpu.memory_space<vmem>> -> memref<1x128xi32, #tpu.memory_space<vmem>>
        %dma_start3A_313 = tpu.memref_squeeze %dma_start3A_312 : memref<1x128xi32, #tpu.memory_space<vmem>> -> memref<128xi32, #tpu.memory_space<vmem>>
        %dma_start3A_314 = arith.constant 0 : i32
        %dma_start3A_315 = arith.constant 0 : i32
        %dma_start3A_316 = tpu.memref_slice %arg2[%dma_start3A_310, %dma_start3A_314, %dma_start3A_315] : memref<2x10000x64xf32, #tpu.memory_space<hbm>> -> memref<1x10000x64xf32, #tpu.memory_space<hbm>>
        %dma_start3A_317 = tpu.memref_squeeze %dma_start3A_316 : memref<1x10000x64xf32, #tpu.memory_space<hbm>> -> memref<10000x64xf32, #tpu.memory_space<hbm>>
        %dma_start3A_318 = arith.constant 0 : i32
        %dma_start3A_319 = arith.constant 0 : i32
        %dma_start3A_320 = tpu.memref_slice %dma_start3A_317[%dma_start3A_318, %dma_start3A_319] : memref<10000x64xf32, #tpu.memory_space<hbm>> -> memref<10000x64xf32, #tpu.memory_space<hbm>>
        tpu.enqueue_indirect_dma source(%dma_start3A_320 : memref<10000x64xf32, #tpu.memory_space<hbm>>) target(%arg10 : memref<128x64xf32, #tpu.memory_space<vmem>>) offsets(%dma_start3A_313 : memref<128xi32, #tpu.memory_space<vmem>>) semaphore(%arg17 : memref<!tpu.dma_semaphore, #tpu.memory_space<semaphore_mem>>)
      } else {
      }
      %add3A_258 = arith.constant 3 : i32
      %add3A_259 = arith.addi %mul3A_189, %add3A_258 : i32
      %dma_wait3A_260 = arith.constant 1 : i32
      %dma_wait3A_261 = arith.constant 0 : i32
      %dma_wait3A_262 = tpu.memref_slice %arg6[%add3A_259, %dma_wait3A_261] : memref<80x128xi32, #tpu.memory_space<vmem>> -> memref<1x128xi32, #tpu.memory_space<vmem>>
      %dma_wait3A_263 = tpu.memref_squeeze %dma_wait3A_262 : memref<1x128xi32, #tpu.memory_space<vmem>> -> memref<128xi32, #tpu.memory_space<vmem>>
      %dma_wait3A_264 = arith.constant 0 : i32
      %dma_wait3A_265 = arith.constant 0 : i32
      %dma_wait3A_266 = tpu.memref_slice %arg2[%dma_wait3A_260, %dma_wait3A_264, %dma_wait3A_265] : memref<2x10000x64xf32, #tpu.memory_space<hbm>> -> memref<1x10000x64xf32, #tpu.memory_space<hbm>>
      %dma_wait3A_267 = tpu.memref_squeeze %dma_wait3A_266 : memref<1x10000x64xf32, #tpu.memory_space<hbm>> -> memref<10000x64xf32, #tpu.memory_space<hbm>>
      %dma_wait3A_268 = arith.constant 0 : i32
      %dma_wait3A_269 = arith.constant 0 : i32
      %dma_wait3A_270 = tpu.memref_slice %dma_wait3A_267[%dma_wait3A_268, %dma_wait3A_269] : memref<10000x64xf32, #tpu.memory_space<hbm>> -> memref<10000x64xf32, #tpu.memory_space<hbm>>
      tpu.wait_indirect_dma semaphore(%arg18 : memref<!tpu.dma_semaphore, #tpu.memory_space<semaphore_mem>>) src(%dma_wait3A_270 : memref<10000x64xf32, #tpu.memory_space<hbm>>) dst(%arg11 : memref<128x64xf32, #tpu.memory_space<vmem>>)
      %add3A_271 = arith.constant 3 : i32
      %add3A_272 = arith.addi %mul3A_189, %add3A_271 : i32
      "tpu.region"() ({
        %run_scoped3A_306 = tpu.sem_alloc : memref<!tpu.dma_semaphore, #tpu.memory_space<semaphore_mem>>
        %dma_start3A_307 = arith.constant 0 : i32
        %dma_start3A_308 = tpu.memref_slice %arg7[%add3A_272, %dma_start3A_307] : memref<80x128xi32, #tpu.memory_space<vmem>> -> memref<1x128xi32, #tpu.memory_space<vmem>>
        %dma_start3A_309 = tpu.memref_squeeze %dma_start3A_308 : memref<1x128xi32, #tpu.memory_space<vmem>> -> memref<128xi32, #tpu.memory_space<vmem>>
        %dma_start3A_310 = arith.constant 0 : i32
        %dma_start3A_311 = arith.constant 0 : i32
        %dma_start3A_312 = tpu.memref_slice %arg14[%dma_start3A_310, %dma_start3A_311] : memref<10240x64xf32, #tpu.memory_space<vmem_shared>> -> memref<10240x64xf32, #tpu.memory_space<vmem_shared>>
        tpu.enqueue_indirect_dma source(%arg11 : memref<128x64xf32, #tpu.memory_space<vmem>>) target(%dma_start3A_312 : memref<10240x64xf32, #tpu.memory_space<vmem_shared>>) offsets(%dma_start3A_309 : memref<128xi32, #tpu.memory_space<vmem>>) semaphore(%run_scoped3A_306 : memref<!tpu.dma_semaphore, #tpu.memory_space<semaphore_mem>>) {add = true}
        %dma_wait3A_313 = arith.constant 0 : i32
        %dma_wait3A_314 = tpu.memref_slice %arg7[%add3A_272, %dma_wait3A_313] : memref<80x128xi32, #tpu.memory_space<vmem>> -> memref<1x128xi32, #tpu.memory_space<vmem>>
        %dma_wait3A_315 = tpu.memref_squeeze %dma_wait3A_314 : memref<1x128xi32, #tpu.memory_space<vmem>> -> memref<128xi32, #tpu.memory_space<vmem>>
        %dma_wait3A_316 = arith.constant 0 : i32
        %dma_wait3A_317 = arith.constant 0 : i32
        %dma_wait3A_318 = tpu.memref_slice %arg14[%dma_wait3A_316, %dma_wait3A_317] : memref<10240x64xf32, #tpu.memory_space<vmem_shared>> -> memref<10240x64xf32, #tpu.memory_space<vmem_shared>>
        tpu.wait_indirect_dma semaphore(%run_scoped3A_306 : memref<!tpu.dma_semaphore, #tpu.memory_space<semaphore_mem>>) src(%arg11 : memref<128x64xf32, #tpu.memory_space<vmem>>) dst(%dma_wait3A_318 : memref<10240x64xf32, #tpu.memory_space<vmem_shared>>)
        tpu.yield
      }) : () -> ()
      %add3A_273 = arith.constant 3 : i32
      %add3A_274 = arith.addi %mul3A_189, %add3A_273 : i32
      %add3A_275 = arith.constant 5 : i32
      %add3A_276 = arith.addi %add3A_274, %add3A_275 : i32
      %lt3A_277 = arith.constant 80 : i32
      %lt3A_278 = arith.cmpi slt, %add3A_276, %lt3A_277 : i32
      %convert_element_type3A_279 = arith.extui %lt3A_278 : i1 to i32
      %cond3A_280 = arith.constant 0 : i32
      %cond3A_281 = arith.cmpi ne, %convert_element_type3A_279, %cond3A_280 : i32
      scf.if %cond3A_281 {
        %add3A_306 = arith.constant 3 : i32
        %add3A_307 = arith.addi %mul3A_189, %add3A_306 : i32
        %add3A_308 = arith.constant 5 : i32
        %add3A_309 = arith.addi %add3A_307, %add3A_308 : i32
        %dma_start3A_310 = arith.constant 1 : i32
        %dma_start3A_311 = arith.constant 0 : i32
        %dma_start3A_312 = tpu.memref_slice %arg6[%add3A_309, %dma_start3A_311] : memref<80x128xi32, #tpu.memory_space<vmem>> -> memref<1x128xi32, #tpu.memory_space<vmem>>
        %dma_start3A_313 = tpu.memref_squeeze %dma_start3A_312 : memref<1x128xi32, #tpu.memory_space<vmem>> -> memref<128xi32, #tpu.memory_space<vmem>>
        %dma_start3A_314 = arith.constant 0 : i32
        %dma_start3A_315 = arith.constant 0 : i32
        %dma_start3A_316 = tpu.memref_slice %arg2[%dma_start3A_310, %dma_start3A_314, %dma_start3A_315] : memref<2x10000x64xf32, #tpu.memory_space<hbm>> -> memref<1x10000x64xf32, #tpu.memory_space<hbm>>
        %dma_start3A_317 = tpu.memref_squeeze %dma_start3A_316 : memref<1x10000x64xf32, #tpu.memory_space<hbm>> -> memref<10000x64xf32, #tpu.memory_space<hbm>>
        %dma_start3A_318 = arith.constant 0 : i32
        %dma_start3A_319 = arith.constant 0 : i32
        %dma_start3A_320 = tpu.memref_slice %dma_start3A_317[%dma_start3A_318, %dma_start3A_319] : memref<10000x64xf32, #tpu.memory_space<hbm>> -> memref<10000x64xf32, #tpu.memory_space<hbm>>
        tpu.enqueue_indirect_dma source(%dma_start3A_320 : memref<10000x64xf32, #tpu.memory_space<hbm>>) target(%arg11 : memref<128x64xf32, #tpu.memory_space<vmem>>) offsets(%dma_start3A_313 : memref<128xi32, #tpu.memory_space<vmem>>) semaphore(%arg18 : memref<!tpu.dma_semaphore, #tpu.memory_space<semaphore_mem>>)
      } else {
      }
      %add3A_282 = arith.constant 4 : i32
      %add3A_283 = arith.addi %mul3A_189, %add3A_282 : i32
      %dma_wait3A_284 = arith.constant 1 : i32
      %dma_wait3A_285 = arith.constant 0 : i32
      %dma_wait3A_286 = tpu.memref_slice %arg6[%add3A_283, %dma_wait3A_285] : memref<80x128xi32, #tpu.memory_space<vmem>> -> memref<1x128xi32, #tpu.memory_space<vmem>>
      %dma_wait3A_287 = tpu.memref_squeeze %dma_wait3A_286 : memref<1x128xi32, #tpu.memory_space<vmem>> -> memref<128xi32, #tpu.memory_space<vmem>>
      %dma_wait3A_288 = arith.constant 0 : i32
      %dma_wait3A_289 = arith.constant 0 : i32
      %dma_wait3A_290 = tpu.memref_slice %arg2[%dma_wait3A_284, %dma_wait3A_288, %dma_wait3A_289] : memref<2x10000x64xf32, #tpu.memory_space<hbm>> -> memref<1x10000x64xf32, #tpu.memory_space<hbm>>
      %dma_wait3A_291 = tpu.memref_squeeze %dma_wait3A_290 : memref<1x10000x64xf32, #tpu.memory_space<hbm>> -> memref<10000x64xf32, #tpu.memory_space<hbm>>
      %dma_wait3A_292 = arith.constant 0 : i32
      %dma_wait3A_293 = arith.constant 0 : i32
      %dma_wait3A_294 = tpu.memref_slice %dma_wait3A_291[%dma_wait3A_292, %dma_wait3A_293] : memref<10000x64xf32, #tpu.memory_space<hbm>> -> memref<10000x64xf32, #tpu.memory_space<hbm>>
      tpu.wait_indirect_dma semaphore(%arg19 : memref<!tpu.dma_semaphore, #tpu.memory_space<semaphore_mem>>) src(%dma_wait3A_294 : memref<10000x64xf32, #tpu.memory_space<hbm>>) dst(%arg12 : memref<128x64xf32, #tpu.memory_space<vmem>>)
      %add3A_295 = arith.constant 4 : i32
      %add3A_296 = arith.addi %mul3A_189, %add3A_295 : i32
      "tpu.region"() ({
        %run_scoped3A_306 = tpu.sem_alloc : memref<!tpu.dma_semaphore, #tpu.memory_space<semaphore_mem>>
        %dma_start3A_307 = arith.constant 0 : i32
        %dma_start3A_308 = tpu.memref_slice %arg7[%add3A_296, %dma_start3A_307] : memref<80x128xi32, #tpu.memory_space<vmem>> -> memref<1x128xi32, #tpu.memory_space<vmem>>
        %dma_start3A_309 = tpu.memref_squeeze %dma_start3A_308 : memref<1x128xi32, #tpu.memory_space<vmem>> -> memref<128xi32, #tpu.memory_space<vmem>>
        %dma_start3A_310 = arith.constant 0 : i32
        %dma_start3A_311 = arith.constant 0 : i32
        %dma_start3A_312 = tpu.memref_slice %arg14[%dma_start3A_310, %dma_start3A_311] : memref<10240x64xf32, #tpu.memory_space<vmem_shared>> -> memref<10240x64xf32, #tpu.memory_space<vmem_shared>>
        tpu.enqueue_indirect_dma source(%arg12 : memref<128x64xf32, #tpu.memory_space<vmem>>) target(%dma_start3A_312 : memref<10240x64xf32, #tpu.memory_space<vmem_shared>>) offsets(%dma_start3A_309 : memref<128xi32, #tpu.memory_space<vmem>>) semaphore(%run_scoped3A_306 : memref<!tpu.dma_semaphore, #tpu.memory_space<semaphore_mem>>) {add = true}
        %dma_wait3A_313 = arith.constant 0 : i32
        %dma_wait3A_314 = tpu.memref_slice %arg7[%add3A_296, %dma_wait3A_313] : memref<80x128xi32, #tpu.memory_space<vmem>> -> memref<1x128xi32, #tpu.memory_space<vmem>>
        %dma_wait3A_315 = tpu.memref_squeeze %dma_wait3A_314 : memref<1x128xi32, #tpu.memory_space<vmem>> -> memref<128xi32, #tpu.memory_space<vmem>>
        %dma_wait3A_316 = arith.constant 0 : i32
        %dma_wait3A_317 = arith.constant 0 : i32
        %dma_wait3A_318 = tpu.memref_slice %arg14[%dma_wait3A_316, %dma_wait3A_317] : memref<10240x64xf32, #tpu.memory_space<vmem_shared>> -> memref<10240x64xf32, #tpu.memory_space<vmem_shared>>
        tpu.wait_indirect_dma semaphore(%run_scoped3A_306 : memref<!tpu.dma_semaphore, #tpu.memory_space<semaphore_mem>>) src(%arg12 : memref<128x64xf32, #tpu.memory_space<vmem>>) dst(%dma_wait3A_318 : memref<10240x64xf32, #tpu.memory_space<vmem_shared>>)
        tpu.yield
      }) : () -> ()
      %add3A_297 = arith.constant 4 : i32
      %add3A_298 = arith.addi %mul3A_189, %add3A_297 : i32
      %add3A_299 = arith.constant 5 : i32
      %add3A_300 = arith.addi %add3A_298, %add3A_299 : i32
      %lt3A_301 = arith.constant 80 : i32
      %lt3A_302 = arith.cmpi slt, %add3A_300, %lt3A_301 : i32
      %convert_element_type3A_303 = arith.extui %lt3A_302 : i1 to i32
      %cond3A_304 = arith.constant 0 : i32
      %cond3A_305 = arith.cmpi ne, %convert_element_type3A_303, %cond3A_304 : i32
      scf.if %cond3A_305 {
        %add3A_306 = arith.constant 4 : i32
        %add3A_307 = arith.addi %mul3A_189, %add3A_306 : i32
        %add3A_308 = arith.constant 5 : i32
        %add3A_309 = arith.addi %add3A_307, %add3A_308 : i32
        %dma_start3A_310 = arith.constant 1 : i32
        %dma_start3A_311 = arith.constant 0 : i32
        %dma_start3A_312 = tpu.memref_slice %arg6[%add3A_309, %dma_start3A_311] : memref<80x128xi32, #tpu.memory_space<vmem>> -> memref<1x128xi32, #tpu.memory_space<vmem>>
        %dma_start3A_313 = tpu.memref_squeeze %dma_start3A_312 : memref<1x128xi32, #tpu.memory_space<vmem>> -> memref<128xi32, #tpu.memory_space<vmem>>
        %dma_start3A_314 = arith.constant 0 : i32
        %dma_start3A_315 = arith.constant 0 : i32
        %dma_start3A_316 = tpu.memref_slice %arg2[%dma_start3A_310, %dma_start3A_314, %dma_start3A_315] : memref<2x10000x64xf32, #tpu.memory_space<hbm>> -> memref<1x10000x64xf32, #tpu.memory_space<hbm>>
        %dma_start3A_317 = tpu.memref_squeeze %dma_start3A_316 : memref<1x10000x64xf32, #tpu.memory_space<hbm>> -> memref<10000x64xf32, #tpu.memory_space<hbm>>
        %dma_start3A_318 = arith.constant 0 : i32
        %dma_start3A_319 = arith.constant 0 : i32
        %dma_start3A_320 = tpu.memref_slice %dma_start3A_317[%dma_start3A_318, %dma_start3A_319] : memref<10000x64xf32, #tpu.memory_space<hbm>> -> memref<10000x64xf32, #tpu.memory_space<hbm>>
        tpu.enqueue_indirect_dma source(%dma_start3A_320 : memref<10000x64xf32, #tpu.memory_space<hbm>>) target(%arg12 : memref<128x64xf32, #tpu.memory_space<vmem>>) offsets(%dma_start3A_313 : memref<128xi32, #tpu.memory_space<vmem>>) semaphore(%arg19 : memref<!tpu.dma_semaphore, #tpu.memory_space<semaphore_mem>>)
      } else {
      }
    }
    %scan3A_180 = arith.constant 16 : i32
    %barrier3A_181 = arith.constant 0 : index
    tpu.barrier barrier_id(%barrier3A_181)
    %mul3A_182 = arith.constant 640 : i32
    %mul3A_183 = arith.muli %arg1, %mul3A_182 : i32
    %mul3A_184 = arith.constant 640 : i32
    %mul3A_185 = arith.muli %arg1, %mul3A_184 : i32
    %run_scoped3A_186 = arith.constant 1 : i32
    "tpu.region"() ({
      %run_scoped3A_187 = tpu.sem_alloc : memref<!tpu.dma_semaphore, #tpu.memory_space<semaphore_mem>>
      %dma_start3A_188 = arith.constant 0 : i32
      %dma_start3A_189 = arith.constant 0 : i32
      %dma_start3A_190 = arith.constant 0 : i32
      %dma_start3A_191 = tpu.memref_slice %arg5[%arg0, %dma_start3A_188, %dma_start3A_189, %dma_start3A_190] : memref<2x2x10240x64xf32, #tpu.memory_space<hbm>> -> memref<1x2x10240x64xf32, #tpu.memory_space<hbm>>
      %dma_start3A_192 = tpu.memref_squeeze %dma_start3A_191 : memref<1x2x10240x64xf32, #tpu.memory_space<hbm>> -> memref<2x10240x64xf32, #tpu.memory_space<hbm>>
      %dma_start3A_193 = arith.constant 0 : i32
      %dma_start3A_194 = arith.constant 0 : i32
      %dma_start3A_195 = tpu.memref_slice %dma_start3A_192[%run_scoped3A_186, %dma_start3A_193, %dma_start3A_194] : memref<2x10240x64xf32, #tpu.memory_space<hbm>> -> memref<1x10240x64xf32, #tpu.memory_space<hbm>>
      %dma_start3A_196 = tpu.memref_squeeze %dma_start3A_195 : memref<1x10240x64xf32, #tpu.memory_space<hbm>> -> memref<10240x64xf32, #tpu.memory_space<hbm>>
      %dma_start3A_197 = arith.constant 0 : i32
      %dma_start3A_198 = tpu.memref_slice %dma_start3A_196[%mul3A_185, %dma_start3A_197] : memref<10240x64xf32, #tpu.memory_space<hbm>> -> memref<640x64xf32, #tpu.memory_space<hbm>>
      %dma_start3A_199 = arith.constant 0 : i32
      %dma_start3A_200 = tpu.memref_slice %arg14[%mul3A_183, %dma_start3A_199] : memref<10240x64xf32, #tpu.memory_space<vmem_shared>> -> memref<640x64xf32, #tpu.memory_space<vmem_shared>>
      tpu.enqueue_dma source(%dma_start3A_200 : memref<640x64xf32, #tpu.memory_space<vmem_shared>>) target(%dma_start3A_198 : memref<640x64xf32, #tpu.memory_space<hbm>>) target_semaphore(%run_scoped3A_187 : memref<!tpu.dma_semaphore, #tpu.memory_space<semaphore_mem>>)
      %dma_wait3A = arith.constant 0 : i32
      %dma_wait3A_201 = arith.constant 0 : i32
      %dma_wait3A_202 = arith.constant 0 : i32
      %dma_wait3A_203 = tpu.memref_slice %arg5[%arg0, %dma_wait3A, %dma_wait3A_201, %dma_wait3A_202] : memref<2x2x10240x64xf32, #tpu.memory_space<hbm>> -> memref<1x2x10240x64xf32, #tpu.memory_space<hbm>>
      %dma_wait3A_204 = tpu.memref_squeeze %dma_wait3A_203 : memref<1x2x10240x64xf32, #tpu.memory_space<hbm>> -> memref<2x10240x64xf32, #tpu.memory_space<hbm>>
      %dma_wait3A_205 = arith.constant 0 : i32
      %dma_wait3A_206 = arith.constant 0 : i32
      %dma_wait3A_207 = tpu.memref_slice %dma_wait3A_204[%run_scoped3A_186, %dma_wait3A_205, %dma_wait3A_206] : memref<2x10240x64xf32, #tpu.memory_space<hbm>> -> memref<1x10240x64xf32, #tpu.memory_space<hbm>>
      %dma_wait3A_208 = tpu.memref_squeeze %dma_wait3A_207 : memref<1x10240x64xf32, #tpu.memory_space<hbm>> -> memref<10240x64xf32, #tpu.memory_space<hbm>>
      %dma_wait3A_209 = arith.constant 0 : i32
      %dma_wait3A_210 = tpu.memref_slice %dma_wait3A_208[%mul3A_185, %dma_wait3A_209] : memref<10240x64xf32, #tpu.memory_space<hbm>> -> memref<640x64xf32, #tpu.memory_space<hbm>>
      %dma_wait3A_211 = arith.constant 0 : i32
      %dma_wait3A_212 = tpu.memref_slice %arg14[%mul3A_183, %dma_wait3A_211] : memref<10240x64xf32, #tpu.memory_space<vmem_shared>> -> memref<640x64xf32, #tpu.memory_space<vmem_shared>>
      tpu.wait_dma2 semaphore(%run_scoped3A_187 : memref<!tpu.dma_semaphore, #tpu.memory_space<semaphore_mem>>) src(%dma_wait3A_212 : memref<640x64xf32, #tpu.memory_space<vmem_shared>>) dst(%dma_wait3A_210 : memref<640x64xf32, #tpu.memory_space<hbm>>)
      tpu.yield
    }) : () -> ()
    return
  }
}

#map = affine_map<(d0, d1) -> (0, 0, 0, 0)>
#map1 = affine_map<(d0, d1) -> (0)>
module attributes {stable_mosaic.version = 14 : i64} {
  func.func @_deg_body(%arg0: i32, %arg1: i32, %arg2: memref<2x16x80x128xi32, #tpu.memory_space<hbm>>, %arg3: memref<20480xf32, #tpu.memory_space<hbm>>, %arg4: memref<80x128xi32, #tpu.memory_space<vmem>>, %arg5: memref<128xf32, #tpu.memory_space<vmem>>, %arg6: memref<640xf32, #tpu.memory_space<vmem>>, %arg7: memref<10240xf32, #tpu.memory_space<vmem_shared>>) attributes {dimension_semantics = [#tpu.dimension_semantics<core_parallel>, #tpu.dimension_semantics<subcore_parallel>], iteration_bounds = array<i64: 2, 16>, scalar_prefetch = 0 : i64, scratch_operands = 4 : i64, tpu.core_type = #tpu.core_type<sc_vector_subcore>, window_params = [{transform_indices = #map}, {transform_indices = #map1}]} {
    "tpu.region"() ({
      %run_scoped3A = tpu.sem_alloc : memref<!tpu.dma_semaphore, #tpu.memory_space<semaphore_mem>>
      %dma_start3A = arith.constant 0 : i32
      %dma_start3A_53 = arith.constant 0 : i32
      %dma_start3A_54 = arith.constant 0 : i32
      %dma_start3A_55 = tpu.memref_slice %arg2[%arg0, %dma_start3A, %dma_start3A_53, %dma_start3A_54] : memref<2x16x80x128xi32, #tpu.memory_space<hbm>> -> memref<1x16x80x128xi32, #tpu.memory_space<hbm>>
      %dma_start3A_56 = tpu.memref_squeeze %dma_start3A_55 : memref<1x16x80x128xi32, #tpu.memory_space<hbm>> -> memref<16x80x128xi32, #tpu.memory_space<hbm>>
      %dma_start3A_57 = arith.constant 0 : i32
      %dma_start3A_58 = arith.constant 0 : i32
      %dma_start3A_59 = tpu.memref_slice %dma_start3A_56[%arg1, %dma_start3A_57, %dma_start3A_58] : memref<16x80x128xi32, #tpu.memory_space<hbm>> -> memref<1x80x128xi32, #tpu.memory_space<hbm>>
      %dma_start3A_60 = tpu.memref_squeeze %dma_start3A_59 : memref<1x80x128xi32, #tpu.memory_space<hbm>> -> memref<80x128xi32, #tpu.memory_space<hbm>>
      %dma_start3A_61 = arith.constant 0 : i32
      %dma_start3A_62 = arith.constant 0 : i32
      %dma_start3A_63 = arith.constant 0 : i32
      %dma_start3A_64 = tpu.memref_slice %arg2[%arg0, %dma_start3A_61, %dma_start3A_62, %dma_start3A_63] : memref<2x16x80x128xi32, #tpu.memory_space<hbm>> -> memref<1x16x80x128xi32, #tpu.memory_space<hbm>>
      %dma_start3A_65 = tpu.memref_squeeze %dma_start3A_64 : memref<1x16x80x128xi32, #tpu.memory_space<hbm>> -> memref<16x80x128xi32, #tpu.memory_space<hbm>>
      %dma_start3A_66 = arith.constant 0 : i32
      %dma_start3A_67 = arith.constant 0 : i32
      %dma_start3A_68 = tpu.memref_slice %dma_start3A_65[%arg1, %dma_start3A_66, %dma_start3A_67] : memref<16x80x128xi32, #tpu.memory_space<hbm>> -> memref<1x80x128xi32, #tpu.memory_space<hbm>>
      %dma_start3A_69 = tpu.memref_squeeze %dma_start3A_68 : memref<1x80x128xi32, #tpu.memory_space<hbm>> -> memref<80x128xi32, #tpu.memory_space<hbm>>
      tpu.enqueue_dma source(%dma_start3A_69 : memref<80x128xi32, #tpu.memory_space<hbm>>) target(%arg4 : memref<80x128xi32, #tpu.memory_space<vmem>>) target_semaphore(%run_scoped3A : memref<!tpu.dma_semaphore, #tpu.memory_space<semaphore_mem>>)
      %dma_wait3A = arith.constant 0 : i32
      %dma_wait3A_70 = arith.constant 0 : i32
      %dma_wait3A_71 = arith.constant 0 : i32
      %dma_wait3A_72 = tpu.memref_slice %arg2[%arg0, %dma_wait3A, %dma_wait3A_70, %dma_wait3A_71] : memref<2x16x80x128xi32, #tpu.memory_space<hbm>> -> memref<1x16x80x128xi32, #tpu.memory_space<hbm>>
      %dma_wait3A_73 = tpu.memref_squeeze %dma_wait3A_72 : memref<1x16x80x128xi32, #tpu.memory_space<hbm>> -> memref<16x80x128xi32, #tpu.memory_space<hbm>>
      %dma_wait3A_74 = arith.constant 0 : i32
      %dma_wait3A_75 = arith.constant 0 : i32
      %dma_wait3A_76 = tpu.memref_slice %dma_wait3A_73[%arg1, %dma_wait3A_74, %dma_wait3A_75] : memref<16x80x128xi32, #tpu.memory_space<hbm>> -> memref<1x80x128xi32, #tpu.memory_space<hbm>>
      %dma_wait3A_77 = tpu.memref_squeeze %dma_wait3A_76 : memref<1x80x128xi32, #tpu.memory_space<hbm>> -> memref<80x128xi32, #tpu.memory_space<hbm>>
      %dma_wait3A_78 = arith.constant 0 : i32
      %dma_wait3A_79 = arith.constant 0 : i32
      %dma_wait3A_80 = arith.constant 0 : i32
      %dma_wait3A_81 = tpu.memref_slice %arg2[%arg0, %dma_wait3A_78, %dma_wait3A_79, %dma_wait3A_80] : memref<2x16x80x128xi32, #tpu.memory_space<hbm>> -> memref<1x16x80x128xi32, #tpu.memory_space<hbm>>
      %dma_wait3A_82 = tpu.memref_squeeze %dma_wait3A_81 : memref<1x16x80x128xi32, #tpu.memory_space<hbm>> -> memref<16x80x128xi32, #tpu.memory_space<hbm>>
      %dma_wait3A_83 = arith.constant 0 : i32
      %dma_wait3A_84 = arith.constant 0 : i32
      %dma_wait3A_85 = tpu.memref_slice %dma_wait3A_82[%arg1, %dma_wait3A_83, %dma_wait3A_84] : memref<16x80x128xi32, #tpu.memory_space<hbm>> -> memref<1x80x128xi32, #tpu.memory_space<hbm>>
      %dma_wait3A_86 = tpu.memref_squeeze %dma_wait3A_85 : memref<1x80x128xi32, #tpu.memory_space<hbm>> -> memref<80x128xi32, #tpu.memory_space<hbm>>
      tpu.wait_dma2 semaphore(%run_scoped3A : memref<!tpu.dma_semaphore, #tpu.memory_space<semaphore_mem>>) src(%dma_wait3A_86 : memref<80x128xi32, #tpu.memory_space<hbm>>) dst(%arg4 : memref<80x128xi32, #tpu.memory_space<vmem>>)
      tpu.yield
    }) : () -> ()
    %broadcast_in_dim3A = arith.constant 1.000000e+00 : f32
    %broadcast_in_dim3A_0 = vector.broadcast %broadcast_in_dim3A : f32 to vector<16xf32>
    %broadcast_in_dim3A_1 = arith.constant 0.000000e+00 : f32
    %broadcast_in_dim3A_2 = vector.broadcast %broadcast_in_dim3A_1 : f32 to vector<16xf32>
    %swap3A = arith.constant 0 : index
    %swap3A_3 = tpu.vector_load %arg5[%swap3A] {strides = array<i32>} : memref<128xf32, #tpu.memory_space<vmem>>, vector<16xf32>,
    %swap3A_4 = vector.shape_cast %swap3A_3 : vector<16xf32> to vector<16xf32>
    %swap3A_5 = vector.shape_cast %broadcast_in_dim3A_0 : vector<16xf32> to vector<16xf32>
    tpu.vector_store %arg5[%swap3A], %swap3A_5 {strides = array<i32>} : memref<128xf32, #tpu.memory_space<vmem>>, vector<16xf32>,
    %swap3A_6 = arith.constant 16 : index
    %swap3A_7 = tpu.vector_load %arg5[%swap3A_6] {strides = array<i32>} : memref<128xf32, #tpu.memory_space<vmem>>, vector<16xf32>,
    %swap3A_8 = vector.shape_cast %swap3A_7 : vector<16xf32> to vector<16xf32>
    %swap3A_9 = vector.shape_cast %broadcast_in_dim3A_0 : vector<16xf32> to vector<16xf32>
    tpu.vector_store %arg5[%swap3A_6], %swap3A_9 {strides = array<i32>} : memref<128xf32, #tpu.memory_space<vmem>>, vector<16xf32>,
    %swap3A_10 = arith.constant 32 : index
    %swap3A_11 = tpu.vector_load %arg5[%swap3A_10] {strides = array<i32>} : memref<128xf32, #tpu.memory_space<vmem>>, vector<16xf32>,
    %swap3A_12 = vector.shape_cast %swap3A_11 : vector<16xf32> to vector<16xf32>
    %swap3A_13 = vector.shape_cast %broadcast_in_dim3A_0 : vector<16xf32> to vector<16xf32>
    tpu.vector_store %arg5[%swap3A_10], %swap3A_13 {strides = array<i32>} : memref<128xf32, #tpu.memory_space<vmem>>, vector<16xf32>,
    %swap3A_14 = arith.constant 48 : index
    %swap3A_15 = tpu.vector_load %arg5[%swap3A_14] {strides = array<i32>} : memref<128xf32, #tpu.memory_space<vmem>>, vector<16xf32>,
    %swap3A_16 = vector.shape_cast %swap3A_15 : vector<16xf32> to vector<16xf32>
    %swap3A_17 = vector.shape_cast %broadcast_in_dim3A_0 : vector<16xf32> to vector<16xf32>
    tpu.vector_store %arg5[%swap3A_14], %swap3A_17 {strides = array<i32>} : memref<128xf32, #tpu.memory_space<vmem>>, vector<16xf32>,
    %swap3A_18 = arith.constant 64 : index
    %swap3A_19 = tpu.vector_load %arg5[%swap3A_18] {strides = array<i32>} : memref<128xf32, #tpu.memory_space<vmem>>, vector<16xf32>,
    %swap3A_20 = vector.shape_cast %swap3A_19 : vector<16xf32> to vector<16xf32>
    %swap3A_21 = vector.shape_cast %broadcast_in_dim3A_0 : vector<16xf32> to vector<16xf32>
    tpu.vector_store %arg5[%swap3A_18], %swap3A_21 {strides = array<i32>} : memref<128xf32, #tpu.memory_space<vmem>>, vector<16xf32>,
    %swap3A_22 = arith.constant 80 : index
    %swap3A_23 = tpu.vector_load %arg5[%swap3A_22] {strides = array<i32>} : memref<128xf32, #tpu.memory_space<vmem>>, vector<16xf32>,
    %swap3A_24 = vector.shape_cast %swap3A_23 : vector<16xf32> to vector<16xf32>
    %swap3A_25 = vector.shape_cast %broadcast_in_dim3A_0 : vector<16xf32> to vector<16xf32>
    tpu.vector_store %arg5[%swap3A_22], %swap3A_25 {strides = array<i32>} : memref<128xf32, #tpu.memory_space<vmem>>, vector<16xf32>,
    %swap3A_26 = arith.constant 96 : index
    %swap3A_27 = tpu.vector_load %arg5[%swap3A_26] {strides = array<i32>} : memref<128xf32, #tpu.memory_space<vmem>>, vector<16xf32>,
    %swap3A_28 = vector.shape_cast %swap3A_27 : vector<16xf32> to vector<16xf32>
    %swap3A_29 = vector.shape_cast %broadcast_in_dim3A_0 : vector<16xf32> to vector<16xf32>
    tpu.vector_store %arg5[%swap3A_26], %swap3A_29 {strides = array<i32>} : memref<128xf32, #tpu.memory_space<vmem>>, vector<16xf32>,
    %swap3A_30 = arith.constant 112 : index
    %swap3A_31 = tpu.vector_load %arg5[%swap3A_30] {strides = array<i32>} : memref<128xf32, #tpu.memory_space<vmem>>, vector<16xf32>,
    %swap3A_32 = vector.shape_cast %swap3A_31 : vector<16xf32> to vector<16xf32>
    %swap3A_33 = vector.shape_cast %broadcast_in_dim3A_0 : vector<16xf32> to vector<16xf32>
    tpu.vector_store %arg5[%swap3A_30], %swap3A_33 {strides = array<i32>} : memref<128xf32, #tpu.memory_space<vmem>>, vector<16xf32>,
    %scan3A = arith.constant 0 : i32
    %scan3A_34 = arith.constant 0 : i32
    %scan3A_35 = arith.constant 40 : i32
    %scan3A_36 = arith.addi %scan3A_34, %scan3A_35 : i32
    %scan3A_37 = arith.constant 1 : i32
    scf.for %scan3A_53 = %scan3A_34 to %scan3A_36 step %scan3A_37  : i32 {
      %mul3A_54 = arith.constant 16 : i32
      %mul3A_55 = arith.muli %scan3A_53, %mul3A_54 : i32
      %swap3A_56 = arith.index_cast %mul3A_55 : i32 to index
      %swap3A_57 = tpu.vector_load %arg6[%swap3A_56] {strides = array<i32>} : memref<640xf32, #tpu.memory_space<vmem>>, vector<16xf32>,
      %swap3A_58 = vector.shape_cast %swap3A_57 : vector<16xf32> to vector<16xf32>
      %swap3A_59 = vector.shape_cast %broadcast_in_dim3A_2 : vector<16xf32> to vector<16xf32>
      tpu.vector_store %arg6[%swap3A_56], %swap3A_59 {strides = array<i32>} : memref<640xf32, #tpu.memory_space<vmem>>, vector<16xf32>,
    }
    %scan3A_38 = arith.constant 40 : i32
    %mul3A = arith.constant 640 : i32
    %mul3A_39 = arith.muli %arg1, %mul3A : i32
    "tpu.region"() ({
      %run_scoped3A = tpu.sem_alloc : memref<!tpu.dma_semaphore, #tpu.memory_space<semaphore_mem>>
      %dma_start3A = tpu.memref_slice %arg7[%mul3A_39] : memref<10240xf32, #tpu.memory_space<vmem_shared>> -> memref<640xf32, #tpu.memory_space<vmem_shared>>
      %dma_start3A_53 = tpu.memref_slice %arg7[%mul3A_39] : memref<10240xf32, #tpu.memory_space<vmem_shared>> -> memref<640xf32, #tpu.memory_space<vmem_shared>>
      tpu.enqueue_dma source(%arg6 : memref<640xf32, #tpu.memory_space<vmem>>) target(%dma_start3A_53 : memref<640xf32, #tpu.memory_space<vmem_shared>>) target_semaphore(%run_scoped3A : memref<!tpu.dma_semaphore, #tpu.memory_space<semaphore_mem>>)
      %dma_wait3A = tpu.memref_slice %arg7[%mul3A_39] : memref<10240xf32, #tpu.memory_space<vmem_shared>> -> memref<640xf32, #tpu.memory_space<vmem_shared>>
      %dma_wait3A_54 = tpu.memref_slice %arg7[%mul3A_39] : memref<10240xf32, #tpu.memory_space<vmem_shared>> -> memref<640xf32, #tpu.memory_space<vmem_shared>>
      tpu.wait_dma2 semaphore(%run_scoped3A : memref<!tpu.dma_semaphore, #tpu.memory_space<semaphore_mem>>) src(%arg6 : memref<640xf32, #tpu.memory_space<vmem>>) dst(%dma_wait3A_54 : memref<640xf32, #tpu.memory_space<vmem_shared>>)
      tpu.yield
    }) : () -> ()
    %barrier3A = arith.constant 0 : index
    tpu.barrier barrier_id(%barrier3A)
    %scan3A_40 = arith.constant 0 : i32
    %scan3A_41 = arith.constant 0 : i32
    %scan3A_42 = arith.constant 80 : i32
    %scan3A_43 = arith.addi %scan3A_41, %scan3A_42 : i32
    %scan3A_44 = arith.constant 1 : i32
    scf.for %scan3A_53 = %scan3A_41 to %scan3A_43 step %scan3A_44  : i32 {
      "tpu.region"() ({
        %run_scoped3A = tpu.sem_alloc : memref<!tpu.dma_semaphore, #tpu.memory_space<semaphore_mem>>
        %dma_start3A = arith.constant 0 : i32
        %dma_start3A_54 = tpu.memref_slice %arg4[%scan3A_53, %dma_start3A] : memref<80x128xi32, #tpu.memory_space<vmem>> -> memref<1x128xi32, #tpu.memory_space<vmem>>
        %dma_start3A_55 = tpu.memref_squeeze %dma_start3A_54 : memref<1x128xi32, #tpu.memory_space<vmem>> -> memref<128xi32, #tpu.memory_space<vmem>>
        %dma_start3A_56 = arith.constant 0 : i32
        %dma_start3A_57 = tpu.memref_slice %arg7[%dma_start3A_56] : memref<10240xf32, #tpu.memory_space<vmem_shared>> -> memref<10240xf32, #tpu.memory_space<vmem_shared>>
        tpu.enqueue_indirect_dma source(%arg5 : memref<128xf32, #tpu.memory_space<vmem>>) target(%dma_start3A_57 : memref<10240xf32, #tpu.memory_space<vmem_shared>>) offsets(%dma_start3A_55 : memref<128xi32, #tpu.memory_space<vmem>>) semaphore(%run_scoped3A : memref<!tpu.dma_semaphore, #tpu.memory_space<semaphore_mem>>) {add = true}
        %dma_wait3A = arith.constant 0 : i32
        %dma_wait3A_58 = tpu.memref_slice %arg4[%scan3A_53, %dma_wait3A] : memref<80x128xi32, #tpu.memory_space<vmem>> -> memref<1x128xi32, #tpu.memory_space<vmem>>
        %dma_wait3A_59 = tpu.memref_squeeze %dma_wait3A_58 : memref<1x128xi32, #tpu.memory_space<vmem>> -> memref<128xi32, #tpu.memory_space<vmem>>
        %dma_wait3A_60 = arith.constant 0 : i32
        %dma_wait3A_61 = tpu.memref_slice %arg7[%dma_wait3A_60] : memref<10240xf32, #tpu.memory_space<vmem_shared>> -> memref<10240xf32, #tpu.memory_space<vmem_shared>>
        tpu.wait_indirect_dma semaphore(%run_scoped3A : memref<!tpu.dma_semaphore, #tpu.memory_space<semaphore_mem>>) src(%arg5 : memref<128xf32, #tpu.memory_space<vmem>>) dst(%dma_wait3A_61 : memref<10240xf32, #tpu.memory_space<vmem_shared>>)
        tpu.yield
      }) : () -> ()
    }
    %scan3A_45 = arith.constant 80 : i32
    %barrier3A_46 = arith.constant 0 : index
    tpu.barrier barrier_id(%barrier3A_46)
    %mul3A_47 = arith.constant 640 : i32
    %mul3A_48 = arith.muli %arg1, %mul3A_47 : i32
    %mul3A_49 = arith.constant 10240 : i32
    %mul3A_50 = arith.muli %arg0, %mul3A_49 : i32
    %mul3A_51 = arith.constant 640 : i32
    %mul3A_52 = arith.muli %arg1, %mul3A_51 : i32
    %add3A = arith.addi %mul3A_50, %mul3A_52 : i32
    "tpu.region"() ({
      %run_scoped3A = tpu.sem_alloc : memref<!tpu.dma_semaphore, #tpu.memory_space<semaphore_mem>>
      %dma_start3A = tpu.memref_slice %arg3[%add3A] : memref<20480xf32, #tpu.memory_space<hbm>> -> memref<640xf32, #tpu.memory_space<hbm>>
      %dma_start3A_53 = tpu.memref_slice %arg7[%mul3A_48] : memref<10240xf32, #tpu.memory_space<vmem_shared>> -> memref<640xf32, #tpu.memory_space<vmem_shared>>
      tpu.enqueue_dma source(%dma_start3A_53 : memref<640xf32, #tpu.memory_space<vmem_shared>>) target(%dma_start3A : memref<640xf32, #tpu.memory_space<hbm>>) target_semaphore(%run_scoped3A : memref<!tpu.dma_semaphore, #tpu.memory_space<semaphore_mem>>)
      %dma_wait3A = tpu.memref_slice %arg3[%add3A] : memref<20480xf32, #tpu.memory_space<hbm>> -> memref<640xf32, #tpu.memory_space<hbm>>
      %dma_wait3A_54 = tpu.memref_slice %arg7[%mul3A_48] : memref<10240xf32, #tpu.memory_space<vmem_shared>> -> memref<640xf32, #tpu.memory_space<vmem_shared>>
      tpu.wait_dma2 semaphore(%run_scoped3A : memref<!tpu.dma_semaphore, #tpu.memory_space<semaphore_mem>>) src(%dma_wait3A_54 : memref<640xf32, #tpu.memory_space<vmem_shared>>) dst(%dma_wait3A : memref<640xf32, #tpu.memory_space<hbm>>)
      tpu.yield
    }) : () -> ()
    return
  }
}

#map = affine_map<(d0, d1) -> (0, 0, 0)>
#map1 = affine_map<(d0, d1) -> (0, 0, 0, 0)>
module attributes {stable_mosaic.version = 14 : i64} {
  func.func @_spmm_body(%arg0: i32, %arg1: i32, %arg2: memref<2x10000x64xf32, #tpu.memory_space<hbm>>, %arg3: memref<2x16x80x128xi32, #tpu.memory_space<hbm>>, %arg4: memref<2x16x80x128xi32, #tpu.memory_space<hbm>>, %arg5: memref<2x2x10240x64xf32, #tpu.memory_space<hbm>>, %arg6: memref<80x128xi32, #tpu.memory_space<vmem>>, %arg7: memref<80x128xi32, #tpu.memory_space<vmem>>, %arg8: memref<128x64xf32, #tpu.memory_space<vmem>>, %arg9: memref<128x64xf32, #tpu.memory_space<vmem>>, %arg10: memref<128x64xf32, #tpu.memory_space<vmem>>, %arg11: memref<128x64xf32, #tpu.memory_space<vmem>>, %arg12: memref<128x64xf32, #tpu.memory_space<vmem>>, %arg13: memref<128x64xf32, #tpu.memory_space<vmem>>, %arg14: memref<10240x64xf32, #tpu.memory_space<vmem_shared>>, %arg15: memref<!tpu.dma_semaphore, #tpu.memory_space<semaphore_mem>>, %arg16: memref<!tpu.dma_semaphore, #tpu.memory_space<semaphore_mem>>, %arg17: memref<!tpu.dma_semaphore, #tpu.memory_space<semaphore_mem>>, %arg18: memref<!tpu.dma_semaphore, #tpu.memory_space<semaphore_mem>>, %arg19: memref<!tpu.dma_semaphore, #tpu.memory_space<semaphore_mem>>) attributes {dimension_semantics = [#tpu.dimension_semantics<core_parallel>, #tpu.dimension_semantics<subcore_parallel>], iteration_bounds = array<i64: 2, 16>, scalar_prefetch = 0 : i64, scratch_operands = 14 : i64, tpu.core_type = #tpu.core_type<sc_vector_subcore>, window_params = [{transform_indices = #map}, {transform_indices = #map1}, {transform_indices = #map1}, {transform_indices = #map1}]} {
    "tpu.region"() ({
      %run_scoped3A_187 = tpu.sem_alloc : memref<!tpu.dma_semaphore, #tpu.memory_space<semaphore_mem>>
      %dma_start3A_188 = arith.constant 0 : i32
      %dma_start3A_189 = arith.constant 0 : i32
      %dma_start3A_190 = arith.constant 0 : i32
      %dma_start3A_191 = tpu.memref_slice %arg3[%arg0, %dma_start3A_188, %dma_start3A_189, %dma_start3A_190] : memref<2x16x80x128xi32, #tpu.memory_space<hbm>> -> memref<1x16x80x128xi32, #tpu.memory_space<hbm>>
      %dma_start3A_192 = tpu.memref_squeeze %dma_start3A_191 : memref<1x16x80x128xi32, #tpu.memory_space<hbm>> -> memref<16x80x128xi32, #tpu.memory_space<hbm>>
      %dma_start3A_193 = arith.constant 0 : i32
      %dma_start3A_194 = arith.constant 0 : i32
      %dma_start3A_195 = tpu.memref_slice %dma_start3A_192[%arg1, %dma_start3A_193, %dma_start3A_194] : memref<16x80x128xi32, #tpu.memory_space<hbm>> -> memref<1x80x128xi32, #tpu.memory_space<hbm>>
      %dma_start3A_196 = tpu.memref_squeeze %dma_start3A_195 : memref<1x80x128xi32, #tpu.memory_space<hbm>> -> memref<80x128xi32, #tpu.memory_space<hbm>>
      %dma_start3A_197 = arith.constant 0 : i32
      %dma_start3A_198 = arith.constant 0 : i32
      %dma_start3A_199 = arith.constant 0 : i32
      %dma_start3A_200 = tpu.memref_slice %arg3[%arg0, %dma_start3A_197, %dma_start3A_198, %dma_start3A_199] : memref<2x16x80x128xi32, #tpu.memory_space<hbm>> -> memref<1x16x80x128xi32, #tpu.memory_space<hbm>>
      %dma_start3A_201 = tpu.memref_squeeze %dma_start3A_200 : memref<1x16x80x128xi32, #tpu.memory_space<hbm>> -> memref<16x80x128xi32, #tpu.memory_space<hbm>>
      %dma_start3A_202 = arith.constant 0 : i32
      %dma_start3A_203 = arith.constant 0 : i32
      %dma_start3A_204 = tpu.memref_slice %dma_start3A_201[%arg1, %dma_start3A_202, %dma_start3A_203] : memref<16x80x128xi32, #tpu.memory_space<hbm>> -> memref<1x80x128xi32, #tpu.memory_space<hbm>>
      %dma_start3A_205 = tpu.memref_squeeze %dma_start3A_204 : memref<1x80x128xi32, #tpu.memory_space<hbm>> -> memref<80x128xi32, #tpu.memory_space<hbm>>
      tpu.enqueue_dma source(%dma_start3A_205 : memref<80x128xi32, #tpu.memory_space<hbm>>) target(%arg6 : memref<80x128xi32, #tpu.memory_space<vmem>>) target_semaphore(%run_scoped3A_187 : memref<!tpu.dma_semaphore, #tpu.memory_space<semaphore_mem>>)
      %dma_wait3A = arith.constant 0 : i32
      %dma_wait3A_206 = arith.constant 0 : i32
      %dma_wait3A_207 = arith.constant 0 : i32
      %dma_wait3A_208 = tpu.memref_slice %arg3[%arg0, %dma_wait3A, %dma_wait3A_206, %dma_wait3A_207] : memref<2x16x80x128xi32, #tpu.memory_space<hbm>> -> memref<1x16x80x128xi32, #tpu.memory_space<hbm>>
      %dma_wait3A_209 = tpu.memref_squeeze %dma_wait3A_208 : memref<1x16x80x128xi32, #tpu.memory_space<hbm>> -> memref<16x80x128xi32, #tpu.memory_space<hbm>>
      %dma_wait3A_210 = arith.constant 0 : i32
      %dma_wait3A_211 = arith.constant 0 : i32
      %dma_wait3A_212 = tpu.memref_slice %dma_wait3A_209[%arg1, %dma_wait3A_210, %dma_wait3A_211] : memref<16x80x128xi32, #tpu.memory_space<hbm>> -> memref<1x80x128xi32, #tpu.memory_space<hbm>>
      %dma_wait3A_213 = tpu.memref_squeeze %dma_wait3A_212 : memref<1x80x128xi32, #tpu.memory_space<hbm>> -> memref<80x128xi32, #tpu.memory_space<hbm>>
      %dma_wait3A_214 = arith.constant 0 : i32
      %dma_wait3A_215 = arith.constant 0 : i32
      %dma_wait3A_216 = arith.constant 0 : i32
      %dma_wait3A_217 = tpu.memref_slice %arg3[%arg0, %dma_wait3A_214, %dma_wait3A_215, %dma_wait3A_216] : memref<2x16x80x128xi32, #tpu.memory_space<hbm>> -> memref<1x16x80x128xi32, #tpu.memory_space<hbm>>
      %dma_wait3A_218 = tpu.memref_squeeze %dma_wait3A_217 : memref<1x16x80x128xi32, #tpu.memory_space<hbm>> -> memref<16x80x128xi32, #tpu.memory_space<hbm>>
      %dma_wait3A_219 = arith.constant 0 : i32
      %dma_wait3A_220 = arith.constant 0 : i32
      %dma_wait3A_221 = tpu.memref_slice %dma_wait3A_218[%arg1, %dma_wait3A_219, %dma_wait3A_220] : memref<16x80x128xi32, #tpu.memory_space<hbm>> -> memref<1x80x128xi32, #tpu.memory_space<hbm>>
      %dma_wait3A_222 = tpu.memref_squeeze %dma_wait3A_221 : memref<1x80x128xi32, #tpu.memory_space<hbm>> -> memref<80x128xi32, #tpu.memory_space<hbm>>
      tpu.wait_dma2 semaphore(%run_scoped3A_187 : memref<!tpu.dma_semaphore, #tpu.memory_space<semaphore_mem>>) src(%dma_wait3A_222 : memref<80x128xi32, #tpu.memory_space<hbm>>) dst(%arg6 : memref<80x128xi32, #tpu.memory_space<vmem>>)
      tpu.yield
    }) : () -> ()
    "tpu.region"() ({
      %run_scoped3A_187 = tpu.sem_alloc : memref<!tpu.dma_semaphore, #tpu.memory_space<semaphore_mem>>
      %dma_start3A_188 = arith.constant 0 : i32
      %dma_start3A_189 = arith.constant 0 : i32
      %dma_start3A_190 = arith.constant 0 : i32
      %dma_start3A_191 = tpu.memref_slice %arg4[%arg0, %dma_start3A_188, %dma_start3A_189, %dma_start3A_190] : memref<2x16x80x128xi32, #tpu.memory_space<hbm>> -> memref<1x16x80x128xi32, #tpu.memory_space<hbm>>
      %dma_start3A_192 = tpu.memref_squeeze %dma_start3A_191 : memref<1x16x80x128xi32, #tpu.memory_space<hbm>> -> memref<16x80x128xi32, #tpu.memory_space<hbm>>
      %dma_start3A_193 = arith.constant 0 : i32
      %dma_start3A_194 = arith.constant 0 : i32
      %dma_start3A_195 = tpu.memref_slice %dma_start3A_192[%arg1, %dma_start3A_193, %dma_start3A_194] : memref<16x80x128xi32, #tpu.memory_space<hbm>> -> memref<1x80x128xi32, #tpu.memory_space<hbm>>
      %dma_start3A_196 = tpu.memref_squeeze %dma_start3A_195 : memref<1x80x128xi32, #tpu.memory_space<hbm>> -> memref<80x128xi32, #tpu.memory_space<hbm>>
      %dma_start3A_197 = arith.constant 0 : i32
      %dma_start3A_198 = arith.constant 0 : i32
      %dma_start3A_199 = arith.constant 0 : i32
      %dma_start3A_200 = tpu.memref_slice %arg4[%arg0, %dma_start3A_197, %dma_start3A_198, %dma_start3A_199] : memref<2x16x80x128xi32, #tpu.memory_space<hbm>> -> memref<1x16x80x128xi32, #tpu.memory_space<hbm>>
      %dma_start3A_201 = tpu.memref_squeeze %dma_start3A_200 : memref<1x16x80x128xi32, #tpu.memory_space<hbm>> -> memref<16x80x128xi32, #tpu.memory_space<hbm>>
      %dma_start3A_202 = arith.constant 0 : i32
      %dma_start3A_203 = arith.constant 0 : i32
      %dma_start3A_204 = tpu.memref_slice %dma_start3A_201[%arg1, %dma_start3A_202, %dma_start3A_203] : memref<16x80x128xi32, #tpu.memory_space<hbm>> -> memref<1x80x128xi32, #tpu.memory_space<hbm>>
      %dma_start3A_205 = tpu.memref_squeeze %dma_start3A_204 : memref<1x80x128xi32, #tpu.memory_space<hbm>> -> memref<80x128xi32, #tpu.memory_space<hbm>>
      tpu.enqueue_dma source(%dma_start3A_205 : memref<80x128xi32, #tpu.memory_space<hbm>>) target(%arg7 : memref<80x128xi32, #tpu.memory_space<vmem>>) target_semaphore(%run_scoped3A_187 : memref<!tpu.dma_semaphore, #tpu.memory_space<semaphore_mem>>)
      %dma_wait3A = arith.constant 0 : i32
      %dma_wait3A_206 = arith.constant 0 : i32
      %dma_wait3A_207 = arith.constant 0 : i32
      %dma_wait3A_208 = tpu.memref_slice %arg4[%arg0, %dma_wait3A, %dma_wait3A_206, %dma_wait3A_207] : memref<2x16x80x128xi32, #tpu.memory_space<hbm>> -> memref<1x16x80x128xi32, #tpu.memory_space<hbm>>
      %dma_wait3A_209 = tpu.memref_squeeze %dma_wait3A_208 : memref<1x16x80x128xi32, #tpu.memory_space<hbm>> -> memref<16x80x128xi32, #tpu.memory_space<hbm>>
      %dma_wait3A_210 = arith.constant 0 : i32
      %dma_wait3A_211 = arith.constant 0 : i32
      %dma_wait3A_212 = tpu.memref_slice %dma_wait3A_209[%arg1, %dma_wait3A_210, %dma_wait3A_211] : memref<16x80x128xi32, #tpu.memory_space<hbm>> -> memref<1x80x128xi32, #tpu.memory_space<hbm>>
      %dma_wait3A_213 = tpu.memref_squeeze %dma_wait3A_212 : memref<1x80x128xi32, #tpu.memory_space<hbm>> -> memref<80x128xi32, #tpu.memory_space<hbm>>
      %dma_wait3A_214 = arith.constant 0 : i32
      %dma_wait3A_215 = arith.constant 0 : i32
      %dma_wait3A_216 = arith.constant 0 : i32
      %dma_wait3A_217 = tpu.memref_slice %arg4[%arg0, %dma_wait3A_214, %dma_wait3A_215, %dma_wait3A_216] : memref<2x16x80x128xi32, #tpu.memory_space<hbm>> -> memref<1x16x80x128xi32, #tpu.memory_space<hbm>>
      %dma_wait3A_218 = tpu.memref_squeeze %dma_wait3A_217 : memref<1x16x80x128xi32, #tpu.memory_space<hbm>> -> memref<16x80x128xi32, #tpu.memory_space<hbm>>
      %dma_wait3A_219 = arith.constant 0 : i32
      %dma_wait3A_220 = arith.constant 0 : i32
      %dma_wait3A_221 = tpu.memref_slice %dma_wait3A_218[%arg1, %dma_wait3A_219, %dma_wait3A_220] : memref<16x80x128xi32, #tpu.memory_space<hbm>> -> memref<1x80x128xi32, #tpu.memory_space<hbm>>
      %dma_wait3A_222 = tpu.memref_squeeze %dma_wait3A_221 : memref<1x80x128xi32, #tpu.memory_space<hbm>> -> memref<80x128xi32, #tpu.memory_space<hbm>>
      tpu.wait_dma2 semaphore(%run_scoped3A_187 : memref<!tpu.dma_semaphore, #tpu.memory_space<semaphore_mem>>) src(%dma_wait3A_222 : memref<80x128xi32, #tpu.memory_space<hbm>>) dst(%arg7 : memref<80x128xi32, #tpu.memory_space<vmem>>)
      tpu.yield
    }) : () -> ()
    %broadcast_in_dim3A = arith.constant 0.000000e+00 : f32
    %broadcast_in_dim3A_0 = vector.broadcast %broadcast_in_dim3A : f32 to vector<16xf32>
    %scan3A = arith.constant 0 : i32
    %scan3A_1 = arith.constant 0 : i32
    %scan3A_2 = arith.constant 128 : i32
    %scan3A_3 = arith.addi %scan3A_1, %scan3A_2 : i32
    %scan3A_4 = arith.constant 1 : i32
    scf.for %scan3A_187 = %scan3A_1 to %scan3A_3 step %scan3A_4  : i32 {
      %swap3A = arith.index_cast %scan3A_187 : i32 to index
      %swap3A_188 = arith.constant 0 : index
      %swap3A_189 = tpu.vector_load %arg13[%swap3A, %swap3A_188] {strides = array<i32>} : memref<128x64xf32, #tpu.memory_space<vmem>>, vector<1x16xf32>,
      %swap3A_190 = vector.shape_cast %swap3A_189 : vector<1x16xf32> to vector<16xf32>
      %swap3A_191 = vector.shape_cast %broadcast_in_dim3A_0 : vector<16xf32> to vector<1x16xf32>
      tpu.vector_store %arg13[%swap3A, %swap3A_188], %swap3A_191 {strides = array<i32>} : memref<128x64xf32, #tpu.memory_space<vmem>>, vector<1x16xf32>,
      %swap3A_192 = arith.index_cast %scan3A_187 : i32 to index
      %swap3A_193 = arith.constant 16 : index
      %swap3A_194 = tpu.vector_load %arg13[%swap3A_192, %swap3A_193] {strides = array<i32>} : memref<128x64xf32, #tpu.memory_space<vmem>>, vector<1x16xf32>,
      %swap3A_195 = vector.shape_cast %swap3A_194 : vector<1x16xf32> to vector<16xf32>
      %swap3A_196 = vector.shape_cast %broadcast_in_dim3A_0 : vector<16xf32> to vector<1x16xf32>
      tpu.vector_store %arg13[%swap3A_192, %swap3A_193], %swap3A_196 {strides = array<i32>} : memref<128x64xf32, #tpu.memory_space<vmem>>, vector<1x16xf32>,
      %swap3A_197 = arith.index_cast %scan3A_187 : i32 to index
      %swap3A_198 = arith.constant 32 : index
      %swap3A_199 = tpu.vector_load %arg13[%swap3A_197, %swap3A_198] {strides = array<i32>} : memref<128x64xf32, #tpu.memory_space<vmem>>, vector<1x16xf32>,
      %swap3A_200 = vector.shape_cast %swap3A_199 : vector<1x16xf32> to vector<16xf32>
      %swap3A_201 = vector.shape_cast %broadcast_in_dim3A_0 : vector<16xf32> to vector<1x16xf32>
      tpu.vector_store %arg13[%swap3A_197, %swap3A_198], %swap3A_201 {strides = array<i32>} : memref<128x64xf32, #tpu.memory_space<vmem>>, vector<1x16xf32>,
      %swap3A_202 = arith.index_cast %scan3A_187 : i32 to index
      %swap3A_203 = arith.constant 48 : index
      %swap3A_204 = tpu.vector_load %arg13[%swap3A_202, %swap3A_203] {strides = array<i32>} : memref<128x64xf32, #tpu.memory_space<vmem>>, vector<1x16xf32>,
      %swap3A_205 = vector.shape_cast %swap3A_204 : vector<1x16xf32> to vector<16xf32>
      %swap3A_206 = vector.shape_cast %broadcast_in_dim3A_0 : vector<16xf32> to vector<1x16xf32>
      tpu.vector_store %arg13[%swap3A_202, %swap3A_203], %swap3A_206 {strides = array<i32>} : memref<128x64xf32, #tpu.memory_space<vmem>>, vector<1x16xf32>,
    }
    %scan3A_5 = arith.constant 128 : i32
    %mul3A = arith.constant 640 : i32
    %mul3A_6 = arith.muli %arg1, %mul3A : i32
    %add3A = arith.constant 0 : i32
    %add3A_7 = arith.addi %mul3A_6, %add3A : i32
    "tpu.region"() ({
      %run_scoped3A_187 = tpu.sem_alloc : memref<!tpu.dma_semaphore, #tpu.memory_space<semaphore_mem>>
      %dma_start3A_188 = arith.constant 0 : i32
      %dma_start3A_189 = tpu.memref_slice %arg14[%add3A_7, %dma_start3A_188] : memref<10240x64xf32, #tpu.memory_space<vmem_shared>> -> memref<128x64xf32, #tpu.memory_space<vmem_shared>>
      %dma_start3A_190 = arith.constant 0 : i32
      %dma_start3A_191 = tpu.memref_slice %arg14[%add3A_7, %dma_start3A_190] : memref<10240x64xf32, #tpu.memory_space<vmem_shared>> -> memref<128x64xf32, #tpu.memory_space<vmem_shared>>
      tpu.enqueue_dma source(%arg13 : memref<128x64xf32, #tpu.memory_space<vmem>>) target(%dma_start3A_191 : memref<128x64xf32, #tpu.memory_space<vmem_shared>>) target_semaphore(%run_scoped3A_187 : memref<!tpu.dma_semaphore, #tpu.memory_space<semaphore_mem>>)
      %dma_wait3A = arith.constant 0 : i32
      %dma_wait3A_192 = tpu.memref_slice %arg14[%add3A_7, %dma_wait3A] : memref<10240x64xf32, #tpu.memory_space<vmem_shared>> -> memref<128x64xf32, #tpu.memory_space<vmem_shared>>
      %dma_wait3A_193 = arith.constant 0 : i32
      %dma_wait3A_194 = tpu.memref_slice %arg14[%add3A_7, %dma_wait3A_193] : memref<10240x64xf32, #tpu.memory_space<vmem_shared>> -> memref<128x64xf32, #tpu.memory_space<vmem_shared>>
      tpu.wait_dma2 semaphore(%run_scoped3A_187 : memref<!tpu.dma_semaphore, #tpu.memory_space<semaphore_mem>>) src(%arg13 : memref<128x64xf32, #tpu.memory_space<vmem>>) dst(%dma_wait3A_194 : memref<128x64xf32, #tpu.memory_space<vmem_shared>>)
      tpu.yield
    }) : () -> ()
    %mul3A_8 = arith.constant 640 : i32
    %mul3A_9 = arith.muli %arg1, %mul3A_8 : i32
    %add3A_10 = arith.constant 128 : i32
    %add3A_11 = arith.addi %mul3A_9, %add3A_10 : i32
    "tpu.region"() ({
      %run_scoped3A_187 = tpu.sem_alloc : memref<!tpu.dma_semaphore, #tpu.memory_space<semaphore_mem>>
      %dma_start3A_188 = arith.constant 0 : i32
      %dma_start3A_189 = tpu.memref_slice %arg14[%add3A_11, %dma_start3A_188] : memref<10240x64xf32, #tpu.memory_space<vmem_shared>> -> memref<128x64xf32, #tpu.memory_space<vmem_shared>>
      %dma_start3A_190 = arith.constant 0 : i32
      %dma_start3A_191 = tpu.memref_slice %arg14[%add3A_11, %dma_start3A_190] : memref<10240x64xf32, #tpu.memory_space<vmem_shared>> -> memref<128x64xf32, #tpu.memory_space<vmem_shared>>
      tpu.enqueue_dma source(%arg13 : memref<128x64xf32, #tpu.memory_space<vmem>>) target(%dma_start3A_191 : memref<128x64xf32, #tpu.memory_space<vmem_shared>>) target_semaphore(%run_scoped3A_187 : memref<!tpu.dma_semaphore, #tpu.memory_space<semaphore_mem>>)
      %dma_wait3A = arith.constant 0 : i32
      %dma_wait3A_192 = tpu.memref_slice %arg14[%add3A_11, %dma_wait3A] : memref<10240x64xf32, #tpu.memory_space<vmem_shared>> -> memref<128x64xf32, #tpu.memory_space<vmem_shared>>
      %dma_wait3A_193 = arith.constant 0 : i32
      %dma_wait3A_194 = tpu.memref_slice %arg14[%add3A_11, %dma_wait3A_193] : memref<10240x64xf32, #tpu.memory_space<vmem_shared>> -> memref<128x64xf32, #tpu.memory_space<vmem_shared>>
      tpu.wait_dma2 semaphore(%run_scoped3A_187 : memref<!tpu.dma_semaphore, #tpu.memory_space<semaphore_mem>>) src(%arg13 : memref<128x64xf32, #tpu.memory_space<vmem>>) dst(%dma_wait3A_194 : memref<128x64xf32, #tpu.memory_space<vmem_shared>>)
      tpu.yield
    }) : () -> ()
    %mul3A_12 = arith.constant 640 : i32
    %mul3A_13 = arith.muli %arg1, %mul3A_12 : i32
    %add3A_14 = arith.constant 256 : i32
    %add3A_15 = arith.addi %mul3A_13, %add3A_14 : i32
    "tpu.region"() ({
      %run_scoped3A_187 = tpu.sem_alloc : memref<!tpu.dma_semaphore, #tpu.memory_space<semaphore_mem>>
      %dma_start3A_188 = arith.constant 0 : i32
      %dma_start3A_189 = tpu.memref_slice %arg14[%add3A_15, %dma_start3A_188] : memref<10240x64xf32, #tpu.memory_space<vmem_shared>> -> memref<128x64xf32, #tpu.memory_space<vmem_shared>>
      %dma_start3A_190 = arith.constant 0 : i32
      %dma_start3A_191 = tpu.memref_slice %arg14[%add3A_15, %dma_start3A_190] : memref<10240x64xf32, #tpu.memory_space<vmem_shared>> -> memref<128x64xf32, #tpu.memory_space<vmem_shared>>
      tpu.enqueue_dma source(%arg13 : memref<128x64xf32, #tpu.memory_space<vmem>>) target(%dma_start3A_191 : memref<128x64xf32, #tpu.memory_space<vmem_shared>>) target_semaphore(%run_scoped3A_187 : memref<!tpu.dma_semaphore, #tpu.memory_space<semaphore_mem>>)
      %dma_wait3A = arith.constant 0 : i32
      %dma_wait3A_192 = tpu.memref_slice %arg14[%add3A_15, %dma_wait3A] : memref<10240x64xf32, #tpu.memory_space<vmem_shared>> -> memref<128x64xf32, #tpu.memory_space<vmem_shared>>
      %dma_wait3A_193 = arith.constant 0 : i32
      %dma_wait3A_194 = tpu.memref_slice %arg14[%add3A_15, %dma_wait3A_193] : memref<10240x64xf32, #tpu.memory_space<vmem_shared>> -> memref<128x64xf32, #tpu.memory_space<vmem_shared>>
      tpu.wait_dma2 semaphore(%run_scoped3A_187 : memref<!tpu.dma_semaphore, #tpu.memory_space<semaphore_mem>>) src(%arg13 : memref<128x64xf32, #tpu.memory_space<vmem>>) dst(%dma_wait3A_194 : memref<128x64xf32, #tpu.memory_space<vmem_shared>>)
      tpu.yield
    }) : () -> ()
    %mul3A_16 = arith.constant 640 : i32
    %mul3A_17 = arith.muli %arg1, %mul3A_16 : i32
    %add3A_18 = arith.constant 384 : i32
    %add3A_19 = arith.addi %mul3A_17, %add3A_18 : i32
    "tpu.region"() ({
      %run_scoped3A_187 = tpu.sem_alloc : memref<!tpu.dma_semaphore, #tpu.memory_space<semaphore_mem>>
      %dma_start3A_188 = arith.constant 0 : i32
      %dma_start3A_189 = tpu.memref_slice %arg14[%add3A_19, %dma_start3A_188] : memref<10240x64xf32, #tpu.memory_space<vmem_shared>> -> memref<128x64xf32, #tpu.memory_space<vmem_shared>>
      %dma_start3A_190 = arith.constant 0 : i32
      %dma_start3A_191 = tpu.memref_slice %arg14[%add3A_19, %dma_start3A_190] : memref<10240x64xf32, #tpu.memory_space<vmem_shared>> -> memref<128x64xf32, #tpu.memory_space<vmem_shared>>
      tpu.enqueue_dma source(%arg13 : memref<128x64xf32, #tpu.memory_space<vmem>>) target(%dma_start3A_191 : memref<128x64xf32, #tpu.memory_space<vmem_shared>>) target_semaphore(%run_scoped3A_187 : memref<!tpu.dma_semaphore, #tpu.memory_space<semaphore_mem>>)
      %dma_wait3A = arith.constant 0 : i32
      %dma_wait3A_192 = tpu.memref_slice %arg14[%add3A_19, %dma_wait3A] : memref<10240x64xf32, #tpu.memory_space<vmem_shared>> -> memref<128x64xf32, #tpu.memory_space<vmem_shared>>
      %dma_wait3A_193 = arith.constant 0 : i32
      %dma_wait3A_194 = tpu.memref_slice %arg14[%add3A_19, %dma_wait3A_193] : memref<10240x64xf32, #tpu.memory_space<vmem_shared>> -> memref<128x64xf32, #tpu.memory_space<vmem_shared>>
      tpu.wait_dma2 semaphore(%run_scoped3A_187 : memref<!tpu.dma_semaphore, #tpu.memory_space<semaphore_mem>>) src(%arg13 : memref<128x64xf32, #tpu.memory_space<vmem>>) dst(%dma_wait3A_194 : memref<128x64xf32, #tpu.memory_space<vmem_shared>>)
      tpu.yield
    }) : () -> ()
    %mul3A_20 = arith.constant 640 : i32
    %mul3A_21 = arith.muli %arg1, %mul3A_20 : i32
    %add3A_22 = arith.constant 512 : i32
    %add3A_23 = arith.addi %mul3A_21, %add3A_22 : i32
    "tpu.region"() ({
      %run_scoped3A_187 = tpu.sem_alloc : memref<!tpu.dma_semaphore, #tpu.memory_space<semaphore_mem>>
      %dma_start3A_188 = arith.constant 0 : i32
      %dma_start3A_189 = tpu.memref_slice %arg14[%add3A_23, %dma_start3A_188] : memref<10240x64xf32, #tpu.memory_space<vmem_shared>> -> memref<128x64xf32, #tpu.memory_space<vmem_shared>>
      %dma_start3A_190 = arith.constant 0 : i32
      %dma_start3A_191 = tpu.memref_slice %arg14[%add3A_23, %dma_start3A_190] : memref<10240x64xf32, #tpu.memory_space<vmem_shared>> -> memref<128x64xf32, #tpu.memory_space<vmem_shared>>
      tpu.enqueue_dma source(%arg13 : memref<128x64xf32, #tpu.memory_space<vmem>>) target(%dma_start3A_191 : memref<128x64xf32, #tpu.memory_space<vmem_shared>>) target_semaphore(%run_scoped3A_187 : memref<!tpu.dma_semaphore, #tpu.memory_space<semaphore_mem>>)
      %dma_wait3A = arith.constant 0 : i32
      %dma_wait3A_192 = tpu.memref_slice %arg14[%add3A_23, %dma_wait3A] : memref<10240x64xf32, #tpu.memory_space<vmem_shared>> -> memref<128x64xf32, #tpu.memory_space<vmem_shared>>
      %dma_wait3A_193 = arith.constant 0 : i32
      %dma_wait3A_194 = tpu.memref_slice %arg14[%add3A_23, %dma_wait3A_193] : memref<10240x64xf32, #tpu.memory_space<vmem_shared>> -> memref<128x64xf32, #tpu.memory_space<vmem_shared>>
      tpu.wait_dma2 semaphore(%run_scoped3A_187 : memref<!tpu.dma_semaphore, #tpu.memory_space<semaphore_mem>>) src(%arg13 : memref<128x64xf32, #tpu.memory_space<vmem>>) dst(%dma_wait3A_194 : memref<128x64xf32, #tpu.memory_space<vmem_shared>>)
      tpu.yield
    }) : () -> ()
    %barrier3A = arith.constant 0 : index
    tpu.barrier barrier_id(%barrier3A)
    %dma_start3A = arith.constant 0 : i32
    %dma_start3A_24 = arith.constant 0 : i32
    %dma_start3A_25 = arith.constant 0 : i32
    %dma_start3A_26 = tpu.memref_slice %arg6[%dma_start3A_24, %dma_start3A_25] : memref<80x128xi32, #tpu.memory_space<vmem>> -> memref<1x128xi32, #tpu.memory_space<vmem>>
    %dma_start3A_27 = tpu.memref_squeeze %dma_start3A_26 : memref<1x128xi32, #tpu.memory_space<vmem>> -> memref<128xi32, #tpu.memory_space<vmem>>
    %dma_start3A_28 = arith.constant 0 : i32
    %dma_start3A_29 = arith.constant 0 : i32
    %dma_start3A_30 = tpu.memref_slice %arg2[%dma_start3A, %dma_start3A_28, %dma_start3A_29] : memref<2x10000x64xf32, #tpu.memory_space<hbm>> -> memref<1x10000x64xf32, #tpu.memory_space<hbm>>
    %dma_start3A_31 = tpu.memref_squeeze %dma_start3A_30 : memref<1x10000x64xf32, #tpu.memory_space<hbm>> -> memref<10000x64xf32, #tpu.memory_space<hbm>>
    %dma_start3A_32 = arith.constant 0 : i32
    %dma_start3A_33 = arith.constant 0 : i32
    %dma_start3A_34 = tpu.memref_slice %dma_start3A_31[%dma_start3A_32, %dma_start3A_33] : memref<10000x64xf32, #tpu.memory_space<hbm>> -> memref<10000x64xf32, #tpu.memory_space<hbm>>
    tpu.enqueue_indirect_dma source(%dma_start3A_34 : memref<10000x64xf32, #tpu.memory_space<hbm>>) target(%arg8 : memref<128x64xf32, #tpu.memory_space<vmem>>) offsets(%dma_start3A_27 : memref<128xi32, #tpu.memory_space<vmem>>) semaphore(%arg15 : memref<!tpu.dma_semaphore, #tpu.memory_space<semaphore_mem>>)
    %dma_start3A_35 = arith.constant 0 : i32
    %dma_start3A_36 = arith.constant 1 : i32
    %dma_start3A_37 = arith.constant 0 : i32
    %dma_start3A_38 = tpu.memref_slice %arg6[%dma_start3A_36, %dma_start3A_37] : memref<80x128xi32, #tpu.memory_space<vmem>> -> memref<1x128xi32, #tpu.memory_space<vmem>>
    %dma_start3A_39 = tpu.memref_squeeze %dma_start3A_38 : memref<1x128xi32, #tpu.memory_space<vmem>> -> memref<128xi32, #tpu.memory_space<vmem>>
    %dma_start3A_40 = arith.constant 0 : i32
    %dma_start3A_41 = arith.constant 0 : i32
    %dma_start3A_42 = tpu.memref_slice %arg2[%dma_start3A_35, %dma_start3A_40, %dma_start3A_41] : memref<2x10000x64xf32, #tpu.memory_space<hbm>> -> memref<1x10000x64xf32, #tpu.memory_space<hbm>>
    %dma_start3A_43 = tpu.memref_squeeze %dma_start3A_42 : memref<1x10000x64xf32, #tpu.memory_space<hbm>> -> memref<10000x64xf32, #tpu.memory_space<hbm>>
    %dma_start3A_44 = arith.constant 0 : i32
    %dma_start3A_45 = arith.constant 0 : i32
    %dma_start3A_46 = tpu.memref_slice %dma_start3A_43[%dma_start3A_44, %dma_start3A_45] : memref<10000x64xf32, #tpu.memory_space<hbm>> -> memref<10000x64xf32, #tpu.memory_space<hbm>>
    tpu.enqueue_indirect_dma source(%dma_start3A_46 : memref<10000x64xf32, #tpu.memory_space<hbm>>) target(%arg9 : memref<128x64xf32, #tpu.memory_space<vmem>>) offsets(%dma_start3A_39 : memref<128xi32, #tpu.memory_space<vmem>>) semaphore(%arg16 : memref<!tpu.dma_semaphore, #tpu.memory_space<semaphore_mem>>)
    %dma_start3A_47 = arith.constant 0 : i32
    %dma_start3A_48 = arith.constant 2 : i32
    %dma_start3A_49 = arith.constant 0 : i32
    %dma_start3A_50 = tpu.memref_slice %arg6[%dma_start3A_48, %dma_start3A_49] : memref<80x128xi32, #tpu.memory_space<vmem>> -> memref<1x128xi32, #tpu.memory_space<vmem>>
    %dma_start3A_51 = tpu.memref_squeeze %dma_start3A_50 : memref<1x128xi32, #tpu.memory_space<vmem>> -> memref<128xi32, #tpu.memory_space<vmem>>
    %dma_start3A_52 = arith.constant 0 : i32
    %dma_start3A_53 = arith.constant 0 : i32
    %dma_start3A_54 = tpu.memref_slice %arg2[%dma_start3A_47, %dma_start3A_52, %dma_start3A_53] : memref<2x10000x64xf32, #tpu.memory_space<hbm>> -> memref<1x10000x64xf32, #tpu.memory_space<hbm>>
    %dma_start3A_55 = tpu.memref_squeeze %dma_start3A_54 : memref<1x10000x64xf32, #tpu.memory_space<hbm>> -> memref<10000x64xf32, #tpu.memory_space<hbm>>
    %dma_start3A_56 = arith.constant 0 : i32
    %dma_start3A_57 = arith.constant 0 : i32
    %dma_start3A_58 = tpu.memref_slice %dma_start3A_55[%dma_start3A_56, %dma_start3A_57] : memref<10000x64xf32, #tpu.memory_space<hbm>> -> memref<10000x64xf32, #tpu.memory_space<hbm>>
    tpu.enqueue_indirect_dma source(%dma_start3A_58 : memref<10000x64xf32, #tpu.memory_space<hbm>>) target(%arg10 : memref<128x64xf32, #tpu.memory_space<vmem>>) offsets(%dma_start3A_51 : memref<128xi32, #tpu.memory_space<vmem>>) semaphore(%arg17 : memref<!tpu.dma_semaphore, #tpu.memory_space<semaphore_mem>>)
    %dma_start3A_59 = arith.constant 0 : i32
    %dma_start3A_60 = arith.constant 3 : i32
    %dma_start3A_61 = arith.constant 0 : i32
    %dma_start3A_62 = tpu.memref_slice %arg6[%dma_start3A_60, %dma_start3A_61] : memref<80x128xi32, #tpu.memory_space<vmem>> -> memref<1x128xi32, #tpu.memory_space<vmem>>
    %dma_start3A_63 = tpu.memref_squeeze %dma_start3A_62 : memref<1x128xi32, #tpu.memory_space<vmem>> -> memref<128xi32, #tpu.memory_space<vmem>>
    %dma_start3A_64 = arith.constant 0 : i32
    %dma_start3A_65 = arith.constant 0 : i32
    %dma_start3A_66 = tpu.memref_slice %arg2[%dma_start3A_59, %dma_start3A_64, %dma_start3A_65] : memref<2x10000x64xf32, #tpu.memory_space<hbm>> -> memref<1x10000x64xf32, #tpu.memory_space<hbm>>
    %dma_start3A_67 = tpu.memref_squeeze %dma_start3A_66 : memref<1x10000x64xf32, #tpu.memory_space<hbm>> -> memref<10000x64xf32, #tpu.memory_space<hbm>>
    %dma_start3A_68 = arith.constant 0 : i32
    %dma_start3A_69 = arith.constant 0 : i32
    %dma_start3A_70 = tpu.memref_slice %dma_start3A_67[%dma_start3A_68, %dma_start3A_69] : memref<10000x64xf32, #tpu.memory_space<hbm>> -> memref<10000x64xf32, #tpu.memory_space<hbm>>
    tpu.enqueue_indirect_dma source(%dma_start3A_70 : memref<10000x64xf32, #tpu.memory_space<hbm>>) target(%arg11 : memref<128x64xf32, #tpu.memory_space<vmem>>) offsets(%dma_start3A_63 : memref<128xi32, #tpu.memory_space<vmem>>) semaphore(%arg18 : memref<!tpu.dma_semaphore, #tpu.memory_space<semaphore_mem>>)
    %dma_start3A_71 = arith.constant 0 : i32
    %dma_start3A_72 = arith.constant 4 : i32
    %dma_start3A_73 = arith.constant 0 : i32
    %dma_start3A_74 = tpu.memref_slice %arg6[%dma_start3A_72, %dma_start3A_73] : memref<80x128xi32, #tpu.memory_space<vmem>> -> memref<1x128xi32, #tpu.memory_space<vmem>>
    %dma_start3A_75 = tpu.memref_squeeze %dma_start3A_74 : memref<1x128xi32, #tpu.memory_space<vmem>> -> memref<128xi32, #tpu.memory_space<vmem>>
    %dma_start3A_76 = arith.constant 0 : i32
    %dma_start3A_77 = arith.constant 0 : i32
    %dma_start3A_78 = tpu.memref_slice %arg2[%dma_start3A_71, %dma_start3A_76, %dma_start3A_77] : memref<2x10000x64xf32, #tpu.memory_space<hbm>> -> memref<1x10000x64xf32, #tpu.memory_space<hbm>>
    %dma_start3A_79 = tpu.memref_squeeze %dma_start3A_78 : memref<1x10000x64xf32, #tpu.memory_space<hbm>> -> memref<10000x64xf32, #tpu.memory_space<hbm>>
    %dma_start3A_80 = arith.constant 0 : i32
    %dma_start3A_81 = arith.constant 0 : i32
    %dma_start3A_82 = tpu.memref_slice %dma_start3A_79[%dma_start3A_80, %dma_start3A_81] : memref<10000x64xf32, #tpu.memory_space<hbm>> -> memref<10000x64xf32, #tpu.memory_space<hbm>>
    tpu.enqueue_indirect_dma source(%dma_start3A_82 : memref<10000x64xf32, #tpu.memory_space<hbm>>) target(%arg12 : memref<128x64xf32, #tpu.memory_space<vmem>>) offsets(%dma_start3A_75 : memref<128xi32, #tpu.memory_space<vmem>>) semaphore(%arg19 : memref<!tpu.dma_semaphore, #tpu.memory_space<semaphore_mem>>)
    %scan3A_83 = arith.constant 0 : i32
    %scan3A_84 = arith.constant 0 : i32
    %scan3A_85 = arith.constant 16 : i32
    %scan3A_86 = arith.addi %scan3A_84, %scan3A_85 : i32
    %scan3A_87 = arith.constant 1 : i32
    scf.for %scan3A_187 = %scan3A_84 to %scan3A_86 step %scan3A_87  : i32 {
      %mul3A_188 = arith.constant 5 : i32
      %mul3A_189 = arith.muli %scan3A_187, %mul3A_188 : i32
      %add3A_190 = arith.constant 0 : i32
      %add3A_191 = arith.addi %mul3A_189, %add3A_190 : i32
      %dma_wait3A = arith.constant 0 : i32
      %dma_wait3A_192 = arith.constant 0 : i32
      %dma_wait3A_193 = tpu.memref_slice %arg6[%add3A_191, %dma_wait3A_192] : memref<80x128xi32, #tpu.memory_space<vmem>> -> memref<1x128xi32, #tpu.memory_space<vmem>>
      %dma_wait3A_194 = tpu.memref_squeeze %dma_wait3A_193 : memref<1x128xi32, #tpu.memory_space<vmem>> -> memref<128xi32, #tpu.memory_space<vmem>>
      %dma_wait3A_195 = arith.constant 0 : i32
      %dma_wait3A_196 = arith.constant 0 : i32
      %dma_wait3A_197 = tpu.memref_slice %arg2[%dma_wait3A, %dma_wait3A_195, %dma_wait3A_196] : memref<2x10000x64xf32, #tpu.memory_space<hbm>> -> memref<1x10000x64xf32, #tpu.memory_space<hbm>>
      %dma_wait3A_198 = tpu.memref_squeeze %dma_wait3A_197 : memref<1x10000x64xf32, #tpu.memory_space<hbm>> -> memref<10000x64xf32, #tpu.memory_space<hbm>>
      %dma_wait3A_199 = arith.constant 0 : i32
      %dma_wait3A_200 = arith.constant 0 : i32
      %dma_wait3A_201 = tpu.memref_slice %dma_wait3A_198[%dma_wait3A_199, %dma_wait3A_200] : memref<10000x64xf32, #tpu.memory_space<hbm>> -> memref<10000x64xf32, #tpu.memory_space<hbm>>
      tpu.wait_indirect_dma semaphore(%arg15 : memref<!tpu.dma_semaphore, #tpu.memory_space<semaphore_mem>>) src(%dma_wait3A_201 : memref<10000x64xf32, #tpu.memory_space<hbm>>) dst(%arg8 : memref<128x64xf32, #tpu.memory_space<vmem>>)
      %add3A_202 = arith.constant 0 : i32
      %add3A_203 = arith.addi %mul3A_189, %add3A_202 : i32
      "tpu.region"() ({
        %run_scoped3A_306 = tpu.sem_alloc : memref<!tpu.dma_semaphore, #tpu.memory_space<semaphore_mem>>
        %dma_start3A_307 = arith.constant 0 : i32
        %dma_start3A_308 = tpu.memref_slice %arg7[%add3A_203, %dma_start3A_307] : memref<80x128xi32, #tpu.memory_space<vmem>> -> memref<1x128xi32, #tpu.memory_space<vmem>>
        %dma_start3A_309 = tpu.memref_squeeze %dma_start3A_308 : memref<1x128xi32, #tpu.memory_space<vmem>> -> memref<128xi32, #tpu.memory_space<vmem>>
        %dma_start3A_310 = arith.constant 0 : i32
        %dma_start3A_311 = arith.constant 0 : i32
        %dma_start3A_312 = tpu.memref_slice %arg14[%dma_start3A_310, %dma_start3A_311] : memref<10240x64xf32, #tpu.memory_space<vmem_shared>> -> memref<10240x64xf32, #tpu.memory_space<vmem_shared>>
        tpu.enqueue_indirect_dma source(%arg8 : memref<128x64xf32, #tpu.memory_space<vmem>>) target(%dma_start3A_312 : memref<10240x64xf32, #tpu.memory_space<vmem_shared>>) offsets(%dma_start3A_309 : memref<128xi32, #tpu.memory_space<vmem>>) semaphore(%run_scoped3A_306 : memref<!tpu.dma_semaphore, #tpu.memory_space<semaphore_mem>>) {add = true}
        %dma_wait3A_313 = arith.constant 0 : i32
        %dma_wait3A_314 = tpu.memref_slice %arg7[%add3A_203, %dma_wait3A_313] : memref<80x128xi32, #tpu.memory_space<vmem>> -> memref<1x128xi32, #tpu.memory_space<vmem>>
        %dma_wait3A_315 = tpu.memref_squeeze %dma_wait3A_314 : memref<1x128xi32, #tpu.memory_space<vmem>> -> memref<128xi32, #tpu.memory_space<vmem>>
        %dma_wait3A_316 = arith.constant 0 : i32
        %dma_wait3A_317 = arith.constant 0 : i32
        %dma_wait3A_318 = tpu.memref_slice %arg14[%dma_wait3A_316, %dma_wait3A_317] : memref<10240x64xf32, #tpu.memory_space<vmem_shared>> -> memref<10240x64xf32, #tpu.memory_space<vmem_shared>>
        tpu.wait_indirect_dma semaphore(%run_scoped3A_306 : memref<!tpu.dma_semaphore, #tpu.memory_space<semaphore_mem>>) src(%arg8 : memref<128x64xf32, #tpu.memory_space<vmem>>) dst(%dma_wait3A_318 : memref<10240x64xf32, #tpu.memory_space<vmem_shared>>)
        tpu.yield
      }) : () -> ()
      %add3A_204 = arith.constant 0 : i32
      %add3A_205 = arith.addi %mul3A_189, %add3A_204 : i32
      %add3A_206 = arith.constant 5 : i32
      %add3A_207 = arith.addi %add3A_205, %add3A_206 : i32
      %lt3A = arith.constant 80 : i32
      %lt3A_208 = arith.cmpi slt, %add3A_207, %lt3A : i32
      %convert_element_type3A = arith.extui %lt3A_208 : i1 to i32
      %cond3A = arith.constant 0 : i32
      %cond3A_209 = arith.cmpi ne, %convert_element_type3A, %cond3A : i32
      scf.if %cond3A_209 {
        %add3A_306 = arith.constant 0 : i32
        %add3A_307 = arith.addi %mul3A_189, %add3A_306 : i32
        %add3A_308 = arith.constant 5 : i32
        %add3A_309 = arith.addi %add3A_307, %add3A_308 : i32
        %dma_start3A_310 = arith.constant 0 : i32
        %dma_start3A_311 = arith.constant 0 : i32
        %dma_start3A_312 = tpu.memref_slice %arg6[%add3A_309, %dma_start3A_311] : memref<80x128xi32, #tpu.memory_space<vmem>> -> memref<1x128xi32, #tpu.memory_space<vmem>>
        %dma_start3A_313 = tpu.memref_squeeze %dma_start3A_312 : memref<1x128xi32, #tpu.memory_space<vmem>> -> memref<128xi32, #tpu.memory_space<vmem>>
        %dma_start3A_314 = arith.constant 0 : i32
        %dma_start3A_315 = arith.constant 0 : i32
        %dma_start3A_316 = tpu.memref_slice %arg2[%dma_start3A_310, %dma_start3A_314, %dma_start3A_315] : memref<2x10000x64xf32, #tpu.memory_space<hbm>> -> memref<1x10000x64xf32, #tpu.memory_space<hbm>>
        %dma_start3A_317 = tpu.memref_squeeze %dma_start3A_316 : memref<1x10000x64xf32, #tpu.memory_space<hbm>> -> memref<10000x64xf32, #tpu.memory_space<hbm>>
        %dma_start3A_318 = arith.constant 0 : i32
        %dma_start3A_319 = arith.constant 0 : i32
        %dma_start3A_320 = tpu.memref_slice %dma_start3A_317[%dma_start3A_318, %dma_start3A_319] : memref<10000x64xf32, #tpu.memory_space<hbm>> -> memref<10000x64xf32, #tpu.memory_space<hbm>>
        tpu.enqueue_indirect_dma source(%dma_start3A_320 : memref<10000x64xf32, #tpu.memory_space<hbm>>) target(%arg8 : memref<128x64xf32, #tpu.memory_space<vmem>>) offsets(%dma_start3A_313 : memref<128xi32, #tpu.memory_space<vmem>>) semaphore(%arg15 : memref<!tpu.dma_semaphore, #tpu.memory_space<semaphore_mem>>)
      } else {
      }
      %add3A_210 = arith.constant 1 : i32
      %add3A_211 = arith.addi %mul3A_189, %add3A_210 : i32
      %dma_wait3A_212 = arith.constant 0 : i32
      %dma_wait3A_213 = arith.constant 0 : i32
      %dma_wait3A_214 = tpu.memref_slice %arg6[%add3A_211, %dma_wait3A_213] : memref<80x128xi32, #tpu.memory_space<vmem>> -> memref<1x128xi32, #tpu.memory_space<vmem>>
      %dma_wait3A_215 = tpu.memref_squeeze %dma_wait3A_214 : memref<1x128xi32, #tpu.memory_space<vmem>> -> memref<128xi32, #tpu.memory_space<vmem>>
      %dma_wait3A_216 = arith.constant 0 : i32
      %dma_wait3A_217 = arith.constant 0 : i32
      %dma_wait3A_218 = tpu.memref_slice %arg2[%dma_wait3A_212, %dma_wait3A_216, %dma_wait3A_217] : memref<2x10000x64xf32, #tpu.memory_space<hbm>> -> memref<1x10000x64xf32, #tpu.memory_space<hbm>>
      %dma_wait3A_219 = tpu.memref_squeeze %dma_wait3A_218 : memref<1x10000x64xf32, #tpu.memory_space<hbm>> -> memref<10000x64xf32, #tpu.memory_space<hbm>>
      %dma_wait3A_220 = arith.constant 0 : i32
      %dma_wait3A_221 = arith.constant 0 : i32
      %dma_wait3A_222 = tpu.memref_slice %dma_wait3A_219[%dma_wait3A_220, %dma_wait3A_221] : memref<10000x64xf32, #tpu.memory_space<hbm>> -> memref<10000x64xf32, #tpu.memory_space<hbm>>
      tpu.wait_indirect_dma semaphore(%arg16 : memref<!tpu.dma_semaphore, #tpu.memory_space<semaphore_mem>>) src(%dma_wait3A_222 : memref<10000x64xf32, #tpu.memory_space<hbm>>) dst(%arg9 : memref<128x64xf32, #tpu.memory_space<vmem>>)
      %add3A_223 = arith.constant 1 : i32
      %add3A_224 = arith.addi %mul3A_189, %add3A_223 : i32
      "tpu.region"() ({
        %run_scoped3A_306 = tpu.sem_alloc : memref<!tpu.dma_semaphore, #tpu.memory_space<semaphore_mem>>
        %dma_start3A_307 = arith.constant 0 : i32
        %dma_start3A_308 = tpu.memref_slice %arg7[%add3A_224, %dma_start3A_307] : memref<80x128xi32, #tpu.memory_space<vmem>> -> memref<1x128xi32, #tpu.memory_space<vmem>>
        %dma_start3A_309 = tpu.memref_squeeze %dma_start3A_308 : memref<1x128xi32, #tpu.memory_space<vmem>> -> memref<128xi32, #tpu.memory_space<vmem>>
        %dma_start3A_310 = arith.constant 0 : i32
        %dma_start3A_311 = arith.constant 0 : i32
        %dma_start3A_312 = tpu.memref_slice %arg14[%dma_start3A_310, %dma_start3A_311] : memref<10240x64xf32, #tpu.memory_space<vmem_shared>> -> memref<10240x64xf32, #tpu.memory_space<vmem_shared>>
        tpu.enqueue_indirect_dma source(%arg9 : memref<128x64xf32, #tpu.memory_space<vmem>>) target(%dma_start3A_312 : memref<10240x64xf32, #tpu.memory_space<vmem_shared>>) offsets(%dma_start3A_309 : memref<128xi32, #tpu.memory_space<vmem>>) semaphore(%run_scoped3A_306 : memref<!tpu.dma_semaphore, #tpu.memory_space<semaphore_mem>>) {add = true}
        %dma_wait3A_313 = arith.constant 0 : i32
        %dma_wait3A_314 = tpu.memref_slice %arg7[%add3A_224, %dma_wait3A_313] : memref<80x128xi32, #tpu.memory_space<vmem>> -> memref<1x128xi32, #tpu.memory_space<vmem>>
        %dma_wait3A_315 = tpu.memref_squeeze %dma_wait3A_314 : memref<1x128xi32, #tpu.memory_space<vmem>> -> memref<128xi32, #tpu.memory_space<vmem>>
        %dma_wait3A_316 = arith.constant 0 : i32
        %dma_wait3A_317 = arith.constant 0 : i32
        %dma_wait3A_318 = tpu.memref_slice %arg14[%dma_wait3A_316, %dma_wait3A_317] : memref<10240x64xf32, #tpu.memory_space<vmem_shared>> -> memref<10240x64xf32, #tpu.memory_space<vmem_shared>>
        tpu.wait_indirect_dma semaphore(%run_scoped3A_306 : memref<!tpu.dma_semaphore, #tpu.memory_space<semaphore_mem>>) src(%arg9 : memref<128x64xf32, #tpu.memory_space<vmem>>) dst(%dma_wait3A_318 : memref<10240x64xf32, #tpu.memory_space<vmem_shared>>)
        tpu.yield
      }) : () -> ()
      %add3A_225 = arith.constant 1 : i32
      %add3A_226 = arith.addi %mul3A_189, %add3A_225 : i32
      %add3A_227 = arith.constant 5 : i32
      %add3A_228 = arith.addi %add3A_226, %add3A_227 : i32
      %lt3A_229 = arith.constant 80 : i32
      %lt3A_230 = arith.cmpi slt, %add3A_228, %lt3A_229 : i32
      %convert_element_type3A_231 = arith.extui %lt3A_230 : i1 to i32
      %cond3A_232 = arith.constant 0 : i32
      %cond3A_233 = arith.cmpi ne, %convert_element_type3A_231, %cond3A_232 : i32
      scf.if %cond3A_233 {
        %add3A_306 = arith.constant 1 : i32
        %add3A_307 = arith.addi %mul3A_189, %add3A_306 : i32
        %add3A_308 = arith.constant 5 : i32
        %add3A_309 = arith.addi %add3A_307, %add3A_308 : i32
        %dma_start3A_310 = arith.constant 0 : i32
        %dma_start3A_311 = arith.constant 0 : i32
        %dma_start3A_312 = tpu.memref_slice %arg6[%add3A_309, %dma_start3A_311] : memref<80x128xi32, #tpu.memory_space<vmem>> -> memref<1x128xi32, #tpu.memory_space<vmem>>
        %dma_start3A_313 = tpu.memref_squeeze %dma_start3A_312 : memref<1x128xi32, #tpu.memory_space<vmem>> -> memref<128xi32, #tpu.memory_space<vmem>>
        %dma_start3A_314 = arith.constant 0 : i32
        %dma_start3A_315 = arith.constant 0 : i32
        %dma_start3A_316 = tpu.memref_slice %arg2[%dma_start3A_310, %dma_start3A_314, %dma_start3A_315] : memref<2x10000x64xf32, #tpu.memory_space<hbm>> -> memref<1x10000x64xf32, #tpu.memory_space<hbm>>
        %dma_start3A_317 = tpu.memref_squeeze %dma_start3A_316 : memref<1x10000x64xf32, #tpu.memory_space<hbm>> -> memref<10000x64xf32, #tpu.memory_space<hbm>>
        %dma_start3A_318 = arith.constant 0 : i32
        %dma_start3A_319 = arith.constant 0 : i32
        %dma_start3A_320 = tpu.memref_slice %dma_start3A_317[%dma_start3A_318, %dma_start3A_319] : memref<10000x64xf32, #tpu.memory_space<hbm>> -> memref<10000x64xf32, #tpu.memory_space<hbm>>
        tpu.enqueue_indirect_dma source(%dma_start3A_320 : memref<10000x64xf32, #tpu.memory_space<hbm>>) target(%arg9 : memref<128x64xf32, #tpu.memory_space<vmem>>) offsets(%dma_start3A_313 : memref<128xi32, #tpu.memory_space<vmem>>) semaphore(%arg16 : memref<!tpu.dma_semaphore, #tpu.memory_space<semaphore_mem>>)
      } else {
      }
      %add3A_234 = arith.constant 2 : i32
      %add3A_235 = arith.addi %mul3A_189, %add3A_234 : i32
      %dma_wait3A_236 = arith.constant 0 : i32
      %dma_wait3A_237 = arith.constant 0 : i32
      %dma_wait3A_238 = tpu.memref_slice %arg6[%add3A_235, %dma_wait3A_237] : memref<80x128xi32, #tpu.memory_space<vmem>> -> memref<1x128xi32, #tpu.memory_space<vmem>>
      %dma_wait3A_239 = tpu.memref_squeeze %dma_wait3A_238 : memref<1x128xi32, #tpu.memory_space<vmem>> -> memref<128xi32, #tpu.memory_space<vmem>>
      %dma_wait3A_240 = arith.constant 0 : i32
      %dma_wait3A_241 = arith.constant 0 : i32
      %dma_wait3A_242 = tpu.memref_slice %arg2[%dma_wait3A_236, %dma_wait3A_240, %dma_wait3A_241] : memref<2x10000x64xf32, #tpu.memory_space<hbm>> -> memref<1x10000x64xf32, #tpu.memory_space<hbm>>
      %dma_wait3A_243 = tpu.memref_squeeze %dma_wait3A_242 : memref<1x10000x64xf32, #tpu.memory_space<hbm>> -> memref<10000x64xf32, #tpu.memory_space<hbm>>
      %dma_wait3A_244 = arith.constant 0 : i32
      %dma_wait3A_245 = arith.constant 0 : i32
      %dma_wait3A_246 = tpu.memref_slice %dma_wait3A_243[%dma_wait3A_244, %dma_wait3A_245] : memref<10000x64xf32, #tpu.memory_space<hbm>> -> memref<10000x64xf32, #tpu.memory_space<hbm>>
      tpu.wait_indirect_dma semaphore(%arg17 : memref<!tpu.dma_semaphore, #tpu.memory_space<semaphore_mem>>) src(%dma_wait3A_246 : memref<10000x64xf32, #tpu.memory_space<hbm>>) dst(%arg10 : memref<128x64xf32, #tpu.memory_space<vmem>>)
      %add3A_247 = arith.constant 2 : i32
      %add3A_248 = arith.addi %mul3A_189, %add3A_247 : i32
      "tpu.region"() ({
        %run_scoped3A_306 = tpu.sem_alloc : memref<!tpu.dma_semaphore, #tpu.memory_space<semaphore_mem>>
        %dma_start3A_307 = arith.constant 0 : i32
        %dma_start3A_308 = tpu.memref_slice %arg7[%add3A_248, %dma_start3A_307] : memref<80x128xi32, #tpu.memory_space<vmem>> -> memref<1x128xi32, #tpu.memory_space<vmem>>
        %dma_start3A_309 = tpu.memref_squeeze %dma_start3A_308 : memref<1x128xi32, #tpu.memory_space<vmem>> -> memref<128xi32, #tpu.memory_space<vmem>>
        %dma_start3A_310 = arith.constant 0 : i32
        %dma_start3A_311 = arith.constant 0 : i32
        %dma_start3A_312 = tpu.memref_slice %arg14[%dma_start3A_310, %dma_start3A_311] : memref<10240x64xf32, #tpu.memory_space<vmem_shared>> -> memref<10240x64xf32, #tpu.memory_space<vmem_shared>>
        tpu.enqueue_indirect_dma source(%arg10 : memref<128x64xf32, #tpu.memory_space<vmem>>) target(%dma_start3A_312 : memref<10240x64xf32, #tpu.memory_space<vmem_shared>>) offsets(%dma_start3A_309 : memref<128xi32, #tpu.memory_space<vmem>>) semaphore(%run_scoped3A_306 : memref<!tpu.dma_semaphore, #tpu.memory_space<semaphore_mem>>) {add = true}
        %dma_wait3A_313 = arith.constant 0 : i32
        %dma_wait3A_314 = tpu.memref_slice %arg7[%add3A_248, %dma_wait3A_313] : memref<80x128xi32, #tpu.memory_space<vmem>> -> memref<1x128xi32, #tpu.memory_space<vmem>>
        %dma_wait3A_315 = tpu.memref_squeeze %dma_wait3A_314 : memref<1x128xi32, #tpu.memory_space<vmem>> -> memref<128xi32, #tpu.memory_space<vmem>>
        %dma_wait3A_316 = arith.constant 0 : i32
        %dma_wait3A_317 = arith.constant 0 : i32
        %dma_wait3A_318 = tpu.memref_slice %arg14[%dma_wait3A_316, %dma_wait3A_317] : memref<10240x64xf32, #tpu.memory_space<vmem_shared>> -> memref<10240x64xf32, #tpu.memory_space<vmem_shared>>
        tpu.wait_indirect_dma semaphore(%run_scoped3A_306 : memref<!tpu.dma_semaphore, #tpu.memory_space<semaphore_mem>>) src(%arg10 : memref<128x64xf32, #tpu.memory_space<vmem>>) dst(%dma_wait3A_318 : memref<10240x64xf32, #tpu.memory_space<vmem_shared>>)
        tpu.yield
      }) : () -> ()
      %add3A_249 = arith.constant 2 : i32
      %add3A_250 = arith.addi %mul3A_189, %add3A_249 : i32
      %add3A_251 = arith.constant 5 : i32
      %add3A_252 = arith.addi %add3A_250, %add3A_251 : i32
      %lt3A_253 = arith.constant 80 : i32
      %lt3A_254 = arith.cmpi slt, %add3A_252, %lt3A_253 : i32
      %convert_element_type3A_255 = arith.extui %lt3A_254 : i1 to i32
      %cond3A_256 = arith.constant 0 : i32
      %cond3A_257 = arith.cmpi ne, %convert_element_type3A_255, %cond3A_256 : i32
      scf.if %cond3A_257 {
        %add3A_306 = arith.constant 2 : i32
        %add3A_307 = arith.addi %mul3A_189, %add3A_306 : i32
        %add3A_308 = arith.constant 5 : i32
        %add3A_309 = arith.addi %add3A_307, %add3A_308 : i32
        %dma_start3A_310 = arith.constant 0 : i32
        %dma_start3A_311 = arith.constant 0 : i32
        %dma_start3A_312 = tpu.memref_slice %arg6[%add3A_309, %dma_start3A_311] : memref<80x128xi32, #tpu.memory_space<vmem>> -> memref<1x128xi32, #tpu.memory_space<vmem>>
        %dma_start3A_313 = tpu.memref_squeeze %dma_start3A_312 : memref<1x128xi32, #tpu.memory_space<vmem>> -> memref<128xi32, #tpu.memory_space<vmem>>
        %dma_start3A_314 = arith.constant 0 : i32
        %dma_start3A_315 = arith.constant 0 : i32
        %dma_start3A_316 = tpu.memref_slice %arg2[%dma_start3A_310, %dma_start3A_314, %dma_start3A_315] : memref<2x10000x64xf32, #tpu.memory_space<hbm>> -> memref<1x10000x64xf32, #tpu.memory_space<hbm>>
        %dma_start3A_317 = tpu.memref_squeeze %dma_start3A_316 : memref<1x10000x64xf32, #tpu.memory_space<hbm>> -> memref<10000x64xf32, #tpu.memory_space<hbm>>
        %dma_start3A_318 = arith.constant 0 : i32
        %dma_start3A_319 = arith.constant 0 : i32
        %dma_start3A_320 = tpu.memref_slice %dma_start3A_317[%dma_start3A_318, %dma_start3A_319] : memref<10000x64xf32, #tpu.memory_space<hbm>> -> memref<10000x64xf32, #tpu.memory_space<hbm>>
        tpu.enqueue_indirect_dma source(%dma_start3A_320 : memref<10000x64xf32, #tpu.memory_space<hbm>>) target(%arg10 : memref<128x64xf32, #tpu.memory_space<vmem>>) offsets(%dma_start3A_313 : memref<128xi32, #tpu.memory_space<vmem>>) semaphore(%arg17 : memref<!tpu.dma_semaphore, #tpu.memory_space<semaphore_mem>>)
      } else {
      }
      %add3A_258 = arith.constant 3 : i32
      %add3A_259 = arith.addi %mul3A_189, %add3A_258 : i32
      %dma_wait3A_260 = arith.constant 0 : i32
      %dma_wait3A_261 = arith.constant 0 : i32
      %dma_wait3A_262 = tpu.memref_slice %arg6[%add3A_259, %dma_wait3A_261] : memref<80x128xi32, #tpu.memory_space<vmem>> -> memref<1x128xi32, #tpu.memory_space<vmem>>
      %dma_wait3A_263 = tpu.memref_squeeze %dma_wait3A_262 : memref<1x128xi32, #tpu.memory_space<vmem>> -> memref<128xi32, #tpu.memory_space<vmem>>
      %dma_wait3A_264 = arith.constant 0 : i32
      %dma_wait3A_265 = arith.constant 0 : i32
      %dma_wait3A_266 = tpu.memref_slice %arg2[%dma_wait3A_260, %dma_wait3A_264, %dma_wait3A_265] : memref<2x10000x64xf32, #tpu.memory_space<hbm>> -> memref<1x10000x64xf32, #tpu.memory_space<hbm>>
      %dma_wait3A_267 = tpu.memref_squeeze %dma_wait3A_266 : memref<1x10000x64xf32, #tpu.memory_space<hbm>> -> memref<10000x64xf32, #tpu.memory_space<hbm>>
      %dma_wait3A_268 = arith.constant 0 : i32
      %dma_wait3A_269 = arith.constant 0 : i32
      %dma_wait3A_270 = tpu.memref_slice %dma_wait3A_267[%dma_wait3A_268, %dma_wait3A_269] : memref<10000x64xf32, #tpu.memory_space<hbm>> -> memref<10000x64xf32, #tpu.memory_space<hbm>>
      tpu.wait_indirect_dma semaphore(%arg18 : memref<!tpu.dma_semaphore, #tpu.memory_space<semaphore_mem>>) src(%dma_wait3A_270 : memref<10000x64xf32, #tpu.memory_space<hbm>>) dst(%arg11 : memref<128x64xf32, #tpu.memory_space<vmem>>)
      %add3A_271 = arith.constant 3 : i32
      %add3A_272 = arith.addi %mul3A_189, %add3A_271 : i32
      "tpu.region"() ({
        %run_scoped3A_306 = tpu.sem_alloc : memref<!tpu.dma_semaphore, #tpu.memory_space<semaphore_mem>>
        %dma_start3A_307 = arith.constant 0 : i32
        %dma_start3A_308 = tpu.memref_slice %arg7[%add3A_272, %dma_start3A_307] : memref<80x128xi32, #tpu.memory_space<vmem>> -> memref<1x128xi32, #tpu.memory_space<vmem>>
        %dma_start3A_309 = tpu.memref_squeeze %dma_start3A_308 : memref<1x128xi32, #tpu.memory_space<vmem>> -> memref<128xi32, #tpu.memory_space<vmem>>
        %dma_start3A_310 = arith.constant 0 : i32
        %dma_start3A_311 = arith.constant 0 : i32
        %dma_start3A_312 = tpu.memref_slice %arg14[%dma_start3A_310, %dma_start3A_311] : memref<10240x64xf32, #tpu.memory_space<vmem_shared>> -> memref<10240x64xf32, #tpu.memory_space<vmem_shared>>
        tpu.enqueue_indirect_dma source(%arg11 : memref<128x64xf32, #tpu.memory_space<vmem>>) target(%dma_start3A_312 : memref<10240x64xf32, #tpu.memory_space<vmem_shared>>) offsets(%dma_start3A_309 : memref<128xi32, #tpu.memory_space<vmem>>) semaphore(%run_scoped3A_306 : memref<!tpu.dma_semaphore, #tpu.memory_space<semaphore_mem>>) {add = true}
        %dma_wait3A_313 = arith.constant 0 : i32
        %dma_wait3A_314 = tpu.memref_slice %arg7[%add3A_272, %dma_wait3A_313] : memref<80x128xi32, #tpu.memory_space<vmem>> -> memref<1x128xi32, #tpu.memory_space<vmem>>
        %dma_wait3A_315 = tpu.memref_squeeze %dma_wait3A_314 : memref<1x128xi32, #tpu.memory_space<vmem>> -> memref<128xi32, #tpu.memory_space<vmem>>
        %dma_wait3A_316 = arith.constant 0 : i32
        %dma_wait3A_317 = arith.constant 0 : i32
        %dma_wait3A_318 = tpu.memref_slice %arg14[%dma_wait3A_316, %dma_wait3A_317] : memref<10240x64xf32, #tpu.memory_space<vmem_shared>> -> memref<10240x64xf32, #tpu.memory_space<vmem_shared>>
        tpu.wait_indirect_dma semaphore(%run_scoped3A_306 : memref<!tpu.dma_semaphore, #tpu.memory_space<semaphore_mem>>) src(%arg11 : memref<128x64xf32, #tpu.memory_space<vmem>>) dst(%dma_wait3A_318 : memref<10240x64xf32, #tpu.memory_space<vmem_shared>>)
        tpu.yield
      }) : () -> ()
      %add3A_273 = arith.constant 3 : i32
      %add3A_274 = arith.addi %mul3A_189, %add3A_273 : i32
      %add3A_275 = arith.constant 5 : i32
      %add3A_276 = arith.addi %add3A_274, %add3A_275 : i32
      %lt3A_277 = arith.constant 80 : i32
      %lt3A_278 = arith.cmpi slt, %add3A_276, %lt3A_277 : i32
      %convert_element_type3A_279 = arith.extui %lt3A_278 : i1 to i32
      %cond3A_280 = arith.constant 0 : i32
      %cond3A_281 = arith.cmpi ne, %convert_element_type3A_279, %cond3A_280 : i32
      scf.if %cond3A_281 {
        %add3A_306 = arith.constant 3 : i32
        %add3A_307 = arith.addi %mul3A_189, %add3A_306 : i32
        %add3A_308 = arith.constant 5 : i32
        %add3A_309 = arith.addi %add3A_307, %add3A_308 : i32
        %dma_start3A_310 = arith.constant 0 : i32
        %dma_start3A_311 = arith.constant 0 : i32
        %dma_start3A_312 = tpu.memref_slice %arg6[%add3A_309, %dma_start3A_311] : memref<80x128xi32, #tpu.memory_space<vmem>> -> memref<1x128xi32, #tpu.memory_space<vmem>>
        %dma_start3A_313 = tpu.memref_squeeze %dma_start3A_312 : memref<1x128xi32, #tpu.memory_space<vmem>> -> memref<128xi32, #tpu.memory_space<vmem>>
        %dma_start3A_314 = arith.constant 0 : i32
        %dma_start3A_315 = arith.constant 0 : i32
        %dma_start3A_316 = tpu.memref_slice %arg2[%dma_start3A_310, %dma_start3A_314, %dma_start3A_315] : memref<2x10000x64xf32, #tpu.memory_space<hbm>> -> memref<1x10000x64xf32, #tpu.memory_space<hbm>>
        %dma_start3A_317 = tpu.memref_squeeze %dma_start3A_316 : memref<1x10000x64xf32, #tpu.memory_space<hbm>> -> memref<10000x64xf32, #tpu.memory_space<hbm>>
        %dma_start3A_318 = arith.constant 0 : i32
        %dma_start3A_319 = arith.constant 0 : i32
        %dma_start3A_320 = tpu.memref_slice %dma_start3A_317[%dma_start3A_318, %dma_start3A_319] : memref<10000x64xf32, #tpu.memory_space<hbm>> -> memref<10000x64xf32, #tpu.memory_space<hbm>>
        tpu.enqueue_indirect_dma source(%dma_start3A_320 : memref<10000x64xf32, #tpu.memory_space<hbm>>) target(%arg11 : memref<128x64xf32, #tpu.memory_space<vmem>>) offsets(%dma_start3A_313 : memref<128xi32, #tpu.memory_space<vmem>>) semaphore(%arg18 : memref<!tpu.dma_semaphore, #tpu.memory_space<semaphore_mem>>)
      } else {
      }
      %add3A_282 = arith.constant 4 : i32
      %add3A_283 = arith.addi %mul3A_189, %add3A_282 : i32
      %dma_wait3A_284 = arith.constant 0 : i32
      %dma_wait3A_285 = arith.constant 0 : i32
      %dma_wait3A_286 = tpu.memref_slice %arg6[%add3A_283, %dma_wait3A_285] : memref<80x128xi32, #tpu.memory_space<vmem>> -> memref<1x128xi32, #tpu.memory_space<vmem>>
      %dma_wait3A_287 = tpu.memref_squeeze %dma_wait3A_286 : memref<1x128xi32, #tpu.memory_space<vmem>> -> memref<128xi32, #tpu.memory_space<vmem>>
      %dma_wait3A_288 = arith.constant 0 : i32
      %dma_wait3A_289 = arith.constant 0 : i32
      %dma_wait3A_290 = tpu.memref_slice %arg2[%dma_wait3A_284, %dma_wait3A_288, %dma_wait3A_289] : memref<2x10000x64xf32, #tpu.memory_space<hbm>> -> memref<1x10000x64xf32, #tpu.memory_space<hbm>>
      %dma_wait3A_291 = tpu.memref_squeeze %dma_wait3A_290 : memref<1x10000x64xf32, #tpu.memory_space<hbm>> -> memref<10000x64xf32, #tpu.memory_space<hbm>>
      %dma_wait3A_292 = arith.constant 0 : i32
      %dma_wait3A_293 = arith.constant 0 : i32
      %dma_wait3A_294 = tpu.memref_slice %dma_wait3A_291[%dma_wait3A_292, %dma_wait3A_293] : memref<10000x64xf32, #tpu.memory_space<hbm>> -> memref<10000x64xf32, #tpu.memory_space<hbm>>
      tpu.wait_indirect_dma semaphore(%arg19 : memref<!tpu.dma_semaphore, #tpu.memory_space<semaphore_mem>>) src(%dma_wait3A_294 : memref<10000x64xf32, #tpu.memory_space<hbm>>) dst(%arg12 : memref<128x64xf32, #tpu.memory_space<vmem>>)
      %add3A_295 = arith.constant 4 : i32
      %add3A_296 = arith.addi %mul3A_189, %add3A_295 : i32
      "tpu.region"() ({
        %run_scoped3A_306 = tpu.sem_alloc : memref<!tpu.dma_semaphore, #tpu.memory_space<semaphore_mem>>
        %dma_start3A_307 = arith.constant 0 : i32
        %dma_start3A_308 = tpu.memref_slice %arg7[%add3A_296, %dma_start3A_307] : memref<80x128xi32, #tpu.memory_space<vmem>> -> memref<1x128xi32, #tpu.memory_space<vmem>>
        %dma_start3A_309 = tpu.memref_squeeze %dma_start3A_308 : memref<1x128xi32, #tpu.memory_space<vmem>> -> memref<128xi32, #tpu.memory_space<vmem>>
        %dma_start3A_310 = arith.constant 0 : i32
        %dma_start3A_311 = arith.constant 0 : i32
        %dma_start3A_312 = tpu.memref_slice %arg14[%dma_start3A_310, %dma_start3A_311] : memref<10240x64xf32, #tpu.memory_space<vmem_shared>> -> memref<10240x64xf32, #tpu.memory_space<vmem_shared>>
        tpu.enqueue_indirect_dma source(%arg12 : memref<128x64xf32, #tpu.memory_space<vmem>>) target(%dma_start3A_312 : memref<10240x64xf32, #tpu.memory_space<vmem_shared>>) offsets(%dma_start3A_309 : memref<128xi32, #tpu.memory_space<vmem>>) semaphore(%run_scoped3A_306 : memref<!tpu.dma_semaphore, #tpu.memory_space<semaphore_mem>>) {add = true}
        %dma_wait3A_313 = arith.constant 0 : i32
        %dma_wait3A_314 = tpu.memref_slice %arg7[%add3A_296, %dma_wait3A_313] : memref<80x128xi32, #tpu.memory_space<vmem>> -> memref<1x128xi32, #tpu.memory_space<vmem>>
        %dma_wait3A_315 = tpu.memref_squeeze %dma_wait3A_314 : memref<1x128xi32, #tpu.memory_space<vmem>> -> memref<128xi32, #tpu.memory_space<vmem>>
        %dma_wait3A_316 = arith.constant 0 : i32
        %dma_wait3A_317 = arith.constant 0 : i32
        %dma_wait3A_318 = tpu.memref_slice %arg14[%dma_wait3A_316, %dma_wait3A_317] : memref<10240x64xf32, #tpu.memory_space<vmem_shared>> -> memref<10240x64xf32, #tpu.memory_space<vmem_shared>>
        tpu.wait_indirect_dma semaphore(%run_scoped3A_306 : memref<!tpu.dma_semaphore, #tpu.memory_space<semaphore_mem>>) src(%arg12 : memref<128x64xf32, #tpu.memory_space<vmem>>) dst(%dma_wait3A_318 : memref<10240x64xf32, #tpu.memory_space<vmem_shared>>)
        tpu.yield
      }) : () -> ()
      %add3A_297 = arith.constant 4 : i32
      %add3A_298 = arith.addi %mul3A_189, %add3A_297 : i32
      %add3A_299 = arith.constant 5 : i32
      %add3A_300 = arith.addi %add3A_298, %add3A_299 : i32
      %lt3A_301 = arith.constant 80 : i32
      %lt3A_302 = arith.cmpi slt, %add3A_300, %lt3A_301 : i32
      %convert_element_type3A_303 = arith.extui %lt3A_302 : i1 to i32
      %cond3A_304 = arith.constant 0 : i32
      %cond3A_305 = arith.cmpi ne, %convert_element_type3A_303, %cond3A_304 : i32
      scf.if %cond3A_305 {
        %add3A_306 = arith.constant 4 : i32
        %add3A_307 = arith.addi %mul3A_189, %add3A_306 : i32
        %add3A_308 = arith.constant 5 : i32
        %add3A_309 = arith.addi %add3A_307, %add3A_308 : i32
        %dma_start3A_310 = arith.constant 0 : i32
        %dma_start3A_311 = arith.constant 0 : i32
        %dma_start3A_312 = tpu.memref_slice %arg6[%add3A_309, %dma_start3A_311] : memref<80x128xi32, #tpu.memory_space<vmem>> -> memref<1x128xi32, #tpu.memory_space<vmem>>
        %dma_start3A_313 = tpu.memref_squeeze %dma_start3A_312 : memref<1x128xi32, #tpu.memory_space<vmem>> -> memref<128xi32, #tpu.memory_space<vmem>>
        %dma_start3A_314 = arith.constant 0 : i32
        %dma_start3A_315 = arith.constant 0 : i32
        %dma_start3A_316 = tpu.memref_slice %arg2[%dma_start3A_310, %dma_start3A_314, %dma_start3A_315] : memref<2x10000x64xf32, #tpu.memory_space<hbm>> -> memref<1x10000x64xf32, #tpu.memory_space<hbm>>
        %dma_start3A_317 = tpu.memref_squeeze %dma_start3A_316 : memref<1x10000x64xf32, #tpu.memory_space<hbm>> -> memref<10000x64xf32, #tpu.memory_space<hbm>>
        %dma_start3A_318 = arith.constant 0 : i32
        %dma_start3A_319 = arith.constant 0 : i32
        %dma_start3A_320 = tpu.memref_slice %dma_start3A_317[%dma_start3A_318, %dma_start3A_319] : memref<10000x64xf32, #tpu.memory_space<hbm>> -> memref<10000x64xf32, #tpu.memory_space<hbm>>
        tpu.enqueue_indirect_dma source(%dma_start3A_320 : memref<10000x64xf32, #tpu.memory_space<hbm>>) target(%arg12 : memref<128x64xf32, #tpu.memory_space<vmem>>) offsets(%dma_start3A_313 : memref<128xi32, #tpu.memory_space<vmem>>) semaphore(%arg19 : memref<!tpu.dma_semaphore, #tpu.memory_space<semaphore_mem>>)
      } else {
      }
    }
    %scan3A_88 = arith.constant 16 : i32
    %barrier3A_89 = arith.constant 0 : index
    tpu.barrier barrier_id(%barrier3A_89)
    %mul3A_90 = arith.constant 640 : i32
    %mul3A_91 = arith.muli %arg1, %mul3A_90 : i32
    %mul3A_92 = arith.constant 640 : i32
    %mul3A_93 = arith.muli %arg1, %mul3A_92 : i32
    %run_scoped3A = arith.constant 0 : i32
    "tpu.region"() ({
      %run_scoped3A_187 = tpu.sem_alloc : memref<!tpu.dma_semaphore, #tpu.memory_space<semaphore_mem>>
      %dma_start3A_188 = arith.constant 0 : i32
      %dma_start3A_189 = arith.constant 0 : i32
      %dma_start3A_190 = arith.constant 0 : i32
      %dma_start3A_191 = tpu.memref_slice %arg5[%arg0, %dma_start3A_188, %dma_start3A_189, %dma_start3A_190] : memref<2x2x10240x64xf32, #tpu.memory_space<hbm>> -> memref<1x2x10240x64xf32, #tpu.memory_space<hbm>>
      %dma_start3A_192 = tpu.memref_squeeze %dma_start3A_191 : memref<1x2x10240x64xf32, #tpu.memory_space<hbm>> -> memref<2x10240x64xf32, #tpu.memory_space<hbm>>
      %dma_start3A_193 = arith.constant 0 : i32
      %dma_start3A_194 = arith.constant 0 : i32
      %dma_start3A_195 = tpu.memref_slice %dma_start3A_192[%run_scoped3A, %dma_start3A_193, %dma_start3A_194] : memref<2x10240x64xf32, #tpu.memory_space<hbm>> -> memref<1x10240x64xf32, #tpu.memory_space<hbm>>
      %dma_start3A_196 = tpu.memref_squeeze %dma_start3A_195 : memref<1x10240x64xf32, #tpu.memory_space<hbm>> -> memref<10240x64xf32, #tpu.memory_space<hbm>>
      %dma_start3A_197 = arith.constant 0 : i32
      %dma_start3A_198 = tpu.memref_slice %dma_start3A_196[%mul3A_93, %dma_start3A_197] : memref<10240x64xf32, #tpu.memory_space<hbm>> -> memref<640x64xf32, #tpu.memory_space<hbm>>
      %dma_start3A_199 = arith.constant 0 : i32
      %dma_start3A_200 = tpu.memref_slice %arg14[%mul3A_91, %dma_start3A_199] : memref<10240x64xf32, #tpu.memory_space<vmem_shared>> -> memref<640x64xf32, #tpu.memory_space<vmem_shared>>
      tpu.enqueue_dma source(%dma_start3A_200 : memref<640x64xf32, #tpu.memory_space<vmem_shared>>) target(%dma_start3A_198 : memref<640x64xf32, #tpu.memory_space<hbm>>) target_semaphore(%run_scoped3A_187 : memref<!tpu.dma_semaphore, #tpu.memory_space<semaphore_mem>>)
      %dma_wait3A = arith.constant 0 : i32
      %dma_wait3A_201 = arith.constant 0 : i32
      %dma_wait3A_202 = arith.constant 0 : i32
      %dma_wait3A_203 = tpu.memref_slice %arg5[%arg0, %dma_wait3A, %dma_wait3A_201, %dma_wait3A_202] : memref<2x2x10240x64xf32, #tpu.memory_space<hbm>> -> memref<1x2x10240x64xf32, #tpu.memory_space<hbm>>
      %dma_wait3A_204 = tpu.memref_squeeze %dma_wait3A_203 : memref<1x2x10240x64xf32, #tpu.memory_space<hbm>> -> memref<2x10240x64xf32, #tpu.memory_space<hbm>>
      %dma_wait3A_205 = arith.constant 0 : i32
      %dma_wait3A_206 = arith.constant 0 : i32
      %dma_wait3A_207 = tpu.memref_slice %dma_wait3A_204[%run_scoped3A, %dma_wait3A_205, %dma_wait3A_206] : memref<2x10240x64xf32, #tpu.memory_space<hbm>> -> memref<1x10240x64xf32, #tpu.memory_space<hbm>>
      %dma_wait3A_208 = tpu.memref_squeeze %dma_wait3A_207 : memref<1x10240x64xf32, #tpu.memory_space<hbm>> -> memref<10240x64xf32, #tpu.memory_space<hbm>>
      %dma_wait3A_209 = arith.constant 0 : i32
      %dma_wait3A_210 = tpu.memref_slice %dma_wait3A_208[%mul3A_93, %dma_wait3A_209] : memref<10240x64xf32, #tpu.memory_space<hbm>> -> memref<640x64xf32, #tpu.memory_space<hbm>>
      %dma_wait3A_211 = arith.constant 0 : i32
      %dma_wait3A_212 = tpu.memref_slice %arg14[%mul3A_91, %dma_wait3A_211] : memref<10240x64xf32, #tpu.memory_space<vmem_shared>> -> memref<640x64xf32, #tpu.memory_space<vmem_shared>>
      tpu.wait_dma2 semaphore(%run_scoped3A_187 : memref<!tpu.dma_semaphore, #tpu.memory_space<semaphore_mem>>) src(%dma_wait3A_212 : memref<640x64xf32, #tpu.memory_space<vmem_shared>>) dst(%dma_wait3A_210 : memref<640x64xf32, #tpu.memory_space<hbm>>)
      tpu.yield
    }) : () -> ()
    %mul3A_94 = arith.constant 640 : i32
    %mul3A_95 = arith.muli %arg1, %mul3A_94 : i32
    %add3A_96 = arith.constant 0 : i32
    %add3A_97 = arith.addi %mul3A_95, %add3A_96 : i32
    "tpu.region"() ({
      %run_scoped3A_187 = tpu.sem_alloc : memref<!tpu.dma_semaphore, #tpu.memory_space<semaphore_mem>>
      %dma_start3A_188 = arith.constant 0 : i32
      %dma_start3A_189 = tpu.memref_slice %arg14[%add3A_97, %dma_start3A_188] : memref<10240x64xf32, #tpu.memory_space<vmem_shared>> -> memref<128x64xf32, #tpu.memory_space<vmem_shared>>
      %dma_start3A_190 = arith.constant 0 : i32
      %dma_start3A_191 = tpu.memref_slice %arg14[%add3A_97, %dma_start3A_190] : memref<10240x64xf32, #tpu.memory_space<vmem_shared>> -> memref<128x64xf32, #tpu.memory_space<vmem_shared>>
      tpu.enqueue_dma source(%arg13 : memref<128x64xf32, #tpu.memory_space<vmem>>) target(%dma_start3A_191 : memref<128x64xf32, #tpu.memory_space<vmem_shared>>) target_semaphore(%run_scoped3A_187 : memref<!tpu.dma_semaphore, #tpu.memory_space<semaphore_mem>>)
      %dma_wait3A = arith.constant 0 : i32
      %dma_wait3A_192 = tpu.memref_slice %arg14[%add3A_97, %dma_wait3A] : memref<10240x64xf32, #tpu.memory_space<vmem_shared>> -> memref<128x64xf32, #tpu.memory_space<vmem_shared>>
      %dma_wait3A_193 = arith.constant 0 : i32
      %dma_wait3A_194 = tpu.memref_slice %arg14[%add3A_97, %dma_wait3A_193] : memref<10240x64xf32, #tpu.memory_space<vmem_shared>> -> memref<128x64xf32, #tpu.memory_space<vmem_shared>>
      tpu.wait_dma2 semaphore(%run_scoped3A_187 : memref<!tpu.dma_semaphore, #tpu.memory_space<semaphore_mem>>) src(%arg13 : memref<128x64xf32, #tpu.memory_space<vmem>>) dst(%dma_wait3A_194 : memref<128x64xf32, #tpu.memory_space<vmem_shared>>)
      tpu.yield
    }) : () -> ()
    %mul3A_98 = arith.constant 640 : i32
    %mul3A_99 = arith.muli %arg1, %mul3A_98 : i32
    %add3A_100 = arith.constant 128 : i32
    %add3A_101 = arith.addi %mul3A_99, %add3A_100 : i32
    "tpu.region"() ({
      %run_scoped3A_187 = tpu.sem_alloc : memref<!tpu.dma_semaphore, #tpu.memory_space<semaphore_mem>>
      %dma_start3A_188 = arith.constant 0 : i32
      %dma_start3A_189 = tpu.memref_slice %arg14[%add3A_101, %dma_start3A_188] : memref<10240x64xf32, #tpu.memory_space<vmem_shared>> -> memref<128x64xf32, #tpu.memory_space<vmem_shared>>
      %dma_start3A_190 = arith.constant 0 : i32
      %dma_start3A_191 = tpu.memref_slice %arg14[%add3A_101, %dma_start3A_190] : memref<10240x64xf32, #tpu.memory_space<vmem_shared>> -> memref<128x64xf32, #tpu.memory_space<vmem_shared>>
      tpu.enqueue_dma source(%arg13 : memref<128x64xf32, #tpu.memory_space<vmem>>) target(%dma_start3A_191 : memref<128x64xf32, #tpu.memory_space<vmem_shared>>) target_semaphore(%run_scoped3A_187 : memref<!tpu.dma_semaphore, #tpu.memory_space<semaphore_mem>>)
      %dma_wait3A = arith.constant 0 : i32
      %dma_wait3A_192 = tpu.memref_slice %arg14[%add3A_101, %dma_wait3A] : memref<10240x64xf32, #tpu.memory_space<vmem_shared>> -> memref<128x64xf32, #tpu.memory_space<vmem_shared>>
      %dma_wait3A_193 = arith.constant 0 : i32
      %dma_wait3A_194 = tpu.memref_slice %arg14[%add3A_101, %dma_wait3A_193] : memref<10240x64xf32, #tpu.memory_space<vmem_shared>> -> memref<128x64xf32, #tpu.memory_space<vmem_shared>>
      tpu.wait_dma2 semaphore(%run_scoped3A_187 : memref<!tpu.dma_semaphore, #tpu.memory_space<semaphore_mem>>) src(%arg13 : memref<128x64xf32, #tpu.memory_space<vmem>>) dst(%dma_wait3A_194 : memref<128x64xf32, #tpu.memory_space<vmem_shared>>)
      tpu.yield
    }) : () -> ()
    %mul3A_102 = arith.constant 640 : i32
    %mul3A_103 = arith.muli %arg1, %mul3A_102 : i32
    %add3A_104 = arith.constant 256 : i32
    %add3A_105 = arith.addi %mul3A_103, %add3A_104 : i32
    "tpu.region"() ({
      %run_scoped3A_187 = tpu.sem_alloc : memref<!tpu.dma_semaphore, #tpu.memory_space<semaphore_mem>>
      %dma_start3A_188 = arith.constant 0 : i32
      %dma_start3A_189 = tpu.memref_slice %arg14[%add3A_105, %dma_start3A_188] : memref<10240x64xf32, #tpu.memory_space<vmem_shared>> -> memref<128x64xf32, #tpu.memory_space<vmem_shared>>
      %dma_start3A_190 = arith.constant 0 : i32
      %dma_start3A_191 = tpu.memref_slice %arg14[%add3A_105, %dma_start3A_190] : memref<10240x64xf32, #tpu.memory_space<vmem_shared>> -> memref<128x64xf32, #tpu.memory_space<vmem_shared>>
      tpu.enqueue_dma source(%arg13 : memref<128x64xf32, #tpu.memory_space<vmem>>) target(%dma_start3A_191 : memref<128x64xf32, #tpu.memory_space<vmem_shared>>) target_semaphore(%run_scoped3A_187 : memref<!tpu.dma_semaphore, #tpu.memory_space<semaphore_mem>>)
      %dma_wait3A = arith.constant 0 : i32
      %dma_wait3A_192 = tpu.memref_slice %arg14[%add3A_105, %dma_wait3A] : memref<10240x64xf32, #tpu.memory_space<vmem_shared>> -> memref<128x64xf32, #tpu.memory_space<vmem_shared>>
      %dma_wait3A_193 = arith.constant 0 : i32
      %dma_wait3A_194 = tpu.memref_slice %arg14[%add3A_105, %dma_wait3A_193] : memref<10240x64xf32, #tpu.memory_space<vmem_shared>> -> memref<128x64xf32, #tpu.memory_space<vmem_shared>>
      tpu.wait_dma2 semaphore(%run_scoped3A_187 : memref<!tpu.dma_semaphore, #tpu.memory_space<semaphore_mem>>) src(%arg13 : memref<128x64xf32, #tpu.memory_space<vmem>>) dst(%dma_wait3A_194 : memref<128x64xf32, #tpu.memory_space<vmem_shared>>)
      tpu.yield
    }) : () -> ()
    %mul3A_106 = arith.constant 640 : i32
    %mul3A_107 = arith.muli %arg1, %mul3A_106 : i32
    %add3A_108 = arith.constant 384 : i32
    %add3A_109 = arith.addi %mul3A_107, %add3A_108 : i32
    "tpu.region"() ({
      %run_scoped3A_187 = tpu.sem_alloc : memref<!tpu.dma_semaphore, #tpu.memory_space<semaphore_mem>>
      %dma_start3A_188 = arith.constant 0 : i32
      %dma_start3A_189 = tpu.memref_slice %arg14[%add3A_109, %dma_start3A_188] : memref<10240x64xf32, #tpu.memory_space<vmem_shared>> -> memref<128x64xf32, #tpu.memory_space<vmem_shared>>
      %dma_start3A_190 = arith.constant 0 : i32
      %dma_start3A_191 = tpu.memref_slice %arg14[%add3A_109, %dma_start3A_190] : memref<10240x64xf32, #tpu.memory_space<vmem_shared>> -> memref<128x64xf32, #tpu.memory_space<vmem_shared>>
      tpu.enqueue_dma source(%arg13 : memref<128x64xf32, #tpu.memory_space<vmem>>) target(%dma_start3A_191 : memref<128x64xf32, #tpu.memory_space<vmem_shared>>) target_semaphore(%run_scoped3A_187 : memref<!tpu.dma_semaphore, #tpu.memory_space<semaphore_mem>>)
      %dma_wait3A = arith.constant 0 : i32
      %dma_wait3A_192 = tpu.memref_slice %arg14[%add3A_109, %dma_wait3A] : memref<10240x64xf32, #tpu.memory_space<vmem_shared>> -> memref<128x64xf32, #tpu.memory_space<vmem_shared>>
      %dma_wait3A_193 = arith.constant 0 : i32
      %dma_wait3A_194 = tpu.memref_slice %arg14[%add3A_109, %dma_wait3A_193] : memref<10240x64xf32, #tpu.memory_space<vmem_shared>> -> memref<128x64xf32, #tpu.memory_space<vmem_shared>>
      tpu.wait_dma2 semaphore(%run_scoped3A_187 : memref<!tpu.dma_semaphore, #tpu.memory_space<semaphore_mem>>) src(%arg13 : memref<128x64xf32, #tpu.memory_space<vmem>>) dst(%dma_wait3A_194 : memref<128x64xf32, #tpu.memory_space<vmem_shared>>)
      tpu.yield
    }) : () -> ()
    %mul3A_110 = arith.constant 640 : i32
    %mul3A_111 = arith.muli %arg1, %mul3A_110 : i32
    %add3A_112 = arith.constant 512 : i32
    %add3A_113 = arith.addi %mul3A_111, %add3A_112 : i32
    "tpu.region"() ({
      %run_scoped3A_187 = tpu.sem_alloc : memref<!tpu.dma_semaphore, #tpu.memory_space<semaphore_mem>>
      %dma_start3A_188 = arith.constant 0 : i32
      %dma_start3A_189 = tpu.memref_slice %arg14[%add3A_113, %dma_start3A_188] : memref<10240x64xf32, #tpu.memory_space<vmem_shared>> -> memref<128x64xf32, #tpu.memory_space<vmem_shared>>
      %dma_start3A_190 = arith.constant 0 : i32
      %dma_start3A_191 = tpu.memref_slice %arg14[%add3A_113, %dma_start3A_190] : memref<10240x64xf32, #tpu.memory_space<vmem_shared>> -> memref<128x64xf32, #tpu.memory_space<vmem_shared>>
      tpu.enqueue_dma source(%arg13 : memref<128x64xf32, #tpu.memory_space<vmem>>) target(%dma_start3A_191 : memref<128x64xf32, #tpu.memory_space<vmem_shared>>) target_semaphore(%run_scoped3A_187 : memref<!tpu.dma_semaphore, #tpu.memory_space<semaphore_mem>>)
      %dma_wait3A = arith.constant 0 : i32
      %dma_wait3A_192 = tpu.memref_slice %arg14[%add3A_113, %dma_wait3A] : memref<10240x64xf32, #tpu.memory_space<vmem_shared>> -> memref<128x64xf32, #tpu.memory_space<vmem_shared>>
      %dma_wait3A_193 = arith.constant 0 : i32
      %dma_wait3A_194 = tpu.memref_slice %arg14[%add3A_113, %dma_wait3A_193] : memref<10240x64xf32, #tpu.memory_space<vmem_shared>> -> memref<128x64xf32, #tpu.memory_space<vmem_shared>>
      tpu.wait_dma2 semaphore(%run_scoped3A_187 : memref<!tpu.dma_semaphore, #tpu.memory_space<semaphore_mem>>) src(%arg13 : memref<128x64xf32, #tpu.memory_space<vmem>>) dst(%dma_wait3A_194 : memref<128x64xf32, #tpu.memory_space<vmem_shared>>)
      tpu.yield
    }) : () -> ()
    %barrier3A_114 = arith.constant 0 : index
    tpu.barrier barrier_id(%barrier3A_114)
    %dma_start3A_115 = arith.constant 1 : i32
    %dma_start3A_116 = arith.constant 0 : i32
    %dma_start3A_117 = arith.constant 0 : i32
    %dma_start3A_118 = tpu.memref_slice %arg6[%dma_start3A_116, %dma_start3A_117] : memref<80x128xi32, #tpu.memory_space<vmem>> -> memref<1x128xi32, #tpu.memory_space<vmem>>
    %dma_start3A_119 = tpu.memref_squeeze %dma_start3A_118 : memref<1x128xi32, #tpu.memory_space<vmem>> -> memref<128xi32, #tpu.memory_space<vmem>>
    %dma_start3A_120 = arith.constant 0 : i32
    %dma_start3A_121 = arith.constant 0 : i32
    %dma_start3A_122 = tpu.memref_slice %arg2[%dma_start3A_115, %dma_start3A_120, %dma_start3A_121] : memref<2x10000x64xf32, #tpu.memory_space<hbm>> -> memref<1x10000x64xf32, #tpu.memory_space<hbm>>
    %dma_start3A_123 = tpu.memref_squeeze %dma_start3A_122 : memref<1x10000x64xf32, #tpu.memory_space<hbm>> -> memref<10000x64xf32, #tpu.memory_space<hbm>>
    %dma_start3A_124 = arith.constant 0 : i32
    %dma_start3A_125 = arith.constant 0 : i32
    %dma_start3A_126 = tpu.memref_slice %dma_start3A_123[%dma_start3A_124, %dma_start3A_125] : memref<10000x64xf32, #tpu.memory_space<hbm>> -> memref<10000x64xf32, #tpu.memory_space<hbm>>
    tpu.enqueue_indirect_dma source(%dma_start3A_126 : memref<10000x64xf32, #tpu.memory_space<hbm>>) target(%arg8 : memref<128x64xf32, #tpu.memory_space<vmem>>) offsets(%dma_start3A_119 : memref<128xi32, #tpu.memory_space<vmem>>) semaphore(%arg15 : memref<!tpu.dma_semaphore, #tpu.memory_space<semaphore_mem>>)
    %dma_start3A_127 = arith.constant 1 : i32
    %dma_start3A_128 = arith.constant 1 : i32
    %dma_start3A_129 = arith.constant 0 : i32
    %dma_start3A_130 = tpu.memref_slice %arg6[%dma_start3A_128, %dma_start3A_129] : memref<80x128xi32, #tpu.memory_space<vmem>> -> memref<1x128xi32, #tpu.memory_space<vmem>>
    %dma_start3A_131 = tpu.memref_squeeze %dma_start3A_130 : memref<1x128xi32, #tpu.memory_space<vmem>> -> memref<128xi32, #tpu.memory_space<vmem>>
    %dma_start3A_132 = arith.constant 0 : i32
    %dma_start3A_133 = arith.constant 0 : i32
    %dma_start3A_134 = tpu.memref_slice %arg2[%dma_start3A_127, %dma_start3A_132, %dma_start3A_133] : memref<2x10000x64xf32, #tpu.memory_space<hbm>> -> memref<1x10000x64xf32, #tpu.memory_space<hbm>>
    %dma_start3A_135 = tpu.memref_squeeze %dma_start3A_134 : memref<1x10000x64xf32, #tpu.memory_space<hbm>> -> memref<10000x64xf32, #tpu.memory_space<hbm>>
    %dma_start3A_136 = arith.constant 0 : i32
    %dma_start3A_137 = arith.constant 0 : i32
    %dma_start3A_138 = tpu.memref_slice %dma_start3A_135[%dma_start3A_136, %dma_start3A_137] : memref<10000x64xf32, #tpu.memory_space<hbm>> -> memref<10000x64xf32, #tpu.memory_space<hbm>>
    tpu.enqueue_indirect_dma source(%dma_start3A_138 : memref<10000x64xf32, #tpu.memory_space<hbm>>) target(%arg9 : memref<128x64xf32, #tpu.memory_space<vmem>>) offsets(%dma_start3A_131 : memref<128xi32, #tpu.memory_space<vmem>>) semaphore(%arg16 : memref<!tpu.dma_semaphore, #tpu.memory_space<semaphore_mem>>)
    %dma_start3A_139 = arith.constant 1 : i32
    %dma_start3A_140 = arith.constant 2 : i32
    %dma_start3A_141 = arith.constant 0 : i32
    %dma_start3A_142 = tpu.memref_slice %arg6[%dma_start3A_140, %dma_start3A_141] : memref<80x128xi32, #tpu.memory_space<vmem>> -> memref<1x128xi32, #tpu.memory_space<vmem>>
    %dma_start3A_143 = tpu.memref_squeeze %dma_start3A_142 : memref<1x128xi32, #tpu.memory_space<vmem>> -> memref<128xi32, #tpu.memory_space<vmem>>
    %dma_start3A_144 = arith.constant 0 : i32
    %dma_start3A_145 = arith.constant 0 : i32
    %dma_start3A_146 = tpu.memref_slice %arg2[%dma_start3A_139, %dma_start3A_144, %dma_start3A_145] : memref<2x10000x64xf32, #tpu.memory_space<hbm>> -> memref<1x10000x64xf32, #tpu.memory_space<hbm>>
    %dma_start3A_147 = tpu.memref_squeeze %dma_start3A_146 : memref<1x10000x64xf32, #tpu.memory_space<hbm>> -> memref<10000x64xf32, #tpu.memory_space<hbm>>
    %dma_start3A_148 = arith.constant 0 : i32
    %dma_start3A_149 = arith.constant 0 : i32
    %dma_start3A_150 = tpu.memref_slice %dma_start3A_147[%dma_start3A_148, %dma_start3A_149] : memref<10000x64xf32, #tpu.memory_space<hbm>> -> memref<10000x64xf32, #tpu.memory_space<hbm>>
    tpu.enqueue_indirect_dma source(%dma_start3A_150 : memref<10000x64xf32, #tpu.memory_space<hbm>>) target(%arg10 : memref<128x64xf32, #tpu.memory_space<vmem>>) offsets(%dma_start3A_143 : memref<128xi32, #tpu.memory_space<vmem>>) semaphore(%arg17 : memref<!tpu.dma_semaphore, #tpu.memory_space<semaphore_mem>>)
    %dma_start3A_151 = arith.constant 1 : i32
    %dma_start3A_152 = arith.constant 3 : i32
    %dma_start3A_153 = arith.constant 0 : i32
    %dma_start3A_154 = tpu.memref_slice %arg6[%dma_start3A_152, %dma_start3A_153] : memref<80x128xi32, #tpu.memory_space<vmem>> -> memref<1x128xi32, #tpu.memory_space<vmem>>
    %dma_start3A_155 = tpu.memref_squeeze %dma_start3A_154 : memref<1x128xi32, #tpu.memory_space<vmem>> -> memref<128xi32, #tpu.memory_space<vmem>>
    %dma_start3A_156 = arith.constant 0 : i32
    %dma_start3A_157 = arith.constant 0 : i32
    %dma_start3A_158 = tpu.memref_slice %arg2[%dma_start3A_151, %dma_start3A_156, %dma_start3A_157] : memref<2x10000x64xf32, #tpu.memory_space<hbm>> -> memref<1x10000x64xf32, #tpu.memory_space<hbm>>
    %dma_start3A_159 = tpu.memref_squeeze %dma_start3A_158 : memref<1x10000x64xf32, #tpu.memory_space<hbm>> -> memref<10000x64xf32, #tpu.memory_space<hbm>>
    %dma_start3A_160 = arith.constant 0 : i32
    %dma_start3A_161 = arith.constant 0 : i32
    %dma_start3A_162 = tpu.memref_slice %dma_start3A_159[%dma_start3A_160, %dma_start3A_161] : memref<10000x64xf32, #tpu.memory_space<hbm>> -> memref<10000x64xf32, #tpu.memory_space<hbm>>
    tpu.enqueue_indirect_dma source(%dma_start3A_162 : memref<10000x64xf32, #tpu.memory_space<hbm>>) target(%arg11 : memref<128x64xf32, #tpu.memory_space<vmem>>) offsets(%dma_start3A_155 : memref<128xi32, #tpu.memory_space<vmem>>) semaphore(%arg18 : memref<!tpu.dma_semaphore, #tpu.memory_space<semaphore_mem>>)
    %dma_start3A_163 = arith.constant 1 : i32
    %dma_start3A_164 = arith.constant 4 : i32
    %dma_start3A_165 = arith.constant 0 : i32
    %dma_start3A_166 = tpu.memref_slice %arg6[%dma_start3A_164, %dma_start3A_165] : memref<80x128xi32, #tpu.memory_space<vmem>> -> memref<1x128xi32, #tpu.memory_space<vmem>>
    %dma_start3A_167 = tpu.memref_squeeze %dma_start3A_166 : memref<1x128xi32, #tpu.memory_space<vmem>> -> memref<128xi32, #tpu.memory_space<vmem>>
    %dma_start3A_168 = arith.constant 0 : i32
    %dma_start3A_169 = arith.constant 0 : i32
    %dma_start3A_170 = tpu.memref_slice %arg2[%dma_start3A_163, %dma_start3A_168, %dma_start3A_169] : memref<2x10000x64xf32, #tpu.memory_space<hbm>> -> memref<1x10000x64xf32, #tpu.memory_space<hbm>>
    %dma_start3A_171 = tpu.memref_squeeze %dma_start3A_170 : memref<1x10000x64xf32, #tpu.memory_space<hbm>> -> memref<10000x64xf32, #tpu.memory_space<hbm>>
    %dma_start3A_172 = arith.constant 0 : i32
    %dma_start3A_173 = arith.constant 0 : i32
    %dma_start3A_174 = tpu.memref_slice %dma_start3A_171[%dma_start3A_172, %dma_start3A_173] : memref<10000x64xf32, #tpu.memory_space<hbm>> -> memref<10000x64xf32, #tpu.memory_space<hbm>>
    tpu.enqueue_indirect_dma source(%dma_start3A_174 : memref<10000x64xf32, #tpu.memory_space<hbm>>) target(%arg12 : memref<128x64xf32, #tpu.memory_space<vmem>>) offsets(%dma_start3A_167 : memref<128xi32, #tpu.memory_space<vmem>>) semaphore(%arg19 : memref<!tpu.dma_semaphore, #tpu.memory_space<semaphore_mem>>)
    %scan3A_175 = arith.constant 0 : i32
    %scan3A_176 = arith.constant 0 : i32
    %scan3A_177 = arith.constant 16 : i32
    %scan3A_178 = arith.addi %scan3A_176, %scan3A_177 : i32
    %scan3A_179 = arith.constant 1 : i32
    scf.for %scan3A_187 = %scan3A_176 to %scan3A_178 step %scan3A_179  : i32 {
      %mul3A_188 = arith.constant 5 : i32
      %mul3A_189 = arith.muli %scan3A_187, %mul3A_188 : i32
      %add3A_190 = arith.constant 0 : i32
      %add3A_191 = arith.addi %mul3A_189, %add3A_190 : i32
      %dma_wait3A = arith.constant 1 : i32
      %dma_wait3A_192 = arith.constant 0 : i32
      %dma_wait3A_193 = tpu.memref_slice %arg6[%add3A_191, %dma_wait3A_192] : memref<80x128xi32, #tpu.memory_space<vmem>> -> memref<1x128xi32, #tpu.memory_space<vmem>>
      %dma_wait3A_194 = tpu.memref_squeeze %dma_wait3A_193 : memref<1x128xi32, #tpu.memory_space<vmem>> -> memref<128xi32, #tpu.memory_space<vmem>>
      %dma_wait3A_195 = arith.constant 0 : i32
      %dma_wait3A_196 = arith.constant 0 : i32
      %dma_wait3A_197 = tpu.memref_slice %arg2[%dma_wait3A, %dma_wait3A_195, %dma_wait3A_196] : memref<2x10000x64xf32, #tpu.memory_space<hbm>> -> memref<1x10000x64xf32, #tpu.memory_space<hbm>>
      %dma_wait3A_198 = tpu.memref_squeeze %dma_wait3A_197 : memref<1x10000x64xf32, #tpu.memory_space<hbm>> -> memref<10000x64xf32, #tpu.memory_space<hbm>>
      %dma_wait3A_199 = arith.constant 0 : i32
      %dma_wait3A_200 = arith.constant 0 : i32
      %dma_wait3A_201 = tpu.memref_slice %dma_wait3A_198[%dma_wait3A_199, %dma_wait3A_200] : memref<10000x64xf32, #tpu.memory_space<hbm>> -> memref<10000x64xf32, #tpu.memory_space<hbm>>
      tpu.wait_indirect_dma semaphore(%arg15 : memref<!tpu.dma_semaphore, #tpu.memory_space<semaphore_mem>>) src(%dma_wait3A_201 : memref<10000x64xf32, #tpu.memory_space<hbm>>) dst(%arg8 : memref<128x64xf32, #tpu.memory_space<vmem>>)
      %add3A_202 = arith.constant 0 : i32
      %add3A_203 = arith.addi %mul3A_189, %add3A_202 : i32
      "tpu.region"() ({
        %run_scoped3A_306 = tpu.sem_alloc : memref<!tpu.dma_semaphore, #tpu.memory_space<semaphore_mem>>
        %dma_start3A_307 = arith.constant 0 : i32
        %dma_start3A_308 = tpu.memref_slice %arg7[%add3A_203, %dma_start3A_307] : memref<80x128xi32, #tpu.memory_space<vmem>> -> memref<1x128xi32, #tpu.memory_space<vmem>>
        %dma_start3A_309 = tpu.memref_squeeze %dma_start3A_308 : memref<1x128xi32, #tpu.memory_space<vmem>> -> memref<128xi32, #tpu.memory_space<vmem>>
        %dma_start3A_310 = arith.constant 0 : i32
        %dma_start3A_311 = arith.constant 0 : i32
        %dma_start3A_312 = tpu.memref_slice %arg14[%dma_start3A_310, %dma_start3A_311] : memref<10240x64xf32, #tpu.memory_space<vmem_shared>> -> memref<10240x64xf32, #tpu.memory_space<vmem_shared>>
        tpu.enqueue_indirect_dma source(%arg8 : memref<128x64xf32, #tpu.memory_space<vmem>>) target(%dma_start3A_312 : memref<10240x64xf32, #tpu.memory_space<vmem_shared>>) offsets(%dma_start3A_309 : memref<128xi32, #tpu.memory_space<vmem>>) semaphore(%run_scoped3A_306 : memref<!tpu.dma_semaphore, #tpu.memory_space<semaphore_mem>>) {add = true}
        %dma_wait3A_313 = arith.constant 0 : i32
        %dma_wait3A_314 = tpu.memref_slice %arg7[%add3A_203, %dma_wait3A_313] : memref<80x128xi32, #tpu.memory_space<vmem>> -> memref<1x128xi32, #tpu.memory_space<vmem>>
        %dma_wait3A_315 = tpu.memref_squeeze %dma_wait3A_314 : memref<1x128xi32, #tpu.memory_space<vmem>> -> memref<128xi32, #tpu.memory_space<vmem>>
        %dma_wait3A_316 = arith.constant 0 : i32
        %dma_wait3A_317 = arith.constant 0 : i32
        %dma_wait3A_318 = tpu.memref_slice %arg14[%dma_wait3A_316, %dma_wait3A_317] : memref<10240x64xf32, #tpu.memory_space<vmem_shared>> -> memref<10240x64xf32, #tpu.memory_space<vmem_shared>>
        tpu.wait_indirect_dma semaphore(%run_scoped3A_306 : memref<!tpu.dma_semaphore, #tpu.memory_space<semaphore_mem>>) src(%arg8 : memref<128x64xf32, #tpu.memory_space<vmem>>) dst(%dma_wait3A_318 : memref<10240x64xf32, #tpu.memory_space<vmem_shared>>)
        tpu.yield
      }) : () -> ()
      %add3A_204 = arith.constant 0 : i32
      %add3A_205 = arith.addi %mul3A_189, %add3A_204 : i32
      %add3A_206 = arith.constant 5 : i32
      %add3A_207 = arith.addi %add3A_205, %add3A_206 : i32
      %lt3A = arith.constant 80 : i32
      %lt3A_208 = arith.cmpi slt, %add3A_207, %lt3A : i32
      %convert_element_type3A = arith.extui %lt3A_208 : i1 to i32
      %cond3A = arith.constant 0 : i32
      %cond3A_209 = arith.cmpi ne, %convert_element_type3A, %cond3A : i32
      scf.if %cond3A_209 {
        %add3A_306 = arith.constant 0 : i32
        %add3A_307 = arith.addi %mul3A_189, %add3A_306 : i32
        %add3A_308 = arith.constant 5 : i32
        %add3A_309 = arith.addi %add3A_307, %add3A_308 : i32
        %dma_start3A_310 = arith.constant 1 : i32
        %dma_start3A_311 = arith.constant 0 : i32
        %dma_start3A_312 = tpu.memref_slice %arg6[%add3A_309, %dma_start3A_311] : memref<80x128xi32, #tpu.memory_space<vmem>> -> memref<1x128xi32, #tpu.memory_space<vmem>>
        %dma_start3A_313 = tpu.memref_squeeze %dma_start3A_312 : memref<1x128xi32, #tpu.memory_space<vmem>> -> memref<128xi32, #tpu.memory_space<vmem>>
        %dma_start3A_314 = arith.constant 0 : i32
        %dma_start3A_315 = arith.constant 0 : i32
        %dma_start3A_316 = tpu.memref_slice %arg2[%dma_start3A_310, %dma_start3A_314, %dma_start3A_315] : memref<2x10000x64xf32, #tpu.memory_space<hbm>> -> memref<1x10000x64xf32, #tpu.memory_space<hbm>>
        %dma_start3A_317 = tpu.memref_squeeze %dma_start3A_316 : memref<1x10000x64xf32, #tpu.memory_space<hbm>> -> memref<10000x64xf32, #tpu.memory_space<hbm>>
        %dma_start3A_318 = arith.constant 0 : i32
        %dma_start3A_319 = arith.constant 0 : i32
        %dma_start3A_320 = tpu.memref_slice %dma_start3A_317[%dma_start3A_318, %dma_start3A_319] : memref<10000x64xf32, #tpu.memory_space<hbm>> -> memref<10000x64xf32, #tpu.memory_space<hbm>>
        tpu.enqueue_indirect_dma source(%dma_start3A_320 : memref<10000x64xf32, #tpu.memory_space<hbm>>) target(%arg8 : memref<128x64xf32, #tpu.memory_space<vmem>>) offsets(%dma_start3A_313 : memref<128xi32, #tpu.memory_space<vmem>>) semaphore(%arg15 : memref<!tpu.dma_semaphore, #tpu.memory_space<semaphore_mem>>)
      } else {
      }
      %add3A_210 = arith.constant 1 : i32
      %add3A_211 = arith.addi %mul3A_189, %add3A_210 : i32
      %dma_wait3A_212 = arith.constant 1 : i32
      %dma_wait3A_213 = arith.constant 0 : i32
      %dma_wait3A_214 = tpu.memref_slice %arg6[%add3A_211, %dma_wait3A_213] : memref<80x128xi32, #tpu.memory_space<vmem>> -> memref<1x128xi32, #tpu.memory_space<vmem>>
      %dma_wait3A_215 = tpu.memref_squeeze %dma_wait3A_214 : memref<1x128xi32, #tpu.memory_space<vmem>> -> memref<128xi32, #tpu.memory_space<vmem>>
      %dma_wait3A_216 = arith.constant 0 : i32
      %dma_wait3A_217 = arith.constant 0 : i32
      %dma_wait3A_218 = tpu.memref_slice %arg2[%dma_wait3A_212, %dma_wait3A_216, %dma_wait3A_217] : memref<2x10000x64xf32, #tpu.memory_space<hbm>> -> memref<1x10000x64xf32, #tpu.memory_space<hbm>>
      %dma_wait3A_219 = tpu.memref_squeeze %dma_wait3A_218 : memref<1x10000x64xf32, #tpu.memory_space<hbm>> -> memref<10000x64xf32, #tpu.memory_space<hbm>>
      %dma_wait3A_220 = arith.constant 0 : i32
      %dma_wait3A_221 = arith.constant 0 : i32
      %dma_wait3A_222 = tpu.memref_slice %dma_wait3A_219[%dma_wait3A_220, %dma_wait3A_221] : memref<10000x64xf32, #tpu.memory_space<hbm>> -> memref<10000x64xf32, #tpu.memory_space<hbm>>
      tpu.wait_indirect_dma semaphore(%arg16 : memref<!tpu.dma_semaphore, #tpu.memory_space<semaphore_mem>>) src(%dma_wait3A_222 : memref<10000x64xf32, #tpu.memory_space<hbm>>) dst(%arg9 : memref<128x64xf32, #tpu.memory_space<vmem>>)
      %add3A_223 = arith.constant 1 : i32
      %add3A_224 = arith.addi %mul3A_189, %add3A_223 : i32
      "tpu.region"() ({
        %run_scoped3A_306 = tpu.sem_alloc : memref<!tpu.dma_semaphore, #tpu.memory_space<semaphore_mem>>
        %dma_start3A_307 = arith.constant 0 : i32
        %dma_start3A_308 = tpu.memref_slice %arg7[%add3A_224, %dma_start3A_307] : memref<80x128xi32, #tpu.memory_space<vmem>> -> memref<1x128xi32, #tpu.memory_space<vmem>>
        %dma_start3A_309 = tpu.memref_squeeze %dma_start3A_308 : memref<1x128xi32, #tpu.memory_space<vmem>> -> memref<128xi32, #tpu.memory_space<vmem>>
        %dma_start3A_310 = arith.constant 0 : i32
        %dma_start3A_311 = arith.constant 0 : i32
        %dma_start3A_312 = tpu.memref_slice %arg14[%dma_start3A_310, %dma_start3A_311] : memref<10240x64xf32, #tpu.memory_space<vmem_shared>> -> memref<10240x64xf32, #tpu.memory_space<vmem_shared>>
        tpu.enqueue_indirect_dma source(%arg9 : memref<128x64xf32, #tpu.memory_space<vmem>>) target(%dma_start3A_312 : memref<10240x64xf32, #tpu.memory_space<vmem_shared>>) offsets(%dma_start3A_309 : memref<128xi32, #tpu.memory_space<vmem>>) semaphore(%run_scoped3A_306 : memref<!tpu.dma_semaphore, #tpu.memory_space<semaphore_mem>>) {add = true}
        %dma_wait3A_313 = arith.constant 0 : i32
        %dma_wait3A_314 = tpu.memref_slice %arg7[%add3A_224, %dma_wait3A_313] : memref<80x128xi32, #tpu.memory_space<vmem>> -> memref<1x128xi32, #tpu.memory_space<vmem>>
        %dma_wait3A_315 = tpu.memref_squeeze %dma_wait3A_314 : memref<1x128xi32, #tpu.memory_space<vmem>> -> memref<128xi32, #tpu.memory_space<vmem>>
        %dma_wait3A_316 = arith.constant 0 : i32
        %dma_wait3A_317 = arith.constant 0 : i32
        %dma_wait3A_318 = tpu.memref_slice %arg14[%dma_wait3A_316, %dma_wait3A_317] : memref<10240x64xf32, #tpu.memory_space<vmem_shared>> -> memref<10240x64xf32, #tpu.memory_space<vmem_shared>>
        tpu.wait_indirect_dma semaphore(%run_scoped3A_306 : memref<!tpu.dma_semaphore, #tpu.memory_space<semaphore_mem>>) src(%arg9 : memref<128x64xf32, #tpu.memory_space<vmem>>) dst(%dma_wait3A_318 : memref<10240x64xf32, #tpu.memory_space<vmem_shared>>)
        tpu.yield
      }) : () -> ()
      %add3A_225 = arith.constant 1 : i32
      %add3A_226 = arith.addi %mul3A_189, %add3A_225 : i32
      %add3A_227 = arith.constant 5 : i32
      %add3A_228 = arith.addi %add3A_226, %add3A_227 : i32
      %lt3A_229 = arith.constant 80 : i32
      %lt3A_230 = arith.cmpi slt, %add3A_228, %lt3A_229 : i32
      %convert_element_type3A_231 = arith.extui %lt3A_230 : i1 to i32
      %cond3A_232 = arith.constant 0 : i32
      %cond3A_233 = arith.cmpi ne, %convert_element_type3A_231, %cond3A_232 : i32
      scf.if %cond3A_233 {
        %add3A_306 = arith.constant 1 : i32
        %add3A_307 = arith.addi %mul3A_189, %add3A_306 : i32
        %add3A_308 = arith.constant 5 : i32
        %add3A_309 = arith.addi %add3A_307, %add3A_308 : i32
        %dma_start3A_310 = arith.constant 1 : i32
        %dma_start3A_311 = arith.constant 0 : i32
        %dma_start3A_312 = tpu.memref_slice %arg6[%add3A_309, %dma_start3A_311] : memref<80x128xi32, #tpu.memory_space<vmem>> -> memref<1x128xi32, #tpu.memory_space<vmem>>
        %dma_start3A_313 = tpu.memref_squeeze %dma_start3A_312 : memref<1x128xi32, #tpu.memory_space<vmem>> -> memref<128xi32, #tpu.memory_space<vmem>>
        %dma_start3A_314 = arith.constant 0 : i32
        %dma_start3A_315 = arith.constant 0 : i32
        %dma_start3A_316 = tpu.memref_slice %arg2[%dma_start3A_310, %dma_start3A_314, %dma_start3A_315] : memref<2x10000x64xf32, #tpu.memory_space<hbm>> -> memref<1x10000x64xf32, #tpu.memory_space<hbm>>
        %dma_start3A_317 = tpu.memref_squeeze %dma_start3A_316 : memref<1x10000x64xf32, #tpu.memory_space<hbm>> -> memref<10000x64xf32, #tpu.memory_space<hbm>>
        %dma_start3A_318 = arith.constant 0 : i32
        %dma_start3A_319 = arith.constant 0 : i32
        %dma_start3A_320 = tpu.memref_slice %dma_start3A_317[%dma_start3A_318, %dma_start3A_319] : memref<10000x64xf32, #tpu.memory_space<hbm>> -> memref<10000x64xf32, #tpu.memory_space<hbm>>
        tpu.enqueue_indirect_dma source(%dma_start3A_320 : memref<10000x64xf32, #tpu.memory_space<hbm>>) target(%arg9 : memref<128x64xf32, #tpu.memory_space<vmem>>) offsets(%dma_start3A_313 : memref<128xi32, #tpu.memory_space<vmem>>) semaphore(%arg16 : memref<!tpu.dma_semaphore, #tpu.memory_space<semaphore_mem>>)
      } else {
      }
      %add3A_234 = arith.constant 2 : i32
      %add3A_235 = arith.addi %mul3A_189, %add3A_234 : i32
      %dma_wait3A_236 = arith.constant 1 : i32
      %dma_wait3A_237 = arith.constant 0 : i32
      %dma_wait3A_238 = tpu.memref_slice %arg6[%add3A_235, %dma_wait3A_237] : memref<80x128xi32, #tpu.memory_space<vmem>> -> memref<1x128xi32, #tpu.memory_space<vmem>>
      %dma_wait3A_239 = tpu.memref_squeeze %dma_wait3A_238 : memref<1x128xi32, #tpu.memory_space<vmem>> -> memref<128xi32, #tpu.memory_space<vmem>>
      %dma_wait3A_240 = arith.constant 0 : i32
      %dma_wait3A_241 = arith.constant 0 : i32
      %dma_wait3A_242 = tpu.memref_slice %arg2[%dma_wait3A_236, %dma_wait3A_240, %dma_wait3A_241] : memref<2x10000x64xf32, #tpu.memory_space<hbm>> -> memref<1x10000x64xf32, #tpu.memory_space<hbm>>
      %dma_wait3A_243 = tpu.memref_squeeze %dma_wait3A_242 : memref<1x10000x64xf32, #tpu.memory_space<hbm>> -> memref<10000x64xf32, #tpu.memory_space<hbm>>
      %dma_wait3A_244 = arith.constant 0 : i32
      %dma_wait3A_245 = arith.constant 0 : i32
      %dma_wait3A_246 = tpu.memref_slice %dma_wait3A_243[%dma_wait3A_244, %dma_wait3A_245] : memref<10000x64xf32, #tpu.memory_space<hbm>> -> memref<10000x64xf32, #tpu.memory_space<hbm>>
      tpu.wait_indirect_dma semaphore(%arg17 : memref<!tpu.dma_semaphore, #tpu.memory_space<semaphore_mem>>) src(%dma_wait3A_246 : memref<10000x64xf32, #tpu.memory_space<hbm>>) dst(%arg10 : memref<128x64xf32, #tpu.memory_space<vmem>>)
      %add3A_247 = arith.constant 2 : i32
      %add3A_248 = arith.addi %mul3A_189, %add3A_247 : i32
      "tpu.region"() ({
        %run_scoped3A_306 = tpu.sem_alloc : memref<!tpu.dma_semaphore, #tpu.memory_space<semaphore_mem>>
        %dma_start3A_307 = arith.constant 0 : i32
        %dma_start3A_308 = tpu.memref_slice %arg7[%add3A_248, %dma_start3A_307] : memref<80x128xi32, #tpu.memory_space<vmem>> -> memref<1x128xi32, #tpu.memory_space<vmem>>
        %dma_start3A_309 = tpu.memref_squeeze %dma_start3A_308 : memref<1x128xi32, #tpu.memory_space<vmem>> -> memref<128xi32, #tpu.memory_space<vmem>>
        %dma_start3A_310 = arith.constant 0 : i32
        %dma_start3A_311 = arith.constant 0 : i32
        %dma_start3A_312 = tpu.memref_slice %arg14[%dma_start3A_310, %dma_start3A_311] : memref<10240x64xf32, #tpu.memory_space<vmem_shared>> -> memref<10240x64xf32, #tpu.memory_space<vmem_shared>>
        tpu.enqueue_indirect_dma source(%arg10 : memref<128x64xf32, #tpu.memory_space<vmem>>) target(%dma_start3A_312 : memref<10240x64xf32, #tpu.memory_space<vmem_shared>>) offsets(%dma_start3A_309 : memref<128xi32, #tpu.memory_space<vmem>>) semaphore(%run_scoped3A_306 : memref<!tpu.dma_semaphore, #tpu.memory_space<semaphore_mem>>) {add = true}
        %dma_wait3A_313 = arith.constant 0 : i32
        %dma_wait3A_314 = tpu.memref_slice %arg7[%add3A_248, %dma_wait3A_313] : memref<80x128xi32, #tpu.memory_space<vmem>> -> memref<1x128xi32, #tpu.memory_space<vmem>>
        %dma_wait3A_315 = tpu.memref_squeeze %dma_wait3A_314 : memref<1x128xi32, #tpu.memory_space<vmem>> -> memref<128xi32, #tpu.memory_space<vmem>>
        %dma_wait3A_316 = arith.constant 0 : i32
        %dma_wait3A_317 = arith.constant 0 : i32
        %dma_wait3A_318 = tpu.memref_slice %arg14[%dma_wait3A_316, %dma_wait3A_317] : memref<10240x64xf32, #tpu.memory_space<vmem_shared>> -> memref<10240x64xf32, #tpu.memory_space<vmem_shared>>
        tpu.wait_indirect_dma semaphore(%run_scoped3A_306 : memref<!tpu.dma_semaphore, #tpu.memory_space<semaphore_mem>>) src(%arg10 : memref<128x64xf32, #tpu.memory_space<vmem>>) dst(%dma_wait3A_318 : memref<10240x64xf32, #tpu.memory_space<vmem_shared>>)
        tpu.yield
      }) : () -> ()
      %add3A_249 = arith.constant 2 : i32
      %add3A_250 = arith.addi %mul3A_189, %add3A_249 : i32
      %add3A_251 = arith.constant 5 : i32
      %add3A_252 = arith.addi %add3A_250, %add3A_251 : i32
      %lt3A_253 = arith.constant 80 : i32
      %lt3A_254 = arith.cmpi slt, %add3A_252, %lt3A_253 : i32
      %convert_element_type3A_255 = arith.extui %lt3A_254 : i1 to i32
      %cond3A_256 = arith.constant 0 : i32
      %cond3A_257 = arith.cmpi ne, %convert_element_type3A_255, %cond3A_256 : i32
      scf.if %cond3A_257 {
        %add3A_306 = arith.constant 2 : i32
        %add3A_307 = arith.addi %mul3A_189, %add3A_306 : i32
        %add3A_308 = arith.constant 5 : i32
        %add3A_309 = arith.addi %add3A_307, %add3A_308 : i32
        %dma_start3A_310 = arith.constant 1 : i32
        %dma_start3A_311 = arith.constant 0 : i32
        %dma_start3A_312 = tpu.memref_slice %arg6[%add3A_309, %dma_start3A_311] : memref<80x128xi32, #tpu.memory_space<vmem>> -> memref<1x128xi32, #tpu.memory_space<vmem>>
        %dma_start3A_313 = tpu.memref_squeeze %dma_start3A_312 : memref<1x128xi32, #tpu.memory_space<vmem>> -> memref<128xi32, #tpu.memory_space<vmem>>
        %dma_start3A_314 = arith.constant 0 : i32
        %dma_start3A_315 = arith.constant 0 : i32
        %dma_start3A_316 = tpu.memref_slice %arg2[%dma_start3A_310, %dma_start3A_314, %dma_start3A_315] : memref<2x10000x64xf32, #tpu.memory_space<hbm>> -> memref<1x10000x64xf32, #tpu.memory_space<hbm>>
        %dma_start3A_317 = tpu.memref_squeeze %dma_start3A_316 : memref<1x10000x64xf32, #tpu.memory_space<hbm>> -> memref<10000x64xf32, #tpu.memory_space<hbm>>
        %dma_start3A_318 = arith.constant 0 : i32
        %dma_start3A_319 = arith.constant 0 : i32
        %dma_start3A_320 = tpu.memref_slice %dma_start3A_317[%dma_start3A_318, %dma_start3A_319] : memref<10000x64xf32, #tpu.memory_space<hbm>> -> memref<10000x64xf32, #tpu.memory_space<hbm>>
        tpu.enqueue_indirect_dma source(%dma_start3A_320 : memref<10000x64xf32, #tpu.memory_space<hbm>>) target(%arg10 : memref<128x64xf32, #tpu.memory_space<vmem>>) offsets(%dma_start3A_313 : memref<128xi32, #tpu.memory_space<vmem>>) semaphore(%arg17 : memref<!tpu.dma_semaphore, #tpu.memory_space<semaphore_mem>>)
      } else {
      }
      %add3A_258 = arith.constant 3 : i32
      %add3A_259 = arith.addi %mul3A_189, %add3A_258 : i32
      %dma_wait3A_260 = arith.constant 1 : i32
      %dma_wait3A_261 = arith.constant 0 : i32
      %dma_wait3A_262 = tpu.memref_slice %arg6[%add3A_259, %dma_wait3A_261] : memref<80x128xi32, #tpu.memory_space<vmem>> -> memref<1x128xi32, #tpu.memory_space<vmem>>
      %dma_wait3A_263 = tpu.memref_squeeze %dma_wait3A_262 : memref<1x128xi32, #tpu.memory_space<vmem>> -> memref<128xi32, #tpu.memory_space<vmem>>
      %dma_wait3A_264 = arith.constant 0 : i32
      %dma_wait3A_265 = arith.constant 0 : i32
      %dma_wait3A_266 = tpu.memref_slice %arg2[%dma_wait3A_260, %dma_wait3A_264, %dma_wait3A_265] : memref<2x10000x64xf32, #tpu.memory_space<hbm>> -> memref<1x10000x64xf32, #tpu.memory_space<hbm>>
      %dma_wait3A_267 = tpu.memref_squeeze %dma_wait3A_266 : memref<1x10000x64xf32, #tpu.memory_space<hbm>> -> memref<10000x64xf32, #tpu.memory_space<hbm>>
      %dma_wait3A_268 = arith.constant 0 : i32
      %dma_wait3A_269 = arith.constant 0 : i32
      %dma_wait3A_270 = tpu.memref_slice %dma_wait3A_267[%dma_wait3A_268, %dma_wait3A_269] : memref<10000x64xf32, #tpu.memory_space<hbm>> -> memref<10000x64xf32, #tpu.memory_space<hbm>>
      tpu.wait_indirect_dma semaphore(%arg18 : memref<!tpu.dma_semaphore, #tpu.memory_space<semaphore_mem>>) src(%dma_wait3A_270 : memref<10000x64xf32, #tpu.memory_space<hbm>>) dst(%arg11 : memref<128x64xf32, #tpu.memory_space<vmem>>)
      %add3A_271 = arith.constant 3 : i32
      %add3A_272 = arith.addi %mul3A_189, %add3A_271 : i32
      "tpu.region"() ({
        %run_scoped3A_306 = tpu.sem_alloc : memref<!tpu.dma_semaphore, #tpu.memory_space<semaphore_mem>>
        %dma_start3A_307 = arith.constant 0 : i32
        %dma_start3A_308 = tpu.memref_slice %arg7[%add3A_272, %dma_start3A_307] : memref<80x128xi32, #tpu.memory_space<vmem>> -> memref<1x128xi32, #tpu.memory_space<vmem>>
        %dma_start3A_309 = tpu.memref_squeeze %dma_start3A_308 : memref<1x128xi32, #tpu.memory_space<vmem>> -> memref<128xi32, #tpu.memory_space<vmem>>
        %dma_start3A_310 = arith.constant 0 : i32
        %dma_start3A_311 = arith.constant 0 : i32
        %dma_start3A_312 = tpu.memref_slice %arg14[%dma_start3A_310, %dma_start3A_311] : memref<10240x64xf32, #tpu.memory_space<vmem_shared>> -> memref<10240x64xf32, #tpu.memory_space<vmem_shared>>
        tpu.enqueue_indirect_dma source(%arg11 : memref<128x64xf32, #tpu.memory_space<vmem>>) target(%dma_start3A_312 : memref<10240x64xf32, #tpu.memory_space<vmem_shared>>) offsets(%dma_start3A_309 : memref<128xi32, #tpu.memory_space<vmem>>) semaphore(%run_scoped3A_306 : memref<!tpu.dma_semaphore, #tpu.memory_space<semaphore_mem>>) {add = true}
        %dma_wait3A_313 = arith.constant 0 : i32
        %dma_wait3A_314 = tpu.memref_slice %arg7[%add3A_272, %dma_wait3A_313] : memref<80x128xi32, #tpu.memory_space<vmem>> -> memref<1x128xi32, #tpu.memory_space<vmem>>
        %dma_wait3A_315 = tpu.memref_squeeze %dma_wait3A_314 : memref<1x128xi32, #tpu.memory_space<vmem>> -> memref<128xi32, #tpu.memory_space<vmem>>
        %dma_wait3A_316 = arith.constant 0 : i32
        %dma_wait3A_317 = arith.constant 0 : i32
        %dma_wait3A_318 = tpu.memref_slice %arg14[%dma_wait3A_316, %dma_wait3A_317] : memref<10240x64xf32, #tpu.memory_space<vmem_shared>> -> memref<10240x64xf32, #tpu.memory_space<vmem_shared>>
        tpu.wait_indirect_dma semaphore(%run_scoped3A_306 : memref<!tpu.dma_semaphore, #tpu.memory_space<semaphore_mem>>) src(%arg11 : memref<128x64xf32, #tpu.memory_space<vmem>>) dst(%dma_wait3A_318 : memref<10240x64xf32, #tpu.memory_space<vmem_shared>>)
        tpu.yield
      }) : () -> ()
      %add3A_273 = arith.constant 3 : i32
      %add3A_274 = arith.addi %mul3A_189, %add3A_273 : i32
      %add3A_275 = arith.constant 5 : i32
      %add3A_276 = arith.addi %add3A_274, %add3A_275 : i32
      %lt3A_277 = arith.constant 80 : i32
      %lt3A_278 = arith.cmpi slt, %add3A_276, %lt3A_277 : i32
      %convert_element_type3A_279 = arith.extui %lt3A_278 : i1 to i32
      %cond3A_280 = arith.constant 0 : i32
      %cond3A_281 = arith.cmpi ne, %convert_element_type3A_279, %cond3A_280 : i32
      scf.if %cond3A_281 {
        %add3A_306 = arith.constant 3 : i32
        %add3A_307 = arith.addi %mul3A_189, %add3A_306 : i32
        %add3A_308 = arith.constant 5 : i32
        %add3A_309 = arith.addi %add3A_307, %add3A_308 : i32
        %dma_start3A_310 = arith.constant 1 : i32
        %dma_start3A_311 = arith.constant 0 : i32
        %dma_start3A_312 = tpu.memref_slice %arg6[%add3A_309, %dma_start3A_311] : memref<80x128xi32, #tpu.memory_space<vmem>> -> memref<1x128xi32, #tpu.memory_space<vmem>>
        %dma_start3A_313 = tpu.memref_squeeze %dma_start3A_312 : memref<1x128xi32, #tpu.memory_space<vmem>> -> memref<128xi32, #tpu.memory_space<vmem>>
        %dma_start3A_314 = arith.constant 0 : i32
        %dma_start3A_315 = arith.constant 0 : i32
        %dma_start3A_316 = tpu.memref_slice %arg2[%dma_start3A_310, %dma_start3A_314, %dma_start3A_315] : memref<2x10000x64xf32, #tpu.memory_space<hbm>> -> memref<1x10000x64xf32, #tpu.memory_space<hbm>>
        %dma_start3A_317 = tpu.memref_squeeze %dma_start3A_316 : memref<1x10000x64xf32, #tpu.memory_space<hbm>> -> memref<10000x64xf32, #tpu.memory_space<hbm>>
        %dma_start3A_318 = arith.constant 0 : i32
        %dma_start3A_319 = arith.constant 0 : i32
        %dma_start3A_320 = tpu.memref_slice %dma_start3A_317[%dma_start3A_318, %dma_start3A_319] : memref<10000x64xf32, #tpu.memory_space<hbm>> -> memref<10000x64xf32, #tpu.memory_space<hbm>>
        tpu.enqueue_indirect_dma source(%dma_start3A_320 : memref<10000x64xf32, #tpu.memory_space<hbm>>) target(%arg11 : memref<128x64xf32, #tpu.memory_space<vmem>>) offsets(%dma_start3A_313 : memref<128xi32, #tpu.memory_space<vmem>>) semaphore(%arg18 : memref<!tpu.dma_semaphore, #tpu.memory_space<semaphore_mem>>)
      } else {
      }
      %add3A_282 = arith.constant 4 : i32
      %add3A_283 = arith.addi %mul3A_189, %add3A_282 : i32
      %dma_wait3A_284 = arith.constant 1 : i32
      %dma_wait3A_285 = arith.constant 0 : i32
      %dma_wait3A_286 = tpu.memref_slice %arg6[%add3A_283, %dma_wait3A_285] : memref<80x128xi32, #tpu.memory_space<vmem>> -> memref<1x128xi32, #tpu.memory_space<vmem>>
      %dma_wait3A_287 = tpu.memref_squeeze %dma_wait3A_286 : memref<1x128xi32, #tpu.memory_space<vmem>> -> memref<128xi32, #tpu.memory_space<vmem>>
      %dma_wait3A_288 = arith.constant 0 : i32
      %dma_wait3A_289 = arith.constant 0 : i32
      %dma_wait3A_290 = tpu.memref_slice %arg2[%dma_wait3A_284, %dma_wait3A_288, %dma_wait3A_289] : memref<2x10000x64xf32, #tpu.memory_space<hbm>> -> memref<1x10000x64xf32, #tpu.memory_space<hbm>>
      %dma_wait3A_291 = tpu.memref_squeeze %dma_wait3A_290 : memref<1x10000x64xf32, #tpu.memory_space<hbm>> -> memref<10000x64xf32, #tpu.memory_space<hbm>>
      %dma_wait3A_292 = arith.constant 0 : i32
      %dma_wait3A_293 = arith.constant 0 : i32
      %dma_wait3A_294 = tpu.memref_slice %dma_wait3A_291[%dma_wait3A_292, %dma_wait3A_293] : memref<10000x64xf32, #tpu.memory_space<hbm>> -> memref<10000x64xf32, #tpu.memory_space<hbm>>
      tpu.wait_indirect_dma semaphore(%arg19 : memref<!tpu.dma_semaphore, #tpu.memory_space<semaphore_mem>>) src(%dma_wait3A_294 : memref<10000x64xf32, #tpu.memory_space<hbm>>) dst(%arg12 : memref<128x64xf32, #tpu.memory_space<vmem>>)
      %add3A_295 = arith.constant 4 : i32
      %add3A_296 = arith.addi %mul3A_189, %add3A_295 : i32
      "tpu.region"() ({
        %run_scoped3A_306 = tpu.sem_alloc : memref<!tpu.dma_semaphore, #tpu.memory_space<semaphore_mem>>
        %dma_start3A_307 = arith.constant 0 : i32
        %dma_start3A_308 = tpu.memref_slice %arg7[%add3A_296, %dma_start3A_307] : memref<80x128xi32, #tpu.memory_space<vmem>> -> memref<1x128xi32, #tpu.memory_space<vmem>>
        %dma_start3A_309 = tpu.memref_squeeze %dma_start3A_308 : memref<1x128xi32, #tpu.memory_space<vmem>> -> memref<128xi32, #tpu.memory_space<vmem>>
        %dma_start3A_310 = arith.constant 0 : i32
        %dma_start3A_311 = arith.constant 0 : i32
        %dma_start3A_312 = tpu.memref_slice %arg14[%dma_start3A_310, %dma_start3A_311] : memref<10240x64xf32, #tpu.memory_space<vmem_shared>> -> memref<10240x64xf32, #tpu.memory_space<vmem_shared>>
        tpu.enqueue_indirect_dma source(%arg12 : memref<128x64xf32, #tpu.memory_space<vmem>>) target(%dma_start3A_312 : memref<10240x64xf32, #tpu.memory_space<vmem_shared>>) offsets(%dma_start3A_309 : memref<128xi32, #tpu.memory_space<vmem>>) semaphore(%run_scoped3A_306 : memref<!tpu.dma_semaphore, #tpu.memory_space<semaphore_mem>>) {add = true}
        %dma_wait3A_313 = arith.constant 0 : i32
        %dma_wait3A_314 = tpu.memref_slice %arg7[%add3A_296, %dma_wait3A_313] : memref<80x128xi32, #tpu.memory_space<vmem>> -> memref<1x128xi32, #tpu.memory_space<vmem>>
        %dma_wait3A_315 = tpu.memref_squeeze %dma_wait3A_314 : memref<1x128xi32, #tpu.memory_space<vmem>> -> memref<128xi32, #tpu.memory_space<vmem>>
        %dma_wait3A_316 = arith.constant 0 : i32
        %dma_wait3A_317 = arith.constant 0 : i32
        %dma_wait3A_318 = tpu.memref_slice %arg14[%dma_wait3A_316, %dma_wait3A_317] : memref<10240x64xf32, #tpu.memory_space<vmem_shared>> -> memref<10240x64xf32, #tpu.memory_space<vmem_shared>>
        tpu.wait_indirect_dma semaphore(%run_scoped3A_306 : memref<!tpu.dma_semaphore, #tpu.memory_space<semaphore_mem>>) src(%arg12 : memref<128x64xf32, #tpu.memory_space<vmem>>) dst(%dma_wait3A_318 : memref<10240x64xf32, #tpu.memory_space<vmem_shared>>)
        tpu.yield
      }) : () -> ()
      %add3A_297 = arith.constant 4 : i32
      %add3A_298 = arith.addi %mul3A_189, %add3A_297 : i32
      %add3A_299 = arith.constant 5 : i32
      %add3A_300 = arith.addi %add3A_298, %add3A_299 : i32
      %lt3A_301 = arith.constant 80 : i32
      %lt3A_302 = arith.cmpi slt, %add3A_300, %lt3A_301 : i32
      %convert_element_type3A_303 = arith.extui %lt3A_302 : i1 to i32
      %cond3A_304 = arith.constant 0 : i32
      %cond3A_305 = arith.cmpi ne, %convert_element_type3A_303, %cond3A_304 : i32
      scf.if %cond3A_305 {
        %add3A_306 = arith.constant 4 : i32
        %add3A_307 = arith.addi %mul3A_189, %add3A_306 : i32
        %add3A_308 = arith.constant 5 : i32
        %add3A_309 = arith.addi %add3A_307, %add3A_308 : i32
        %dma_start3A_310 = arith.constant 1 : i32
        %dma_start3A_311 = arith.constant 0 : i32
        %dma_start3A_312 = tpu.memref_slice %arg6[%add3A_309, %dma_start3A_311] : memref<80x128xi32, #tpu.memory_space<vmem>> -> memref<1x128xi32, #tpu.memory_space<vmem>>
        %dma_start3A_313 = tpu.memref_squeeze %dma_start3A_312 : memref<1x128xi32, #tpu.memory_space<vmem>> -> memref<128xi32, #tpu.memory_space<vmem>>
        %dma_start3A_314 = arith.constant 0 : i32
        %dma_start3A_315 = arith.constant 0 : i32
        %dma_start3A_316 = tpu.memref_slice %arg2[%dma_start3A_310, %dma_start3A_314, %dma_start3A_315] : memref<2x10000x64xf32, #tpu.memory_space<hbm>> -> memref<1x10000x64xf32, #tpu.memory_space<hbm>>
        %dma_start3A_317 = tpu.memref_squeeze %dma_start3A_316 : memref<1x10000x64xf32, #tpu.memory_space<hbm>> -> memref<10000x64xf32, #tpu.memory_space<hbm>>
        %dma_start3A_318 = arith.constant 0 : i32
        %dma_start3A_319 = arith.constant 0 : i32
        %dma_start3A_320 = tpu.memref_slice %dma_start3A_317[%dma_start3A_318, %dma_start3A_319] : memref<10000x64xf32, #tpu.memory_space<hbm>> -> memref<10000x64xf32, #tpu.memory_space<hbm>>
        tpu.enqueue_indirect_dma source(%dma_start3A_320 : memref<10000x64xf32, #tpu.memory_space<hbm>>) target(%arg12 : memref<128x64xf32, #tpu.memory_space<vmem>>) offsets(%dma_start3A_313 : memref<128xi32, #tpu.memory_space<vmem>>) semaphore(%arg19 : memref<!tpu.dma_semaphore, #tpu.memory_space<semaphore_mem>>)
      } else {
      }
    }
    %scan3A_180 = arith.constant 16 : i32
    %barrier3A_181 = arith.constant 0 : index
    tpu.barrier barrier_id(%barrier3A_181)
    %mul3A_182 = arith.constant 640 : i32
    %mul3A_183 = arith.muli %arg1, %mul3A_182 : i32
    %mul3A_184 = arith.constant 640 : i32
    %mul3A_185 = arith.muli %arg1, %mul3A_184 : i32
    %run_scoped3A_186 = arith.constant 1 : i32
    "tpu.region"() ({
      %run_scoped3A_187 = tpu.sem_alloc : memref<!tpu.dma_semaphore, #tpu.memory_space<semaphore_mem>>
      %dma_start3A_188 = arith.constant 0 : i32
      %dma_start3A_189 = arith.constant 0 : i32
      %dma_start3A_190 = arith.constant 0 : i32
      %dma_start3A_191 = tpu.memref_slice %arg5[%arg0, %dma_start3A_188, %dma_start3A_189, %dma_start3A_190] : memref<2x2x10240x64xf32, #tpu.memory_space<hbm>> -> memref<1x2x10240x64xf32, #tpu.memory_space<hbm>>
      %dma_start3A_192 = tpu.memref_squeeze %dma_start3A_191 : memref<1x2x10240x64xf32, #tpu.memory_space<hbm>> -> memref<2x10240x64xf32, #tpu.memory_space<hbm>>
      %dma_start3A_193 = arith.constant 0 : i32
      %dma_start3A_194 = arith.constant 0 : i32
      %dma_start3A_195 = tpu.memref_slice %dma_start3A_192[%run_scoped3A_186, %dma_start3A_193, %dma_start3A_194] : memref<2x10240x64xf32, #tpu.memory_space<hbm>> -> memref<1x10240x64xf32, #tpu.memory_space<hbm>>
      %dma_start3A_196 = tpu.memref_squeeze %dma_start3A_195 : memref<1x10240x64xf32, #tpu.memory_space<hbm>> -> memref<10240x64xf32, #tpu.memory_space<hbm>>
      %dma_start3A_197 = arith.constant 0 : i32
      %dma_start3A_198 = tpu.memref_slice %dma_start3A_196[%mul3A_185, %dma_start3A_197] : memref<10240x64xf32, #tpu.memory_space<hbm>> -> memref<640x64xf32, #tpu.memory_space<hbm>>
      %dma_start3A_199 = arith.constant 0 : i32
      %dma_start3A_200 = tpu.memref_slice %arg14[%mul3A_183, %dma_start3A_199] : memref<10240x64xf32, #tpu.memory_space<vmem_shared>> -> memref<640x64xf32, #tpu.memory_space<vmem_shared>>
      tpu.enqueue_dma source(%dma_start3A_200 : memref<640x64xf32, #tpu.memory_space<vmem_shared>>) target(%dma_start3A_198 : memref<640x64xf32, #tpu.memory_space<hbm>>) target_semaphore(%run_scoped3A_187 : memref<!tpu.dma_semaphore, #tpu.memory_space<semaphore_mem>>)
      %dma_wait3A = arith.constant 0 : i32
      %dma_wait3A_201 = arith.constant 0 : i32
      %dma_wait3A_202 = arith.constant 0 : i32
      %dma_wait3A_203 = tpu.memref_slice %arg5[%arg0, %dma_wait3A, %dma_wait3A_201, %dma_wait3A_202] : memref<2x2x10240x64xf32, #tpu.memory_space<hbm>> -> memref<1x2x10240x64xf32, #tpu.memory_space<hbm>>
      %dma_wait3A_204 = tpu.memref_squeeze %dma_wait3A_203 : memref<1x2x10240x64xf32, #tpu.memory_space<hbm>> -> memref<2x10240x64xf32, #tpu.memory_space<hbm>>
      %dma_wait3A_205 = arith.constant 0 : i32
      %dma_wait3A_206 = arith.constant 0 : i32
      %dma_wait3A_207 = tpu.memref_slice %dma_wait3A_204[%run_scoped3A_186, %dma_wait3A_205, %dma_wait3A_206] : memref<2x10240x64xf32, #tpu.memory_space<hbm>> -> memref<1x10240x64xf32, #tpu.memory_space<hbm>>
      %dma_wait3A_208 = tpu.memref_squeeze %dma_wait3A_207 : memref<1x10240x64xf32, #tpu.memory_space<hbm>> -> memref<10240x64xf32, #tpu.memory_space<hbm>>
      %dma_wait3A_209 = arith.constant 0 : i32
      %dma_wait3A_210 = tpu.memref_slice %dma_wait3A_208[%mul3A_185, %dma_wait3A_209] : memref<10240x64xf32, #tpu.memory_space<hbm>> -> memref<640x64xf32, #tpu.memory_space<hbm>>
      %dma_wait3A_211 = arith.constant 0 : i32
      %dma_wait3A_212 = tpu.memref_slice %arg14[%mul3A_183, %dma_wait3A_211] : memref<10240x64xf32, #tpu.memory_space<vmem_shared>> -> memref<640x64xf32, #tpu.memory_space<vmem_shared>>
      tpu.wait_dma2 semaphore(%run_scoped3A_187 : memref<!tpu.dma_semaphore, #tpu.memory_space<semaphore_mem>>) src(%dma_wait3A_212 : memref<640x64xf32, #tpu.memory_space<vmem_shared>>) dst(%dma_wait3A_210 : memref<640x64xf32, #tpu.memory_space<hbm>>)
      tpu.yield
    }) : () -> ()
    return
  }
}

#map = affine_map<(d0, d1) -> (0, 0, 0)>
#map1 = affine_map<(d0, d1) -> (0, 0, 0, 0)>
module attributes {stable_mosaic.version = 14 : i64} {
  func.func @_spmm_body(%arg0: i32, %arg1: i32, %arg2: memref<2x10000x64xf32, #tpu.memory_space<hbm>>, %arg3: memref<2x16x80x128xi32, #tpu.memory_space<hbm>>, %arg4: memref<2x16x80x128xi32, #tpu.memory_space<hbm>>, %arg5: memref<2x2x10240x64xf32, #tpu.memory_space<hbm>>, %arg6: memref<80x128xi32, #tpu.memory_space<vmem>>, %arg7: memref<80x128xi32, #tpu.memory_space<vmem>>, %arg8: memref<128x64xf32, #tpu.memory_space<vmem>>, %arg9: memref<128x64xf32, #tpu.memory_space<vmem>>, %arg10: memref<128x64xf32, #tpu.memory_space<vmem>>, %arg11: memref<128x64xf32, #tpu.memory_space<vmem>>, %arg12: memref<128x64xf32, #tpu.memory_space<vmem>>, %arg13: memref<128x64xf32, #tpu.memory_space<vmem>>, %arg14: memref<10240x64xf32, #tpu.memory_space<vmem_shared>>, %arg15: memref<!tpu.dma_semaphore, #tpu.memory_space<semaphore_mem>>, %arg16: memref<!tpu.dma_semaphore, #tpu.memory_space<semaphore_mem>>, %arg17: memref<!tpu.dma_semaphore, #tpu.memory_space<semaphore_mem>>, %arg18: memref<!tpu.dma_semaphore, #tpu.memory_space<semaphore_mem>>, %arg19: memref<!tpu.dma_semaphore, #tpu.memory_space<semaphore_mem>>) attributes {dimension_semantics = [#tpu.dimension_semantics<core_parallel>, #tpu.dimension_semantics<subcore_parallel>], iteration_bounds = array<i64: 2, 16>, scalar_prefetch = 0 : i64, scratch_operands = 14 : i64, tpu.core_type = #tpu.core_type<sc_vector_subcore>, window_params = [{transform_indices = #map}, {transform_indices = #map1}, {transform_indices = #map1}, {transform_indices = #map1}]} {
    "tpu.region"() ({
      %run_scoped3A_187 = tpu.sem_alloc : memref<!tpu.dma_semaphore, #tpu.memory_space<semaphore_mem>>
      %dma_start3A_188 = arith.constant 0 : i32
      %dma_start3A_189 = arith.constant 0 : i32
      %dma_start3A_190 = arith.constant 0 : i32
      %dma_start3A_191 = tpu.memref_slice %arg3[%arg0, %dma_start3A_188, %dma_start3A_189, %dma_start3A_190] : memref<2x16x80x128xi32, #tpu.memory_space<hbm>> -> memref<1x16x80x128xi32, #tpu.memory_space<hbm>>
      %dma_start3A_192 = tpu.memref_squeeze %dma_start3A_191 : memref<1x16x80x128xi32, #tpu.memory_space<hbm>> -> memref<16x80x128xi32, #tpu.memory_space<hbm>>
      %dma_start3A_193 = arith.constant 0 : i32
      %dma_start3A_194 = arith.constant 0 : i32
      %dma_start3A_195 = tpu.memref_slice %dma_start3A_192[%arg1, %dma_start3A_193, %dma_start3A_194] : memref<16x80x128xi32, #tpu.memory_space<hbm>> -> memref<1x80x128xi32, #tpu.memory_space<hbm>>
      %dma_start3A_196 = tpu.memref_squeeze %dma_start3A_195 : memref<1x80x128xi32, #tpu.memory_space<hbm>> -> memref<80x128xi32, #tpu.memory_space<hbm>>
      %dma_start3A_197 = arith.constant 0 : i32
      %dma_start3A_198 = arith.constant 0 : i32
      %dma_start3A_199 = arith.constant 0 : i32
      %dma_start3A_200 = tpu.memref_slice %arg3[%arg0, %dma_start3A_197, %dma_start3A_198, %dma_start3A_199] : memref<2x16x80x128xi32, #tpu.memory_space<hbm>> -> memref<1x16x80x128xi32, #tpu.memory_space<hbm>>
      %dma_start3A_201 = tpu.memref_squeeze %dma_start3A_200 : memref<1x16x80x128xi32, #tpu.memory_space<hbm>> -> memref<16x80x128xi32, #tpu.memory_space<hbm>>
      %dma_start3A_202 = arith.constant 0 : i32
      %dma_start3A_203 = arith.constant 0 : i32
      %dma_start3A_204 = tpu.memref_slice %dma_start3A_201[%arg1, %dma_start3A_202, %dma_start3A_203] : memref<16x80x128xi32, #tpu.memory_space<hbm>> -> memref<1x80x128xi32, #tpu.memory_space<hbm>>
      %dma_start3A_205 = tpu.memref_squeeze %dma_start3A_204 : memref<1x80x128xi32, #tpu.memory_space<hbm>> -> memref<80x128xi32, #tpu.memory_space<hbm>>
      tpu.enqueue_dma source(%dma_start3A_205 : memref<80x128xi32, #tpu.memory_space<hbm>>) target(%arg6 : memref<80x128xi32, #tpu.memory_space<vmem>>) target_semaphore(%run_scoped3A_187 : memref<!tpu.dma_semaphore, #tpu.memory_space<semaphore_mem>>)
      %dma_wait3A = arith.constant 0 : i32
      %dma_wait3A_206 = arith.constant 0 : i32
      %dma_wait3A_207 = arith.constant 0 : i32
      %dma_wait3A_208 = tpu.memref_slice %arg3[%arg0, %dma_wait3A, %dma_wait3A_206, %dma_wait3A_207] : memref<2x16x80x128xi32, #tpu.memory_space<hbm>> -> memref<1x16x80x128xi32, #tpu.memory_space<hbm>>
      %dma_wait3A_209 = tpu.memref_squeeze %dma_wait3A_208 : memref<1x16x80x128xi32, #tpu.memory_space<hbm>> -> memref<16x80x128xi32, #tpu.memory_space<hbm>>
      %dma_wait3A_210 = arith.constant 0 : i32
      %dma_wait3A_211 = arith.constant 0 : i32
      %dma_wait3A_212 = tpu.memref_slice %dma_wait3A_209[%arg1, %dma_wait3A_210, %dma_wait3A_211] : memref<16x80x128xi32, #tpu.memory_space<hbm>> -> memref<1x80x128xi32, #tpu.memory_space<hbm>>
      %dma_wait3A_213 = tpu.memref_squeeze %dma_wait3A_212 : memref<1x80x128xi32, #tpu.memory_space<hbm>> -> memref<80x128xi32, #tpu.memory_space<hbm>>
      %dma_wait3A_214 = arith.constant 0 : i32
      %dma_wait3A_215 = arith.constant 0 : i32
      %dma_wait3A_216 = arith.constant 0 : i32
      %dma_wait3A_217 = tpu.memref_slice %arg3[%arg0, %dma_wait3A_214, %dma_wait3A_215, %dma_wait3A_216] : memref<2x16x80x128xi32, #tpu.memory_space<hbm>> -> memref<1x16x80x128xi32, #tpu.memory_space<hbm>>
      %dma_wait3A_218 = tpu.memref_squeeze %dma_wait3A_217 : memref<1x16x80x128xi32, #tpu.memory_space<hbm>> -> memref<16x80x128xi32, #tpu.memory_space<hbm>>
      %dma_wait3A_219 = arith.constant 0 : i32
      %dma_wait3A_220 = arith.constant 0 : i32
      %dma_wait3A_221 = tpu.memref_slice %dma_wait3A_218[%arg1, %dma_wait3A_219, %dma_wait3A_220] : memref<16x80x128xi32, #tpu.memory_space<hbm>> -> memref<1x80x128xi32, #tpu.memory_space<hbm>>
      %dma_wait3A_222 = tpu.memref_squeeze %dma_wait3A_221 : memref<1x80x128xi32, #tpu.memory_space<hbm>> -> memref<80x128xi32, #tpu.memory_space<hbm>>
      tpu.wait_dma2 semaphore(%run_scoped3A_187 : memref<!tpu.dma_semaphore, #tpu.memory_space<semaphore_mem>>) src(%dma_wait3A_222 : memref<80x128xi32, #tpu.memory_space<hbm>>) dst(%arg6 : memref<80x128xi32, #tpu.memory_space<vmem>>)
      tpu.yield
    }) : () -> ()
    "tpu.region"() ({
      %run_scoped3A_187 = tpu.sem_alloc : memref<!tpu.dma_semaphore, #tpu.memory_space<semaphore_mem>>
      %dma_start3A_188 = arith.constant 0 : i32
      %dma_start3A_189 = arith.constant 0 : i32
      %dma_start3A_190 = arith.constant 0 : i32
      %dma_start3A_191 = tpu.memref_slice %arg4[%arg0, %dma_start3A_188, %dma_start3A_189, %dma_start3A_190] : memref<2x16x80x128xi32, #tpu.memory_space<hbm>> -> memref<1x16x80x128xi32, #tpu.memory_space<hbm>>
      %dma_start3A_192 = tpu.memref_squeeze %dma_start3A_191 : memref<1x16x80x128xi32, #tpu.memory_space<hbm>> -> memref<16x80x128xi32, #tpu.memory_space<hbm>>
      %dma_start3A_193 = arith.constant 0 : i32
      %dma_start3A_194 = arith.constant 0 : i32
      %dma_start3A_195 = tpu.memref_slice %dma_start3A_192[%arg1, %dma_start3A_193, %dma_start3A_194] : memref<16x80x128xi32, #tpu.memory_space<hbm>> -> memref<1x80x128xi32, #tpu.memory_space<hbm>>
      %dma_start3A_196 = tpu.memref_squeeze %dma_start3A_195 : memref<1x80x128xi32, #tpu.memory_space<hbm>> -> memref<80x128xi32, #tpu.memory_space<hbm>>
      %dma_start3A_197 = arith.constant 0 : i32
      %dma_start3A_198 = arith.constant 0 : i32
      %dma_start3A_199 = arith.constant 0 : i32
      %dma_start3A_200 = tpu.memref_slice %arg4[%arg0, %dma_start3A_197, %dma_start3A_198, %dma_start3A_199] : memref<2x16x80x128xi32, #tpu.memory_space<hbm>> -> memref<1x16x80x128xi32, #tpu.memory_space<hbm>>
      %dma_start3A_201 = tpu.memref_squeeze %dma_start3A_200 : memref<1x16x80x128xi32, #tpu.memory_space<hbm>> -> memref<16x80x128xi32, #tpu.memory_space<hbm>>
      %dma_start3A_202 = arith.constant 0 : i32
      %dma_start3A_203 = arith.constant 0 : i32
      %dma_start3A_204 = tpu.memref_slice %dma_start3A_201[%arg1, %dma_start3A_202, %dma_start3A_203] : memref<16x80x128xi32, #tpu.memory_space<hbm>> -> memref<1x80x128xi32, #tpu.memory_space<hbm>>
      %dma_start3A_205 = tpu.memref_squeeze %dma_start3A_204 : memref<1x80x128xi32, #tpu.memory_space<hbm>> -> memref<80x128xi32, #tpu.memory_space<hbm>>
      tpu.enqueue_dma source(%dma_start3A_205 : memref<80x128xi32, #tpu.memory_space<hbm>>) target(%arg7 : memref<80x128xi32, #tpu.memory_space<vmem>>) target_semaphore(%run_scoped3A_187 : memref<!tpu.dma_semaphore, #tpu.memory_space<semaphore_mem>>)
      %dma_wait3A = arith.constant 0 : i32
      %dma_wait3A_206 = arith.constant 0 : i32
      %dma_wait3A_207 = arith.constant 0 : i32
      %dma_wait3A_208 = tpu.memref_slice %arg4[%arg0, %dma_wait3A, %dma_wait3A_206, %dma_wait3A_207] : memref<2x16x80x128xi32, #tpu.memory_space<hbm>> -> memref<1x16x80x128xi32, #tpu.memory_space<hbm>>
      %dma_wait3A_209 = tpu.memref_squeeze %dma_wait3A_208 : memref<1x16x80x128xi32, #tpu.memory_space<hbm>> -> memref<16x80x128xi32, #tpu.memory_space<hbm>>
      %dma_wait3A_210 = arith.constant 0 : i32
      %dma_wait3A_211 = arith.constant 0 : i32
      %dma_wait3A_212 = tpu.memref_slice %dma_wait3A_209[%arg1, %dma_wait3A_210, %dma_wait3A_211] : memref<16x80x128xi32, #tpu.memory_space<hbm>> -> memref<1x80x128xi32, #tpu.memory_space<hbm>>
      %dma_wait3A_213 = tpu.memref_squeeze %dma_wait3A_212 : memref<1x80x128xi32, #tpu.memory_space<hbm>> -> memref<80x128xi32, #tpu.memory_space<hbm>>
      %dma_wait3A_214 = arith.constant 0 : i32
      %dma_wait3A_215 = arith.constant 0 : i32
      %dma_wait3A_216 = arith.constant 0 : i32
      %dma_wait3A_217 = tpu.memref_slice %arg4[%arg0, %dma_wait3A_214, %dma_wait3A_215, %dma_wait3A_216] : memref<2x16x80x128xi32, #tpu.memory_space<hbm>> -> memref<1x16x80x128xi32, #tpu.memory_space<hbm>>
      %dma_wait3A_218 = tpu.memref_squeeze %dma_wait3A_217 : memref<1x16x80x128xi32, #tpu.memory_space<hbm>> -> memref<16x80x128xi32, #tpu.memory_space<hbm>>
      %dma_wait3A_219 = arith.constant 0 : i32
      %dma_wait3A_220 = arith.constant 0 : i32
      %dma_wait3A_221 = tpu.memref_slice %dma_wait3A_218[%arg1, %dma_wait3A_219, %dma_wait3A_220] : memref<16x80x128xi32, #tpu.memory_space<hbm>> -> memref<1x80x128xi32, #tpu.memory_space<hbm>>
      %dma_wait3A_222 = tpu.memref_squeeze %dma_wait3A_221 : memref<1x80x128xi32, #tpu.memory_space<hbm>> -> memref<80x128xi32, #tpu.memory_space<hbm>>
      tpu.wait_dma2 semaphore(%run_scoped3A_187 : memref<!tpu.dma_semaphore, #tpu.memory_space<semaphore_mem>>) src(%dma_wait3A_222 : memref<80x128xi32, #tpu.memory_space<hbm>>) dst(%arg7 : memref<80x128xi32, #tpu.memory_space<vmem>>)
      tpu.yield
    }) : () -> ()
    %broadcast_in_dim3A = arith.constant 0.000000e+00 : f32
    %broadcast_in_dim3A_0 = vector.broadcast %broadcast_in_dim3A : f32 to vector<16xf32>
    %scan3A = arith.constant 0 : i32
    %scan3A_1 = arith.constant 0 : i32
    %scan3A_2 = arith.constant 128 : i32
    %scan3A_3 = arith.addi %scan3A_1, %scan3A_2 : i32
    %scan3A_4 = arith.constant 1 : i32
    scf.for %scan3A_187 = %scan3A_1 to %scan3A_3 step %scan3A_4  : i32 {
      %swap3A = arith.index_cast %scan3A_187 : i32 to index
      %swap3A_188 = arith.constant 0 : index
      %swap3A_189 = tpu.vector_load %arg13[%swap3A, %swap3A_188] {strides = array<i32>} : memref<128x64xf32, #tpu.memory_space<vmem>>, vector<1x16xf32>,
      %swap3A_190 = vector.shape_cast %swap3A_189 : vector<1x16xf32> to vector<16xf32>
      %swap3A_191 = vector.shape_cast %broadcast_in_dim3A_0 : vector<16xf32> to vector<1x16xf32>
      tpu.vector_store %arg13[%swap3A, %swap3A_188], %swap3A_191 {strides = array<i32>} : memref<128x64xf32, #tpu.memory_space<vmem>>, vector<1x16xf32>,
      %swap3A_192 = arith.index_cast %scan3A_187 : i32 to index
      %swap3A_193 = arith.constant 16 : index
      %swap3A_194 = tpu.vector_load %arg13[%swap3A_192, %swap3A_193] {strides = array<i32>} : memref<128x64xf32, #tpu.memory_space<vmem>>, vector<1x16xf32>,
      %swap3A_195 = vector.shape_cast %swap3A_194 : vector<1x16xf32> to vector<16xf32>
      %swap3A_196 = vector.shape_cast %broadcast_in_dim3A_0 : vector<16xf32> to vector<1x16xf32>
      tpu.vector_store %arg13[%swap3A_192, %swap3A_193], %swap3A_196 {strides = array<i32>} : memref<128x64xf32, #tpu.memory_space<vmem>>, vector<1x16xf32>,
      %swap3A_197 = arith.index_cast %scan3A_187 : i32 to index
      %swap3A_198 = arith.constant 32 : index
      %swap3A_199 = tpu.vector_load %arg13[%swap3A_197, %swap3A_198] {strides = array<i32>} : memref<128x64xf32, #tpu.memory_space<vmem>>, vector<1x16xf32>,
      %swap3A_200 = vector.shape_cast %swap3A_199 : vector<1x16xf32> to vector<16xf32>
      %swap3A_201 = vector.shape_cast %broadcast_in_dim3A_0 : vector<16xf32> to vector<1x16xf32>
      tpu.vector_store %arg13[%swap3A_197, %swap3A_198], %swap3A_201 {strides = array<i32>} : memref<128x64xf32, #tpu.memory_space<vmem>>, vector<1x16xf32>,
      %swap3A_202 = arith.index_cast %scan3A_187 : i32 to index
      %swap3A_203 = arith.constant 48 : index
      %swap3A_204 = tpu.vector_load %arg13[%swap3A_202, %swap3A_203] {strides = array<i32>} : memref<128x64xf32, #tpu.memory_space<vmem>>, vector<1x16xf32>,
      %swap3A_205 = vector.shape_cast %swap3A_204 : vector<1x16xf32> to vector<16xf32>
      %swap3A_206 = vector.shape_cast %broadcast_in_dim3A_0 : vector<16xf32> to vector<1x16xf32>
      tpu.vector_store %arg13[%swap3A_202, %swap3A_203], %swap3A_206 {strides = array<i32>} : memref<128x64xf32, #tpu.memory_space<vmem>>, vector<1x16xf32>,
    }
    %scan3A_5 = arith.constant 128 : i32
    %mul3A = arith.constant 640 : i32
    %mul3A_6 = arith.muli %arg1, %mul3A : i32
    %add3A = arith.constant 0 : i32
    %add3A_7 = arith.addi %mul3A_6, %add3A : i32
    "tpu.region"() ({
      %run_scoped3A_187 = tpu.sem_alloc : memref<!tpu.dma_semaphore, #tpu.memory_space<semaphore_mem>>
      %dma_start3A_188 = arith.constant 0 : i32
      %dma_start3A_189 = tpu.memref_slice %arg14[%add3A_7, %dma_start3A_188] : memref<10240x64xf32, #tpu.memory_space<vmem_shared>> -> memref<128x64xf32, #tpu.memory_space<vmem_shared>>
      %dma_start3A_190 = arith.constant 0 : i32
      %dma_start3A_191 = tpu.memref_slice %arg14[%add3A_7, %dma_start3A_190] : memref<10240x64xf32, #tpu.memory_space<vmem_shared>> -> memref<128x64xf32, #tpu.memory_space<vmem_shared>>
      tpu.enqueue_dma source(%arg13 : memref<128x64xf32, #tpu.memory_space<vmem>>) target(%dma_start3A_191 : memref<128x64xf32, #tpu.memory_space<vmem_shared>>) target_semaphore(%run_scoped3A_187 : memref<!tpu.dma_semaphore, #tpu.memory_space<semaphore_mem>>)
      %dma_wait3A = arith.constant 0 : i32
      %dma_wait3A_192 = tpu.memref_slice %arg14[%add3A_7, %dma_wait3A] : memref<10240x64xf32, #tpu.memory_space<vmem_shared>> -> memref<128x64xf32, #tpu.memory_space<vmem_shared>>
      %dma_wait3A_193 = arith.constant 0 : i32
      %dma_wait3A_194 = tpu.memref_slice %arg14[%add3A_7, %dma_wait3A_193] : memref<10240x64xf32, #tpu.memory_space<vmem_shared>> -> memref<128x64xf32, #tpu.memory_space<vmem_shared>>
      tpu.wait_dma2 semaphore(%run_scoped3A_187 : memref<!tpu.dma_semaphore, #tpu.memory_space<semaphore_mem>>) src(%arg13 : memref<128x64xf32, #tpu.memory_space<vmem>>) dst(%dma_wait3A_194 : memref<128x64xf32, #tpu.memory_space<vmem_shared>>)
      tpu.yield
    }) : () -> ()
    %mul3A_8 = arith.constant 640 : i32
    %mul3A_9 = arith.muli %arg1, %mul3A_8 : i32
    %add3A_10 = arith.constant 128 : i32
    %add3A_11 = arith.addi %mul3A_9, %add3A_10 : i32
    "tpu.region"() ({
      %run_scoped3A_187 = tpu.sem_alloc : memref<!tpu.dma_semaphore, #tpu.memory_space<semaphore_mem>>
      %dma_start3A_188 = arith.constant 0 : i32
      %dma_start3A_189 = tpu.memref_slice %arg14[%add3A_11, %dma_start3A_188] : memref<10240x64xf32, #tpu.memory_space<vmem_shared>> -> memref<128x64xf32, #tpu.memory_space<vmem_shared>>
      %dma_start3A_190 = arith.constant 0 : i32
      %dma_start3A_191 = tpu.memref_slice %arg14[%add3A_11, %dma_start3A_190] : memref<10240x64xf32, #tpu.memory_space<vmem_shared>> -> memref<128x64xf32, #tpu.memory_space<vmem_shared>>
      tpu.enqueue_dma source(%arg13 : memref<128x64xf32, #tpu.memory_space<vmem>>) target(%dma_start3A_191 : memref<128x64xf32, #tpu.memory_space<vmem_shared>>) target_semaphore(%run_scoped3A_187 : memref<!tpu.dma_semaphore, #tpu.memory_space<semaphore_mem>>)
      %dma_wait3A = arith.constant 0 : i32
      %dma_wait3A_192 = tpu.memref_slice %arg14[%add3A_11, %dma_wait3A] : memref<10240x64xf32, #tpu.memory_space<vmem_shared>> -> memref<128x64xf32, #tpu.memory_space<vmem_shared>>
      %dma_wait3A_193 = arith.constant 0 : i32
      %dma_wait3A_194 = tpu.memref_slice %arg14[%add3A_11, %dma_wait3A_193] : memref<10240x64xf32, #tpu.memory_space<vmem_shared>> -> memref<128x64xf32, #tpu.memory_space<vmem_shared>>
      tpu.wait_dma2 semaphore(%run_scoped3A_187 : memref<!tpu.dma_semaphore, #tpu.memory_space<semaphore_mem>>) src(%arg13 : memref<128x64xf32, #tpu.memory_space<vmem>>) dst(%dma_wait3A_194 : memref<128x64xf32, #tpu.memory_space<vmem_shared>>)
      tpu.yield
    }) : () -> ()
    %mul3A_12 = arith.constant 640 : i32
    %mul3A_13 = arith.muli %arg1, %mul3A_12 : i32
    %add3A_14 = arith.constant 256 : i32
    %add3A_15 = arith.addi %mul3A_13, %add3A_14 : i32
    "tpu.region"() ({
      %run_scoped3A_187 = tpu.sem_alloc : memref<!tpu.dma_semaphore, #tpu.memory_space<semaphore_mem>>
      %dma_start3A_188 = arith.constant 0 : i32
      %dma_start3A_189 = tpu.memref_slice %arg14[%add3A_15, %dma_start3A_188] : memref<10240x64xf32, #tpu.memory_space<vmem_shared>> -> memref<128x64xf32, #tpu.memory_space<vmem_shared>>
      %dma_start3A_190 = arith.constant 0 : i32
      %dma_start3A_191 = tpu.memref_slice %arg14[%add3A_15, %dma_start3A_190] : memref<10240x64xf32, #tpu.memory_space<vmem_shared>> -> memref<128x64xf32, #tpu.memory_space<vmem_shared>>
      tpu.enqueue_dma source(%arg13 : memref<128x64xf32, #tpu.memory_space<vmem>>) target(%dma_start3A_191 : memref<128x64xf32, #tpu.memory_space<vmem_shared>>) target_semaphore(%run_scoped3A_187 : memref<!tpu.dma_semaphore, #tpu.memory_space<semaphore_mem>>)
      %dma_wait3A = arith.constant 0 : i32
      %dma_wait3A_192 = tpu.memref_slice %arg14[%add3A_15, %dma_wait3A] : memref<10240x64xf32, #tpu.memory_space<vmem_shared>> -> memref<128x64xf32, #tpu.memory_space<vmem_shared>>
      %dma_wait3A_193 = arith.constant 0 : i32
      %dma_wait3A_194 = tpu.memref_slice %arg14[%add3A_15, %dma_wait3A_193] : memref<10240x64xf32, #tpu.memory_space<vmem_shared>> -> memref<128x64xf32, #tpu.memory_space<vmem_shared>>
      tpu.wait_dma2 semaphore(%run_scoped3A_187 : memref<!tpu.dma_semaphore, #tpu.memory_space<semaphore_mem>>) src(%arg13 : memref<128x64xf32, #tpu.memory_space<vmem>>) dst(%dma_wait3A_194 : memref<128x64xf32, #tpu.memory_space<vmem_shared>>)
      tpu.yield
    }) : () -> ()
    %mul3A_16 = arith.constant 640 : i32
    %mul3A_17 = arith.muli %arg1, %mul3A_16 : i32
    %add3A_18 = arith.constant 384 : i32
    %add3A_19 = arith.addi %mul3A_17, %add3A_18 : i32
    "tpu.region"() ({
      %run_scoped3A_187 = tpu.sem_alloc : memref<!tpu.dma_semaphore, #tpu.memory_space<semaphore_mem>>
      %dma_start3A_188 = arith.constant 0 : i32
      %dma_start3A_189 = tpu.memref_slice %arg14[%add3A_19, %dma_start3A_188] : memref<10240x64xf32, #tpu.memory_space<vmem_shared>> -> memref<128x64xf32, #tpu.memory_space<vmem_shared>>
      %dma_start3A_190 = arith.constant 0 : i32
      %dma_start3A_191 = tpu.memref_slice %arg14[%add3A_19, %dma_start3A_190] : memref<10240x64xf32, #tpu.memory_space<vmem_shared>> -> memref<128x64xf32, #tpu.memory_space<vmem_shared>>
      tpu.enqueue_dma source(%arg13 : memref<128x64xf32, #tpu.memory_space<vmem>>) target(%dma_start3A_191 : memref<128x64xf32, #tpu.memory_space<vmem_shared>>) target_semaphore(%run_scoped3A_187 : memref<!tpu.dma_semaphore, #tpu.memory_space<semaphore_mem>>)
      %dma_wait3A = arith.constant 0 : i32
      %dma_wait3A_192 = tpu.memref_slice %arg14[%add3A_19, %dma_wait3A] : memref<10240x64xf32, #tpu.memory_space<vmem_shared>> -> memref<128x64xf32, #tpu.memory_space<vmem_shared>>
      %dma_wait3A_193 = arith.constant 0 : i32
      %dma_wait3A_194 = tpu.memref_slice %arg14[%add3A_19, %dma_wait3A_193] : memref<10240x64xf32, #tpu.memory_space<vmem_shared>> -> memref<128x64xf32, #tpu.memory_space<vmem_shared>>
      tpu.wait_dma2 semaphore(%run_scoped3A_187 : memref<!tpu.dma_semaphore, #tpu.memory_space<semaphore_mem>>) src(%arg13 : memref<128x64xf32, #tpu.memory_space<vmem>>) dst(%dma_wait3A_194 : memref<128x64xf32, #tpu.memory_space<vmem_shared>>)
      tpu.yield
    }) : () -> ()
    %mul3A_20 = arith.constant 640 : i32
    %mul3A_21 = arith.muli %arg1, %mul3A_20 : i32
    %add3A_22 = arith.constant 512 : i32
    %add3A_23 = arith.addi %mul3A_21, %add3A_22 : i32
    "tpu.region"() ({
      %run_scoped3A_187 = tpu.sem_alloc : memref<!tpu.dma_semaphore, #tpu.memory_space<semaphore_mem>>
      %dma_start3A_188 = arith.constant 0 : i32
      %dma_start3A_189 = tpu.memref_slice %arg14[%add3A_23, %dma_start3A_188] : memref<10240x64xf32, #tpu.memory_space<vmem_shared>> -> memref<128x64xf32, #tpu.memory_space<vmem_shared>>
      %dma_start3A_190 = arith.constant 0 : i32
      %dma_start3A_191 = tpu.memref_slice %arg14[%add3A_23, %dma_start3A_190] : memref<10240x64xf32, #tpu.memory_space<vmem_shared>> -> memref<128x64xf32, #tpu.memory_space<vmem_shared>>
      tpu.enqueue_dma source(%arg13 : memref<128x64xf32, #tpu.memory_space<vmem>>) target(%dma_start3A_191 : memref<128x64xf32, #tpu.memory_space<vmem_shared>>) target_semaphore(%run_scoped3A_187 : memref<!tpu.dma_semaphore, #tpu.memory_space<semaphore_mem>>)
      %dma_wait3A = arith.constant 0 : i32
      %dma_wait3A_192 = tpu.memref_slice %arg14[%add3A_23, %dma_wait3A] : memref<10240x64xf32, #tpu.memory_space<vmem_shared>> -> memref<128x64xf32, #tpu.memory_space<vmem_shared>>
      %dma_wait3A_193 = arith.constant 0 : i32
      %dma_wait3A_194 = tpu.memref_slice %arg14[%add3A_23, %dma_wait3A_193] : memref<10240x64xf32, #tpu.memory_space<vmem_shared>> -> memref<128x64xf32, #tpu.memory_space<vmem_shared>>
      tpu.wait_dma2 semaphore(%run_scoped3A_187 : memref<!tpu.dma_semaphore, #tpu.memory_space<semaphore_mem>>) src(%arg13 : memref<128x64xf32, #tpu.memory_space<vmem>>) dst(%dma_wait3A_194 : memref<128x64xf32, #tpu.memory_space<vmem_shared>>)
      tpu.yield
    }) : () -> ()
    %barrier3A = arith.constant 0 : index
    tpu.barrier barrier_id(%barrier3A)
    %dma_start3A = arith.constant 0 : i32
    %dma_start3A_24 = arith.constant 0 : i32
    %dma_start3A_25 = arith.constant 0 : i32
    %dma_start3A_26 = tpu.memref_slice %arg6[%dma_start3A_24, %dma_start3A_25] : memref<80x128xi32, #tpu.memory_space<vmem>> -> memref<1x128xi32, #tpu.memory_space<vmem>>
    %dma_start3A_27 = tpu.memref_squeeze %dma_start3A_26 : memref<1x128xi32, #tpu.memory_space<vmem>> -> memref<128xi32, #tpu.memory_space<vmem>>
    %dma_start3A_28 = arith.constant 0 : i32
    %dma_start3A_29 = arith.constant 0 : i32
    %dma_start3A_30 = tpu.memref_slice %arg2[%dma_start3A, %dma_start3A_28, %dma_start3A_29] : memref<2x10000x64xf32, #tpu.memory_space<hbm>> -> memref<1x10000x64xf32, #tpu.memory_space<hbm>>
    %dma_start3A_31 = tpu.memref_squeeze %dma_start3A_30 : memref<1x10000x64xf32, #tpu.memory_space<hbm>> -> memref<10000x64xf32, #tpu.memory_space<hbm>>
    %dma_start3A_32 = arith.constant 0 : i32
    %dma_start3A_33 = arith.constant 0 : i32
    %dma_start3A_34 = tpu.memref_slice %dma_start3A_31[%dma_start3A_32, %dma_start3A_33] : memref<10000x64xf32, #tpu.memory_space<hbm>> -> memref<10000x64xf32, #tpu.memory_space<hbm>>
    tpu.enqueue_indirect_dma source(%dma_start3A_34 : memref<10000x64xf32, #tpu.memory_space<hbm>>) target(%arg8 : memref<128x64xf32, #tpu.memory_space<vmem>>) offsets(%dma_start3A_27 : memref<128xi32, #tpu.memory_space<vmem>>) semaphore(%arg15 : memref<!tpu.dma_semaphore, #tpu.memory_space<semaphore_mem>>)
    %dma_start3A_35 = arith.constant 0 : i32
    %dma_start3A_36 = arith.constant 1 : i32
    %dma_start3A_37 = arith.constant 0 : i32
    %dma_start3A_38 = tpu.memref_slice %arg6[%dma_start3A_36, %dma_start3A_37] : memref<80x128xi32, #tpu.memory_space<vmem>> -> memref<1x128xi32, #tpu.memory_space<vmem>>
    %dma_start3A_39 = tpu.memref_squeeze %dma_start3A_38 : memref<1x128xi32, #tpu.memory_space<vmem>> -> memref<128xi32, #tpu.memory_space<vmem>>
    %dma_start3A_40 = arith.constant 0 : i32
    %dma_start3A_41 = arith.constant 0 : i32
    %dma_start3A_42 = tpu.memref_slice %arg2[%dma_start3A_35, %dma_start3A_40, %dma_start3A_41] : memref<2x10000x64xf32, #tpu.memory_space<hbm>> -> memref<1x10000x64xf32, #tpu.memory_space<hbm>>
    %dma_start3A_43 = tpu.memref_squeeze %dma_start3A_42 : memref<1x10000x64xf32, #tpu.memory_space<hbm>> -> memref<10000x64xf32, #tpu.memory_space<hbm>>
    %dma_start3A_44 = arith.constant 0 : i32
    %dma_start3A_45 = arith.constant 0 : i32
    %dma_start3A_46 = tpu.memref_slice %dma_start3A_43[%dma_start3A_44, %dma_start3A_45] : memref<10000x64xf32, #tpu.memory_space<hbm>> -> memref<10000x64xf32, #tpu.memory_space<hbm>>
    tpu.enqueue_indirect_dma source(%dma_start3A_46 : memref<10000x64xf32, #tpu.memory_space<hbm>>) target(%arg9 : memref<128x64xf32, #tpu.memory_space<vmem>>) offsets(%dma_start3A_39 : memref<128xi32, #tpu.memory_space<vmem>>) semaphore(%arg16 : memref<!tpu.dma_semaphore, #tpu.memory_space<semaphore_mem>>)
    %dma_start3A_47 = arith.constant 0 : i32
    %dma_start3A_48 = arith.constant 2 : i32
    %dma_start3A_49 = arith.constant 0 : i32
    %dma_start3A_50 = tpu.memref_slice %arg6[%dma_start3A_48, %dma_start3A_49] : memref<80x128xi32, #tpu.memory_space<vmem>> -> memref<1x128xi32, #tpu.memory_space<vmem>>
    %dma_start3A_51 = tpu.memref_squeeze %dma_start3A_50 : memref<1x128xi32, #tpu.memory_space<vmem>> -> memref<128xi32, #tpu.memory_space<vmem>>
    %dma_start3A_52 = arith.constant 0 : i32
    %dma_start3A_53 = arith.constant 0 : i32
    %dma_start3A_54 = tpu.memref_slice %arg2[%dma_start3A_47, %dma_start3A_52, %dma_start3A_53] : memref<2x10000x64xf32, #tpu.memory_space<hbm>> -> memref<1x10000x64xf32, #tpu.memory_space<hbm>>
    %dma_start3A_55 = tpu.memref_squeeze %dma_start3A_54 : memref<1x10000x64xf32, #tpu.memory_space<hbm>> -> memref<10000x64xf32, #tpu.memory_space<hbm>>
    %dma_start3A_56 = arith.constant 0 : i32
    %dma_start3A_57 = arith.constant 0 : i32
    %dma_start3A_58 = tpu.memref_slice %dma_start3A_55[%dma_start3A_56, %dma_start3A_57] : memref<10000x64xf32, #tpu.memory_space<hbm>> -> memref<10000x64xf32, #tpu.memory_space<hbm>>
    tpu.enqueue_indirect_dma source(%dma_start3A_58 : memref<10000x64xf32, #tpu.memory_space<hbm>>) target(%arg10 : memref<128x64xf32, #tpu.memory_space<vmem>>) offsets(%dma_start3A_51 : memref<128xi32, #tpu.memory_space<vmem>>) semaphore(%arg17 : memref<!tpu.dma_semaphore, #tpu.memory_space<semaphore_mem>>)
    %dma_start3A_59 = arith.constant 0 : i32
    %dma_start3A_60 = arith.constant 3 : i32
    %dma_start3A_61 = arith.constant 0 : i32
    %dma_start3A_62 = tpu.memref_slice %arg6[%dma_start3A_60, %dma_start3A_61] : memref<80x128xi32, #tpu.memory_space<vmem>> -> memref<1x128xi32, #tpu.memory_space<vmem>>
    %dma_start3A_63 = tpu.memref_squeeze %dma_start3A_62 : memref<1x128xi32, #tpu.memory_space<vmem>> -> memref<128xi32, #tpu.memory_space<vmem>>
    %dma_start3A_64 = arith.constant 0 : i32
    %dma_start3A_65 = arith.constant 0 : i32
    %dma_start3A_66 = tpu.memref_slice %arg2[%dma_start3A_59, %dma_start3A_64, %dma_start3A_65] : memref<2x10000x64xf32, #tpu.memory_space<hbm>> -> memref<1x10000x64xf32, #tpu.memory_space<hbm>>
    %dma_start3A_67 = tpu.memref_squeeze %dma_start3A_66 : memref<1x10000x64xf32, #tpu.memory_space<hbm>> -> memref<10000x64xf32, #tpu.memory_space<hbm>>
    %dma_start3A_68 = arith.constant 0 : i32
    %dma_start3A_69 = arith.constant 0 : i32
    %dma_start3A_70 = tpu.memref_slice %dma_start3A_67[%dma_start3A_68, %dma_start3A_69] : memref<10000x64xf32, #tpu.memory_space<hbm>> -> memref<10000x64xf32, #tpu.memory_space<hbm>>
    tpu.enqueue_indirect_dma source(%dma_start3A_70 : memref<10000x64xf32, #tpu.memory_space<hbm>>) target(%arg11 : memref<128x64xf32, #tpu.memory_space<vmem>>) offsets(%dma_start3A_63 : memref<128xi32, #tpu.memory_space<vmem>>) semaphore(%arg18 : memref<!tpu.dma_semaphore, #tpu.memory_space<semaphore_mem>>)
    %dma_start3A_71 = arith.constant 0 : i32
    %dma_start3A_72 = arith.constant 4 : i32
    %dma_start3A_73 = arith.constant 0 : i32
    %dma_start3A_74 = tpu.memref_slice %arg6[%dma_start3A_72, %dma_start3A_73] : memref<80x128xi32, #tpu.memory_space<vmem>> -> memref<1x128xi32, #tpu.memory_space<vmem>>
    %dma_start3A_75 = tpu.memref_squeeze %dma_start3A_74 : memref<1x128xi32, #tpu.memory_space<vmem>> -> memref<128xi32, #tpu.memory_space<vmem>>
    %dma_start3A_76 = arith.constant 0 : i32
    %dma_start3A_77 = arith.constant 0 : i32
    %dma_start3A_78 = tpu.memref_slice %arg2[%dma_start3A_71, %dma_start3A_76, %dma_start3A_77] : memref<2x10000x64xf32, #tpu.memory_space<hbm>> -> memref<1x10000x64xf32, #tpu.memory_space<hbm>>
    %dma_start3A_79 = tpu.memref_squeeze %dma_start3A_78 : memref<1x10000x64xf32, #tpu.memory_space<hbm>> -> memref<10000x64xf32, #tpu.memory_space<hbm>>
    %dma_start3A_80 = arith.constant 0 : i32
    %dma_start3A_81 = arith.constant 0 : i32
    %dma_start3A_82 = tpu.memref_slice %dma_start3A_79[%dma_start3A_80, %dma_start3A_81] : memref<10000x64xf32, #tpu.memory_space<hbm>> -> memref<10000x64xf32, #tpu.memory_space<hbm>>
    tpu.enqueue_indirect_dma source(%dma_start3A_82 : memref<10000x64xf32, #tpu.memory_space<hbm>>) target(%arg12 : memref<128x64xf32, #tpu.memory_space<vmem>>) offsets(%dma_start3A_75 : memref<128xi32, #tpu.memory_space<vmem>>) semaphore(%arg19 : memref<!tpu.dma_semaphore, #tpu.memory_space<semaphore_mem>>)
    %scan3A_83 = arith.constant 0 : i32
    %scan3A_84 = arith.constant 0 : i32
    %scan3A_85 = arith.constant 16 : i32
    %scan3A_86 = arith.addi %scan3A_84, %scan3A_85 : i32
    %scan3A_87 = arith.constant 1 : i32
    scf.for %scan3A_187 = %scan3A_84 to %scan3A_86 step %scan3A_87  : i32 {
      %mul3A_188 = arith.constant 5 : i32
      %mul3A_189 = arith.muli %scan3A_187, %mul3A_188 : i32
      %add3A_190 = arith.constant 0 : i32
      %add3A_191 = arith.addi %mul3A_189, %add3A_190 : i32
      %dma_wait3A = arith.constant 0 : i32
      %dma_wait3A_192 = arith.constant 0 : i32
      %dma_wait3A_193 = tpu.memref_slice %arg6[%add3A_191, %dma_wait3A_192] : memref<80x128xi32, #tpu.memory_space<vmem>> -> memref<1x128xi32, #tpu.memory_space<vmem>>
      %dma_wait3A_194 = tpu.memref_squeeze %dma_wait3A_193 : memref<1x128xi32, #tpu.memory_space<vmem>> -> memref<128xi32, #tpu.memory_space<vmem>>
      %dma_wait3A_195 = arith.constant 0 : i32
      %dma_wait3A_196 = arith.constant 0 : i32
      %dma_wait3A_197 = tpu.memref_slice %arg2[%dma_wait3A, %dma_wait3A_195, %dma_wait3A_196] : memref<2x10000x64xf32, #tpu.memory_space<hbm>> -> memref<1x10000x64xf32, #tpu.memory_space<hbm>>
      %dma_wait3A_198 = tpu.memref_squeeze %dma_wait3A_197 : memref<1x10000x64xf32, #tpu.memory_space<hbm>> -> memref<10000x64xf32, #tpu.memory_space<hbm>>
      %dma_wait3A_199 = arith.constant 0 : i32
      %dma_wait3A_200 = arith.constant 0 : i32
      %dma_wait3A_201 = tpu.memref_slice %dma_wait3A_198[%dma_wait3A_199, %dma_wait3A_200] : memref<10000x64xf32, #tpu.memory_space<hbm>> -> memref<10000x64xf32, #tpu.memory_space<hbm>>
      tpu.wait_indirect_dma semaphore(%arg15 : memref<!tpu.dma_semaphore, #tpu.memory_space<semaphore_mem>>) src(%dma_wait3A_201 : memref<10000x64xf32, #tpu.memory_space<hbm>>) dst(%arg8 : memref<128x64xf32, #tpu.memory_space<vmem>>)
      %add3A_202 = arith.constant 0 : i32
      %add3A_203 = arith.addi %mul3A_189, %add3A_202 : i32
      "tpu.region"() ({
        %run_scoped3A_306 = tpu.sem_alloc : memref<!tpu.dma_semaphore, #tpu.memory_space<semaphore_mem>>
        %dma_start3A_307 = arith.constant 0 : i32
        %dma_start3A_308 = tpu.memref_slice %arg7[%add3A_203, %dma_start3A_307] : memref<80x128xi32, #tpu.memory_space<vmem>> -> memref<1x128xi32, #tpu.memory_space<vmem>>
        %dma_start3A_309 = tpu.memref_squeeze %dma_start3A_308 : memref<1x128xi32, #tpu.memory_space<vmem>> -> memref<128xi32, #tpu.memory_space<vmem>>
        %dma_start3A_310 = arith.constant 0 : i32
        %dma_start3A_311 = arith.constant 0 : i32
        %dma_start3A_312 = tpu.memref_slice %arg14[%dma_start3A_310, %dma_start3A_311] : memref<10240x64xf32, #tpu.memory_space<vmem_shared>> -> memref<10240x64xf32, #tpu.memory_space<vmem_shared>>
        tpu.enqueue_indirect_dma source(%arg8 : memref<128x64xf32, #tpu.memory_space<vmem>>) target(%dma_start3A_312 : memref<10240x64xf32, #tpu.memory_space<vmem_shared>>) offsets(%dma_start3A_309 : memref<128xi32, #tpu.memory_space<vmem>>) semaphore(%run_scoped3A_306 : memref<!tpu.dma_semaphore, #tpu.memory_space<semaphore_mem>>) {add = true}
        %dma_wait3A_313 = arith.constant 0 : i32
        %dma_wait3A_314 = tpu.memref_slice %arg7[%add3A_203, %dma_wait3A_313] : memref<80x128xi32, #tpu.memory_space<vmem>> -> memref<1x128xi32, #tpu.memory_space<vmem>>
        %dma_wait3A_315 = tpu.memref_squeeze %dma_wait3A_314 : memref<1x128xi32, #tpu.memory_space<vmem>> -> memref<128xi32, #tpu.memory_space<vmem>>
        %dma_wait3A_316 = arith.constant 0 : i32
        %dma_wait3A_317 = arith.constant 0 : i32
        %dma_wait3A_318 = tpu.memref_slice %arg14[%dma_wait3A_316, %dma_wait3A_317] : memref<10240x64xf32, #tpu.memory_space<vmem_shared>> -> memref<10240x64xf32, #tpu.memory_space<vmem_shared>>
        tpu.wait_indirect_dma semaphore(%run_scoped3A_306 : memref<!tpu.dma_semaphore, #tpu.memory_space<semaphore_mem>>) src(%arg8 : memref<128x64xf32, #tpu.memory_space<vmem>>) dst(%dma_wait3A_318 : memref<10240x64xf32, #tpu.memory_space<vmem_shared>>)
        tpu.yield
      }) : () -> ()
      %add3A_204 = arith.constant 0 : i32
      %add3A_205 = arith.addi %mul3A_189, %add3A_204 : i32
      %add3A_206 = arith.constant 5 : i32
      %add3A_207 = arith.addi %add3A_205, %add3A_206 : i32
      %lt3A = arith.constant 80 : i32
      %lt3A_208 = arith.cmpi slt, %add3A_207, %lt3A : i32
      %convert_element_type3A = arith.extui %lt3A_208 : i1 to i32
      %cond3A = arith.constant 0 : i32
      %cond3A_209 = arith.cmpi ne, %convert_element_type3A, %cond3A : i32
      scf.if %cond3A_209 {
        %add3A_306 = arith.constant 0 : i32
        %add3A_307 = arith.addi %mul3A_189, %add3A_306 : i32
        %add3A_308 = arith.constant 5 : i32
        %add3A_309 = arith.addi %add3A_307, %add3A_308 : i32
        %dma_start3A_310 = arith.constant 0 : i32
        %dma_start3A_311 = arith.constant 0 : i32
        %dma_start3A_312 = tpu.memref_slice %arg6[%add3A_309, %dma_start3A_311] : memref<80x128xi32, #tpu.memory_space<vmem>> -> memref<1x128xi32, #tpu.memory_space<vmem>>
        %dma_start3A_313 = tpu.memref_squeeze %dma_start3A_312 : memref<1x128xi32, #tpu.memory_space<vmem>> -> memref<128xi32, #tpu.memory_space<vmem>>
        %dma_start3A_314 = arith.constant 0 : i32
        %dma_start3A_315 = arith.constant 0 : i32
        %dma_start3A_316 = tpu.memref_slice %arg2[%dma_start3A_310, %dma_start3A_314, %dma_start3A_315] : memref<2x10000x64xf32, #tpu.memory_space<hbm>> -> memref<1x10000x64xf32, #tpu.memory_space<hbm>>
        %dma_start3A_317 = tpu.memref_squeeze %dma_start3A_316 : memref<1x10000x64xf32, #tpu.memory_space<hbm>> -> memref<10000x64xf32, #tpu.memory_space<hbm>>
        %dma_start3A_318 = arith.constant 0 : i32
        %dma_start3A_319 = arith.constant 0 : i32
        %dma_start3A_320 = tpu.memref_slice %dma_start3A_317[%dma_start3A_318, %dma_start3A_319] : memref<10000x64xf32, #tpu.memory_space<hbm>> -> memref<10000x64xf32, #tpu.memory_space<hbm>>
        tpu.enqueue_indirect_dma source(%dma_start3A_320 : memref<10000x64xf32, #tpu.memory_space<hbm>>) target(%arg8 : memref<128x64xf32, #tpu.memory_space<vmem>>) offsets(%dma_start3A_313 : memref<128xi32, #tpu.memory_space<vmem>>) semaphore(%arg15 : memref<!tpu.dma_semaphore, #tpu.memory_space<semaphore_mem>>)
      } else {
      }
      %add3A_210 = arith.constant 1 : i32
      %add3A_211 = arith.addi %mul3A_189, %add3A_210 : i32
      %dma_wait3A_212 = arith.constant 0 : i32
      %dma_wait3A_213 = arith.constant 0 : i32
      %dma_wait3A_214 = tpu.memref_slice %arg6[%add3A_211, %dma_wait3A_213] : memref<80x128xi32, #tpu.memory_space<vmem>> -> memref<1x128xi32, #tpu.memory_space<vmem>>
      %dma_wait3A_215 = tpu.memref_squeeze %dma_wait3A_214 : memref<1x128xi32, #tpu.memory_space<vmem>> -> memref<128xi32, #tpu.memory_space<vmem>>
      %dma_wait3A_216 = arith.constant 0 : i32
      %dma_wait3A_217 = arith.constant 0 : i32
      %dma_wait3A_218 = tpu.memref_slice %arg2[%dma_wait3A_212, %dma_wait3A_216, %dma_wait3A_217] : memref<2x10000x64xf32, #tpu.memory_space<hbm>> -> memref<1x10000x64xf32, #tpu.memory_space<hbm>>
      %dma_wait3A_219 = tpu.memref_squeeze %dma_wait3A_218 : memref<1x10000x64xf32, #tpu.memory_space<hbm>> -> memref<10000x64xf32, #tpu.memory_space<hbm>>
      %dma_wait3A_220 = arith.constant 0 : i32
      %dma_wait3A_221 = arith.constant 0 : i32
      %dma_wait3A_222 = tpu.memref_slice %dma_wait3A_219[%dma_wait3A_220, %dma_wait3A_221] : memref<10000x64xf32, #tpu.memory_space<hbm>> -> memref<10000x64xf32, #tpu.memory_space<hbm>>
      tpu.wait_indirect_dma semaphore(%arg16 : memref<!tpu.dma_semaphore, #tpu.memory_space<semaphore_mem>>) src(%dma_wait3A_222 : memref<10000x64xf32, #tpu.memory_space<hbm>>) dst(%arg9 : memref<128x64xf32, #tpu.memory_space<vmem>>)
      %add3A_223 = arith.constant 1 : i32
      %add3A_224 = arith.addi %mul3A_189, %add3A_223 : i32
      "tpu.region"() ({
        %run_scoped3A_306 = tpu.sem_alloc : memref<!tpu.dma_semaphore, #tpu.memory_space<semaphore_mem>>
        %dma_start3A_307 = arith.constant 0 : i32
        %dma_start3A_308 = tpu.memref_slice %arg7[%add3A_224, %dma_start3A_307] : memref<80x128xi32, #tpu.memory_space<vmem>> -> memref<1x128xi32, #tpu.memory_space<vmem>>
        %dma_start3A_309 = tpu.memref_squeeze %dma_start3A_308 : memref<1x128xi32, #tpu.memory_space<vmem>> -> memref<128xi32, #tpu.memory_space<vmem>>
        %dma_start3A_310 = arith.constant 0 : i32
        %dma_start3A_311 = arith.constant 0 : i32
        %dma_start3A_312 = tpu.memref_slice %arg14[%dma_start3A_310, %dma_start3A_311] : memref<10240x64xf32, #tpu.memory_space<vmem_shared>> -> memref<10240x64xf32, #tpu.memory_space<vmem_shared>>
        tpu.enqueue_indirect_dma source(%arg9 : memref<128x64xf32, #tpu.memory_space<vmem>>) target(%dma_start3A_312 : memref<10240x64xf32, #tpu.memory_space<vmem_shared>>) offsets(%dma_start3A_309 : memref<128xi32, #tpu.memory_space<vmem>>) semaphore(%run_scoped3A_306 : memref<!tpu.dma_semaphore, #tpu.memory_space<semaphore_mem>>) {add = true}
        %dma_wait3A_313 = arith.constant 0 : i32
        %dma_wait3A_314 = tpu.memref_slice %arg7[%add3A_224, %dma_wait3A_313] : memref<80x128xi32, #tpu.memory_space<vmem>> -> memref<1x128xi32, #tpu.memory_space<vmem>>
        %dma_wait3A_315 = tpu.memref_squeeze %dma_wait3A_314 : memref<1x128xi32, #tpu.memory_space<vmem>> -> memref<128xi32, #tpu.memory_space<vmem>>
        %dma_wait3A_316 = arith.constant 0 : i32
        %dma_wait3A_317 = arith.constant 0 : i32
        %dma_wait3A_318 = tpu.memref_slice %arg14[%dma_wait3A_316, %dma_wait3A_317] : memref<10240x64xf32, #tpu.memory_space<vmem_shared>> -> memref<10240x64xf32, #tpu.memory_space<vmem_shared>>
        tpu.wait_indirect_dma semaphore(%run_scoped3A_306 : memref<!tpu.dma_semaphore, #tpu.memory_space<semaphore_mem>>) src(%arg9 : memref<128x64xf32, #tpu.memory_space<vmem>>) dst(%dma_wait3A_318 : memref<10240x64xf32, #tpu.memory_space<vmem_shared>>)
        tpu.yield
      }) : () -> ()
      %add3A_225 = arith.constant 1 : i32
      %add3A_226 = arith.addi %mul3A_189, %add3A_225 : i32
      %add3A_227 = arith.constant 5 : i32
      %add3A_228 = arith.addi %add3A_226, %add3A_227 : i32
      %lt3A_229 = arith.constant 80 : i32
      %lt3A_230 = arith.cmpi slt, %add3A_228, %lt3A_229 : i32
      %convert_element_type3A_231 = arith.extui %lt3A_230 : i1 to i32
      %cond3A_232 = arith.constant 0 : i32
      %cond3A_233 = arith.cmpi ne, %convert_element_type3A_231, %cond3A_232 : i32
      scf.if %cond3A_233 {
        %add3A_306 = arith.constant 1 : i32
        %add3A_307 = arith.addi %mul3A_189, %add3A_306 : i32
        %add3A_308 = arith.constant 5 : i32
        %add3A_309 = arith.addi %add3A_307, %add3A_308 : i32
        %dma_start3A_310 = arith.constant 0 : i32
        %dma_start3A_311 = arith.constant 0 : i32
        %dma_start3A_312 = tpu.memref_slice %arg6[%add3A_309, %dma_start3A_311] : memref<80x128xi32, #tpu.memory_space<vmem>> -> memref<1x128xi32, #tpu.memory_space<vmem>>
        %dma_start3A_313 = tpu.memref_squeeze %dma_start3A_312 : memref<1x128xi32, #tpu.memory_space<vmem>> -> memref<128xi32, #tpu.memory_space<vmem>>
        %dma_start3A_314 = arith.constant 0 : i32
        %dma_start3A_315 = arith.constant 0 : i32
        %dma_start3A_316 = tpu.memref_slice %arg2[%dma_start3A_310, %dma_start3A_314, %dma_start3A_315] : memref<2x10000x64xf32, #tpu.memory_space<hbm>> -> memref<1x10000x64xf32, #tpu.memory_space<hbm>>
        %dma_start3A_317 = tpu.memref_squeeze %dma_start3A_316 : memref<1x10000x64xf32, #tpu.memory_space<hbm>> -> memref<10000x64xf32, #tpu.memory_space<hbm>>
        %dma_start3A_318 = arith.constant 0 : i32
        %dma_start3A_319 = arith.constant 0 : i32
        %dma_start3A_320 = tpu.memref_slice %dma_start3A_317[%dma_start3A_318, %dma_start3A_319] : memref<10000x64xf32, #tpu.memory_space<hbm>> -> memref<10000x64xf32, #tpu.memory_space<hbm>>
        tpu.enqueue_indirect_dma source(%dma_start3A_320 : memref<10000x64xf32, #tpu.memory_space<hbm>>) target(%arg9 : memref<128x64xf32, #tpu.memory_space<vmem>>) offsets(%dma_start3A_313 : memref<128xi32, #tpu.memory_space<vmem>>) semaphore(%arg16 : memref<!tpu.dma_semaphore, #tpu.memory_space<semaphore_mem>>)
      } else {
      }
      %add3A_234 = arith.constant 2 : i32
      %add3A_235 = arith.addi %mul3A_189, %add3A_234 : i32
      %dma_wait3A_236 = arith.constant 0 : i32
      %dma_wait3A_237 = arith.constant 0 : i32
      %dma_wait3A_238 = tpu.memref_slice %arg6[%add3A_235, %dma_wait3A_237] : memref<80x128xi32, #tpu.memory_space<vmem>> -> memref<1x128xi32, #tpu.memory_space<vmem>>
      %dma_wait3A_239 = tpu.memref_squeeze %dma_wait3A_238 : memref<1x128xi32, #tpu.memory_space<vmem>> -> memref<128xi32, #tpu.memory_space<vmem>>
      %dma_wait3A_240 = arith.constant 0 : i32
      %dma_wait3A_241 = arith.constant 0 : i32
      %dma_wait3A_242 = tpu.memref_slice %arg2[%dma_wait3A_236, %dma_wait3A_240, %dma_wait3A_241] : memref<2x10000x64xf32, #tpu.memory_space<hbm>> -> memref<1x10000x64xf32, #tpu.memory_space<hbm>>
      %dma_wait3A_243 = tpu.memref_squeeze %dma_wait3A_242 : memref<1x10000x64xf32, #tpu.memory_space<hbm>> -> memref<10000x64xf32, #tpu.memory_space<hbm>>
      %dma_wait3A_244 = arith.constant 0 : i32
      %dma_wait3A_245 = arith.constant 0 : i32
      %dma_wait3A_246 = tpu.memref_slice %dma_wait3A_243[%dma_wait3A_244, %dma_wait3A_245] : memref<10000x64xf32, #tpu.memory_space<hbm>> -> memref<10000x64xf32, #tpu.memory_space<hbm>>
      tpu.wait_indirect_dma semaphore(%arg17 : memref<!tpu.dma_semaphore, #tpu.memory_space<semaphore_mem>>) src(%dma_wait3A_246 : memref<10000x64xf32, #tpu.memory_space<hbm>>) dst(%arg10 : memref<128x64xf32, #tpu.memory_space<vmem>>)
      %add3A_247 = arith.constant 2 : i32
      %add3A_248 = arith.addi %mul3A_189, %add3A_247 : i32
      "tpu.region"() ({
        %run_scoped3A_306 = tpu.sem_alloc : memref<!tpu.dma_semaphore, #tpu.memory_space<semaphore_mem>>
        %dma_start3A_307 = arith.constant 0 : i32
        %dma_start3A_308 = tpu.memref_slice %arg7[%add3A_248, %dma_start3A_307] : memref<80x128xi32, #tpu.memory_space<vmem>> -> memref<1x128xi32, #tpu.memory_space<vmem>>
        %dma_start3A_309 = tpu.memref_squeeze %dma_start3A_308 : memref<1x128xi32, #tpu.memory_space<vmem>> -> memref<128xi32, #tpu.memory_space<vmem>>
        %dma_start3A_310 = arith.constant 0 : i32
        %dma_start3A_311 = arith.constant 0 : i32
        %dma_start3A_312 = tpu.memref_slice %arg14[%dma_start3A_310, %dma_start3A_311] : memref<10240x64xf32, #tpu.memory_space<vmem_shared>> -> memref<10240x64xf32, #tpu.memory_space<vmem_shared>>
        tpu.enqueue_indirect_dma source(%arg10 : memref<128x64xf32, #tpu.memory_space<vmem>>) target(%dma_start3A_312 : memref<10240x64xf32, #tpu.memory_space<vmem_shared>>) offsets(%dma_start3A_309 : memref<128xi32, #tpu.memory_space<vmem>>) semaphore(%run_scoped3A_306 : memref<!tpu.dma_semaphore, #tpu.memory_space<semaphore_mem>>) {add = true}
        %dma_wait3A_313 = arith.constant 0 : i32
        %dma_wait3A_314 = tpu.memref_slice %arg7[%add3A_248, %dma_wait3A_313] : memref<80x128xi32, #tpu.memory_space<vmem>> -> memref<1x128xi32, #tpu.memory_space<vmem>>
        %dma_wait3A_315 = tpu.memref_squeeze %dma_wait3A_314 : memref<1x128xi32, #tpu.memory_space<vmem>> -> memref<128xi32, #tpu.memory_space<vmem>>
        %dma_wait3A_316 = arith.constant 0 : i32
        %dma_wait3A_317 = arith.constant 0 : i32
        %dma_wait3A_318 = tpu.memref_slice %arg14[%dma_wait3A_316, %dma_wait3A_317] : memref<10240x64xf32, #tpu.memory_space<vmem_shared>> -> memref<10240x64xf32, #tpu.memory_space<vmem_shared>>
        tpu.wait_indirect_dma semaphore(%run_scoped3A_306 : memref<!tpu.dma_semaphore, #tpu.memory_space<semaphore_mem>>) src(%arg10 : memref<128x64xf32, #tpu.memory_space<vmem>>) dst(%dma_wait3A_318 : memref<10240x64xf32, #tpu.memory_space<vmem_shared>>)
        tpu.yield
      }) : () -> ()
      %add3A_249 = arith.constant 2 : i32
      %add3A_250 = arith.addi %mul3A_189, %add3A_249 : i32
      %add3A_251 = arith.constant 5 : i32
      %add3A_252 = arith.addi %add3A_250, %add3A_251 : i32
      %lt3A_253 = arith.constant 80 : i32
      %lt3A_254 = arith.cmpi slt, %add3A_252, %lt3A_253 : i32
      %convert_element_type3A_255 = arith.extui %lt3A_254 : i1 to i32
      %cond3A_256 = arith.constant 0 : i32
      %cond3A_257 = arith.cmpi ne, %convert_element_type3A_255, %cond3A_256 : i32
      scf.if %cond3A_257 {
        %add3A_306 = arith.constant 2 : i32
        %add3A_307 = arith.addi %mul3A_189, %add3A_306 : i32
        %add3A_308 = arith.constant 5 : i32
        %add3A_309 = arith.addi %add3A_307, %add3A_308 : i32
        %dma_start3A_310 = arith.constant 0 : i32
        %dma_start3A_311 = arith.constant 0 : i32
        %dma_start3A_312 = tpu.memref_slice %arg6[%add3A_309, %dma_start3A_311] : memref<80x128xi32, #tpu.memory_space<vmem>> -> memref<1x128xi32, #tpu.memory_space<vmem>>
        %dma_start3A_313 = tpu.memref_squeeze %dma_start3A_312 : memref<1x128xi32, #tpu.memory_space<vmem>> -> memref<128xi32, #tpu.memory_space<vmem>>
        %dma_start3A_314 = arith.constant 0 : i32
        %dma_start3A_315 = arith.constant 0 : i32
        %dma_start3A_316 = tpu.memref_slice %arg2[%dma_start3A_310, %dma_start3A_314, %dma_start3A_315] : memref<2x10000x64xf32, #tpu.memory_space<hbm>> -> memref<1x10000x64xf32, #tpu.memory_space<hbm>>
        %dma_start3A_317 = tpu.memref_squeeze %dma_start3A_316 : memref<1x10000x64xf32, #tpu.memory_space<hbm>> -> memref<10000x64xf32, #tpu.memory_space<hbm>>
        %dma_start3A_318 = arith.constant 0 : i32
        %dma_start3A_319 = arith.constant 0 : i32
        %dma_start3A_320 = tpu.memref_slice %dma_start3A_317[%dma_start3A_318, %dma_start3A_319] : memref<10000x64xf32, #tpu.memory_space<hbm>> -> memref<10000x64xf32, #tpu.memory_space<hbm>>
        tpu.enqueue_indirect_dma source(%dma_start3A_320 : memref<10000x64xf32, #tpu.memory_space<hbm>>) target(%arg10 : memref<128x64xf32, #tpu.memory_space<vmem>>) offsets(%dma_start3A_313 : memref<128xi32, #tpu.memory_space<vmem>>) semaphore(%arg17 : memref<!tpu.dma_semaphore, #tpu.memory_space<semaphore_mem>>)
      } else {
      }
      %add3A_258 = arith.constant 3 : i32
      %add3A_259 = arith.addi %mul3A_189, %add3A_258 : i32
      %dma_wait3A_260 = arith.constant 0 : i32
      %dma_wait3A_261 = arith.constant 0 : i32
      %dma_wait3A_262 = tpu.memref_slice %arg6[%add3A_259, %dma_wait3A_261] : memref<80x128xi32, #tpu.memory_space<vmem>> -> memref<1x128xi32, #tpu.memory_space<vmem>>
      %dma_wait3A_263 = tpu.memref_squeeze %dma_wait3A_262 : memref<1x128xi32, #tpu.memory_space<vmem>> -> memref<128xi32, #tpu.memory_space<vmem>>
      %dma_wait3A_264 = arith.constant 0 : i32
      %dma_wait3A_265 = arith.constant 0 : i32
      %dma_wait3A_266 = tpu.memref_slice %arg2[%dma_wait3A_260, %dma_wait3A_264, %dma_wait3A_265] : memref<2x10000x64xf32, #tpu.memory_space<hbm>> -> memref<1x10000x64xf32, #tpu.memory_space<hbm>>
      %dma_wait3A_267 = tpu.memref_squeeze %dma_wait3A_266 : memref<1x10000x64xf32, #tpu.memory_space<hbm>> -> memref<10000x64xf32, #tpu.memory_space<hbm>>
      %dma_wait3A_268 = arith.constant 0 : i32
      %dma_wait3A_269 = arith.constant 0 : i32
      %dma_wait3A_270 = tpu.memref_slice %dma_wait3A_267[%dma_wait3A_268, %dma_wait3A_269] : memref<10000x64xf32, #tpu.memory_space<hbm>> -> memref<10000x64xf32, #tpu.memory_space<hbm>>
      tpu.wait_indirect_dma semaphore(%arg18 : memref<!tpu.dma_semaphore, #tpu.memory_space<semaphore_mem>>) src(%dma_wait3A_270 : memref<10000x64xf32, #tpu.memory_space<hbm>>) dst(%arg11 : memref<128x64xf32, #tpu.memory_space<vmem>>)
      %add3A_271 = arith.constant 3 : i32
      %add3A_272 = arith.addi %mul3A_189, %add3A_271 : i32
      "tpu.region"() ({
        %run_scoped3A_306 = tpu.sem_alloc : memref<!tpu.dma_semaphore, #tpu.memory_space<semaphore_mem>>
        %dma_start3A_307 = arith.constant 0 : i32
        %dma_start3A_308 = tpu.memref_slice %arg7[%add3A_272, %dma_start3A_307] : memref<80x128xi32, #tpu.memory_space<vmem>> -> memref<1x128xi32, #tpu.memory_space<vmem>>
        %dma_start3A_309 = tpu.memref_squeeze %dma_start3A_308 : memref<1x128xi32, #tpu.memory_space<vmem>> -> memref<128xi32, #tpu.memory_space<vmem>>
        %dma_start3A_310 = arith.constant 0 : i32
        %dma_start3A_311 = arith.constant 0 : i32
        %dma_start3A_312 = tpu.memref_slice %arg14[%dma_start3A_310, %dma_start3A_311] : memref<10240x64xf32, #tpu.memory_space<vmem_shared>> -> memref<10240x64xf32, #tpu.memory_space<vmem_shared>>
        tpu.enqueue_indirect_dma source(%arg11 : memref<128x64xf32, #tpu.memory_space<vmem>>) target(%dma_start3A_312 : memref<10240x64xf32, #tpu.memory_space<vmem_shared>>) offsets(%dma_start3A_309 : memref<128xi32, #tpu.memory_space<vmem>>) semaphore(%run_scoped3A_306 : memref<!tpu.dma_semaphore, #tpu.memory_space<semaphore_mem>>) {add = true}
        %dma_wait3A_313 = arith.constant 0 : i32
        %dma_wait3A_314 = tpu.memref_slice %arg7[%add3A_272, %dma_wait3A_313] : memref<80x128xi32, #tpu.memory_space<vmem>> -> memref<1x128xi32, #tpu.memory_space<vmem>>
        %dma_wait3A_315 = tpu.memref_squeeze %dma_wait3A_314 : memref<1x128xi32, #tpu.memory_space<vmem>> -> memref<128xi32, #tpu.memory_space<vmem>>
        %dma_wait3A_316 = arith.constant 0 : i32
        %dma_wait3A_317 = arith.constant 0 : i32
        %dma_wait3A_318 = tpu.memref_slice %arg14[%dma_wait3A_316, %dma_wait3A_317] : memref<10240x64xf32, #tpu.memory_space<vmem_shared>> -> memref<10240x64xf32, #tpu.memory_space<vmem_shared>>
        tpu.wait_indirect_dma semaphore(%run_scoped3A_306 : memref<!tpu.dma_semaphore, #tpu.memory_space<semaphore_mem>>) src(%arg11 : memref<128x64xf32, #tpu.memory_space<vmem>>) dst(%dma_wait3A_318 : memref<10240x64xf32, #tpu.memory_space<vmem_shared>>)
        tpu.yield
      }) : () -> ()
      %add3A_273 = arith.constant 3 : i32
      %add3A_274 = arith.addi %mul3A_189, %add3A_273 : i32
      %add3A_275 = arith.constant 5 : i32
      %add3A_276 = arith.addi %add3A_274, %add3A_275 : i32
      %lt3A_277 = arith.constant 80 : i32
      %lt3A_278 = arith.cmpi slt, %add3A_276, %lt3A_277 : i32
      %convert_element_type3A_279 = arith.extui %lt3A_278 : i1 to i32
      %cond3A_280 = arith.constant 0 : i32
      %cond3A_281 = arith.cmpi ne, %convert_element_type3A_279, %cond3A_280 : i32
      scf.if %cond3A_281 {
        %add3A_306 = arith.constant 3 : i32
        %add3A_307 = arith.addi %mul3A_189, %add3A_306 : i32
        %add3A_308 = arith.constant 5 : i32
        %add3A_309 = arith.addi %add3A_307, %add3A_308 : i32
        %dma_start3A_310 = arith.constant 0 : i32
        %dma_start3A_311 = arith.constant 0 : i32
        %dma_start3A_312 = tpu.memref_slice %arg6[%add3A_309, %dma_start3A_311] : memref<80x128xi32, #tpu.memory_space<vmem>> -> memref<1x128xi32, #tpu.memory_space<vmem>>
        %dma_start3A_313 = tpu.memref_squeeze %dma_start3A_312 : memref<1x128xi32, #tpu.memory_space<vmem>> -> memref<128xi32, #tpu.memory_space<vmem>>
        %dma_start3A_314 = arith.constant 0 : i32
        %dma_start3A_315 = arith.constant 0 : i32
        %dma_start3A_316 = tpu.memref_slice %arg2[%dma_start3A_310, %dma_start3A_314, %dma_start3A_315] : memref<2x10000x64xf32, #tpu.memory_space<hbm>> -> memref<1x10000x64xf32, #tpu.memory_space<hbm>>
        %dma_start3A_317 = tpu.memref_squeeze %dma_start3A_316 : memref<1x10000x64xf32, #tpu.memory_space<hbm>> -> memref<10000x64xf32, #tpu.memory_space<hbm>>
        %dma_start3A_318 = arith.constant 0 : i32
        %dma_start3A_319 = arith.constant 0 : i32
        %dma_start3A_320 = tpu.memref_slice %dma_start3A_317[%dma_start3A_318, %dma_start3A_319] : memref<10000x64xf32, #tpu.memory_space<hbm>> -> memref<10000x64xf32, #tpu.memory_space<hbm>>
        tpu.enqueue_indirect_dma source(%dma_start3A_320 : memref<10000x64xf32, #tpu.memory_space<hbm>>) target(%arg11 : memref<128x64xf32, #tpu.memory_space<vmem>>) offsets(%dma_start3A_313 : memref<128xi32, #tpu.memory_space<vmem>>) semaphore(%arg18 : memref<!tpu.dma_semaphore, #tpu.memory_space<semaphore_mem>>)
      } else {
      }
      %add3A_282 = arith.constant 4 : i32
      %add3A_283 = arith.addi %mul3A_189, %add3A_282 : i32
      %dma_wait3A_284 = arith.constant 0 : i32
      %dma_wait3A_285 = arith.constant 0 : i32
      %dma_wait3A_286 = tpu.memref_slice %arg6[%add3A_283, %dma_wait3A_285] : memref<80x128xi32, #tpu.memory_space<vmem>> -> memref<1x128xi32, #tpu.memory_space<vmem>>
      %dma_wait3A_287 = tpu.memref_squeeze %dma_wait3A_286 : memref<1x128xi32, #tpu.memory_space<vmem>> -> memref<128xi32, #tpu.memory_space<vmem>>
      %dma_wait3A_288 = arith.constant 0 : i32
      %dma_wait3A_289 = arith.constant 0 : i32
      %dma_wait3A_290 = tpu.memref_slice %arg2[%dma_wait3A_284, %dma_wait3A_288, %dma_wait3A_289] : memref<2x10000x64xf32, #tpu.memory_space<hbm>> -> memref<1x10000x64xf32, #tpu.memory_space<hbm>>
      %dma_wait3A_291 = tpu.memref_squeeze %dma_wait3A_290 : memref<1x10000x64xf32, #tpu.memory_space<hbm>> -> memref<10000x64xf32, #tpu.memory_space<hbm>>
      %dma_wait3A_292 = arith.constant 0 : i32
      %dma_wait3A_293 = arith.constant 0 : i32
      %dma_wait3A_294 = tpu.memref_slice %dma_wait3A_291[%dma_wait3A_292, %dma_wait3A_293] : memref<10000x64xf32, #tpu.memory_space<hbm>> -> memref<10000x64xf32, #tpu.memory_space<hbm>>
      tpu.wait_indirect_dma semaphore(%arg19 : memref<!tpu.dma_semaphore, #tpu.memory_space<semaphore_mem>>) src(%dma_wait3A_294 : memref<10000x64xf32, #tpu.memory_space<hbm>>) dst(%arg12 : memref<128x64xf32, #tpu.memory_space<vmem>>)
      %add3A_295 = arith.constant 4 : i32
      %add3A_296 = arith.addi %mul3A_189, %add3A_295 : i32
      "tpu.region"() ({
        %run_scoped3A_306 = tpu.sem_alloc : memref<!tpu.dma_semaphore, #tpu.memory_space<semaphore_mem>>
        %dma_start3A_307 = arith.constant 0 : i32
        %dma_start3A_308 = tpu.memref_slice %arg7[%add3A_296, %dma_start3A_307] : memref<80x128xi32, #tpu.memory_space<vmem>> -> memref<1x128xi32, #tpu.memory_space<vmem>>
        %dma_start3A_309 = tpu.memref_squeeze %dma_start3A_308 : memref<1x128xi32, #tpu.memory_space<vmem>> -> memref<128xi32, #tpu.memory_space<vmem>>
        %dma_start3A_310 = arith.constant 0 : i32
        %dma_start3A_311 = arith.constant 0 : i32
        %dma_start3A_312 = tpu.memref_slice %arg14[%dma_start3A_310, %dma_start3A_311] : memref<10240x64xf32, #tpu.memory_space<vmem_shared>> -> memref<10240x64xf32, #tpu.memory_space<vmem_shared>>
        tpu.enqueue_indirect_dma source(%arg12 : memref<128x64xf32, #tpu.memory_space<vmem>>) target(%dma_start3A_312 : memref<10240x64xf32, #tpu.memory_space<vmem_shared>>) offsets(%dma_start3A_309 : memref<128xi32, #tpu.memory_space<vmem>>) semaphore(%run_scoped3A_306 : memref<!tpu.dma_semaphore, #tpu.memory_space<semaphore_mem>>) {add = true}
        %dma_wait3A_313 = arith.constant 0 : i32
        %dma_wait3A_314 = tpu.memref_slice %arg7[%add3A_296, %dma_wait3A_313] : memref<80x128xi32, #tpu.memory_space<vmem>> -> memref<1x128xi32, #tpu.memory_space<vmem>>
        %dma_wait3A_315 = tpu.memref_squeeze %dma_wait3A_314 : memref<1x128xi32, #tpu.memory_space<vmem>> -> memref<128xi32, #tpu.memory_space<vmem>>
        %dma_wait3A_316 = arith.constant 0 : i32
        %dma_wait3A_317 = arith.constant 0 : i32
        %dma_wait3A_318 = tpu.memref_slice %arg14[%dma_wait3A_316, %dma_wait3A_317] : memref<10240x64xf32, #tpu.memory_space<vmem_shared>> -> memref<10240x64xf32, #tpu.memory_space<vmem_shared>>
        tpu.wait_indirect_dma semaphore(%run_scoped3A_306 : memref<!tpu.dma_semaphore, #tpu.memory_space<semaphore_mem>>) src(%arg12 : memref<128x64xf32, #tpu.memory_space<vmem>>) dst(%dma_wait3A_318 : memref<10240x64xf32, #tpu.memory_space<vmem_shared>>)
        tpu.yield
      }) : () -> ()
      %add3A_297 = arith.constant 4 : i32
      %add3A_298 = arith.addi %mul3A_189, %add3A_297 : i32
      %add3A_299 = arith.constant 5 : i32
      %add3A_300 = arith.addi %add3A_298, %add3A_299 : i32
      %lt3A_301 = arith.constant 80 : i32
      %lt3A_302 = arith.cmpi slt, %add3A_300, %lt3A_301 : i32
      %convert_element_type3A_303 = arith.extui %lt3A_302 : i1 to i32
      %cond3A_304 = arith.constant 0 : i32
      %cond3A_305 = arith.cmpi ne, %convert_element_type3A_303, %cond3A_304 : i32
      scf.if %cond3A_305 {
        %add3A_306 = arith.constant 4 : i32
        %add3A_307 = arith.addi %mul3A_189, %add3A_306 : i32
        %add3A_308 = arith.constant 5 : i32
        %add3A_309 = arith.addi %add3A_307, %add3A_308 : i32
        %dma_start3A_310 = arith.constant 0 : i32
        %dma_start3A_311 = arith.constant 0 : i32
        %dma_start3A_312 = tpu.memref_slice %arg6[%add3A_309, %dma_start3A_311] : memref<80x128xi32, #tpu.memory_space<vmem>> -> memref<1x128xi32, #tpu.memory_space<vmem>>
        %dma_start3A_313 = tpu.memref_squeeze %dma_start3A_312 : memref<1x128xi32, #tpu.memory_space<vmem>> -> memref<128xi32, #tpu.memory_space<vmem>>
        %dma_start3A_314 = arith.constant 0 : i32
        %dma_start3A_315 = arith.constant 0 : i32
        %dma_start3A_316 = tpu.memref_slice %arg2[%dma_start3A_310, %dma_start3A_314, %dma_start3A_315] : memref<2x10000x64xf32, #tpu.memory_space<hbm>> -> memref<1x10000x64xf32, #tpu.memory_space<hbm>>
        %dma_start3A_317 = tpu.memref_squeeze %dma_start3A_316 : memref<1x10000x64xf32, #tpu.memory_space<hbm>> -> memref<10000x64xf32, #tpu.memory_space<hbm>>
        %dma_start3A_318 = arith.constant 0 : i32
        %dma_start3A_319 = arith.constant 0 : i32
        %dma_start3A_320 = tpu.memref_slice %dma_start3A_317[%dma_start3A_318, %dma_start3A_319] : memref<10000x64xf32, #tpu.memory_space<hbm>> -> memref<10000x64xf32, #tpu.memory_space<hbm>>
        tpu.enqueue_indirect_dma source(%dma_start3A_320 : memref<10000x64xf32, #tpu.memory_space<hbm>>) target(%arg12 : memref<128x64xf32, #tpu.memory_space<vmem>>) offsets(%dma_start3A_313 : memref<128xi32, #tpu.memory_space<vmem>>) semaphore(%arg19 : memref<!tpu.dma_semaphore, #tpu.memory_space<semaphore_mem>>)
      } else {
      }
    }
    %scan3A_88 = arith.constant 16 : i32
    %barrier3A_89 = arith.constant 0 : index
    tpu.barrier barrier_id(%barrier3A_89)
    %mul3A_90 = arith.constant 640 : i32
    %mul3A_91 = arith.muli %arg1, %mul3A_90 : i32
    %mul3A_92 = arith.constant 640 : i32
    %mul3A_93 = arith.muli %arg1, %mul3A_92 : i32
    %run_scoped3A = arith.constant 0 : i32
    "tpu.region"() ({
      %run_scoped3A_187 = tpu.sem_alloc : memref<!tpu.dma_semaphore, #tpu.memory_space<semaphore_mem>>
      %dma_start3A_188 = arith.constant 0 : i32
      %dma_start3A_189 = arith.constant 0 : i32
      %dma_start3A_190 = arith.constant 0 : i32
      %dma_start3A_191 = tpu.memref_slice %arg5[%arg0, %dma_start3A_188, %dma_start3A_189, %dma_start3A_190] : memref<2x2x10240x64xf32, #tpu.memory_space<hbm>> -> memref<1x2x10240x64xf32, #tpu.memory_space<hbm>>
      %dma_start3A_192 = tpu.memref_squeeze %dma_start3A_191 : memref<1x2x10240x64xf32, #tpu.memory_space<hbm>> -> memref<2x10240x64xf32, #tpu.memory_space<hbm>>
      %dma_start3A_193 = arith.constant 0 : i32
      %dma_start3A_194 = arith.constant 0 : i32
      %dma_start3A_195 = tpu.memref_slice %dma_start3A_192[%run_scoped3A, %dma_start3A_193, %dma_start3A_194] : memref<2x10240x64xf32, #tpu.memory_space<hbm>> -> memref<1x10240x64xf32, #tpu.memory_space<hbm>>
      %dma_start3A_196 = tpu.memref_squeeze %dma_start3A_195 : memref<1x10240x64xf32, #tpu.memory_space<hbm>> -> memref<10240x64xf32, #tpu.memory_space<hbm>>
      %dma_start3A_197 = arith.constant 0 : i32
      %dma_start3A_198 = tpu.memref_slice %dma_start3A_196[%mul3A_93, %dma_start3A_197] : memref<10240x64xf32, #tpu.memory_space<hbm>> -> memref<640x64xf32, #tpu.memory_space<hbm>>
      %dma_start3A_199 = arith.constant 0 : i32
      %dma_start3A_200 = tpu.memref_slice %arg14[%mul3A_91, %dma_start3A_199] : memref<10240x64xf32, #tpu.memory_space<vmem_shared>> -> memref<640x64xf32, #tpu.memory_space<vmem_shared>>
      tpu.enqueue_dma source(%dma_start3A_200 : memref<640x64xf32, #tpu.memory_space<vmem_shared>>) target(%dma_start3A_198 : memref<640x64xf32, #tpu.memory_space<hbm>>) target_semaphore(%run_scoped3A_187 : memref<!tpu.dma_semaphore, #tpu.memory_space<semaphore_mem>>)
      %dma_wait3A = arith.constant 0 : i32
      %dma_wait3A_201 = arith.constant 0 : i32
      %dma_wait3A_202 = arith.constant 0 : i32
      %dma_wait3A_203 = tpu.memref_slice %arg5[%arg0, %dma_wait3A, %dma_wait3A_201, %dma_wait3A_202] : memref<2x2x10240x64xf32, #tpu.memory_space<hbm>> -> memref<1x2x10240x64xf32, #tpu.memory_space<hbm>>
      %dma_wait3A_204 = tpu.memref_squeeze %dma_wait3A_203 : memref<1x2x10240x64xf32, #tpu.memory_space<hbm>> -> memref<2x10240x64xf32, #tpu.memory_space<hbm>>
      %dma_wait3A_205 = arith.constant 0 : i32
      %dma_wait3A_206 = arith.constant 0 : i32
      %dma_wait3A_207 = tpu.memref_slice %dma_wait3A_204[%run_scoped3A, %dma_wait3A_205, %dma_wait3A_206] : memref<2x10240x64xf32, #tpu.memory_space<hbm>> -> memref<1x10240x64xf32, #tpu.memory_space<hbm>>
      %dma_wait3A_208 = tpu.memref_squeeze %dma_wait3A_207 : memref<1x10240x64xf32, #tpu.memory_space<hbm>> -> memref<10240x64xf32, #tpu.memory_space<hbm>>
      %dma_wait3A_209 = arith.constant 0 : i32
      %dma_wait3A_210 = tpu.memref_slice %dma_wait3A_208[%mul3A_93, %dma_wait3A_209] : memref<10240x64xf32, #tpu.memory_space<hbm>> -> memref<640x64xf32, #tpu.memory_space<hbm>>
      %dma_wait3A_211 = arith.constant 0 : i32
      %dma_wait3A_212 = tpu.memref_slice %arg14[%mul3A_91, %dma_wait3A_211] : memref<10240x64xf32, #tpu.memory_space<vmem_shared>> -> memref<640x64xf32, #tpu.memory_space<vmem_shared>>
      tpu.wait_dma2 semaphore(%run_scoped3A_187 : memref<!tpu.dma_semaphore, #tpu.memory_space<semaphore_mem>>) src(%dma_wait3A_212 : memref<640x64xf32, #tpu.memory_space<vmem_shared>>) dst(%dma_wait3A_210 : memref<640x64xf32, #tpu.memory_space<hbm>>)
      tpu.yield
    }) : () -> ()
    %mul3A_94 = arith.constant 640 : i32
    %mul3A_95 = arith.muli %arg1, %mul3A_94 : i32
    %add3A_96 = arith.constant 0 : i32
    %add3A_97 = arith.addi %mul3A_95, %add3A_96 : i32
    "tpu.region"() ({
      %run_scoped3A_187 = tpu.sem_alloc : memref<!tpu.dma_semaphore, #tpu.memory_space<semaphore_mem>>
      %dma_start3A_188 = arith.constant 0 : i32
      %dma_start3A_189 = tpu.memref_slice %arg14[%add3A_97, %dma_start3A_188] : memref<10240x64xf32, #tpu.memory_space<vmem_shared>> -> memref<128x64xf32, #tpu.memory_space<vmem_shared>>
      %dma_start3A_190 = arith.constant 0 : i32
      %dma_start3A_191 = tpu.memref_slice %arg14[%add3A_97, %dma_start3A_190] : memref<10240x64xf32, #tpu.memory_space<vmem_shared>> -> memref<128x64xf32, #tpu.memory_space<vmem_shared>>
      tpu.enqueue_dma source(%arg13 : memref<128x64xf32, #tpu.memory_space<vmem>>) target(%dma_start3A_191 : memref<128x64xf32, #tpu.memory_space<vmem_shared>>) target_semaphore(%run_scoped3A_187 : memref<!tpu.dma_semaphore, #tpu.memory_space<semaphore_mem>>)
      %dma_wait3A = arith.constant 0 : i32
      %dma_wait3A_192 = tpu.memref_slice %arg14[%add3A_97, %dma_wait3A] : memref<10240x64xf32, #tpu.memory_space<vmem_shared>> -> memref<128x64xf32, #tpu.memory_space<vmem_shared>>
      %dma_wait3A_193 = arith.constant 0 : i32
      %dma_wait3A_194 = tpu.memref_slice %arg14[%add3A_97, %dma_wait3A_193] : memref<10240x64xf32, #tpu.memory_space<vmem_shared>> -> memref<128x64xf32, #tpu.memory_space<vmem_shared>>
      tpu.wait_dma2 semaphore(%run_scoped3A_187 : memref<!tpu.dma_semaphore, #tpu.memory_space<semaphore_mem>>) src(%arg13 : memref<128x64xf32, #tpu.memory_space<vmem>>) dst(%dma_wait3A_194 : memref<128x64xf32, #tpu.memory_space<vmem_shared>>)
      tpu.yield
    }) : () -> ()
    %mul3A_98 = arith.constant 640 : i32
    %mul3A_99 = arith.muli %arg1, %mul3A_98 : i32
    %add3A_100 = arith.constant 128 : i32
    %add3A_101 = arith.addi %mul3A_99, %add3A_100 : i32
    "tpu.region"() ({
      %run_scoped3A_187 = tpu.sem_alloc : memref<!tpu.dma_semaphore, #tpu.memory_space<semaphore_mem>>
      %dma_start3A_188 = arith.constant 0 : i32
      %dma_start3A_189 = tpu.memref_slice %arg14[%add3A_101, %dma_start3A_188] : memref<10240x64xf32, #tpu.memory_space<vmem_shared>> -> memref<128x64xf32, #tpu.memory_space<vmem_shared>>
      %dma_start3A_190 = arith.constant 0 : i32
      %dma_start3A_191 = tpu.memref_slice %arg14[%add3A_101, %dma_start3A_190] : memref<10240x64xf32, #tpu.memory_space<vmem_shared>> -> memref<128x64xf32, #tpu.memory_space<vmem_shared>>
      tpu.enqueue_dma source(%arg13 : memref<128x64xf32, #tpu.memory_space<vmem>>) target(%dma_start3A_191 : memref<128x64xf32, #tpu.memory_space<vmem_shared>>) target_semaphore(%run_scoped3A_187 : memref<!tpu.dma_semaphore, #tpu.memory_space<semaphore_mem>>)
      %dma_wait3A = arith.constant 0 : i32
      %dma_wait3A_192 = tpu.memref_slice %arg14[%add3A_101, %dma_wait3A] : memref<10240x64xf32, #tpu.memory_space<vmem_shared>> -> memref<128x64xf32, #tpu.memory_space<vmem_shared>>
      %dma_wait3A_193 = arith.constant 0 : i32
      %dma_wait3A_194 = tpu.memref_slice %arg14[%add3A_101, %dma_wait3A_193] : memref<10240x64xf32, #tpu.memory_space<vmem_shared>> -> memref<128x64xf32, #tpu.memory_space<vmem_shared>>
      tpu.wait_dma2 semaphore(%run_scoped3A_187 : memref<!tpu.dma_semaphore, #tpu.memory_space<semaphore_mem>>) src(%arg13 : memref<128x64xf32, #tpu.memory_space<vmem>>) dst(%dma_wait3A_194 : memref<128x64xf32, #tpu.memory_space<vmem_shared>>)
      tpu.yield
    }) : () -> ()
    %mul3A_102 = arith.constant 640 : i32
    %mul3A_103 = arith.muli %arg1, %mul3A_102 : i32
    %add3A_104 = arith.constant 256 : i32
    %add3A_105 = arith.addi %mul3A_103, %add3A_104 : i32
    "tpu.region"() ({
      %run_scoped3A_187 = tpu.sem_alloc : memref<!tpu.dma_semaphore, #tpu.memory_space<semaphore_mem>>
      %dma_start3A_188 = arith.constant 0 : i32
      %dma_start3A_189 = tpu.memref_slice %arg14[%add3A_105, %dma_start3A_188] : memref<10240x64xf32, #tpu.memory_space<vmem_shared>> -> memref<128x64xf32, #tpu.memory_space<vmem_shared>>
      %dma_start3A_190 = arith.constant 0 : i32
      %dma_start3A_191 = tpu.memref_slice %arg14[%add3A_105, %dma_start3A_190] : memref<10240x64xf32, #tpu.memory_space<vmem_shared>> -> memref<128x64xf32, #tpu.memory_space<vmem_shared>>
      tpu.enqueue_dma source(%arg13 : memref<128x64xf32, #tpu.memory_space<vmem>>) target(%dma_start3A_191 : memref<128x64xf32, #tpu.memory_space<vmem_shared>>) target_semaphore(%run_scoped3A_187 : memref<!tpu.dma_semaphore, #tpu.memory_space<semaphore_mem>>)
      %dma_wait3A = arith.constant 0 : i32
      %dma_wait3A_192 = tpu.memref_slice %arg14[%add3A_105, %dma_wait3A] : memref<10240x64xf32, #tpu.memory_space<vmem_shared>> -> memref<128x64xf32, #tpu.memory_space<vmem_shared>>
      %dma_wait3A_193 = arith.constant 0 : i32
      %dma_wait3A_194 = tpu.memref_slice %arg14[%add3A_105, %dma_wait3A_193] : memref<10240x64xf32, #tpu.memory_space<vmem_shared>> -> memref<128x64xf32, #tpu.memory_space<vmem_shared>>
      tpu.wait_dma2 semaphore(%run_scoped3A_187 : memref<!tpu.dma_semaphore, #tpu.memory_space<semaphore_mem>>) src(%arg13 : memref<128x64xf32, #tpu.memory_space<vmem>>) dst(%dma_wait3A_194 : memref<128x64xf32, #tpu.memory_space<vmem_shared>>)
      tpu.yield
    }) : () -> ()
    %mul3A_106 = arith.constant 640 : i32
    %mul3A_107 = arith.muli %arg1, %mul3A_106 : i32
    %add3A_108 = arith.constant 384 : i32
    %add3A_109 = arith.addi %mul3A_107, %add3A_108 : i32
    "tpu.region"() ({
      %run_scoped3A_187 = tpu.sem_alloc : memref<!tpu.dma_semaphore, #tpu.memory_space<semaphore_mem>>
      %dma_start3A_188 = arith.constant 0 : i32
      %dma_start3A_189 = tpu.memref_slice %arg14[%add3A_109, %dma_start3A_188] : memref<10240x64xf32, #tpu.memory_space<vmem_shared>> -> memref<128x64xf32, #tpu.memory_space<vmem_shared>>
      %dma_start3A_190 = arith.constant 0 : i32
      %dma_start3A_191 = tpu.memref_slice %arg14[%add3A_109, %dma_start3A_190] : memref<10240x64xf32, #tpu.memory_space<vmem_shared>> -> memref<128x64xf32, #tpu.memory_space<vmem_shared>>
      tpu.enqueue_dma source(%arg13 : memref<128x64xf32, #tpu.memory_space<vmem>>) target(%dma_start3A_191 : memref<128x64xf32, #tpu.memory_space<vmem_shared>>) target_semaphore(%run_scoped3A_187 : memref<!tpu.dma_semaphore, #tpu.memory_space<semaphore_mem>>)
      %dma_wait3A = arith.constant 0 : i32
      %dma_wait3A_192 = tpu.memref_slice %arg14[%add3A_109, %dma_wait3A] : memref<10240x64xf32, #tpu.memory_space<vmem_shared>> -> memref<128x64xf32, #tpu.memory_space<vmem_shared>>
      %dma_wait3A_193 = arith.constant 0 : i32
      %dma_wait3A_194 = tpu.memref_slice %arg14[%add3A_109, %dma_wait3A_193] : memref<10240x64xf32, #tpu.memory_space<vmem_shared>> -> memref<128x64xf32, #tpu.memory_space<vmem_shared>>
      tpu.wait_dma2 semaphore(%run_scoped3A_187 : memref<!tpu.dma_semaphore, #tpu.memory_space<semaphore_mem>>) src(%arg13 : memref<128x64xf32, #tpu.memory_space<vmem>>) dst(%dma_wait3A_194 : memref<128x64xf32, #tpu.memory_space<vmem_shared>>)
      tpu.yield
    }) : () -> ()
    %mul3A_110 = arith.constant 640 : i32
    %mul3A_111 = arith.muli %arg1, %mul3A_110 : i32
    %add3A_112 = arith.constant 512 : i32
    %add3A_113 = arith.addi %mul3A_111, %add3A_112 : i32
    "tpu.region"() ({
      %run_scoped3A_187 = tpu.sem_alloc : memref<!tpu.dma_semaphore, #tpu.memory_space<semaphore_mem>>
      %dma_start3A_188 = arith.constant 0 : i32
      %dma_start3A_189 = tpu.memref_slice %arg14[%add3A_113, %dma_start3A_188] : memref<10240x64xf32, #tpu.memory_space<vmem_shared>> -> memref<128x64xf32, #tpu.memory_space<vmem_shared>>
      %dma_start3A_190 = arith.constant 0 : i32
      %dma_start3A_191 = tpu.memref_slice %arg14[%add3A_113, %dma_start3A_190] : memref<10240x64xf32, #tpu.memory_space<vmem_shared>> -> memref<128x64xf32, #tpu.memory_space<vmem_shared>>
      tpu.enqueue_dma source(%arg13 : memref<128x64xf32, #tpu.memory_space<vmem>>) target(%dma_start3A_191 : memref<128x64xf32, #tpu.memory_space<vmem_shared>>) target_semaphore(%run_scoped3A_187 : memref<!tpu.dma_semaphore, #tpu.memory_space<semaphore_mem>>)
      %dma_wait3A = arith.constant 0 : i32
      %dma_wait3A_192 = tpu.memref_slice %arg14[%add3A_113, %dma_wait3A] : memref<10240x64xf32, #tpu.memory_space<vmem_shared>> -> memref<128x64xf32, #tpu.memory_space<vmem_shared>>
      %dma_wait3A_193 = arith.constant 0 : i32
      %dma_wait3A_194 = tpu.memref_slice %arg14[%add3A_113, %dma_wait3A_193] : memref<10240x64xf32, #tpu.memory_space<vmem_shared>> -> memref<128x64xf32, #tpu.memory_space<vmem_shared>>
      tpu.wait_dma2 semaphore(%run_scoped3A_187 : memref<!tpu.dma_semaphore, #tpu.memory_space<semaphore_mem>>) src(%arg13 : memref<128x64xf32, #tpu.memory_space<vmem>>) dst(%dma_wait3A_194 : memref<128x64xf32, #tpu.memory_space<vmem_shared>>)
      tpu.yield
    }) : () -> ()
    %barrier3A_114 = arith.constant 0 : index
    tpu.barrier barrier_id(%barrier3A_114)
    %dma_start3A_115 = arith.constant 1 : i32
    %dma_start3A_116 = arith.constant 0 : i32
    %dma_start3A_117 = arith.constant 0 : i32
    %dma_start3A_118 = tpu.memref_slice %arg6[%dma_start3A_116, %dma_start3A_117] : memref<80x128xi32, #tpu.memory_space<vmem>> -> memref<1x128xi32, #tpu.memory_space<vmem>>
    %dma_start3A_119 = tpu.memref_squeeze %dma_start3A_118 : memref<1x128xi32, #tpu.memory_space<vmem>> -> memref<128xi32, #tpu.memory_space<vmem>>
    %dma_start3A_120 = arith.constant 0 : i32
    %dma_start3A_121 = arith.constant 0 : i32
    %dma_start3A_122 = tpu.memref_slice %arg2[%dma_start3A_115, %dma_start3A_120, %dma_start3A_121] : memref<2x10000x64xf32, #tpu.memory_space<hbm>> -> memref<1x10000x64xf32, #tpu.memory_space<hbm>>
    %dma_start3A_123 = tpu.memref_squeeze %dma_start3A_122 : memref<1x10000x64xf32, #tpu.memory_space<hbm>> -> memref<10000x64xf32, #tpu.memory_space<hbm>>
    %dma_start3A_124 = arith.constant 0 : i32
    %dma_start3A_125 = arith.constant 0 : i32
    %dma_start3A_126 = tpu.memref_slice %dma_start3A_123[%dma_start3A_124, %dma_start3A_125] : memref<10000x64xf32, #tpu.memory_space<hbm>> -> memref<10000x64xf32, #tpu.memory_space<hbm>>
    tpu.enqueue_indirect_dma source(%dma_start3A_126 : memref<10000x64xf32, #tpu.memory_space<hbm>>) target(%arg8 : memref<128x64xf32, #tpu.memory_space<vmem>>) offsets(%dma_start3A_119 : memref<128xi32, #tpu.memory_space<vmem>>) semaphore(%arg15 : memref<!tpu.dma_semaphore, #tpu.memory_space<semaphore_mem>>)
    %dma_start3A_127 = arith.constant 1 : i32
    %dma_start3A_128 = arith.constant 1 : i32
    %dma_start3A_129 = arith.constant 0 : i32
    %dma_start3A_130 = tpu.memref_slice %arg6[%dma_start3A_128, %dma_start3A_129] : memref<80x128xi32, #tpu.memory_space<vmem>> -> memref<1x128xi32, #tpu.memory_space<vmem>>
    %dma_start3A_131 = tpu.memref_squeeze %dma_start3A_130 : memref<1x128xi32, #tpu.memory_space<vmem>> -> memref<128xi32, #tpu.memory_space<vmem>>
    %dma_start3A_132 = arith.constant 0 : i32
    %dma_start3A_133 = arith.constant 0 : i32
    %dma_start3A_134 = tpu.memref_slice %arg2[%dma_start3A_127, %dma_start3A_132, %dma_start3A_133] : memref<2x10000x64xf32, #tpu.memory_space<hbm>> -> memref<1x10000x64xf32, #tpu.memory_space<hbm>>
    %dma_start3A_135 = tpu.memref_squeeze %dma_start3A_134 : memref<1x10000x64xf32, #tpu.memory_space<hbm>> -> memref<10000x64xf32, #tpu.memory_space<hbm>>
    %dma_start3A_136 = arith.constant 0 : i32
    %dma_start3A_137 = arith.constant 0 : i32
    %dma_start3A_138 = tpu.memref_slice %dma_start3A_135[%dma_start3A_136, %dma_start3A_137] : memref<10000x64xf32, #tpu.memory_space<hbm>> -> memref<10000x64xf32, #tpu.memory_space<hbm>>
    tpu.enqueue_indirect_dma source(%dma_start3A_138 : memref<10000x64xf32, #tpu.memory_space<hbm>>) target(%arg9 : memref<128x64xf32, #tpu.memory_space<vmem>>) offsets(%dma_start3A_131 : memref<128xi32, #tpu.memory_space<vmem>>) semaphore(%arg16 : memref<!tpu.dma_semaphore, #tpu.memory_space<semaphore_mem>>)
    %dma_start3A_139 = arith.constant 1 : i32
    %dma_start3A_140 = arith.constant 2 : i32
    %dma_start3A_141 = arith.constant 0 : i32
    %dma_start3A_142 = tpu.memref_slice %arg6[%dma_start3A_140, %dma_start3A_141] : memref<80x128xi32, #tpu.memory_space<vmem>> -> memref<1x128xi32, #tpu.memory_space<vmem>>
    %dma_start3A_143 = tpu.memref_squeeze %dma_start3A_142 : memref<1x128xi32, #tpu.memory_space<vmem>> -> memref<128xi32, #tpu.memory_space<vmem>>
    %dma_start3A_144 = arith.constant 0 : i32
    %dma_start3A_145 = arith.constant 0 : i32
    %dma_start3A_146 = tpu.memref_slice %arg2[%dma_start3A_139, %dma_start3A_144, %dma_start3A_145] : memref<2x10000x64xf32, #tpu.memory_space<hbm>> -> memref<1x10000x64xf32, #tpu.memory_space<hbm>>
    %dma_start3A_147 = tpu.memref_squeeze %dma_start3A_146 : memref<1x10000x64xf32, #tpu.memory_space<hbm>> -> memref<10000x64xf32, #tpu.memory_space<hbm>>
    %dma_start3A_148 = arith.constant 0 : i32
    %dma_start3A_149 = arith.constant 0 : i32
    %dma_start3A_150 = tpu.memref_slice %dma_start3A_147[%dma_start3A_148, %dma_start3A_149] : memref<10000x64xf32, #tpu.memory_space<hbm>> -> memref<10000x64xf32, #tpu.memory_space<hbm>>
    tpu.enqueue_indirect_dma source(%dma_start3A_150 : memref<10000x64xf32, #tpu.memory_space<hbm>>) target(%arg10 : memref<128x64xf32, #tpu.memory_space<vmem>>) offsets(%dma_start3A_143 : memref<128xi32, #tpu.memory_space<vmem>>) semaphore(%arg17 : memref<!tpu.dma_semaphore, #tpu.memory_space<semaphore_mem>>)
    %dma_start3A_151 = arith.constant 1 : i32
    %dma_start3A_152 = arith.constant 3 : i32
    %dma_start3A_153 = arith.constant 0 : i32
    %dma_start3A_154 = tpu.memref_slice %arg6[%dma_start3A_152, %dma_start3A_153] : memref<80x128xi32, #tpu.memory_space<vmem>> -> memref<1x128xi32, #tpu.memory_space<vmem>>
    %dma_start3A_155 = tpu.memref_squeeze %dma_start3A_154 : memref<1x128xi32, #tpu.memory_space<vmem>> -> memref<128xi32, #tpu.memory_space<vmem>>
    %dma_start3A_156 = arith.constant 0 : i32
    %dma_start3A_157 = arith.constant 0 : i32
    %dma_start3A_158 = tpu.memref_slice %arg2[%dma_start3A_151, %dma_start3A_156, %dma_start3A_157] : memref<2x10000x64xf32, #tpu.memory_space<hbm>> -> memref<1x10000x64xf32, #tpu.memory_space<hbm>>
    %dma_start3A_159 = tpu.memref_squeeze %dma_start3A_158 : memref<1x10000x64xf32, #tpu.memory_space<hbm>> -> memref<10000x64xf32, #tpu.memory_space<hbm>>
    %dma_start3A_160 = arith.constant 0 : i32
    %dma_start3A_161 = arith.constant 0 : i32
    %dma_start3A_162 = tpu.memref_slice %dma_start3A_159[%dma_start3A_160, %dma_start3A_161] : memref<10000x64xf32, #tpu.memory_space<hbm>> -> memref<10000x64xf32, #tpu.memory_space<hbm>>
    tpu.enqueue_indirect_dma source(%dma_start3A_162 : memref<10000x64xf32, #tpu.memory_space<hbm>>) target(%arg11 : memref<128x64xf32, #tpu.memory_space<vmem>>) offsets(%dma_start3A_155 : memref<128xi32, #tpu.memory_space<vmem>>) semaphore(%arg18 : memref<!tpu.dma_semaphore, #tpu.memory_space<semaphore_mem>>)
    %dma_start3A_163 = arith.constant 1 : i32
    %dma_start3A_164 = arith.constant 4 : i32
    %dma_start3A_165 = arith.constant 0 : i32
    %dma_start3A_166 = tpu.memref_slice %arg6[%dma_start3A_164, %dma_start3A_165] : memref<80x128xi32, #tpu.memory_space<vmem>> -> memref<1x128xi32, #tpu.memory_space<vmem>>
    %dma_start3A_167 = tpu.memref_squeeze %dma_start3A_166 : memref<1x128xi32, #tpu.memory_space<vmem>> -> memref<128xi32, #tpu.memory_space<vmem>>
    %dma_start3A_168 = arith.constant 0 : i32
    %dma_start3A_169 = arith.constant 0 : i32
    %dma_start3A_170 = tpu.memref_slice %arg2[%dma_start3A_163, %dma_start3A_168, %dma_start3A_169] : memref<2x10000x64xf32, #tpu.memory_space<hbm>> -> memref<1x10000x64xf32, #tpu.memory_space<hbm>>
    %dma_start3A_171 = tpu.memref_squeeze %dma_start3A_170 : memref<1x10000x64xf32, #tpu.memory_space<hbm>> -> memref<10000x64xf32, #tpu.memory_space<hbm>>
    %dma_start3A_172 = arith.constant 0 : i32
    %dma_start3A_173 = arith.constant 0 : i32
    %dma_start3A_174 = tpu.memref_slice %dma_start3A_171[%dma_start3A_172, %dma_start3A_173] : memref<10000x64xf32, #tpu.memory_space<hbm>> -> memref<10000x64xf32, #tpu.memory_space<hbm>>
    tpu.enqueue_indirect_dma source(%dma_start3A_174 : memref<10000x64xf32, #tpu.memory_space<hbm>>) target(%arg12 : memref<128x64xf32, #tpu.memory_space<vmem>>) offsets(%dma_start3A_167 : memref<128xi32, #tpu.memory_space<vmem>>) semaphore(%arg19 : memref<!tpu.dma_semaphore, #tpu.memory_space<semaphore_mem>>)
    %scan3A_175 = arith.constant 0 : i32
    %scan3A_176 = arith.constant 0 : i32
    %scan3A_177 = arith.constant 16 : i32
    %scan3A_178 = arith.addi %scan3A_176, %scan3A_177 : i32
    %scan3A_179 = arith.constant 1 : i32
    scf.for %scan3A_187 = %scan3A_176 to %scan3A_178 step %scan3A_179  : i32 {
      %mul3A_188 = arith.constant 5 : i32
      %mul3A_189 = arith.muli %scan3A_187, %mul3A_188 : i32
      %add3A_190 = arith.constant 0 : i32
      %add3A_191 = arith.addi %mul3A_189, %add3A_190 : i32
      %dma_wait3A = arith.constant 1 : i32
      %dma_wait3A_192 = arith.constant 0 : i32
      %dma_wait3A_193 = tpu.memref_slice %arg6[%add3A_191, %dma_wait3A_192] : memref<80x128xi32, #tpu.memory_space<vmem>> -> memref<1x128xi32, #tpu.memory_space<vmem>>
      %dma_wait3A_194 = tpu.memref_squeeze %dma_wait3A_193 : memref<1x128xi32, #tpu.memory_space<vmem>> -> memref<128xi32, #tpu.memory_space<vmem>>
      %dma_wait3A_195 = arith.constant 0 : i32
      %dma_wait3A_196 = arith.constant 0 : i32
      %dma_wait3A_197 = tpu.memref_slice %arg2[%dma_wait3A, %dma_wait3A_195, %dma_wait3A_196] : memref<2x10000x64xf32, #tpu.memory_space<hbm>> -> memref<1x10000x64xf32, #tpu.memory_space<hbm>>
      %dma_wait3A_198 = tpu.memref_squeeze %dma_wait3A_197 : memref<1x10000x64xf32, #tpu.memory_space<hbm>> -> memref<10000x64xf32, #tpu.memory_space<hbm>>
      %dma_wait3A_199 = arith.constant 0 : i32
      %dma_wait3A_200 = arith.constant 0 : i32
      %dma_wait3A_201 = tpu.memref_slice %dma_wait3A_198[%dma_wait3A_199, %dma_wait3A_200] : memref<10000x64xf32, #tpu.memory_space<hbm>> -> memref<10000x64xf32, #tpu.memory_space<hbm>>
      tpu.wait_indirect_dma semaphore(%arg15 : memref<!tpu.dma_semaphore, #tpu.memory_space<semaphore_mem>>) src(%dma_wait3A_201 : memref<10000x64xf32, #tpu.memory_space<hbm>>) dst(%arg8 : memref<128x64xf32, #tpu.memory_space<vmem>>)
      %add3A_202 = arith.constant 0 : i32
      %add3A_203 = arith.addi %mul3A_189, %add3A_202 : i32
      "tpu.region"() ({
        %run_scoped3A_306 = tpu.sem_alloc : memref<!tpu.dma_semaphore, #tpu.memory_space<semaphore_mem>>
        %dma_start3A_307 = arith.constant 0 : i32
        %dma_start3A_308 = tpu.memref_slice %arg7[%add3A_203, %dma_start3A_307] : memref<80x128xi32, #tpu.memory_space<vmem>> -> memref<1x128xi32, #tpu.memory_space<vmem>>
        %dma_start3A_309 = tpu.memref_squeeze %dma_start3A_308 : memref<1x128xi32, #tpu.memory_space<vmem>> -> memref<128xi32, #tpu.memory_space<vmem>>
        %dma_start3A_310 = arith.constant 0 : i32
        %dma_start3A_311 = arith.constant 0 : i32
        %dma_start3A_312 = tpu.memref_slice %arg14[%dma_start3A_310, %dma_start3A_311] : memref<10240x64xf32, #tpu.memory_space<vmem_shared>> -> memref<10240x64xf32, #tpu.memory_space<vmem_shared>>
        tpu.enqueue_indirect_dma source(%arg8 : memref<128x64xf32, #tpu.memory_space<vmem>>) target(%dma_start3A_312 : memref<10240x64xf32, #tpu.memory_space<vmem_shared>>) offsets(%dma_start3A_309 : memref<128xi32, #tpu.memory_space<vmem>>) semaphore(%run_scoped3A_306 : memref<!tpu.dma_semaphore, #tpu.memory_space<semaphore_mem>>) {add = true}
        %dma_wait3A_313 = arith.constant 0 : i32
        %dma_wait3A_314 = tpu.memref_slice %arg7[%add3A_203, %dma_wait3A_313] : memref<80x128xi32, #tpu.memory_space<vmem>> -> memref<1x128xi32, #tpu.memory_space<vmem>>
        %dma_wait3A_315 = tpu.memref_squeeze %dma_wait3A_314 : memref<1x128xi32, #tpu.memory_space<vmem>> -> memref<128xi32, #tpu.memory_space<vmem>>
        %dma_wait3A_316 = arith.constant 0 : i32
        %dma_wait3A_317 = arith.constant 0 : i32
        %dma_wait3A_318 = tpu.memref_slice %arg14[%dma_wait3A_316, %dma_wait3A_317] : memref<10240x64xf32, #tpu.memory_space<vmem_shared>> -> memref<10240x64xf32, #tpu.memory_space<vmem_shared>>
        tpu.wait_indirect_dma semaphore(%run_scoped3A_306 : memref<!tpu.dma_semaphore, #tpu.memory_space<semaphore_mem>>) src(%arg8 : memref<128x64xf32, #tpu.memory_space<vmem>>) dst(%dma_wait3A_318 : memref<10240x64xf32, #tpu.memory_space<vmem_shared>>)
        tpu.yield
      }) : () -> ()
      %add3A_204 = arith.constant 0 : i32
      %add3A_205 = arith.addi %mul3A_189, %add3A_204 : i32
      %add3A_206 = arith.constant 5 : i32
      %add3A_207 = arith.addi %add3A_205, %add3A_206 : i32
      %lt3A = arith.constant 80 : i32
      %lt3A_208 = arith.cmpi slt, %add3A_207, %lt3A : i32
      %convert_element_type3A = arith.extui %lt3A_208 : i1 to i32
      %cond3A = arith.constant 0 : i32
      %cond3A_209 = arith.cmpi ne, %convert_element_type3A, %cond3A : i32
      scf.if %cond3A_209 {
        %add3A_306 = arith.constant 0 : i32
        %add3A_307 = arith.addi %mul3A_189, %add3A_306 : i32
        %add3A_308 = arith.constant 5 : i32
        %add3A_309 = arith.addi %add3A_307, %add3A_308 : i32
        %dma_start3A_310 = arith.constant 1 : i32
        %dma_start3A_311 = arith.constant 0 : i32
        %dma_start3A_312 = tpu.memref_slice %arg6[%add3A_309, %dma_start3A_311] : memref<80x128xi32, #tpu.memory_space<vmem>> -> memref<1x128xi32, #tpu.memory_space<vmem>>
        %dma_start3A_313 = tpu.memref_squeeze %dma_start3A_312 : memref<1x128xi32, #tpu.memory_space<vmem>> -> memref<128xi32, #tpu.memory_space<vmem>>
        %dma_start3A_314 = arith.constant 0 : i32
        %dma_start3A_315 = arith.constant 0 : i32
        %dma_start3A_316 = tpu.memref_slice %arg2[%dma_start3A_310, %dma_start3A_314, %dma_start3A_315] : memref<2x10000x64xf32, #tpu.memory_space<hbm>> -> memref<1x10000x64xf32, #tpu.memory_space<hbm>>
        %dma_start3A_317 = tpu.memref_squeeze %dma_start3A_316 : memref<1x10000x64xf32, #tpu.memory_space<hbm>> -> memref<10000x64xf32, #tpu.memory_space<hbm>>
        %dma_start3A_318 = arith.constant 0 : i32
        %dma_start3A_319 = arith.constant 0 : i32
        %dma_start3A_320 = tpu.memref_slice %dma_start3A_317[%dma_start3A_318, %dma_start3A_319] : memref<10000x64xf32, #tpu.memory_space<hbm>> -> memref<10000x64xf32, #tpu.memory_space<hbm>>
        tpu.enqueue_indirect_dma source(%dma_start3A_320 : memref<10000x64xf32, #tpu.memory_space<hbm>>) target(%arg8 : memref<128x64xf32, #tpu.memory_space<vmem>>) offsets(%dma_start3A_313 : memref<128xi32, #tpu.memory_space<vmem>>) semaphore(%arg15 : memref<!tpu.dma_semaphore, #tpu.memory_space<semaphore_mem>>)
      } else {
      }
      %add3A_210 = arith.constant 1 : i32
      %add3A_211 = arith.addi %mul3A_189, %add3A_210 : i32
      %dma_wait3A_212 = arith.constant 1 : i32
      %dma_wait3A_213 = arith.constant 0 : i32
      %dma_wait3A_214 = tpu.memref_slice %arg6[%add3A_211, %dma_wait3A_213] : memref<80x128xi32, #tpu.memory_space<vmem>> -> memref<1x128xi32, #tpu.memory_space<vmem>>
      %dma_wait3A_215 = tpu.memref_squeeze %dma_wait3A_214 : memref<1x128xi32, #tpu.memory_space<vmem>> -> memref<128xi32, #tpu.memory_space<vmem>>
      %dma_wait3A_216 = arith.constant 0 : i32
      %dma_wait3A_217 = arith.constant 0 : i32
      %dma_wait3A_218 = tpu.memref_slice %arg2[%dma_wait3A_212, %dma_wait3A_216, %dma_wait3A_217] : memref<2x10000x64xf32, #tpu.memory_space<hbm>> -> memref<1x10000x64xf32, #tpu.memory_space<hbm>>
      %dma_wait3A_219 = tpu.memref_squeeze %dma_wait3A_218 : memref<1x10000x64xf32, #tpu.memory_space<hbm>> -> memref<10000x64xf32, #tpu.memory_space<hbm>>
      %dma_wait3A_220 = arith.constant 0 : i32
      %dma_wait3A_221 = arith.constant 0 : i32
      %dma_wait3A_222 = tpu.memref_slice %dma_wait3A_219[%dma_wait3A_220, %dma_wait3A_221] : memref<10000x64xf32, #tpu.memory_space<hbm>> -> memref<10000x64xf32, #tpu.memory_space<hbm>>
      tpu.wait_indirect_dma semaphore(%arg16 : memref<!tpu.dma_semaphore, #tpu.memory_space<semaphore_mem>>) src(%dma_wait3A_222 : memref<10000x64xf32, #tpu.memory_space<hbm>>) dst(%arg9 : memref<128x64xf32, #tpu.memory_space<vmem>>)
      %add3A_223 = arith.constant 1 : i32
      %add3A_224 = arith.addi %mul3A_189, %add3A_223 : i32
      "tpu.region"() ({
        %run_scoped3A_306 = tpu.sem_alloc : memref<!tpu.dma_semaphore, #tpu.memory_space<semaphore_mem>>
        %dma_start3A_307 = arith.constant 0 : i32
        %dma_start3A_308 = tpu.memref_slice %arg7[%add3A_224, %dma_start3A_307] : memref<80x128xi32, #tpu.memory_space<vmem>> -> memref<1x128xi32, #tpu.memory_space<vmem>>
        %dma_start3A_309 = tpu.memref_squeeze %dma_start3A_308 : memref<1x128xi32, #tpu.memory_space<vmem>> -> memref<128xi32, #tpu.memory_space<vmem>>
        %dma_start3A_310 = arith.constant 0 : i32
        %dma_start3A_311 = arith.constant 0 : i32
        %dma_start3A_312 = tpu.memref_slice %arg14[%dma_start3A_310, %dma_start3A_311] : memref<10240x64xf32, #tpu.memory_space<vmem_shared>> -> memref<10240x64xf32, #tpu.memory_space<vmem_shared>>
        tpu.enqueue_indirect_dma source(%arg9 : memref<128x64xf32, #tpu.memory_space<vmem>>) target(%dma_start3A_312 : memref<10240x64xf32, #tpu.memory_space<vmem_shared>>) offsets(%dma_start3A_309 : memref<128xi32, #tpu.memory_space<vmem>>) semaphore(%run_scoped3A_306 : memref<!tpu.dma_semaphore, #tpu.memory_space<semaphore_mem>>) {add = true}
        %dma_wait3A_313 = arith.constant 0 : i32
        %dma_wait3A_314 = tpu.memref_slice %arg7[%add3A_224, %dma_wait3A_313] : memref<80x128xi32, #tpu.memory_space<vmem>> -> memref<1x128xi32, #tpu.memory_space<vmem>>
        %dma_wait3A_315 = tpu.memref_squeeze %dma_wait3A_314 : memref<1x128xi32, #tpu.memory_space<vmem>> -> memref<128xi32, #tpu.memory_space<vmem>>
        %dma_wait3A_316 = arith.constant 0 : i32
        %dma_wait3A_317 = arith.constant 0 : i32
        %dma_wait3A_318 = tpu.memref_slice %arg14[%dma_wait3A_316, %dma_wait3A_317] : memref<10240x64xf32, #tpu.memory_space<vmem_shared>> -> memref<10240x64xf32, #tpu.memory_space<vmem_shared>>
        tpu.wait_indirect_dma semaphore(%run_scoped3A_306 : memref<!tpu.dma_semaphore, #tpu.memory_space<semaphore_mem>>) src(%arg9 : memref<128x64xf32, #tpu.memory_space<vmem>>) dst(%dma_wait3A_318 : memref<10240x64xf32, #tpu.memory_space<vmem_shared>>)
        tpu.yield
      }) : () -> ()
      %add3A_225 = arith.constant 1 : i32
      %add3A_226 = arith.addi %mul3A_189, %add3A_225 : i32
      %add3A_227 = arith.constant 5 : i32
      %add3A_228 = arith.addi %add3A_226, %add3A_227 : i32
      %lt3A_229 = arith.constant 80 : i32
      %lt3A_230 = arith.cmpi slt, %add3A_228, %lt3A_229 : i32
      %convert_element_type3A_231 = arith.extui %lt3A_230 : i1 to i32
      %cond3A_232 = arith.constant 0 : i32
      %cond3A_233 = arith.cmpi ne, %convert_element_type3A_231, %cond3A_232 : i32
      scf.if %cond3A_233 {
        %add3A_306 = arith.constant 1 : i32
        %add3A_307 = arith.addi %mul3A_189, %add3A_306 : i32
        %add3A_308 = arith.constant 5 : i32
        %add3A_309 = arith.addi %add3A_307, %add3A_308 : i32
        %dma_start3A_310 = arith.constant 1 : i32
        %dma_start3A_311 = arith.constant 0 : i32
        %dma_start3A_312 = tpu.memref_slice %arg6[%add3A_309, %dma_start3A_311] : memref<80x128xi32, #tpu.memory_space<vmem>> -> memref<1x128xi32, #tpu.memory_space<vmem>>
        %dma_start3A_313 = tpu.memref_squeeze %dma_start3A_312 : memref<1x128xi32, #tpu.memory_space<vmem>> -> memref<128xi32, #tpu.memory_space<vmem>>
        %dma_start3A_314 = arith.constant 0 : i32
        %dma_start3A_315 = arith.constant 0 : i32
        %dma_start3A_316 = tpu.memref_slice %arg2[%dma_start3A_310, %dma_start3A_314, %dma_start3A_315] : memref<2x10000x64xf32, #tpu.memory_space<hbm>> -> memref<1x10000x64xf32, #tpu.memory_space<hbm>>
        %dma_start3A_317 = tpu.memref_squeeze %dma_start3A_316 : memref<1x10000x64xf32, #tpu.memory_space<hbm>> -> memref<10000x64xf32, #tpu.memory_space<hbm>>
        %dma_start3A_318 = arith.constant 0 : i32
        %dma_start3A_319 = arith.constant 0 : i32
        %dma_start3A_320 = tpu.memref_slice %dma_start3A_317[%dma_start3A_318, %dma_start3A_319] : memref<10000x64xf32, #tpu.memory_space<hbm>> -> memref<10000x64xf32, #tpu.memory_space<hbm>>
        tpu.enqueue_indirect_dma source(%dma_start3A_320 : memref<10000x64xf32, #tpu.memory_space<hbm>>) target(%arg9 : memref<128x64xf32, #tpu.memory_space<vmem>>) offsets(%dma_start3A_313 : memref<128xi32, #tpu.memory_space<vmem>>) semaphore(%arg16 : memref<!tpu.dma_semaphore, #tpu.memory_space<semaphore_mem>>)
      } else {
      }
      %add3A_234 = arith.constant 2 : i32
      %add3A_235 = arith.addi %mul3A_189, %add3A_234 : i32
      %dma_wait3A_236 = arith.constant 1 : i32
      %dma_wait3A_237 = arith.constant 0 : i32
      %dma_wait3A_238 = tpu.memref_slice %arg6[%add3A_235, %dma_wait3A_237] : memref<80x128xi32, #tpu.memory_space<vmem>> -> memref<1x128xi32, #tpu.memory_space<vmem>>
      %dma_wait3A_239 = tpu.memref_squeeze %dma_wait3A_238 : memref<1x128xi32, #tpu.memory_space<vmem>> -> memref<128xi32, #tpu.memory_space<vmem>>
      %dma_wait3A_240 = arith.constant 0 : i32
      %dma_wait3A_241 = arith.constant 0 : i32
      %dma_wait3A_242 = tpu.memref_slice %arg2[%dma_wait3A_236, %dma_wait3A_240, %dma_wait3A_241] : memref<2x10000x64xf32, #tpu.memory_space<hbm>> -> memref<1x10000x64xf32, #tpu.memory_space<hbm>>
      %dma_wait3A_243 = tpu.memref_squeeze %dma_wait3A_242 : memref<1x10000x64xf32, #tpu.memory_space<hbm>> -> memref<10000x64xf32, #tpu.memory_space<hbm>>
      %dma_wait3A_244 = arith.constant 0 : i32
      %dma_wait3A_245 = arith.constant 0 : i32
      %dma_wait3A_246 = tpu.memref_slice %dma_wait3A_243[%dma_wait3A_244, %dma_wait3A_245] : memref<10000x64xf32, #tpu.memory_space<hbm>> -> memref<10000x64xf32, #tpu.memory_space<hbm>>
      tpu.wait_indirect_dma semaphore(%arg17 : memref<!tpu.dma_semaphore, #tpu.memory_space<semaphore_mem>>) src(%dma_wait3A_246 : memref<10000x64xf32, #tpu.memory_space<hbm>>) dst(%arg10 : memref<128x64xf32, #tpu.memory_space<vmem>>)
      %add3A_247 = arith.constant 2 : i32
      %add3A_248 = arith.addi %mul3A_189, %add3A_247 : i32
      "tpu.region"() ({
        %run_scoped3A_306 = tpu.sem_alloc : memref<!tpu.dma_semaphore, #tpu.memory_space<semaphore_mem>>
        %dma_start3A_307 = arith.constant 0 : i32
        %dma_start3A_308 = tpu.memref_slice %arg7[%add3A_248, %dma_start3A_307] : memref<80x128xi32, #tpu.memory_space<vmem>> -> memref<1x128xi32, #tpu.memory_space<vmem>>
        %dma_start3A_309 = tpu.memref_squeeze %dma_start3A_308 : memref<1x128xi32, #tpu.memory_space<vmem>> -> memref<128xi32, #tpu.memory_space<vmem>>
        %dma_start3A_310 = arith.constant 0 : i32
        %dma_start3A_311 = arith.constant 0 : i32
        %dma_start3A_312 = tpu.memref_slice %arg14[%dma_start3A_310, %dma_start3A_311] : memref<10240x64xf32, #tpu.memory_space<vmem_shared>> -> memref<10240x64xf32, #tpu.memory_space<vmem_shared>>
        tpu.enqueue_indirect_dma source(%arg10 : memref<128x64xf32, #tpu.memory_space<vmem>>) target(%dma_start3A_312 : memref<10240x64xf32, #tpu.memory_space<vmem_shared>>) offsets(%dma_start3A_309 : memref<128xi32, #tpu.memory_space<vmem>>) semaphore(%run_scoped3A_306 : memref<!tpu.dma_semaphore, #tpu.memory_space<semaphore_mem>>) {add = true}
        %dma_wait3A_313 = arith.constant 0 : i32
        %dma_wait3A_314 = tpu.memref_slice %arg7[%add3A_248, %dma_wait3A_313] : memref<80x128xi32, #tpu.memory_space<vmem>> -> memref<1x128xi32, #tpu.memory_space<vmem>>
        %dma_wait3A_315 = tpu.memref_squeeze %dma_wait3A_314 : memref<1x128xi32, #tpu.memory_space<vmem>> -> memref<128xi32, #tpu.memory_space<vmem>>
        %dma_wait3A_316 = arith.constant 0 : i32
        %dma_wait3A_317 = arith.constant 0 : i32
        %dma_wait3A_318 = tpu.memref_slice %arg14[%dma_wait3A_316, %dma_wait3A_317] : memref<10240x64xf32, #tpu.memory_space<vmem_shared>> -> memref<10240x64xf32, #tpu.memory_space<vmem_shared>>
        tpu.wait_indirect_dma semaphore(%run_scoped3A_306 : memref<!tpu.dma_semaphore, #tpu.memory_space<semaphore_mem>>) src(%arg10 : memref<128x64xf32, #tpu.memory_space<vmem>>) dst(%dma_wait3A_318 : memref<10240x64xf32, #tpu.memory_space<vmem_shared>>)
        tpu.yield
      }) : () -> ()
      %add3A_249 = arith.constant 2 : i32
      %add3A_250 = arith.addi %mul3A_189, %add3A_249 : i32
      %add3A_251 = arith.constant 5 : i32
      %add3A_252 = arith.addi %add3A_250, %add3A_251 : i32
      %lt3A_253 = arith.constant 80 : i32
      %lt3A_254 = arith.cmpi slt, %add3A_252, %lt3A_253 : i32
      %convert_element_type3A_255 = arith.extui %lt3A_254 : i1 to i32
      %cond3A_256 = arith.constant 0 : i32
      %cond3A_257 = arith.cmpi ne, %convert_element_type3A_255, %cond3A_256 : i32
      scf.if %cond3A_257 {
        %add3A_306 = arith.constant 2 : i32
        %add3A_307 = arith.addi %mul3A_189, %add3A_306 : i32
        %add3A_308 = arith.constant 5 : i32
        %add3A_309 = arith.addi %add3A_307, %add3A_308 : i32
        %dma_start3A_310 = arith.constant 1 : i32
        %dma_start3A_311 = arith.constant 0 : i32
        %dma_start3A_312 = tpu.memref_slice %arg6[%add3A_309, %dma_start3A_311] : memref<80x128xi32, #tpu.memory_space<vmem>> -> memref<1x128xi32, #tpu.memory_space<vmem>>
        %dma_start3A_313 = tpu.memref_squeeze %dma_start3A_312 : memref<1x128xi32, #tpu.memory_space<vmem>> -> memref<128xi32, #tpu.memory_space<vmem>>
        %dma_start3A_314 = arith.constant 0 : i32
        %dma_start3A_315 = arith.constant 0 : i32
        %dma_start3A_316 = tpu.memref_slice %arg2[%dma_start3A_310, %dma_start3A_314, %dma_start3A_315] : memref<2x10000x64xf32, #tpu.memory_space<hbm>> -> memref<1x10000x64xf32, #tpu.memory_space<hbm>>
        %dma_start3A_317 = tpu.memref_squeeze %dma_start3A_316 : memref<1x10000x64xf32, #tpu.memory_space<hbm>> -> memref<10000x64xf32, #tpu.memory_space<hbm>>
        %dma_start3A_318 = arith.constant 0 : i32
        %dma_start3A_319 = arith.constant 0 : i32
        %dma_start3A_320 = tpu.memref_slice %dma_start3A_317[%dma_start3A_318, %dma_start3A_319] : memref<10000x64xf32, #tpu.memory_space<hbm>> -> memref<10000x64xf32, #tpu.memory_space<hbm>>
        tpu.enqueue_indirect_dma source(%dma_start3A_320 : memref<10000x64xf32, #tpu.memory_space<hbm>>) target(%arg10 : memref<128x64xf32, #tpu.memory_space<vmem>>) offsets(%dma_start3A_313 : memref<128xi32, #tpu.memory_space<vmem>>) semaphore(%arg17 : memref<!tpu.dma_semaphore, #tpu.memory_space<semaphore_mem>>)
      } else {
      }
      %add3A_258 = arith.constant 3 : i32
      %add3A_259 = arith.addi %mul3A_189, %add3A_258 : i32
      %dma_wait3A_260 = arith.constant 1 : i32
      %dma_wait3A_261 = arith.constant 0 : i32
      %dma_wait3A_262 = tpu.memref_slice %arg6[%add3A_259, %dma_wait3A_261] : memref<80x128xi32, #tpu.memory_space<vmem>> -> memref<1x128xi32, #tpu.memory_space<vmem>>
      %dma_wait3A_263 = tpu.memref_squeeze %dma_wait3A_262 : memref<1x128xi32, #tpu.memory_space<vmem>> -> memref<128xi32, #tpu.memory_space<vmem>>
      %dma_wait3A_264 = arith.constant 0 : i32
      %dma_wait3A_265 = arith.constant 0 : i32
      %dma_wait3A_266 = tpu.memref_slice %arg2[%dma_wait3A_260, %dma_wait3A_264, %dma_wait3A_265] : memref<2x10000x64xf32, #tpu.memory_space<hbm>> -> memref<1x10000x64xf32, #tpu.memory_space<hbm>>
      %dma_wait3A_267 = tpu.memref_squeeze %dma_wait3A_266 : memref<1x10000x64xf32, #tpu.memory_space<hbm>> -> memref<10000x64xf32, #tpu.memory_space<hbm>>
      %dma_wait3A_268 = arith.constant 0 : i32
      %dma_wait3A_269 = arith.constant 0 : i32
      %dma_wait3A_270 = tpu.memref_slice %dma_wait3A_267[%dma_wait3A_268, %dma_wait3A_269] : memref<10000x64xf32, #tpu.memory_space<hbm>> -> memref<10000x64xf32, #tpu.memory_space<hbm>>
      tpu.wait_indirect_dma semaphore(%arg18 : memref<!tpu.dma_semaphore, #tpu.memory_space<semaphore_mem>>) src(%dma_wait3A_270 : memref<10000x64xf32, #tpu.memory_space<hbm>>) dst(%arg11 : memref<128x64xf32, #tpu.memory_space<vmem>>)
      %add3A_271 = arith.constant 3 : i32
      %add3A_272 = arith.addi %mul3A_189, %add3A_271 : i32
      "tpu.region"() ({
        %run_scoped3A_306 = tpu.sem_alloc : memref<!tpu.dma_semaphore, #tpu.memory_space<semaphore_mem>>
        %dma_start3A_307 = arith.constant 0 : i32
        %dma_start3A_308 = tpu.memref_slice %arg7[%add3A_272, %dma_start3A_307] : memref<80x128xi32, #tpu.memory_space<vmem>> -> memref<1x128xi32, #tpu.memory_space<vmem>>
        %dma_start3A_309 = tpu.memref_squeeze %dma_start3A_308 : memref<1x128xi32, #tpu.memory_space<vmem>> -> memref<128xi32, #tpu.memory_space<vmem>>
        %dma_start3A_310 = arith.constant 0 : i32
        %dma_start3A_311 = arith.constant 0 : i32
        %dma_start3A_312 = tpu.memref_slice %arg14[%dma_start3A_310, %dma_start3A_311] : memref<10240x64xf32, #tpu.memory_space<vmem_shared>> -> memref<10240x64xf32, #tpu.memory_space<vmem_shared>>
        tpu.enqueue_indirect_dma source(%arg11 : memref<128x64xf32, #tpu.memory_space<vmem>>) target(%dma_start3A_312 : memref<10240x64xf32, #tpu.memory_space<vmem_shared>>) offsets(%dma_start3A_309 : memref<128xi32, #tpu.memory_space<vmem>>) semaphore(%run_scoped3A_306 : memref<!tpu.dma_semaphore, #tpu.memory_space<semaphore_mem>>) {add = true}
        %dma_wait3A_313 = arith.constant 0 : i32
        %dma_wait3A_314 = tpu.memref_slice %arg7[%add3A_272, %dma_wait3A_313] : memref<80x128xi32, #tpu.memory_space<vmem>> -> memref<1x128xi32, #tpu.memory_space<vmem>>
        %dma_wait3A_315 = tpu.memref_squeeze %dma_wait3A_314 : memref<1x128xi32, #tpu.memory_space<vmem>> -> memref<128xi32, #tpu.memory_space<vmem>>
        %dma_wait3A_316 = arith.constant 0 : i32
        %dma_wait3A_317 = arith.constant 0 : i32
        %dma_wait3A_318 = tpu.memref_slice %arg14[%dma_wait3A_316, %dma_wait3A_317] : memref<10240x64xf32, #tpu.memory_space<vmem_shared>> -> memref<10240x64xf32, #tpu.memory_space<vmem_shared>>
        tpu.wait_indirect_dma semaphore(%run_scoped3A_306 : memref<!tpu.dma_semaphore, #tpu.memory_space<semaphore_mem>>) src(%arg11 : memref<128x64xf32, #tpu.memory_space<vmem>>) dst(%dma_wait3A_318 : memref<10240x64xf32, #tpu.memory_space<vmem_shared>>)
        tpu.yield
      }) : () -> ()
      %add3A_273 = arith.constant 3 : i32
      %add3A_274 = arith.addi %mul3A_189, %add3A_273 : i32
      %add3A_275 = arith.constant 5 : i32
      %add3A_276 = arith.addi %add3A_274, %add3A_275 : i32
      %lt3A_277 = arith.constant 80 : i32
      %lt3A_278 = arith.cmpi slt, %add3A_276, %lt3A_277 : i32
      %convert_element_type3A_279 = arith.extui %lt3A_278 : i1 to i32
      %cond3A_280 = arith.constant 0 : i32
      %cond3A_281 = arith.cmpi ne, %convert_element_type3A_279, %cond3A_280 : i32
      scf.if %cond3A_281 {
        %add3A_306 = arith.constant 3 : i32
        %add3A_307 = arith.addi %mul3A_189, %add3A_306 : i32
        %add3A_308 = arith.constant 5 : i32
        %add3A_309 = arith.addi %add3A_307, %add3A_308 : i32
        %dma_start3A_310 = arith.constant 1 : i32
        %dma_start3A_311 = arith.constant 0 : i32
        %dma_start3A_312 = tpu.memref_slice %arg6[%add3A_309, %dma_start3A_311] : memref<80x128xi32, #tpu.memory_space<vmem>> -> memref<1x128xi32, #tpu.memory_space<vmem>>
        %dma_start3A_313 = tpu.memref_squeeze %dma_start3A_312 : memref<1x128xi32, #tpu.memory_space<vmem>> -> memref<128xi32, #tpu.memory_space<vmem>>
        %dma_start3A_314 = arith.constant 0 : i32
        %dma_start3A_315 = arith.constant 0 : i32
        %dma_start3A_316 = tpu.memref_slice %arg2[%dma_start3A_310, %dma_start3A_314, %dma_start3A_315] : memref<2x10000x64xf32, #tpu.memory_space<hbm>> -> memref<1x10000x64xf32, #tpu.memory_space<hbm>>
        %dma_start3A_317 = tpu.memref_squeeze %dma_start3A_316 : memref<1x10000x64xf32, #tpu.memory_space<hbm>> -> memref<10000x64xf32, #tpu.memory_space<hbm>>
        %dma_start3A_318 = arith.constant 0 : i32
        %dma_start3A_319 = arith.constant 0 : i32
        %dma_start3A_320 = tpu.memref_slice %dma_start3A_317[%dma_start3A_318, %dma_start3A_319] : memref<10000x64xf32, #tpu.memory_space<hbm>> -> memref<10000x64xf32, #tpu.memory_space<hbm>>
        tpu.enqueue_indirect_dma source(%dma_start3A_320 : memref<10000x64xf32, #tpu.memory_space<hbm>>) target(%arg11 : memref<128x64xf32, #tpu.memory_space<vmem>>) offsets(%dma_start3A_313 : memref<128xi32, #tpu.memory_space<vmem>>) semaphore(%arg18 : memref<!tpu.dma_semaphore, #tpu.memory_space<semaphore_mem>>)
      } else {
      }
      %add3A_282 = arith.constant 4 : i32
      %add3A_283 = arith.addi %mul3A_189, %add3A_282 : i32
      %dma_wait3A_284 = arith.constant 1 : i32
      %dma_wait3A_285 = arith.constant 0 : i32
      %dma_wait3A_286 = tpu.memref_slice %arg6[%add3A_283, %dma_wait3A_285] : memref<80x128xi32, #tpu.memory_space<vmem>> -> memref<1x128xi32, #tpu.memory_space<vmem>>
      %dma_wait3A_287 = tpu.memref_squeeze %dma_wait3A_286 : memref<1x128xi32, #tpu.memory_space<vmem>> -> memref<128xi32, #tpu.memory_space<vmem>>
      %dma_wait3A_288 = arith.constant 0 : i32
      %dma_wait3A_289 = arith.constant 0 : i32
      %dma_wait3A_290 = tpu.memref_slice %arg2[%dma_wait3A_284, %dma_wait3A_288, %dma_wait3A_289] : memref<2x10000x64xf32, #tpu.memory_space<hbm>> -> memref<1x10000x64xf32, #tpu.memory_space<hbm>>
      %dma_wait3A_291 = tpu.memref_squeeze %dma_wait3A_290 : memref<1x10000x64xf32, #tpu.memory_space<hbm>> -> memref<10000x64xf32, #tpu.memory_space<hbm>>
      %dma_wait3A_292 = arith.constant 0 : i32
      %dma_wait3A_293 = arith.constant 0 : i32
      %dma_wait3A_294 = tpu.memref_slice %dma_wait3A_291[%dma_wait3A_292, %dma_wait3A_293] : memref<10000x64xf32, #tpu.memory_space<hbm>> -> memref<10000x64xf32, #tpu.memory_space<hbm>>
      tpu.wait_indirect_dma semaphore(%arg19 : memref<!tpu.dma_semaphore, #tpu.memory_space<semaphore_mem>>) src(%dma_wait3A_294 : memref<10000x64xf32, #tpu.memory_space<hbm>>) dst(%arg12 : memref<128x64xf32, #tpu.memory_space<vmem>>)
      %add3A_295 = arith.constant 4 : i32
      %add3A_296 = arith.addi %mul3A_189, %add3A_295 : i32
      "tpu.region"() ({
        %run_scoped3A_306 = tpu.sem_alloc : memref<!tpu.dma_semaphore, #tpu.memory_space<semaphore_mem>>
        %dma_start3A_307 = arith.constant 0 : i32
        %dma_start3A_308 = tpu.memref_slice %arg7[%add3A_296, %dma_start3A_307] : memref<80x128xi32, #tpu.memory_space<vmem>> -> memref<1x128xi32, #tpu.memory_space<vmem>>
        %dma_start3A_309 = tpu.memref_squeeze %dma_start3A_308 : memref<1x128xi32, #tpu.memory_space<vmem>> -> memref<128xi32, #tpu.memory_space<vmem>>
        %dma_start3A_310 = arith.constant 0 : i32
        %dma_start3A_311 = arith.constant 0 : i32
        %dma_start3A_312 = tpu.memref_slice %arg14[%dma_start3A_310, %dma_start3A_311] : memref<10240x64xf32, #tpu.memory_space<vmem_shared>> -> memref<10240x64xf32, #tpu.memory_space<vmem_shared>>
        tpu.enqueue_indirect_dma source(%arg12 : memref<128x64xf32, #tpu.memory_space<vmem>>) target(%dma_start3A_312 : memref<10240x64xf32, #tpu.memory_space<vmem_shared>>) offsets(%dma_start3A_309 : memref<128xi32, #tpu.memory_space<vmem>>) semaphore(%run_scoped3A_306 : memref<!tpu.dma_semaphore, #tpu.memory_space<semaphore_mem>>) {add = true}
        %dma_wait3A_313 = arith.constant 0 : i32
        %dma_wait3A_314 = tpu.memref_slice %arg7[%add3A_296, %dma_wait3A_313] : memref<80x128xi32, #tpu.memory_space<vmem>> -> memref<1x128xi32, #tpu.memory_space<vmem>>
        %dma_wait3A_315 = tpu.memref_squeeze %dma_wait3A_314 : memref<1x128xi32, #tpu.memory_space<vmem>> -> memref<128xi32, #tpu.memory_space<vmem>>
        %dma_wait3A_316 = arith.constant 0 : i32
        %dma_wait3A_317 = arith.constant 0 : i32
        %dma_wait3A_318 = tpu.memref_slice %arg14[%dma_wait3A_316, %dma_wait3A_317] : memref<10240x64xf32, #tpu.memory_space<vmem_shared>> -> memref<10240x64xf32, #tpu.memory_space<vmem_shared>>
        tpu.wait_indirect_dma semaphore(%run_scoped3A_306 : memref<!tpu.dma_semaphore, #tpu.memory_space<semaphore_mem>>) src(%arg12 : memref<128x64xf32, #tpu.memory_space<vmem>>) dst(%dma_wait3A_318 : memref<10240x64xf32, #tpu.memory_space<vmem_shared>>)
        tpu.yield
      }) : () -> ()
      %add3A_297 = arith.constant 4 : i32
      %add3A_298 = arith.addi %mul3A_189, %add3A_297 : i32
      %add3A_299 = arith.constant 5 : i32
      %add3A_300 = arith.addi %add3A_298, %add3A_299 : i32
      %lt3A_301 = arith.constant 80 : i32
      %lt3A_302 = arith.cmpi slt, %add3A_300, %lt3A_301 : i32
      %convert_element_type3A_303 = arith.extui %lt3A_302 : i1 to i32
      %cond3A_304 = arith.constant 0 : i32
      %cond3A_305 = arith.cmpi ne, %convert_element_type3A_303, %cond3A_304 : i32
      scf.if %cond3A_305 {
        %add3A_306 = arith.constant 4 : i32
        %add3A_307 = arith.addi %mul3A_189, %add3A_306 : i32
        %add3A_308 = arith.constant 5 : i32
        %add3A_309 = arith.addi %add3A_307, %add3A_308 : i32
        %dma_start3A_310 = arith.constant 1 : i32
        %dma_start3A_311 = arith.constant 0 : i32
        %dma_start3A_312 = tpu.memref_slice %arg6[%add3A_309, %dma_start3A_311] : memref<80x128xi32, #tpu.memory_space<vmem>> -> memref<1x128xi32, #tpu.memory_space<vmem>>
        %dma_start3A_313 = tpu.memref_squeeze %dma_start3A_312 : memref<1x128xi32, #tpu.memory_space<vmem>> -> memref<128xi32, #tpu.memory_space<vmem>>
        %dma_start3A_314 = arith.constant 0 : i32
        %dma_start3A_315 = arith.constant 0 : i32
        %dma_start3A_316 = tpu.memref_slice %arg2[%dma_start3A_310, %dma_start3A_314, %dma_start3A_315] : memref<2x10000x64xf32, #tpu.memory_space<hbm>> -> memref<1x10000x64xf32, #tpu.memory_space<hbm>>
        %dma_start3A_317 = tpu.memref_squeeze %dma_start3A_316 : memref<1x10000x64xf32, #tpu.memory_space<hbm>> -> memref<10000x64xf32, #tpu.memory_space<hbm>>
        %dma_start3A_318 = arith.constant 0 : i32
        %dma_start3A_319 = arith.constant 0 : i32
        %dma_start3A_320 = tpu.memref_slice %dma_start3A_317[%dma_start3A_318, %dma_start3A_319] : memref<10000x64xf32, #tpu.memory_space<hbm>> -> memref<10000x64xf32, #tpu.memory_space<hbm>>
        tpu.enqueue_indirect_dma source(%dma_start3A_320 : memref<10000x64xf32, #tpu.memory_space<hbm>>) target(%arg12 : memref<128x64xf32, #tpu.memory_space<vmem>>) offsets(%dma_start3A_313 : memref<128xi32, #tpu.memory_space<vmem>>) semaphore(%arg19 : memref<!tpu.dma_semaphore, #tpu.memory_space<semaphore_mem>>)
      } else {
      }
    }
    %scan3A_180 = arith.constant 16 : i32
    %barrier3A_181 = arith.constant 0 : index
    tpu.barrier barrier_id(%barrier3A_181)
    %mul3A_182 = arith.constant 640 : i32
    %mul3A_183 = arith.muli %arg1, %mul3A_182 : i32
    %mul3A_184 = arith.constant 640 : i32
    %mul3A_185 = arith.muli %arg1, %mul3A_184 : i32
    %run_scoped3A_186 = arith.constant 1 : i32
    "tpu.region"() ({
      %run_scoped3A_187 = tpu.sem_alloc : memref<!tpu.dma_semaphore, #tpu.memory_space<semaphore_mem>>
      %dma_start3A_188 = arith.constant 0 : i32
      %dma_start3A_189 = arith.constant 0 : i32
      %dma_start3A_190 = arith.constant 0 : i32
      %dma_start3A_191 = tpu.memref_slice %arg5[%arg0, %dma_start3A_188, %dma_start3A_189, %dma_start3A_190] : memref<2x2x10240x64xf32, #tpu.memory_space<hbm>> -> memref<1x2x10240x64xf32, #tpu.memory_space<hbm>>
      %dma_start3A_192 = tpu.memref_squeeze %dma_start3A_191 : memref<1x2x10240x64xf32, #tpu.memory_space<hbm>> -> memref<2x10240x64xf32, #tpu.memory_space<hbm>>
      %dma_start3A_193 = arith.constant 0 : i32
      %dma_start3A_194 = arith.constant 0 : i32
      %dma_start3A_195 = tpu.memref_slice %dma_start3A_192[%run_scoped3A_186, %dma_start3A_193, %dma_start3A_194] : memref<2x10240x64xf32, #tpu.memory_space<hbm>> -> memref<1x10240x64xf32, #tpu.memory_space<hbm>>
      %dma_start3A_196 = tpu.memref_squeeze %dma_start3A_195 : memref<1x10240x64xf32, #tpu.memory_space<hbm>> -> memref<10240x64xf32, #tpu.memory_space<hbm>>
      %dma_start3A_197 = arith.constant 0 : i32
      %dma_start3A_198 = tpu.memref_slice %dma_start3A_196[%mul3A_185, %dma_start3A_197] : memref<10240x64xf32, #tpu.memory_space<hbm>> -> memref<640x64xf32, #tpu.memory_space<hbm>>
      %dma_start3A_199 = arith.constant 0 : i32
      %dma_start3A_200 = tpu.memref_slice %arg14[%mul3A_183, %dma_start3A_199] : memref<10240x64xf32, #tpu.memory_space<vmem_shared>> -> memref<640x64xf32, #tpu.memory_space<vmem_shared>>
      tpu.enqueue_dma source(%dma_start3A_200 : memref<640x64xf32, #tpu.memory_space<vmem_shared>>) target(%dma_start3A_198 : memref<640x64xf32, #tpu.memory_space<hbm>>) target_semaphore(%run_scoped3A_187 : memref<!tpu.dma_semaphore, #tpu.memory_space<semaphore_mem>>)
      %dma_wait3A = arith.constant 0 : i32
      %dma_wait3A_201 = arith.constant 0 : i32
      %dma_wait3A_202 = arith.constant 0 : i32
      %dma_wait3A_203 = tpu.memref_slice %arg5[%arg0, %dma_wait3A, %dma_wait3A_201, %dma_wait3A_202] : memref<2x2x10240x64xf32, #tpu.memory_space<hbm>> -> memref<1x2x10240x64xf32, #tpu.memory_space<hbm>>
      %dma_wait3A_204 = tpu.memref_squeeze %dma_wait3A_203 : memref<1x2x10240x64xf32, #tpu.memory_space<hbm>> -> memref<2x10240x64xf32, #tpu.memory_space<hbm>>
      %dma_wait3A_205 = arith.constant 0 : i32
      %dma_wait3A_206 = arith.constant 0 : i32
      %dma_wait3A_207 = tpu.memref_slice %dma_wait3A_204[%run_scoped3A_186, %dma_wait3A_205, %dma_wait3A_206] : memref<2x10240x64xf32, #tpu.memory_space<hbm>> -> memref<1x10240x64xf32, #tpu.memory_space<hbm>>
      %dma_wait3A_208 = tpu.memref_squeeze %dma_wait3A_207 : memref<1x10240x64xf32, #tpu.memory_space<hbm>> -> memref<10240x64xf32, #tpu.memory_space<hbm>>
      %dma_wait3A_209 = arith.constant 0 : i32
      %dma_wait3A_210 = tpu.memref_slice %dma_wait3A_208[%mul3A_185, %dma_wait3A_209] : memref<10240x64xf32, #tpu.memory_space<hbm>> -> memref<640x64xf32, #tpu.memory_space<hbm>>
      %dma_wait3A_211 = arith.constant 0 : i32
      %dma_wait3A_212 = tpu.memref_slice %arg14[%mul3A_183, %dma_wait3A_211] : memref<10240x64xf32, #tpu.memory_space<vmem_shared>> -> memref<640x64xf32, #tpu.memory_space<vmem_shared>>
      tpu.wait_dma2 semaphore(%run_scoped3A_187 : memref<!tpu.dma_semaphore, #tpu.memory_space<semaphore_mem>>) src(%dma_wait3A_212 : memref<640x64xf32, #tpu.memory_space<vmem_shared>>) dst(%dma_wait3A_210 : memref<640x64xf32, #tpu.memory_space<hbm>>)
      tpu.yield
    }) : () -> ()
    return
  }
}

module attributes {stable_mosaic.version = 14 : i64} {
  func.func @_tc1_body(%arg0: i32, %arg1: memref<1000x128xf32, #tpu.memory_space<vmem>>, %arg2: memref<1000x128xf32, #tpu.memory_space<vmem>>, %arg3: memref<128x128xf32, #tpu.memory_space<vmem>>, %arg4: memref<1000x128xf32, #tpu.memory_space<vmem>>, %arg5: memref<2x1000x128xf32, #tpu.memory_space<vmem>>) attributes {dimension_semantics = [#tpu.dimension_semantics<arbitrary>], iteration_bounds = array<i64: 5>, scalar_prefetch = 0 : i64, scratch_operands = 0 : i64, tpu.core_type = #tpu.core_type<tc>, window_params = [{transform_indices = @transform_0, window_bounds = array<i64: 1000, 128>}, {transform_indices = @transform_1, window_bounds = array<i64: 1000, 128>}, {pipeline_mode = #tpu.pipeline_mode<synchronous>, transform_indices = @transform_2, window_bounds = array<i64: 128, 128>}, {transform_indices = @transform_3, window_bounds = array<i64: 1000, 128>}, {transform_indices = @transform_4, window_bounds = array<i64: 2, 1000, 128>}]} {
    %get3A = arith.constant 0 : index
    %get3A_0 = arith.constant 0 : index
    %get3A_1 = vector.load %arg4[%get3A, %get3A_0] : memref<1000x128xf32, #tpu.memory_space<vmem>>, vector<1000x128xf32>
    %get3A_2 = arith.constant 0 : index
    %get3A_3 = arith.constant 0 : index
    %get3A_4 = vector.load %arg1[%get3A_2, %get3A_3] : memref<1000x128xf32, #tpu.memory_space<vmem>>, vector<1000x128xf32>
    %get3A_5 = arith.constant 0 : index
    %get3A_6 = arith.constant 0 : index
    %get3A_7 = vector.load %arg3[%get3A_5, %get3A_6] : memref<128x128xf32, #tpu.memory_space<vmem>>, vector<128x128xf32>
    %dot_general3A = arith.constant dense<0.000000e+00> : vector<1000x128xf32>
    %dot_general3A_8 = tpu.matmul %get3A_4, %get3A_7, %dot_general3A {dimension_numbers = #tpu.dot_dimension_numbers<[1], [0], [0], [1], [0, 0, 1, 1], [], []>, transpose_lhs_hint = false} : vector<1000x128xf32>, vector<128x128xf32>, vector<1000x128xf32> -> vector<1000x128xf32>
    %get3A_9 = arith.constant 0 : index
    %get3A_10 = arith.constant 0 : index
    %get3A_11 = vector.load %arg2[%get3A_9, %get3A_10] : memref<1000x128xf32, #tpu.memory_space<vmem>>, vector<1000x128xf32>
    %get3A_12 = arith.constant 0 : index
    %get3A_13 = arith.constant 0 : index
    %get3A_14 = vector.load %arg3[%get3A_12, %get3A_13] : memref<128x128xf32, #tpu.memory_space<vmem>>, vector<128x128xf32>
    %dot_general3A_15 = arith.constant dense<0.000000e+00> : vector<1000x128xf32>
    %dot_general3A_16 = tpu.matmul %get3A_11, %get3A_14, %dot_general3A_15 {dimension_numbers = #tpu.dot_dimension_numbers<[1], [0], [0], [1], [0, 0, 1, 1], [], []>, transpose_lhs_hint = false} : vector<1000x128xf32>, vector<128x128xf32>, vector<1000x128xf32> -> vector<1000x128xf32>
    %slice3A = vector.extract_strided_slice %get3A_1 {offsets = [0, 0], sizes = [1000, 1], strides = [1, 1]} : vector<1000x128xf32> to vector<1000x1xf32>
    %mul3A = vector.broadcast %slice3A : vector<1000x1xf32> to vector<1000x128xf32>
    %mul3A_17 = arith.mulf %mul3A, %dot_general3A_8 : vector<1000x128xf32>
    %slice3A_18 = vector.extract_strided_slice %get3A_1 {offsets = [0, 64], sizes = [1000, 1], strides = [1, 1]} : vector<1000x128xf32> to vector<1000x1xf32>
    %mul3A_19 = vector.broadcast %slice3A_18 : vector<1000x1xf32> to vector<1000x128xf32>
    %mul3A_20 = arith.mulf %mul3A_19, %dot_general3A_16 : vector<1000x128xf32>
    %slice3A_21 = vector.extract_strided_slice %mul3A_17 {offsets = [0, 0], sizes = [1000, 64], strides = [1, 1]} : vector<1000x128xf32> to vector<1000x64xf32>
    %slice3A_22 = vector.extract_strided_slice %mul3A_20 {offsets = [0, 0], sizes = [1000, 64], strides = [1, 1]} : vector<1000x128xf32> to vector<1000x64xf32>
    %concatenate3A = tpu.concatenate %slice3A_21, %slice3A_22 in 1 : vector<1000x64xf32>, vector<1000x64xf32> -> vector<1000x128xf32>
    %slice3A_23 = vector.extract_strided_slice %mul3A_17 {offsets = [0, 64], sizes = [1000, 64], strides = [1, 1]} : vector<1000x128xf32> to vector<1000x64xf32>
    %slice3A_24 = vector.extract_strided_slice %mul3A_20 {offsets = [0, 64], sizes = [1000, 64], strides = [1, 1]} : vector<1000x128xf32> to vector<1000x64xf32>
    %concatenate3A_25 = tpu.concatenate %slice3A_23, %slice3A_24 in 1 : vector<1000x64xf32>, vector<1000x64xf32> -> vector<1000x128xf32>
    %swap3A = arith.constant 0 : index
    %swap3A_26 = arith.constant 0 : index
    %swap3A_27 = arith.constant 0 : index
    %swap3A_28 = vector.load %arg5[%swap3A, %swap3A_26, %swap3A_27] : memref<2x1000x128xf32, #tpu.memory_space<vmem>>, vector<1x1000x128xf32>
    %swap3A_29 = vector.shape_cast %swap3A_28 : vector<1x1000x128xf32> to vector<1000x128xf32>
    %swap3A_30 = vector.shape_cast %concatenate3A : vector<1000x128xf32> to vector<1x1000x128xf32>
    tpu.vector_store %arg5[%swap3A, %swap3A_26, %swap3A_27], %swap3A_30 {strides = array<i32>} : memref<2x1000x128xf32, #tpu.memory_space<vmem>>, vector<1x1000x128xf32>,
    %swap3A_31 = arith.constant 1 : index
    %swap3A_32 = arith.constant 0 : index
    %swap3A_33 = arith.constant 0 : index
    %swap3A_34 = vector.load %arg5[%swap3A_31, %swap3A_32, %swap3A_33] : memref<2x1000x128xf32, #tpu.memory_space<vmem>>, vector<1x1000x128xf32>
    %swap3A_35 = vector.shape_cast %swap3A_34 : vector<1x1000x128xf32> to vector<1000x128xf32>
    %swap3A_36 = vector.shape_cast %concatenate3A_25 : vector<1000x128xf32> to vector<1x1000x128xf32>
    tpu.vector_store %arg5[%swap3A_31, %swap3A_32, %swap3A_33], %swap3A_36 {strides = array<i32>} : memref<2x1000x128xf32, #tpu.memory_space<vmem>>, vector<1x1000x128xf32>,
    return
  }
  func.func @transform_0(%arg0: i32) -> (i32, i32) {
    %c0_i32 = arith.constant 0 : i32
    %c0_i32_0 = arith.constant 0 : i32
    return %arg0, %c0_i32 : i32, i32
  }
  func.func @transform_1(%arg0: i32) -> (i32, i32) {
    %c0_i32 = arith.constant 0 : i32
    %c0_i32_0 = arith.constant 0 : i32
    return %arg0, %c0_i32 : i32, i32
  }
  func.func @transform_2(%arg0: i32) -> (i32, i32) {
    %c0_i32 = arith.constant 0 : i32
    %c0_i32_0 = arith.constant 0 : i32
    %c0_i32_1 = arith.constant 0 : i32
    return %c0_i32, %c0_i32_0 : i32, i32
  }
  func.func @transform_3(%arg0: i32) -> (i32, i32) {
    %c0_i32 = arith.constant 0 : i32
    %c0_i32_0 = arith.constant 0 : i32
    return %arg0, %c0_i32 : i32, i32
  }
  func.func @transform_4(%arg0: i32) -> (i32, i32, i32) {
    %c0_i32 = arith.constant 0 : i32
    %c0_i32_0 = arith.constant 0 : i32
    %c0_i32_1 = arith.constant 0 : i32
    return %c0_i32, %arg0, %c0_i32_0 : i32, i32, i32
  }
}

module attributes {stable_mosaic.version = 14 : i64} {
  func.func @_tc_mid_body(%arg0: i32, %arg1: memref<2x2x1000x128xf32, #tpu.memory_space<vmem>>, %arg2: memref<2x1000x128xf32, #tpu.memory_space<vmem>>, %arg3: memref<1000x128xf32, #tpu.memory_space<vmem>>, %arg4: memref<2x1x128xf32, #tpu.memory_space<vmem>>, %arg5: memref<128x128xf32, #tpu.memory_space<vmem>>, %arg6: memref<2x1000x128xf32, #tpu.memory_space<vmem>>) attributes {dimension_semantics = [#tpu.dimension_semantics<arbitrary>], iteration_bounds = array<i64: 5>, scalar_prefetch = 0 : i64, scratch_operands = 0 : i64, tpu.core_type = #tpu.core_type<tc>, window_params = [{transform_indices = @transform_0, window_bounds = array<i64: 2, 2, 1000, 128>}, {transform_indices = @transform_1, window_bounds = array<i64: 2, 1000, 128>}, {transform_indices = @transform_2, window_bounds = array<i64: 1000, 128>}, {pipeline_mode = #tpu.pipeline_mode<synchronous>, transform_indices = @transform_3, window_bounds = array<i64: 2, 1, 128>}, {pipeline_mode = #tpu.pipeline_mode<synchronous>, transform_indices = @transform_4, window_bounds = array<i64: 128, 128>}, {transform_indices = @transform_5, window_bounds = array<i64: 2, 1000, 128>}]} {
    %get3A = arith.constant 0 : index
    %get3A_0 = arith.constant 0 : index
    %get3A_1 = vector.load %arg3[%get3A, %get3A_0] : memref<1000x128xf32, #tpu.memory_space<vmem>>, vector<1000x128xf32>
    %get3A_2 = arith.constant 0 : index
    %get3A_3 = arith.constant 0 : index
    %get3A_4 = arith.constant 0 : index
    %get3A_5 = arith.constant 0 : index
    %get3A_6 = vector.load %arg1[%get3A_2, %get3A_3, %get3A_4, %get3A_5] : memref<2x2x1000x128xf32, #tpu.memory_space<vmem>>, vector<1x1x1000x128xf32>
    %get3A_7 = vector.shape_cast %get3A_6 : vector<1x1x1000x128xf32> to vector<1000x128xf32>
    %get3A_8 = arith.constant 1 : index
    %get3A_9 = arith.constant 0 : index
    %get3A_10 = arith.constant 0 : index
    %get3A_11 = arith.constant 0 : index
    %get3A_12 = vector.load %arg1[%get3A_8, %get3A_9, %get3A_10, %get3A_11] : memref<2x2x1000x128xf32, #tpu.memory_space<vmem>>, vector<1x1x1000x128xf32>
    %get3A_13 = vector.shape_cast %get3A_12 : vector<1x1x1000x128xf32> to vector<1000x128xf32>
    %add3A = arith.addf %get3A_7, %get3A_13 : vector<1000x128xf32>
    %get3A_14 = arith.constant 0 : index
    %get3A_15 = arith.constant 0 : index
    %get3A_16 = arith.constant 0 : index
    %get3A_17 = vector.load %arg2[%get3A_14, %get3A_15, %get3A_16] : memref<2x1000x128xf32, #tpu.memory_space<vmem>>, vector<1x1000x128xf32>
    %get3A_18 = vector.shape_cast %get3A_17 : vector<1x1000x128xf32> to vector<1000x128xf32>
    %add3A_19 = arith.addf %add3A, %get3A_18 : vector<1000x128xf32>
    %mul3A = arith.mulf %get3A_1, %add3A_19 : vector<1000x128xf32>
    %get3A_20 = arith.constant 0 : index
    %get3A_21 = arith.constant 0 : index
    %get3A_22 = arith.constant 0 : index
    %get3A_23 = vector.load %arg4[%get3A_20, %get3A_21, %get3A_22] : memref<2x1x128xf32, #tpu.memory_space<vmem>>, vector<1x1x128xf32>
    %get3A_24 = vector.shape_cast %get3A_23 : vector<1x1x128xf32> to vector<1x128xf32>
    %add3A_25 = vector.broadcast %get3A_24 : vector<1x128xf32> to vector<1000x128xf32>
    %add3A_26 = arith.addf %mul3A, %add3A_25 : vector<1000x128xf32>
    %get3A_27 = arith.constant 0 : index
    %get3A_28 = arith.constant 1 : index
    %get3A_29 = arith.constant 0 : index
    %get3A_30 = arith.constant 0 : index
    %get3A_31 = vector.load %arg1[%get3A_27, %get3A_28, %get3A_29, %get3A_30] : memref<2x2x1000x128xf32, #tpu.memory_space<vmem>>, vector<1x1x1000x128xf32>
    %get3A_32 = vector.shape_cast %get3A_31 : vector<1x1x1000x128xf32> to vector<1000x128xf32>
    %get3A_33 = arith.constant 1 : index
    %get3A_34 = arith.constant 1 : index
    %get3A_35 = arith.constant 0 : index
    %get3A_36 = arith.constant 0 : index
    %get3A_37 = vector.load %arg1[%get3A_33, %get3A_34, %get3A_35, %get3A_36] : memref<2x2x1000x128xf32, #tpu.memory_space<vmem>>, vector<1x1x1000x128xf32>
    %get3A_38 = vector.shape_cast %get3A_37 : vector<1x1x1000x128xf32> to vector<1000x128xf32>
    %add3A_39 = arith.addf %get3A_32, %get3A_38 : vector<1000x128xf32>
    %get3A_40 = arith.constant 1 : index
    %get3A_41 = arith.constant 0 : index
    %get3A_42 = arith.constant 0 : index
    %get3A_43 = vector.load %arg2[%get3A_40, %get3A_41, %get3A_42] : memref<2x1000x128xf32, #tpu.memory_space<vmem>>, vector<1x1000x128xf32>
    %get3A_44 = vector.shape_cast %get3A_43 : vector<1x1000x128xf32> to vector<1000x128xf32>
    %add3A_45 = arith.addf %add3A_39, %get3A_44 : vector<1000x128xf32>
    %mul3A_46 = arith.mulf %get3A_1, %add3A_45 : vector<1000x128xf32>
    %get3A_47 = arith.constant 1 : index
    %get3A_48 = arith.constant 0 : index
    %get3A_49 = arith.constant 0 : index
    %get3A_50 = vector.load %arg4[%get3A_47, %get3A_48, %get3A_49] : memref<2x1x128xf32, #tpu.memory_space<vmem>>, vector<1x1x128xf32>
    %get3A_51 = vector.shape_cast %get3A_50 : vector<1x1x128xf32> to vector<1x128xf32>
    %add3A_52 = vector.broadcast %get3A_51 : vector<1x128xf32> to vector<1000x128xf32>
    %add3A_53 = arith.addf %mul3A_46, %add3A_52 : vector<1000x128xf32>
    %get3A_54 = arith.constant 0 : index
    %get3A_55 = arith.constant 0 : index
    %get3A_56 = vector.load %arg5[%get3A_54, %get3A_55] : memref<128x128xf32, #tpu.memory_space<vmem>>, vector<64x128xf32>
    %get3A_57 = arith.constant 64 : index
    %get3A_58 = arith.constant 0 : index
    %get3A_59 = vector.load %arg5[%get3A_57, %get3A_58] : memref<128x128xf32, #tpu.memory_space<vmem>>, vector<64x128xf32>
    %slice3A = vector.extract_strided_slice %add3A_26 {offsets = [0, 0], sizes = [1000, 64], strides = [1, 1]} : vector<1000x128xf32> to vector<1000x64xf32>
    %dot_general3A = arith.constant dense<0.000000e+00> : vector<1000x128xf32>
    %dot_general3A_60 = tpu.matmul %slice3A, %get3A_56, %dot_general3A {dimension_numbers = #tpu.dot_dimension_numbers<[1], [0], [0], [1], [0, 0, 1, 1], [], []>, transpose_lhs_hint = false} : vector<1000x64xf32>, vector<64x128xf32>, vector<1000x128xf32> -> vector<1000x128xf32>
    %slice3A_61 = vector.extract_strided_slice %add3A_53 {offsets = [0, 0], sizes = [1000, 64], strides = [1, 1]} : vector<1000x128xf32> to vector<1000x64xf32>
    %dot_general3A_62 = arith.constant dense<0.000000e+00> : vector<1000x128xf32>
    %dot_general3A_63 = tpu.matmul %slice3A_61, %get3A_59, %dot_general3A_62 {dimension_numbers = #tpu.dot_dimension_numbers<[1], [0], [0], [1], [0, 0, 1, 1], [], []>, transpose_lhs_hint = false} : vector<1000x64xf32>, vector<64x128xf32>, vector<1000x128xf32> -> vector<1000x128xf32>
    %add3A_64 = arith.addf %dot_general3A_60, %dot_general3A_63 : vector<1000x128xf32>
    %slice3A_65 = vector.extract_strided_slice %add3A_26 {offsets = [0, 64], sizes = [1000, 64], strides = [1, 1]} : vector<1000x128xf32> to vector<1000x64xf32>
    %dot_general3A_66 = arith.constant dense<0.000000e+00> : vector<1000x128xf32>
    %dot_general3A_67 = tpu.matmul %slice3A_65, %get3A_56, %dot_general3A_66 {dimension_numbers = #tpu.dot_dimension_numbers<[1], [0], [0], [1], [0, 0, 1, 1], [], []>, transpose_lhs_hint = false} : vector<1000x64xf32>, vector<64x128xf32>, vector<1000x128xf32> -> vector<1000x128xf32>
    %slice3A_68 = vector.extract_strided_slice %add3A_53 {offsets = [0, 64], sizes = [1000, 64], strides = [1, 1]} : vector<1000x128xf32> to vector<1000x64xf32>
    %dot_general3A_69 = arith.constant dense<0.000000e+00> : vector<1000x128xf32>
    %dot_general3A_70 = tpu.matmul %slice3A_68, %get3A_59, %dot_general3A_69 {dimension_numbers = #tpu.dot_dimension_numbers<[1], [0], [0], [1], [0, 0, 1, 1], [], []>, transpose_lhs_hint = false} : vector<1000x64xf32>, vector<64x128xf32>, vector<1000x128xf32> -> vector<1000x128xf32>
    %add3A_71 = arith.addf %dot_general3A_67, %dot_general3A_70 : vector<1000x128xf32>
    %slice3A_72 = vector.extract_strided_slice %get3A_1 {offsets = [0, 0], sizes = [1000, 1], strides = [1, 1]} : vector<1000x128xf32> to vector<1000x1xf32>
    %mul3A_73 = vector.broadcast %slice3A_72 : vector<1000x1xf32> to vector<1000x128xf32>
    %mul3A_74 = arith.mulf %mul3A_73, %add3A_64 : vector<1000x128xf32>
    %slice3A_75 = vector.extract_strided_slice %get3A_1 {offsets = [0, 64], sizes = [1000, 1], strides = [1, 1]} : vector<1000x128xf32> to vector<1000x1xf32>
    %mul3A_76 = vector.broadcast %slice3A_75 : vector<1000x1xf32> to vector<1000x128xf32>
    %mul3A_77 = arith.mulf %mul3A_76, %add3A_71 : vector<1000x128xf32>
    %slice3A_78 = vector.extract_strided_slice %mul3A_74 {offsets = [0, 0], sizes = [1000, 64], strides = [1, 1]} : vector<1000x128xf32> to vector<1000x64xf32>
    %slice3A_79 = vector.extract_strided_slice %mul3A_77 {offsets = [0, 0], sizes = [1000, 64], strides = [1, 1]} : vector<1000x128xf32> to vector<1000x64xf32>
    %concatenate3A = tpu.concatenate %slice3A_78, %slice3A_79 in 1 : vector<1000x64xf32>, vector<1000x64xf32> -> vector<1000x128xf32>
    %slice3A_80 = vector.extract_strided_slice %mul3A_74 {offsets = [0, 64], sizes = [1000, 64], strides = [1, 1]} : vector<1000x128xf32> to vector<1000x64xf32>
    %slice3A_81 = vector.extract_strided_slice %mul3A_77 {offsets = [0, 64], sizes = [1000, 64], strides = [1, 1]} : vector<1000x128xf32> to vector<1000x64xf32>
    %concatenate3A_82 = tpu.concatenate %slice3A_80, %slice3A_81 in 1 : vector<1000x64xf32>, vector<1000x64xf32> -> vector<1000x128xf32>
    %swap3A = arith.constant 0 : index
    %swap3A_83 = arith.constant 0 : index
    %swap3A_84 = arith.constant 0 : index
    %swap3A_85 = vector.load %arg6[%swap3A, %swap3A_83, %swap3A_84] : memref<2x1000x128xf32, #tpu.memory_space<vmem>>, vector<1x1000x128xf32>
    %swap3A_86 = vector.shape_cast %swap3A_85 : vector<1x1000x128xf32> to vector<1000x128xf32>
    %swap3A_87 = vector.shape_cast %concatenate3A : vector<1000x128xf32> to vector<1x1000x128xf32>
    tpu.vector_store %arg6[%swap3A, %swap3A_83, %swap3A_84], %swap3A_87 {strides = array<i32>} : memref<2x1000x128xf32, #tpu.memory_space<vmem>>, vector<1x1000x128xf32>,
    %swap3A_88 = arith.constant 1 : index
    %swap3A_89 = arith.constant 0 : index
    %swap3A_90 = arith.constant 0 : index
    %swap3A_91 = vector.load %arg6[%swap3A_88, %swap3A_89, %swap3A_90] : memref<2x1000x128xf32, #tpu.memory_space<vmem>>, vector<1x1000x128xf32>
    %swap3A_92 = vector.shape_cast %swap3A_91 : vector<1x1000x128xf32> to vector<1000x128xf32>
    %swap3A_93 = vector.shape_cast %concatenate3A_82 : vector<1000x128xf32> to vector<1x1000x128xf32>
    tpu.vector_store %arg6[%swap3A_88, %swap3A_89, %swap3A_90], %swap3A_93 {strides = array<i32>} : memref<2x1000x128xf32, #tpu.memory_space<vmem>>, vector<1x1000x128xf32>,
    return
  }
  func.func @transform_0(%arg0: i32) -> (i32, i32, i32, i32) {
    %c0_i32 = arith.constant 0 : i32
    %c0_i32_0 = arith.constant 0 : i32
    %c0_i32_1 = arith.constant 0 : i32
    %c0_i32_2 = arith.constant 0 : i32
    return %c0_i32, %c0_i32_0, %arg0, %c0_i32_1 : i32, i32, i32, i32
  }
  func.func @transform_1(%arg0: i32) -> (i32, i32, i32) {
    %c0_i32 = arith.constant 0 : i32
    %c0_i32_0 = arith.constant 0 : i32
    %c0_i32_1 = arith.constant 0 : i32
    return %c0_i32, %arg0, %c0_i32_0 : i32, i32, i32
  }
  func.func @transform_2(%arg0: i32) -> (i32, i32) {
    %c0_i32 = arith.constant 0 : i32
    %c0_i32_0 = arith.constant 0 : i32
    return %arg0, %c0_i32 : i32, i32
  }
  func.func @transform_3(%arg0: i32) -> (i32, i32, i32) {
    %c0_i32 = arith.constant 0 : i32
    %c0_i32_0 = arith.constant 0 : i32
    %c0_i32_1 = arith.constant 0 : i32
    %c0_i32_2 = arith.constant 0 : i32
    return %c0_i32, %c0_i32_0, %c0_i32_1 : i32, i32, i32
  }
  func.func @transform_4(%arg0: i32) -> (i32, i32) {
    %c0_i32 = arith.constant 0 : i32
    %c0_i32_0 = arith.constant 0 : i32
    %c0_i32_1 = arith.constant 0 : i32
    return %c0_i32, %c0_i32_0 : i32, i32
  }
  func.func @transform_5(%arg0: i32) -> (i32, i32, i32) {
    %c0_i32 = arith.constant 0 : i32
    %c0_i32_0 = arith.constant 0 : i32
    %c0_i32_1 = arith.constant 0 : i32
    return %c0_i32, %arg0, %c0_i32_0 : i32, i32, i32
  }
}

module attributes {stable_mosaic.version = 14 : i64} {
  func.func @_tc_out_body(%arg0: i32, %arg1: memref<2x2x1000x128xf32, #tpu.memory_space<vmem>>, %arg2: memref<2x1000x128xf32, #tpu.memory_space<vmem>>, %arg3: memref<1000x128xf32, #tpu.memory_space<vmem>>, %arg4: memref<2x1x128xf32, #tpu.memory_space<vmem>>, %arg5: memref<2x1000x128xf32, #tpu.memory_space<vmem>>) attributes {dimension_semantics = [#tpu.dimension_semantics<arbitrary>], iteration_bounds = array<i64: 5>, scalar_prefetch = 0 : i64, scratch_operands = 0 : i64, tpu.core_type = #tpu.core_type<tc>, window_params = [{transform_indices = @transform_0, window_bounds = array<i64: 2, 2, 1000, 128>}, {transform_indices = @transform_1, window_bounds = array<i64: 2, 1000, 128>}, {transform_indices = @transform_2, window_bounds = array<i64: 1000, 128>}, {pipeline_mode = #tpu.pipeline_mode<synchronous>, transform_indices = @transform_3, window_bounds = array<i64: 2, 1, 128>}, {transform_indices = @transform_4, window_bounds = array<i64: 2, 1000, 128>}]} {
    %get3A = arith.constant 0 : index
    %get3A_0 = arith.constant 0 : index
    %get3A_1 = vector.load %arg3[%get3A, %get3A_0] : memref<1000x128xf32, #tpu.memory_space<vmem>>, vector<1000x128xf32>
    %get3A_2 = arith.constant 0 : index
    %get3A_3 = arith.constant 0 : index
    %get3A_4 = arith.constant 0 : index
    %get3A_5 = arith.constant 0 : index
    %get3A_6 = vector.load %arg1[%get3A_2, %get3A_3, %get3A_4, %get3A_5] : memref<2x2x1000x128xf32, #tpu.memory_space<vmem>>, vector<1x1x1000x128xf32>
    %get3A_7 = vector.shape_cast %get3A_6 : vector<1x1x1000x128xf32> to vector<1000x128xf32>
    %get3A_8 = arith.constant 1 : index
    %get3A_9 = arith.constant 0 : index
    %get3A_10 = arith.constant 0 : index
    %get3A_11 = arith.constant 0 : index
    %get3A_12 = vector.load %arg1[%get3A_8, %get3A_9, %get3A_10, %get3A_11] : memref<2x2x1000x128xf32, #tpu.memory_space<vmem>>, vector<1x1x1000x128xf32>
    %get3A_13 = vector.shape_cast %get3A_12 : vector<1x1x1000x128xf32> to vector<1000x128xf32>
    %add3A = arith.addf %get3A_7, %get3A_13 : vector<1000x128xf32>
    %get3A_14 = arith.constant 0 : index
    %get3A_15 = arith.constant 0 : index
    %get3A_16 = arith.constant 0 : index
    %get3A_17 = vector.load %arg2[%get3A_14, %get3A_15, %get3A_16] : memref<2x1000x128xf32, #tpu.memory_space<vmem>>, vector<1x1000x128xf32>
    %get3A_18 = vector.shape_cast %get3A_17 : vector<1x1000x128xf32> to vector<1000x128xf32>
    %add3A_19 = arith.addf %add3A, %get3A_18 : vector<1000x128xf32>
    %mul3A = arith.mulf %get3A_1, %add3A_19 : vector<1000x128xf32>
    %get3A_20 = arith.constant 0 : index
    %get3A_21 = arith.constant 0 : index
    %get3A_22 = arith.constant 0 : index
    %get3A_23 = vector.load %arg4[%get3A_20, %get3A_21, %get3A_22] : memref<2x1x128xf32, #tpu.memory_space<vmem>>, vector<1x1x128xf32>
    %get3A_24 = vector.shape_cast %get3A_23 : vector<1x1x128xf32> to vector<1x128xf32>
    %add3A_25 = vector.broadcast %get3A_24 : vector<1x128xf32> to vector<1000x128xf32>
    %add3A_26 = arith.addf %mul3A, %add3A_25 : vector<1000x128xf32>
    %get3A_27 = arith.constant 0 : index
    %get3A_28 = arith.constant 1 : index
    %get3A_29 = arith.constant 0 : index
    %get3A_30 = arith.constant 0 : index
    %get3A_31 = vector.load %arg1[%get3A_27, %get3A_28, %get3A_29, %get3A_30] : memref<2x2x1000x128xf32, #tpu.memory_space<vmem>>, vector<1x1x1000x128xf32>
    %get3A_32 = vector.shape_cast %get3A_31 : vector<1x1x1000x128xf32> to vector<1000x128xf32>
    %get3A_33 = arith.constant 1 : index
    %get3A_34 = arith.constant 1 : index
    %get3A_35 = arith.constant 0 : index
    %get3A_36 = arith.constant 0 : index
    %get3A_37 = vector.load %arg1[%get3A_33, %get3A_34, %get3A_35, %get3A_36] : memref<2x2x1000x128xf32, #tpu.memory_space<vmem>>, vector<1x1x1000x128xf32>
    %get3A_38 = vector.shape_cast %get3A_37 : vector<1x1x1000x128xf32> to vector<1000x128xf32>
    %add3A_39 = arith.addf %get3A_32, %get3A_38 : vector<1000x128xf32>
    %get3A_40 = arith.constant 1 : index
    %get3A_41 = arith.constant 0 : index
    %get3A_42 = arith.constant 0 : index
    %get3A_43 = vector.load %arg2[%get3A_40, %get3A_41, %get3A_42] : memref<2x1000x128xf32, #tpu.memory_space<vmem>>, vector<1x1000x128xf32>
    %get3A_44 = vector.shape_cast %get3A_43 : vector<1x1000x128xf32> to vector<1000x128xf32>
    %add3A_45 = arith.addf %add3A_39, %get3A_44 : vector<1000x128xf32>
    %mul3A_46 = arith.mulf %get3A_1, %add3A_45 : vector<1000x128xf32>
    %get3A_47 = arith.constant 1 : index
    %get3A_48 = arith.constant 0 : index
    %get3A_49 = arith.constant 0 : index
    %get3A_50 = vector.load %arg4[%get3A_47, %get3A_48, %get3A_49] : memref<2x1x128xf32, #tpu.memory_space<vmem>>, vector<1x1x128xf32>
    %get3A_51 = vector.shape_cast %get3A_50 : vector<1x1x128xf32> to vector<1x128xf32>
    %add3A_52 = vector.broadcast %get3A_51 : vector<1x128xf32> to vector<1000x128xf32>
    %add3A_53 = arith.addf %mul3A_46, %add3A_52 : vector<1000x128xf32>
    %slice3A = vector.extract_strided_slice %add3A_26 {offsets = [0, 0], sizes = [1000, 64], strides = [1, 1]} : vector<1000x128xf32> to vector<1000x64xf32>
    %slice3A_54 = vector.extract_strided_slice %add3A_53 {offsets = [0, 0], sizes = [1000, 64], strides = [1, 1]} : vector<1000x128xf32> to vector<1000x64xf32>
    %concatenate3A = tpu.concatenate %slice3A, %slice3A_54 in 1 : vector<1000x64xf32>, vector<1000x64xf32> -> vector<1000x128xf32>
    %swap3A = arith.constant 0 : index
    %swap3A_55 = arith.constant 0 : index
    %swap3A_56 = arith.constant 0 : index
    %swap3A_57 = vector.load %arg5[%swap3A, %swap3A_55, %swap3A_56] : memref<2x1000x128xf32, #tpu.memory_space<vmem>>, vector<1x1000x128xf32>
    %swap3A_58 = vector.shape_cast %swap3A_57 : vector<1x1000x128xf32> to vector<1000x128xf32>
    %swap3A_59 = vector.shape_cast %concatenate3A : vector<1000x128xf32> to vector<1x1000x128xf32>
    tpu.vector_store %arg5[%swap3A, %swap3A_55, %swap3A_56], %swap3A_59 {strides = array<i32>} : memref<2x1000x128xf32, #tpu.memory_space<vmem>>, vector<1x1000x128xf32>,
    %slice3A_60 = vector.extract_strided_slice %add3A_26 {offsets = [0, 64], sizes = [1000, 64], strides = [1, 1]} : vector<1000x128xf32> to vector<1000x64xf32>
    %slice3A_61 = vector.extract_strided_slice %add3A_53 {offsets = [0, 64], sizes = [1000, 64], strides = [1, 1]} : vector<1000x128xf32> to vector<1000x64xf32>
    %concatenate3A_62 = tpu.concatenate %slice3A_60, %slice3A_61 in 1 : vector<1000x64xf32>, vector<1000x64xf32> -> vector<1000x128xf32>
    %swap3A_63 = arith.constant 1 : index
    %swap3A_64 = arith.constant 0 : index
    %swap3A_65 = arith.constant 0 : index
    %swap3A_66 = vector.load %arg5[%swap3A_63, %swap3A_64, %swap3A_65] : memref<2x1000x128xf32, #tpu.memory_space<vmem>>, vector<1x1000x128xf32>
    %swap3A_67 = vector.shape_cast %swap3A_66 : vector<1x1000x128xf32> to vector<1000x128xf32>
    %swap3A_68 = vector.shape_cast %concatenate3A_62 : vector<1000x128xf32> to vector<1x1000x128xf32>
    tpu.vector_store %arg5[%swap3A_63, %swap3A_64, %swap3A_65], %swap3A_68 {strides = array<i32>} : memref<2x1000x128xf32, #tpu.memory_space<vmem>>, vector<1x1000x128xf32>,
    return
  }
  func.func @transform_0(%arg0: i32) -> (i32, i32, i32, i32) {
    %c0_i32 = arith.constant 0 : i32
    %c0_i32_0 = arith.constant 0 : i32
    %c0_i32_1 = arith.constant 0 : i32
    %c0_i32_2 = arith.constant 0 : i32
    return %c0_i32, %c0_i32_0, %arg0, %c0_i32_1 : i32, i32, i32, i32
  }
  func.func @transform_1(%arg0: i32) -> (i32, i32, i32) {
    %c0_i32 = arith.constant 0 : i32
    %c0_i32_0 = arith.constant 0 : i32
    %c0_i32_1 = arith.constant 0 : i32
    return %c0_i32, %arg0, %c0_i32_0 : i32, i32, i32
  }
  func.func @transform_2(%arg0: i32) -> (i32, i32) {
    %c0_i32 = arith.constant 0 : i32
    %c0_i32_0 = arith.constant 0 : i32
    return %arg0, %c0_i32 : i32, i32
  }
  func.func @transform_3(%arg0: i32) -> (i32, i32, i32) {
    %c0_i32 = arith.constant 0 : i32
    %c0_i32_0 = arith.constant 0 : i32
    %c0_i32_1 = arith.constant 0 : i32
    %c0_i32_2 = arith.constant 0 : i32
    return %c0_i32, %c0_i32_0, %c0_i32_1 : i32, i32, i32
  }
  func.func @transform_4(%arg0: i32) -> (i32, i32, i32) {
    %c0_i32 = arith.constant 0 : i32
    %c0_i32_0 = arith.constant 0 : i32
    %c0_i32_1 = arith.constant 0 : i32
    return %c0_i32, %arg0, %c0_i32_0 : i32, i32, i32
  }
}

</mosaic_0001>

<sc_bundles>
// kernel: kernel.10.cloned.1.call-start
scs
__scs_entry_jumppad:
0x0: {  	(pc) =	sbr.rel $0x88, $3  }
0x1: {  	(tag) =	ssettag $0x0;
	lr =	simm.s32 $0x1  }
0x2: {  	[smem:$0x3F99] =	sst lr;
	_ =	strace $0xD0000000  }
0x3: {  	_ = 	snop  }
0x4: {  	_ = 	snop  }
0x5: {  	_ = 	snop  }
0x6: {  	_ = 	snop  }
0x7: {  	_ = 	snop  }
__scs_overlays_trampoline_lowered:
0x8: {  	[smem:$0x3FA8] =	sst s0  }
0x9: {  	[smem:$0x3FA9] =	sst s1  }
0xa: {  	[smem:$0x3FAA] =	sst s2  }
0xb: {  	[smem:$0x3FAB] =	sst s3  }
0xc: {  	[smem:$0x3FAC] =	sst s4  }
0xd: {  	[smem:$0x3FAD] =	sst s5  }
0xe: {  	[smem:$0x3FAE] =	sst s6  }
0xf: {  	[smem:$0x3FAF] =	sst s7  }
0x10: {  	[smem:$0x3FB0] =	sst s8  }
0x11: {  	[smem:$0x3FB1] =	sst s9;
	s0 =	simm.s32 @!p0 $0x0  }
0x12: {  	s1 =	sld [smem:$0x3F97];
	s0 =	simm.s32 @p0 $0x1  }
0x13: {  	[smem:$0x3FB2] =	sst s0;
	s0 =	simm.s32 @!p1 $0x0  }
0x14: {  	s2 =	sld [smem:$0x3F96];
	s0 =	simm.s32 @p1 $0x1  }
0x15: {  	[smem:$0x3FB3] =	sst s0;
	s0 =	simm.s32 @!p2 $0x0  }
0x16: {  	s3 =	sld [smem:$0x3FDB];
	s0 =	simm.s32 @p2 $0x1  }
0x17: {  	s4 =	simm.s32 $0x1BF5;
	[smem:$0x3FB5] =	sst s0  }
0x18: {  	s0 =	sld [smem:$0x3F98];
	_ =	swait.ge [sflag:s4], $0x0  }
0x19: {  	s7 =	sld [smem:$0x3F99]  }
0x1a: {  	s8 =	sadd.s32 $0xFFFFE003, lr  }
0x1b: {  	s9 =	sadd.s32 $0xFFFFFEF7, lr;
	s5 =	simm.s32 $0xFFFFFFFF;
	p2 =	slt.u32 s8, $0xFFFFF086  }
0x1c: {  	p1 =	slt.u32 s9, $0xF7A;
	s5 =	simm.s32 @!p2 $0x0  }
0x1d: {  	s5 =	simm.s32 @p1 $0x1;
	p0 =	seq.s32 s7, s2  }
0x1e: {  	s7 =	smul.u32 @!p0 $0xF7A, s2;
	p2 =	seq.s32 @!p0 s5, $0x0  }
0x1f: {  	s9 =	smul.u32 $0xF7A, s1;
	s8 =	simm.s32 @!p0 $0x1BF5;
	p2 =	por !p2, p0  }
0x20: {  	[sflag:s8] =	ssyncset.s32 @!p0 $0xFFFFF086;
	s6 =	sadd.s32 @!p0 s3, s7;
	s7 =	simm.s32 @!p0 $0x108  }
0x21: {  	s3 =	sadd.s32 s3, s9;
	s6 =	sadd.s32 @!p0 $0x88, s6;
	s7 =	simm.s32 @p2 $0x1082  }
0x22: {  	[simem:s7], [sflag:s8] =	dma.local @!p0 [hbm:s6], $0xF7A  }
0x23: {  	s9 =	sor.u32 $0xD0000000, s2;
	s6 =	simm.s32 $0x108;
	_ =	swait.ge @!p0 [sflag:s8], $0x0  }
0x24: {  	s3 =	sadd.s32 $0x88, s3;
	s6 =	simm.s32 @!p1 $0x1082;
	[sflag:s4] =	ssyncset.s32 $0xFFFFF086  }
0x25: {  	[simem:s6], [sflag:s4] =	dma.local [hbm:s3], $0xF7A  }
0x26: {  	[smem:$0x3F99] =	sst s1;
	(tag) =	ssettag s2;
	_ =	strace s9  }
0x27: {  	s1 =	sld [smem:$0x3FA9]  }
0x28: {  	s2 =	sld [smem:$0x3FAA]  }
0x29: {  	s4 =	sld [smem:$0x3FAC]  }
0x2a: {  	p0 =	seq.s32 s5, $0x0;
	s5 =	sld [smem:$0x3FAD]  }
0x2b: {  	s6 =	sld [smem:$0x3FAE]  }
0x2c: {  	s7 =	sld [smem:$0x3FAF]  }
0x2d: {  	s3 =	simm.s32 $0x108;
	s8 =	sld [smem:$0x3FB0]  }
0x2e: {  	s3 =	simm.s32 @!p0 $0x1082;
	s9 =	sld [smem:$0x3FB1]  }
0x2f: {  	lr =	sadd.s32 s0, s3;
	s0 =	sld [smem:$0x3FA8]  }
0x30: {  	s3 =	sld [smem:$0x3FAB]  }
0x31: {  	[smem:$0x3FB4] =	sst s10  }
0x32: {  	s10 =	sld [smem:$0x3FB2];
	_ =	sdelay $0x3  }
0x33: {  	p0 =	seq.s32 s10, $0x1;
	s10 =	sld [smem:$0x3FB4];
	_ =	sdelay $0x3  }
0x34: {  	[smem:$0x3FB4] =	sst s10  }
0x35: {  	s10 =	sld [smem:$0x3FB3];
	_ =	sdelay $0x3  }
0x36: {  	p1 =	seq.s32 s10, $0x1;
	s10 =	sld [smem:$0x3FB4];
	_ =	sdelay $0x3  }
0x37: {  	[smem:$0x3FB4] =	sst s10  }
0x38: {  	s10 =	sld [smem:$0x3FB5]  }
0x39: {  	_ = 	snop;
	(pc) =	sbr.ind lr, $3  }
0x3a: {  	_ = 	snop  }
0x3b: {  	_ = 	snop  }
0x3c: {  	p2 =	seq.s32 s10, $0x1;
	s10 =	sld [smem:$0x3FB4]  }
0x3d: {  	_ =	shalt  }
0x3e: {  	_ =	shalt  }
0x3f: {  	_ =	shalt  }
0x40: {  	_ =	shalt  }
0x41: {  	_ =	shalt  }
0x42: {  	_ =	shalt  }
0x43: {  	_ =	shalt  }
0x44: {  	_ =	shalt  }
0x45: {  	_ =	shalt  }
0x46: {  	_ =	shalt  }
0x47: {  	_ =	shalt  }
0x48: {  	_ =	shalt  }
0x49: {  	_ =	shalt  }
0x4a: {  	_ =	shalt  }
0x4b: {  	_ =	shalt  }
0x4c: {  	_ =	shalt  }
0x4d: {  	_ =	shalt  }
0x4e: {  	_ =	shalt  }
0x4f: {  	_ =	shalt  }
0x50: {  	_ =	shalt  }
0x51: {  	_ =	shalt  }
0x52: {  	_ =	shalt  }
0x53: {  	_ =	shalt  }
0x54: {  	_ =	shalt  }
0x55: {  	_ =	shalt  }
0x56: {  	_ =	shalt  }
0x57: {  	_ =	shalt  }
0x58: {  	_ =	shalt  }
0x59: {  	_ =	shalt  }
0x5a: {  	_ =	shalt  }
0x5b: {  	_ =	shalt  }
0x5c: {  	_ =	shalt  }
0x5d: {  	_ =	shalt  }
0x5e: {  	_ =	shalt  }
0x5f: {  	_ =	shalt  }
0x60: {  	_ =	shalt  }
0x61: {  	_ =	shalt  }
0x62: {  	_ =	shalt  }
0x63: {  	_ =	shalt  }
0x64: {  	_ =	shalt  }
0x65: {  	_ =	shalt  }
0x66: {  	_ =	shalt  }
0x67: {  	_ =	shalt  }
0x68: {  	_ =	shalt  }
0x69: {  	_ =	shalt  }
0x6a: {  	_ =	shalt  }
0x6b: {  	_ =	shalt  }
0x6c: {  	_ =	shalt  }
0x6d: {  	_ =	shalt  }
0x6e: {  	_ =	shalt  }
0x6f: {  	_ =	shalt  }
0x70: {  	_ =	shalt  }
0x71: {  	_ =	shalt  }
0x72: {  	_ =	shalt  }
0x73: {  	_ =	shalt  }
0x74: {  	_ =	shalt  }
0x75: {  	_ =	shalt  }
0x76: {  	_ =	shalt  }
0x77: {  	_ =	shalt  }
0x78: {  	_ =	shalt  }
0x79: {  	_ =	shalt  }
0x7a: {  	_ =	shalt  }
0x7b: {  	_ =	shalt  }
0x7c: {  	_ =	shalt  }
0x7d: {  	_ =	shalt  }
0x7e: {  	_ =	shalt  }
0x7f: {  	_ =	shalt  }
0x80: {  	_ =	shalt  }
0x81: {  	_ =	shalt  }
0x82: {  	_ =	shalt  }
0x83: {  	_ =	shalt  }
0x84: {  	_ =	shalt  }
0x85: {  	_ =	shalt  }
0x86: {  	_ =	shalt  }
0x87: {  	_ =	shalt  }
.Lfunc_end0:
.L_simem_size_0:
called_computation_lowered:
.L_overlay_start_0:
0x88: {  	s2 =	sld [smem:$0x3FD9]  }
0x89: {  	s3 =	sld [smem:$0x3FFE];
	_ =	sdelay $0x1  }
0x8a: {  	s1 =	srdreg.scid  }
0x8b: {  	s0 =	sand.u32 $0x1, s1  }
0x8c: {  	s17 =	sshll.u32 s0, $0xA;
	s2 =	sadd.s32 s3, s2  }
0x8d: {  	s2 =	sadd.s32 s2, s17  }
0x8e: {  	[smem:$0x3FC0] =	sst s2  }
0x8f: {  	_ = 	snop  }
0x90: {  	s2 =	sld [smem:$0x3FD0];
	(tm) =	ssettm $0x1  }
0x91: {  	s18 =	sld [smem:$0x3FFB];
	_ =	sdelay $0x3  }
0x92: {  	_ =	strace s18  }
0x93: {  	s3 =	sld [smem:$0x3FFC];
	_ =	sdelay $0x3  }
0x94: {  	_ =	strace s3  }
0x95: {  	s3 =	sld [smem:$0x3FFD];
	_ =	sdelay $0x3  }
0x96: {  	_ =	strace s3  }
0x97: {  	_ =	strace $0x8FFFFFFF  }
0x98: {  	s19 =	sld [smem:$0x3FDB];
	_ =	sdelay $0x1  }
0x99: {  	s4 =	simm.s32 $_scs_section_size  }
0x9a: {  	s5 =	simm.s32 $_size__tile_overlayer_lowered;
	s6 =	simm.s32 $_tile_overlayer_lowered  }
0x9b: {  	s22 =	simm.s32 $0x1BFF;
	s21 =	sshll.u32 s6, $0x1;
	s3 =	sadd.s32 s4, s19  }
0x9c: {  	s7 =	simm.s32 $0x0;
	s20 =	sshll.u32 s5, $0x1;
	s5 =	sadd.s32 s21, s3  }
0x9d: {  	[timem:s7], [sflag:s22] =	dma.local [hbm:s5], s20  }
0x9e: {  	_ =	swait.ge [sflag:s22], s20  }
0x9f: {  	s4 =	ssub.s32 $0x0, s20;
	[sflag:s22] =	ssyncset.done $0x0  }
0xa0: {  	[sflag:s22] =	ssyncadd.s32 s4;
	_ =	sdelay $0x1  }
0xa1: {  	s23 =	simm.s32 $0x1B8B  }
0xa2: {  	_ =	swait.ge [sflag:s23], $0x1  }
0xa3: {  	[sflag:s23] =	ssyncset.done $0x0  }
0xa4: {  	s25 =	simm.s32 $0x1B8E;
	s24 =	sld [smem:$0x3FFE];
	[sflag:s23] =	ssyncadd.s32 $0xFFFFFFFF  }
0xa5: {  	s26 =	simm.s32 $execute0_lowered;
	[smem:$0x3FD2] =	sst s25  }
0xa6: {  	s5 =	sshll.u32 s26, $0x1;
	_ =	strace $0x80000046;
	[dreg:$0x1] =	wrdreg $0xFFFFFFFF  }
0xa7: {  	s28 =	simm.s32 $_size_execute0_lowered;
	s3 =	sadd.s32 s3, s5;
	[dreg:$0x0] =	wrdreg $0x0  }
0xa8: {  	s5 =	sshll.u32 s28, $0x1;
	[dreg:$0x2] =	wrdreg s3  }
0xa9: {  	[dreg:$0x3] =	wrdreg s5  }
0xaa: {  	[dreg:$0x4] =	wrdreg $0xC0  }
0xab: {  	_ =	task [dreg:s7], $0x5FFFF  }
0xac: {  	[dreg:$0x1] =	wrdreg $0xFFFFFFFF  }
0xad: {  	[dreg:$0x0] =	wrdreg $0x60  }
0xae: {  	[dreg:$0x2] =	wrdreg s24  }
0xaf: {  	[dreg:$0x3] =	wrdreg s2  }
0xb0: {  	[dreg:$0x4] =	wrdreg $0x2B000  }
0xb1: {  	[dreg:$0x5] =	wrdreg $0x9  }
0xb2: {  	_ =	task.clear_ibuf [dreg:s7], $0x6FFFF;
	_ =	strace $0x90000046  }
0xb3: {  	s29 =	simm.s32 $0x9;
	_ =	strace $0x80000048  }
0xb4: {  	_ =	swait.ge [sflag:s29], $0x1  }
0xb5: {  	[sflag:s29] =	ssyncadd.s32 $0xFFFFFFFF  }
0xb6: {  	_ =	strace $0x90000048  }
0xb7: {  	_ =	sfence  }
0xb8: {  	s30 =	sld [smem:$0x0];
	_ =	sdelay $0x2  }
0xb9: {  	s31 =	sshll.u32 s1, $0xD;
	s1 =	sshrl.u32 s1, $0x2  }
0xba: {  	s3 =	sand.u32 $0x4000, s31;
	s1 =	sadd.s32 s1, s30  }
0xbb: {  	s0 =	sor.u32 s3, s0;
	s1 =	sshll.u32 s1, $0x11  }
0xbc: {  	s0 =	sor.u32 s1, s0  }
0xbd: {  	s0 =	sadd.s32 $0x8F2B, s0  }
0xbe: {  	[sflag:s0] =	ssyncadd.remote.s32 $0x1  }
0xbf: {  	_ =	sfence.sel $0xFFFF  }
0xc0: {  	[dreg:$0x0] =	wrdreg $0xFFFFFFFF;
	(pc) =	sbr.abs _section_cstart, $3  }
0xc1: {  	[dreg:$0x1] =	wrdreg $0xFFFFFFFF  }
0xc2: {  	_ =	task.clear_ibuf [dreg:s7], $0x2FFFF;
	_ =	strace $0x9FFFFFFF  }
0xc3: {  	(tm) =	ssettm $0x7FFFFFFF  }
tec
execute0_lowered:
.L_overlay_start_1:
0x0: {  	(tag) =	ssettag $0x1  }
0x1: {  	s4 =	rddreg [dreg:$0x0]  }
0x2: {  	s6 =	rddreg [dreg:$0x1];
	s0 =	srdreg.scid  }
0x3: {  	s2 =	rddreg [dreg:$0x2];
	s1 =	stileid.u32;
	s3 =	simm.s32 $0x0  }
0x4: {  	s11 =	simm.s32 $0x2800;
	s14 =	simm.s32 $0x0;
	s8 =	smul.u32 $0x280, s1  }
0x5: {  	s5 =	sand.u32 $0x1, s0;
	s0 =	rddreg [dreg:$0x3];
	s10 =	smul.u32 $0x500, s1  }
0x6: {  	[smem:$0x7FF] =	sst s3;
	s12 =	sshll.u32 s1, $0x6;
	s7 =	smul.u32 $0x5000, s5  }
0x7: {  	s9 =	smul.u32 $0x2800, s5;
	_ =	strace $0x80000047;
	s5 =	ssub.s32 $0x2, s5  }
0x8: {  	s12 =	sor.u32 $0x1C01, s12;
	s31 =	sshrl.u32 s5, $0x1;
	s4 =	sadd.s32 s7, s4  }
0x9: {  	s9 =	sadd.s32 s8, s9;
	s7 =	ssub.s32 s5, s31;
	s5 =	sadd.s32 s8, s2  }
0xa: {  	s8 =	simm.s32 $0x1;
	s4 =	sadd.s32 s10, s4;
	s9 =	sshrl.u32 s9, $0x3  }
0xb: {  	s7 =	smax.u32 s7, $0x1;
	s10 =	simm.s32 $0x80;
	s13 =	sshrl.u32 s5, $0x3  }
0xc: {  	v0 =	vimm.f32 $1.000000000e+00;
	v1 =	vimm.f32 $0.0e+00;
	s4 =	sadd.s32 $0x3E00, s4;
	s6 =	sadd.s32 s6, s9;
	s9 =	simm.s32 $0x2880  }
.LBB2_1:
0xd: {  	[tilespmem:s3], [sflag:$0x1] =	stream.linear.gather [hbm4b:s4+s3], $0x2800, $0x38;
	[tilespmem:$0x2D80] =	vst v63  }
0xe: {  	_ =	swait.ge [sflag:s8], $0x2800  }
0xf: {  	[sflag:s8] =	ssyncset.done $0x0  }
0x10: {  	[sflag:s8] =	ssyncadd.s32 $0xFFFFD800  }
0x11: {  	[tilespmem:$0x2800] =	vst v0  }
0x12: {  	[tilespmem:$0x2810] =	vst v0  }
0x13: {  	[tilespmem:$0x2820] =	vst v0  }
0x14: {  	[tilespmem:$0x2830] =	vst v0  }
0x15: {  	[tilespmem:$0x2840] =	vst v0  }
0x16: {  	[tilespmem:$0x2850] =	vst v0  }
0x17: {  	[tilespmem:$0x2860] =	vst v0  }
0x18: {  	[tilespmem:$0x2870] =	vst v0  }
0x19: {  	[tilespmem:$0x2880] =	vst v1  }
0x1a: {  	[tilespmem:$0x2890] =	vst v1  }
0x1b: {  	[tilespmem:$0x28A0] =	vst v1  }
0x1c: {  	[tilespmem:$0x28B0] =	vst v1  }
0x1d: {  	[tilespmem:$0x28C0] =	vst v1  }
0x1e: {  	[tilespmem:$0x28D0] =	vst v1  }
0x1f: {  	[tilespmem:$0x28E0] =	vst v1  }
0x20: {  	[tilespmem:$0x28F0] =	vst v1  }
0x21: {  	[tilespmem:$0x2900] =	vst v1  }
0x22: {  	[tilespmem:$0x2910] =	vst v1  }
0x23: {  	[tilespmem:$0x2920] =	vst v1  }
0x24: {  	[tilespmem:$0x2930] =	vst v1  }
0x25: {  	[tilespmem:$0x2940] =	vst v1  }
0x26: {  	[tilespmem:$0x2950] =	vst v1  }
0x27: {  	[tilespmem:$0x2960] =	vst v1  }
0x28: {  	[tilespmem:$0x2970] =	vst v1  }
0x29: {  	[tilespmem:$0x2980] =	vst v1  }
0x2a: {  	[tilespmem:$0x2990] =	vst v1  }
0x2b: {  	[tilespmem:$0x29A0] =	vst v1  }
0x2c: {  	[tilespmem:$0x29B0] =	vst v1  }
0x2d: {  	[tilespmem:$0x29C0] =	vst v1  }
0x2e: {  	[tilespmem:$0x29D0] =	vst v1  }
0x2f: {  	[tilespmem:$0x29E0] =	vst v1  }
0x30: {  	[tilespmem:$0x29F0] =	vst v1  }
0x31: {  	[tilespmem:$0x2A00] =	vst v1  }
0x32: {  	[tilespmem:$0x2A10] =	vst v1  }
0x33: {  	[tilespmem:$0x2A20] =	vst v1  }
0x34: {  	[tilespmem:$0x2A30] =	vst v1  }
0x35: {  	[tilespmem:$0x2A40] =	vst v1  }
0x36: {  	[tilespmem:$0x2A50] =	vst v1  }
0x37: {  	[tilespmem:$0x2A60] =	vst v1  }
0x38: {  	[tilespmem:$0x2A70] =	vst v1  }
0x39: {  	[tilespmem:$0x2A80] =	vst v1  }
0x3a: {  	[tilespmem:$0x2A90] =	vst v1  }
0x3b: {  	[tilespmem:$0x2AA0] =	vst v1  }
0x3c: {  	[tilespmem:$0x2AB0] =	vst v1  }
0x3d: {  	[tilespmem:$0x2AC0] =	vst v1  }
0x3e: {  	[tilespmem:$0x2AD0] =	vst v1  }
0x3f: {  	[tilespmem:$0x2AE0] =	vst v1  }
0x40: {  	[tilespmem:$0x2AF0] =	vst v1  }
0x41: {  	[spmem:s5] =	stream.linear.scatter [tilespmem:s9], [sflag:$0x1], $0x280, $0x38;
	[tilespmem:$0x2D80] =	vst v63  }
0x42: {  	_ =	swait.ge [sflag:s8], $0x280  }
0x43: {  	[sflag:s8] =	ssyncset.done $0x0  }
0x44: {  	[sflag:s8] =	ssyncadd.s32 $0xFFFFFD80  }
0x45: {  	s15 =	simm.s32 $0x0;
	[bflag:$0x0] =	sbarrier.arrive $0xFFFF  }
0x46: {  	[spmem:s2] =	stream.indirect.scatter.add.f32 [tilespmem:s11], [sflag:$0x1], $0x1, s15, s10, $0xb8;
	[tilespmem:$0x2D80] =	vst v63  }
0x47: {  	_ =	swait.ge [sflag:s8], $0x80  }
0x48: {  	s15 =	simm.s32 $0x200;
	[sflag:s8] =	ssyncset.done $0x0  }
.LBB2_2:
0x49: {  	s16 =	sshra.s32 s15, $0x2;
	[sflag:s8] =	ssyncadd.s32 $0xFFFFFF80;
	p0 =	sne.s32 s15, $0x9E00  }
0x4a: {  	[spmem:s2] =	stream.indirect.scatter.add.f32 [tilespmem:s11], [sflag:$0x1], $0x1, s16, s10, $0xb8;
	[tilespmem:$0x2D80] =	vst v63  }
.Ltmp0:
0x4b: {  	_ = 	snop;
	(pc) =	sbr.rel @p0 .LBB2_2-.Ltmp0, $4  }
0x4c: {  	_ = 	snop  }
0x4d: {  	s15 =	sadd.s32 $0x200, s15  }
0x4e: {  	_ =	swait.ge [sflag:s8], $0x80  }
0x4f: {  	[sflag:s8] =	ssyncset.done $0x0  }
0x50: {  	s14 =	sadd.s32 $0x1, s14  }
0x51: {  	[sflag:s8] =	ssyncadd.s32 $0xFFFFFF80;
	p0 =	sne.s32 s14, s7  }
.Ltmp1:
0x52: {  	[bflag:$0x0] =	sbarrier.arrive $0xFFFF;
	(pc) =	sbr.rel @p0 .LBB2_1-.Ltmp1, $4  }
0x53: {  	[hbm:s6], [sflag:s12] =	dma.local [spmem:s13], $0x50  }
0x54: {  	_ =	swait.ge [sflag:s8], $0x50  }
0x55: {  	[sflag:s8] =	ssyncset.done $0x0  }
0x56: {  	[sflag:s8] =	ssyncadd.s32 $0xFFFFFFB0  }
0x57: {  	_ =	sfence.sel $0x180000  }
0x58: {  	[bflag:$0x0] =	sbarrier.arrive $0xFFFF  }
0x59: {  	p0 =	sne.s32 s1, $0x0;
	_ =	strace $0x90000047  }
0x5a: {  	s0 =	sadd.s32 @!p0 $0x100000, s0;
	[bflag:$0x2] =	sbarrier.arrive $0xFFFF  }
0x5b: {  	[sflag:s0] =	ssyncadd.tile.s32 @!p0 $0x1;
	_ =	shalt  }
.Lfunc_end2:
_tile_overlayer_lowered:
.L_overlay_start_2:
0x5c: {  	(tag) =	ssettag $0x2  }
0x5d: {  	s0 =	rddreg [dreg:$0x0];
	s2 =	stileid.u32  }
0x5e: {  	s1 =	rddreg [dreg:$0x1];
	p0 =	sne.s32 s2, $0x0  }
0x5f: {  	s3 =	rddreg [dreg:$0x2];
	[bflag:$0x3] =	sbarrier.arrive $0xFFFF;
	s2 =	simm.s32 @!p0 $0x1C01  }
0x60: {  	[timem:s3], [sflag:s2] =	dma.local @!p0 [hbm:s0], s1  }
0x61: {  	s0 =	simm.s32 @!p0 $0x1  }
0x62: {  	_ =	swait.ge @!p0 [sflag:s0], s1  }
0x63: {  	s1 =	ssub.s32 @!p0 $0x0, s1;
	[sflag:s0] =	ssyncset.done @!p0 $0x0  }
0x64: {  	[sflag:s0] =	ssyncadd.s32 @!p0 s1  }
0x65: {  	[bflag:$0x3] =	sbarrier.arrive $0xFFFF  }
0x66: {  	_ =	shalt  }

// kernel: kernel.13.cloned.1.call-start
scs
__scs_entry_jumppad:
0x0: {  	(pc) =	sbr.rel $0x88, $3  }
0x1: {  	(tag) =	ssettag $0x0;
	lr =	simm.s32 $0x1  }
0x2: {  	[smem:$0x3F99] =	sst lr;
	_ =	strace $0xD0000000  }
0x3: {  	_ = 	snop  }
0x4: {  	_ = 	snop  }
0x5: {  	_ = 	snop  }
0x6: {  	_ = 	snop  }
0x7: {  	_ = 	snop  }
__scs_overlays_trampoline_lowered:
0x8: {  	[smem:$0x3FA8] =	sst s0  }
0x9: {  	[smem:$0x3FA9] =	sst s1  }
0xa: {  	[smem:$0x3FAA] =	sst s2  }
0xb: {  	[smem:$0x3FAB] =	sst s3  }
0xc: {  	[smem:$0x3FAC] =	sst s4  }
0xd: {  	[smem:$0x3FAD] =	sst s5  }
0xe: {  	[smem:$0x3FAE] =	sst s6  }
0xf: {  	[smem:$0x3FAF] =	sst s7  }
0x10: {  	[smem:$0x3FB0] =	sst s8  }
0x11: {  	[smem:$0x3FB1] =	sst s9;
	s0 =	simm.s32 @!p0 $0x0  }
0x12: {  	s1 =	sld [smem:$0x3F97];
	s0 =	simm.s32 @p0 $0x1  }
0x13: {  	[smem:$0x3FB2] =	sst s0;
	s0 =	simm.s32 @!p1 $0x0  }
0x14: {  	s2 =	sld [smem:$0x3F96];
	s0 =	simm.s32 @p1 $0x1  }
0x15: {  	[smem:$0x3FB3] =	sst s0;
	s0 =	simm.s32 @!p2 $0x0  }
0x16: {  	s3 =	sld [smem:$0x3FDB];
	s0 =	simm.s32 @p2 $0x1  }
0x17: {  	s4 =	simm.s32 $0x1BF5;
	[smem:$0x3FB5] =	sst s0  }
0x18: {  	s0 =	sld [smem:$0x3F98];
	_ =	swait.ge [sflag:s4], $0x0  }
0x19: {  	s7 =	sld [smem:$0x3F99]  }
0x1a: {  	s8 =	sadd.s32 $0xFFFFE003, lr  }
0x1b: {  	s9 =	sadd.s32 $0xFFFFFEF7, lr;
	s5 =	simm.s32 $0xFFFFFFFF;
	p2 =	slt.u32 s8, $0xFFFFF086  }
0x1c: {  	p1 =	slt.u32 s9, $0xF7A;
	s5 =	simm.s32 @!p2 $0x0  }
0x1d: {  	s5 =	simm.s32 @p1 $0x1;
	p0 =	seq.s32 s7, s2  }
0x1e: {  	s7 =	smul.u32 @!p0 $0xF7A, s2;
	p2 =	seq.s32 @!p0 s5, $0x0  }
0x1f: {  	s9 =	smul.u32 $0xF7A, s1;
	s8 =	simm.s32 @!p0 $0x1BF5;
	p2 =	por !p2, p0  }
0x20: {  	[sflag:s8] =	ssyncset.s32 @!p0 $0xFFFFF086;
	s6 =	sadd.s32 @!p0 s3, s7;
	s7 =	simm.s32 @!p0 $0x108  }
0x21: {  	s3 =	sadd.s32 s3, s9;
	s6 =	sadd.s32 @!p0 $0x88, s6;
	s7 =	simm.s32 @p2 $0x1082  }
0x22: {  	[simem:s7], [sflag:s8] =	dma.local @!p0 [hbm:s6], $0xF7A  }
0x23: {  	s9 =	sor.u32 $0xD0000000, s2;
	s6 =	simm.s32 $0x108;
	_ =	swait.ge @!p0 [sflag:s8], $0x0  }
0x24: {  	s3 =	sadd.s32 $0x88, s3;
	s6 =	simm.s32 @!p1 $0x1082;
	[sflag:s4] =	ssyncset.s32 $0xFFFFF086  }
0x25: {  	[simem:s6], [sflag:s4] =	dma.local [hbm:s3], $0xF7A  }
0x26: {  	[smem:$0x3F99] =	sst s1;
	(tag) =	ssettag s2;
	_ =	strace s9  }
0x27: {  	s1 =	sld [smem:$0x3FA9]  }
0x28: {  	s2 =	sld [smem:$0x3FAA]  }
0x29: {  	s4 =	sld [smem:$0x3FAC]  }
0x2a: {  	p0 =	seq.s32 s5, $0x0;
	s5 =	sld [smem:$0x3FAD]  }
0x2b: {  	s6 =	sld [smem:$0x3FAE]  }
0x2c: {  	s7 =	sld [smem:$0x3FAF]  }
0x2d: {  	s3 =	simm.s32 $0x108;
	s8 =	sld [smem:$0x3FB0]  }
0x2e: {  	s3 =	simm.s32 @!p0 $0x1082;
	s9 =	sld [smem:$0x3FB1]  }
0x2f: {  	lr =	sadd.s32 s0, s3;
	s0 =	sld [smem:$0x3FA8]  }
0x30: {  	s3 =	sld [smem:$0x3FAB]  }
0x31: {  	[smem:$0x3FB4] =	sst s10  }
0x32: {  	s10 =	sld [smem:$0x3FB2];
	_ =	sdelay $0x3  }
0x33: {  	p0 =	seq.s32 s10, $0x1;
	s10 =	sld [smem:$0x3FB4];
	_ =	sdelay $0x3  }
0x34: {  	[smem:$0x3FB4] =	sst s10  }
0x35: {  	s10 =	sld [smem:$0x3FB3];
	_ =	sdelay $0x3  }
0x36: {  	p1 =	seq.s32 s10, $0x1;
	s10 =	sld [smem:$0x3FB4];
	_ =	sdelay $0x3  }
0x37: {  	[smem:$0x3FB4] =	sst s10  }
0x38: {  	s10 =	sld [smem:$0x3FB5]  }
0x39: {  	_ = 	snop;
	(pc) =	sbr.ind lr, $3  }
0x3a: {  	_ = 	snop  }
0x3b: {  	_ = 	snop  }
0x3c: {  	p2 =	seq.s32 s10, $0x1;
	s10 =	sld [smem:$0x3FB4]  }
0x3d: {  	_ =	shalt  }
0x3e: {  	_ =	shalt  }
0x3f: {  	_ =	shalt  }
0x40: {  	_ =	shalt  }
0x41: {  	_ =	shalt  }
0x42: {  	_ =	shalt  }
0x43: {  	_ =	shalt  }
0x44: {  	_ =	shalt  }
0x45: {  	_ =	shalt  }
0x46: {  	_ =	shalt  }
0x47: {  	_ =	shalt  }
0x48: {  	_ =	shalt  }
0x49: {  	_ =	shalt  }
0x4a: {  	_ =	shalt  }
0x4b: {  	_ =	shalt  }
0x4c: {  	_ =	shalt  }
0x4d: {  	_ =	shalt  }
0x4e: {  	_ =	shalt  }
0x4f: {  	_ =	shalt  }
0x50: {  	_ =	shalt  }
0x51: {  	_ =	shalt  }
0x52: {  	_ =	shalt  }
0x53: {  	_ =	shalt  }
0x54: {  	_ =	shalt  }
0x55: {  	_ =	shalt  }
0x56: {  	_ =	shalt  }
0x57: {  	_ =	shalt  }
0x58: {  	_ =	shalt  }
0x59: {  	_ =	shalt  }
0x5a: {  	_ =	shalt  }
0x5b: {  	_ =	shalt  }
0x5c: {  	_ =	shalt  }
0x5d: {  	_ =	shalt  }
0x5e: {  	_ =	shalt  }
0x5f: {  	_ =	shalt  }
0x60: {  	_ =	shalt  }
0x61: {  	_ =	shalt  }
0x62: {  	_ =	shalt  }
0x63: {  	_ =	shalt  }
0x64: {  	_ =	shalt  }
0x65: {  	_ =	shalt  }
0x66: {  	_ =	shalt  }
0x67: {  	_ =	shalt  }
0x68: {  	_ =	shalt  }
0x69: {  	_ =	shalt  }
0x6a: {  	_ =	shalt  }
0x6b: {  	_ =	shalt  }
0x6c: {  	_ =	shalt  }
0x6d: {  	_ =	shalt  }
0x6e: {  	_ =	shalt  }
0x6f: {  	_ =	shalt  }
0x70: {  	_ =	shalt  }
0x71: {  	_ =	shalt  }
0x72: {  	_ =	shalt  }
0x73: {  	_ =	shalt  }
0x74: {  	_ =	shalt  }
0x75: {  	_ =	shalt  }
0x76: {  	_ =	shalt  }
0x77: {  	_ =	shalt  }
0x78: {  	_ =	shalt  }
0x79: {  	_ =	shalt  }
0x7a: {  	_ =	shalt  }
0x7b: {  	_ =	shalt  }
0x7c: {  	_ =	shalt  }
0x7d: {  	_ =	shalt  }
0x7e: {  	_ =	shalt  }
0x7f: {  	_ =	shalt  }
0x80: {  	_ =	shalt  }
0x81: {  	_ =	shalt  }
0x82: {  	_ =	shalt  }
0x83: {  	_ =	shalt  }
0x84: {  	_ =	shalt  }
0x85: {  	_ =	shalt  }
0x86: {  	_ =	shalt  }
0x87: {  	_ =	shalt  }
.Lfunc_end0:
.L_simem_size_0:
called_computation.1_lowered:
.L_overlay_start_0:
0x88: {  	s2 =	sld [smem:$0x3FD9]  }
0x89: {  	s3 =	sld [smem:$0x3FFE];
	_ =	sdelay $0x1  }
0x8a: {  	s1 =	srdreg.scid  }
0x8b: {  	s0 =	sand.u32 $0x1, s1  }
0x8c: {  	s17 =	sshll.u32 s0, $0xA;
	s2 =	sadd.s32 s3, s2  }
0x8d: {  	s2 =	sadd.s32 s2, s17  }
0x8e: {  	[smem:$0x3FC0] =	sst s2  }
0x8f: {  	_ = 	snop  }
0x90: {  	s2 =	sld [smem:$0x3FD0];
	(tm) =	ssettm $0x1  }
0x91: {  	s18 =	sld [smem:$0x3FFB];
	_ =	sdelay $0x3  }
0x92: {  	_ =	strace s18  }
0x93: {  	s3 =	sld [smem:$0x3FFC];
	_ =	sdelay $0x3  }
0x94: {  	_ =	strace s3  }
0x95: {  	s3 =	sld [smem:$0x3FFD];
	_ =	sdelay $0x3  }
0x96: {  	_ =	strace s3  }
0x97: {  	_ =	strace $0x8FFFFFFF  }
0x98: {  	s19 =	sld [smem:$0x3FDB];
	_ =	sdelay $0x1  }
0x99: {  	s4 =	simm.s32 $_scs_section_size  }
0x9a: {  	s5 =	simm.s32 $_size__tile_overlayer_lowered;
	s6 =	simm.s32 $_tile_overlayer_lowered  }
0x9b: {  	s22 =	simm.s32 $0x1BFF;
	s21 =	sshll.u32 s6, $0x1;
	s3 =	sadd.s32 s4, s19  }
0x9c: {  	s7 =	simm.s32 $0x0;
	s20 =	sshll.u32 s5, $0x1;
	s5 =	sadd.s32 s21, s3  }
0x9d: {  	[timem:s7], [sflag:s22] =	dma.local [hbm:s5], s20  }
0x9e: {  	_ =	swait.ge [sflag:s22], s20  }
0x9f: {  	s4 =	ssub.s32 $0x0, s20;
	[sflag:s22] =	ssyncset.done $0x0  }
0xa0: {  	[sflag:s22] =	ssyncadd.s32 s4;
	_ =	sdelay $0x1  }
0xa1: {  	s23 =	simm.s32 $0x1B8B  }
0xa2: {  	_ =	swait.ge [sflag:s23], $0x1  }
0xa3: {  	[sflag:s23] =	ssyncset.done $0x0  }
0xa4: {  	s25 =	simm.s32 $0x1B8E;
	s24 =	sld [smem:$0x3FFE];
	[sflag:s23] =	ssyncadd.s32 $0xFFFFFFFF  }
0xa5: {  	s26 =	simm.s32 $execute0_lowered;
	[smem:$0x3FD2] =	sst s25  }
0xa6: {  	s5 =	sshll.u32 s26, $0x1;
	_ =	strace $0x80000049;
	[dreg:$0x1] =	wrdreg $0xFFFFFFFF  }
0xa7: {  	s28 =	simm.s32 $_size_execute0_lowered;
	s3 =	sadd.s32 s3, s5;
	[dreg:$0x0] =	wrdreg $0x0  }
0xa8: {  	s5 =	sshll.u32 s28, $0x1;
	[dreg:$0x2] =	wrdreg s3  }
0xa9: {  	[dreg:$0x3] =	wrdreg s5  }
0xaa: {  	[dreg:$0x4] =	wrdreg $0xC0  }
0xab: {  	_ =	task [dreg:s7], $0x5FFFF  }
0xac: {  	[dreg:$0x1] =	wrdreg $0xFFFFFFFF  }
0xad: {  	[dreg:$0x0] =	wrdreg $0x60  }
0xae: {  	[dreg:$0x2] =	wrdreg s2  }
0xaf: {  	[dreg:$0x3] =	wrdreg s24  }
0xb0: {  	[dreg:$0x4] =	wrdreg $0x110000  }
0xb1: {  	[dreg:$0x5] =	wrdreg $0x9  }
0xb2: {  	_ =	task.clear_ibuf [dreg:s7], $0x6FFFF;
	_ =	strace $0x90000049  }
0xb3: {  	s29 =	simm.s32 $0x9;
	_ =	strace $0x8000004B  }
0xb4: {  	_ =	swait.ge [sflag:s29], $0x1  }
0xb5: {  	[sflag:s29] =	ssyncadd.s32 $0xFFFFFFFF  }
0xb6: {  	_ =	strace $0x9000004B  }
0xb7: {  	_ =	sfence  }
0xb8: {  	s30 =	sld [smem:$0x0];
	_ =	sdelay $0x2  }
0xb9: {  	s31 =	sshll.u32 s1, $0xD;
	s1 =	sshrl.u32 s1, $0x2  }
0xba: {  	s3 =	sand.u32 $0x4000, s31;
	s1 =	sadd.s32 s1, s30  }
0xbb: {  	s0 =	sor.u32 s3, s0;
	s1 =	sshll.u32 s1, $0x11  }
0xbc: {  	s0 =	sor.u32 s1, s0  }
0xbd: {  	s0 =	sadd.s32 $0x8F2B, s0  }
0xbe: {  	[sflag:s0] =	ssyncadd.remote.s32 $0x1  }
0xbf: {  	_ =	sfence.sel $0xFFFF  }
0xc0: {  	[dreg:$0x0] =	wrdreg $0xFFFFFFFF;
	(pc) =	sbr.abs _section_cstart, $3  }
0xc1: {  	[dreg:$0x1] =	wrdreg $0xFFFFFFFF  }
0xc2: {  	_ =	task.clear_ibuf [dreg:s7], $0x2FFFF;
	_ =	strace $0x9FFFFFFF  }
0xc3: {  	(tm) =	ssettm $0x7FFFFFFF  }
tec
execute0_lowered:
.L_overlay_start_1:
0x0: {  	(tag) =	ssettag $0x1  }
0x1: {  	s1 =	rddreg [dreg:$0x0]  }
0x2: {  	s0 =	rddreg [dreg:$0x1];
	s3 =	srdreg.scid  }
0x3: {  	s2 =	rddreg [dreg:$0x2];
	s6 =	simm.s32 $0x0;
	s8 =	stileid.u32  }
0x4: {  	s15 =	simm.s32 $0x6;
	s18 =	simm.s32 $0xF000;
	s19 =	simm.s32 $0x80  }
0x5: {  	s28 =	simm.s32 $0xD000;
	s29 =	simm.s32 $0x1;
	s11 =	smul.u32 $0x500, s8  }
0x6: {  	s30 =	simm.s32 $0x2;
	s31 =	simm.s32 $0x3;
	s7 =	smul.u32 $0x28000, s8  }
0x7: {  	s17 =	simm.s32 $0x5;
	s3 =	sand.u32 $0x1, s3;
	s12 =	smul.u32 $0xA000, s8  }
0x8: {  	s14 =	simm.s32 $0x0;
	[smem:$0x7FF] =	sst s6;
	s4 =	smul.u32 $0x5000, s3  }
0x9: {  	s13 =	sadd.s32 $0x13880, s1;
	s5 =	smul.u32 $0x28000, s3;
	s3 =	ssub.s32 $0x2, s3  }
0xa: {  	_ =	strace $0x8000004A;
	s20 =	sshrl.u32 s3, $0x1;
	s22 =	sshrl.u32 s7, $0x2  }
0xb: {  	s6 =	sadd.s32 s12, s2;
	s24 =	sshrl.u32 s12, $0x3;
	s12 =	simm.s32 $0x4F80  }
0xc: {  	s4 =	sadd.s32 s4, s0;
	s0 =	sadd.s32 s5, s0;
	s3 =	ssub.s32 s3, s20  }
0xd: {  	s23 =	sadd.s32 s22, s2;
	[dreg:$0x6] =	wrdreg s24;
	s20 =	simm.s32 $0x5000  }
0xe: {  	s21 =	sadd.s32 s11, s4;
	s4 =	sadd.s32 $0x3E00, s4;
	s7 =	sadd.s32 $0x2000, s23  }
0xf: {  	s8 =	sadd.s32 $0x4000, s23;
	s9 =	sadd.s32 $0x6000, s23;
	s0 =	sadd.s32 $0x17E00, s0  }
0x10: {  	s10 =	sadd.s32 $0x8000, s23;
	s25 =	smax.u32 s3, $0x1;
	[dreg:$0x5] =	wrdreg s0  }
0x11: {  	s23 =	simm.s32 $0x9000;
	s5 =	sadd.s32 $0xDE00, s21;
	[dreg:$0x7] =	wrdreg s25  }
0x12: {  	s26 =	sadd.s32 s11, s4;
	s21 =	simm.s32 $0x7000;
	s25 =	simm.s32 $0xB000  }
0x13: {  	s0 =	simm.s32 $0x4;
	s11 =	simm.s32 $0x4F00;
	[dreg:$0x4] =	wrdreg s5  }
0x14: {  	v0 =	vimm.f32 $0.0e+00;
	[dreg:$0x8] =	wrdreg s26;
	s26 =	simm.s32 $0x100;
	s5 =	simm.s32 $0x4E80  }
.LBB2_1:
0x15: {  	s3 =	simm.s32 $0x0;
	s4 =	rddreg [dreg:$0x4]  }
0x16: {  	[tilespmem:s3], [sflag:$0x6] =	stream.linear.gather [hbm4b:s4+s3], $0x2800, $0x38;
	[tilespmem:$0x1B000] =	vst v63  }
0x17: {  	_ =	swait.ge [sflag:s15], $0x2800  }
0x18: {  	[sflag:s15] =	ssyncset.done $0x0  }
0x19: {  	s16 =	simm.s32 $0x2800;
	s24 =	rddreg [dreg:$0x8];
	[sflag:s15] =	ssyncadd.s32 $0xFFFFD800  }
0x1a: {  	[tilespmem:s16], [sflag:$0x6] =	stream.linear.gather [hbm4b:s24+s3], $0x2800, $0x38;
	[tilespmem:$0x1B000] =	vst v63  }
0x1b: {  	_ =	swait.ge [sflag:s15], $0x2800  }
0x1c: {  	[sflag:s15] =	ssyncset.done $0x0  }
0x1d: {  	s16 =	simm.s32 $0x100;
	s3 =	simm.s32 $0x0;
	[sflag:s15] =	ssyncadd.s32 $0xFFFFD800  }
.LBB2_2:
0x1e: {  	p0 =	sne.s32 s16, $0x7F00;
	[tilespmem:s3+$0xF030] =	vst v0;
	s22 =	smov.u32 s16;
	s16 =	sadd.s32 $0x100, s16  }
.Ltmp0:
0x1f: {  	[tilespmem:s3+$0xF020] =	vst v0;
	(pc) =	sbr.rel @p0 .LBB2_2-.Ltmp0, $3  }
0x20: {  	[tilespmem:s3+$0xF000] =	vst v0  }
0x21: {  	[tilespmem:s3+$0xF010] =	vst v0;
	_ =	sdelay $0x1  }
0x22: {  	s3 =	sshra.s32 s22, $0x2  }
0x23: {  	[tilespmem:s3+$0xF030] =	vst v0  }
0x24: {  	[tilespmem:s3+$0xF020] =	vst v0  }
0x25: {  	[tilespmem:s3+$0xF000] =	vst v0  }
0x26: {  	[tilespmem:s3+$0xF010] =	vst v0  }
0x27: {  	[spmem:s6] =	stream.linear.scatter [tilespmem:s18], [sflag:$0x6], $0x2000, $0x38;
	[tilespmem:$0x1B000] =	vst v63  }
0x28: {  	_ =	swait.ge [sflag:s15], $0x2000  }
0x29: {  	[sflag:s15] =	ssyncset.done $0x0  }
0x2a: {  	[sflag:s15] =	ssyncadd.s32 $0xFFFFE000  }
0x2b: {  	[spmem:s7] =	stream.linear.scatter [tilespmem:s18], [sflag:$0x6], $0x2000, $0x38;
	[tilespmem:$0x1B000] =	vst v63  }
0x2c: {  	_ =	swait.ge [sflag:s15], $0x2000  }
0x2d: {  	[sflag:s15] =	ssyncset.done $0x0  }
0x2e: {  	[sflag:s15] =	ssyncadd.s32 $0xFFFFE000  }
0x2f: {  	[spmem:s8] =	stream.linear.scatter [tilespmem:s18], [sflag:$0x6], $0x2000, $0x38;
	[tilespmem:$0x1B000] =	vst v63  }
0x30: {  	_ =	swait.ge [sflag:s15], $0x2000  }
0x31: {  	[sflag:s15] =	ssyncset.done $0x0  }
0x32: {  	[sflag:s15] =	ssyncadd.s32 $0xFFFFE000  }
0x33: {  	[spmem:s9] =	stream.linear.scatter [tilespmem:s18], [sflag:$0x6], $0x2000, $0x38;
	[tilespmem:$0x1B000] =	vst v63  }
0x34: {  	_ =	swait.ge [sflag:s15], $0x2000  }
0x35: {  	[sflag:s15] =	ssyncset.done $0x0  }
0x36: {  	[sflag:s15] =	ssyncadd.s32 $0xFFFFE000  }
0x37: {  	[spmem:s10] =	stream.linear.scatter [tilespmem:s18], [sflag:$0x6], $0x2000, $0x38;
	[tilespmem:$0x1B000] =	vst v63  }
0x38: {  	_ =	swait.ge [sflag:s15], $0x2000  }
0x39: {  	[sflag:s15] =	ssyncset.done $0x0  }
0x3a: {  	[sflag:s15] =	ssyncadd.s32 $0xFFFFE000  }
0x3b: {  	s4 =	simm.s32 $0x0;
	[bflag:$0x0] =	sbarrier.arrive $0xFFFF  }
0x3c: {  	[tilespmem:s20], [sflag:$0x1] =	stream.indirect.gather [hbm4b:s1+s19], $0x40, s4, s19, $0xb8;
	[tilespmem:$0x1B000] =	vst v63  }
0x3d: {  	_ = 	snop  }
0x3e: {  	[tilespmem:s21], [sflag:$0x2] =	stream.indirect.gather [hbm4b:s1+s19], $0x40, s19, s19, $0xb8;
	[tilespmem:$0x1B000] =	vst v63  }
0x3f: {  	_ = 	snop  }
0x40: {  	[tilespmem:s23], [sflag:$0x3] =	stream.indirect.gather [hbm4b:s1+s19], $0x40, s26, s19, $0xb8;
	[tilespmem:$0x1B000] =	vst v63  }
0x41: {  	s16 =	simm.s32 $0x180  }
0x42: {  	[tilespmem:s25], [sflag:$0x4] =	stream.indirect.gather [hbm4b:s1+s19], $0x40, s16, s19, $0xb8;
	[tilespmem:$0x1B000] =	vst v63  }
0x43: {  	s22 =	simm.s32 $0x200  }
0x44: {  	[tilespmem:s28], [sflag:$0x5] =	stream.indirect.gather [hbm4b:s1+s19], $0x40, s22, s19, $0xb8;
	[tilespmem:$0x1B000] =	vst v63  }
0x45: {  	_ =	swait.ge [sflag:s29], $0x2000  }
0x46: {  	[sflag:s29] =	ssyncset.done $0x0  }
0x47: {  	s24 =	simm.s32 $0x2800;
	[sflag:s29] =	ssyncadd.s32 $0xFFFFE000  }
0x48: {  	[spmem:s2] =	stream.indirect.scatter.add.f32 [tilespmem:s20], [sflag:$0x6], $0x40, s24, s19, $0xb8;
	[tilespmem:$0x1B000] =	vst v63  }
0x49: {  	_ =	swait.ge [sflag:s15], $0x2000  }
0x4a: {  	[sflag:s15] =	ssyncset.done $0x0  }
0x4b: {  	s4 =	simm.s32 $0x280;
	[sflag:s15] =	ssyncadd.s32 $0xFFFFE000  }
0x4c: {  	[tilespmem:s20], [sflag:$0x1] =	stream.indirect.gather [hbm4b:s1+s19], $0x40, s4, s19, $0xb8;
	[tilespmem:$0x1B000] =	vst v63  }
0x4d: {  	_ =	swait.ge [sflag:s30], $0x2000  }
0x4e: {  	[sflag:s30] =	ssyncset.done $0x0  }
0x4f: {  	s16 =	simm.s32 $0x2880;
	[sflag:s30] =	ssyncadd.s32 $0xFFFFE000  }
0x50: {  	[spmem:s2] =	stream.indirect.scatter.add.f32 [tilespmem:s21], [sflag:$0x6], $0x40, s16, s19, $0xb8;
	[tilespmem:$0x1B000] =	vst v63  }
0x51: {  	_ =	swait.ge [sflag:s15], $0x2000  }
0x52: {  	[sflag:s15] =	ssyncset.done $0x0  }
0x53: {  	s22 =	simm.s32 $0x300;
	[sflag:s15] =	ssyncadd.s32 $0xFFFFE000  }
0x54: {  	[tilespmem:s21], [sflag:$0x2] =	stream.indirect.gather [hbm4b:s1+s19], $0x40, s22, s19, $0xb8;
	[tilespmem:$0x1B000] =	vst v63  }
0x55: {  	_ =	swait.ge [sflag:s31], $0x2000  }
0x56: {  	[sflag:s31] =	ssyncset.done $0x0  }
0x57: {  	s24 =	simm.s32 $0x2900;
	[sflag:s31] =	ssyncadd.s32 $0xFFFFE000  }
0x58: {  	[spmem:s2] =	stream.indirect.scatter.add.f32 [tilespmem:s23], [sflag:$0x6], $0x40, s24, s19, $0xb8;
	[tilespmem:$0x1B000] =	vst v63  }
0x59: {  	_ =	swait.ge [sflag:s15], $0x2000  }
0x5a: {  	[sflag:s15] =	ssyncset.done $0x0  }
0x5b: {  	s4 =	simm.s32 $0x380;
	[sflag:s15] =	ssyncadd.s32 $0xFFFFE000  }
0x5c: {  	[tilespmem:s23], [sflag:$0x3] =	stream.indirect.gather [hbm4b:s1+s19], $0x40, s4, s19, $0xb8;
	[tilespmem:$0x1B000] =	vst v63  }
0x5d: {  	_ =	swait.ge [sflag:s0], $0x2000  }
0x5e: {  	[sflag:s0] =	ssyncset.done $0x0  }
0x5f: {  	s16 =	simm.s32 $0x2980;
	[sflag:s0] =	ssyncadd.s32 $0xFFFFE000  }
0x60: {  	[spmem:s2] =	stream.indirect.scatter.add.f32 [tilespmem:s25], [sflag:$0x6], $0x40, s16, s19, $0xb8;
	[tilespmem:$0x1B000] =	vst v63  }
0x61: {  	_ =	swait.ge [sflag:s15], $0x2000  }
0x62: {  	[sflag:s15] =	ssyncset.done $0x0  }
0x63: {  	s22 =	simm.s32 $0x400;
	[sflag:s15] =	ssyncadd.s32 $0xFFFFE000  }
0x64: {  	[tilespmem:s25], [sflag:$0x4] =	stream.indirect.gather [hbm4b:s1+s19], $0x40, s22, s19, $0xb8;
	[tilespmem:$0x1B000] =	vst v63  }
0x65: {  	_ =	swait.ge [sflag:s17], $0x2000  }
0x66: {  	[sflag:s17] =	ssyncset.done $0x0  }
0x67: {  	s24 =	simm.s32 $0x2A00;
	[sflag:s17] =	ssyncadd.s32 $0xFFFFE000  }
0x68: {  	[spmem:s2] =	stream.indirect.scatter.add.f32 [tilespmem:s28], [sflag:$0x6], $0x40, s24, s19, $0xb8;
	[tilespmem:$0x1B000] =	vst v63  }
0x69: {  	_ =	swait.ge [sflag:s15], $0x2000  }
0x6a: {  	[sflag:s15] =	ssyncset.done $0x0  }
0x6b: {  	s3 =	simm.s32 $0x480;
	s16 =	simm.s32 $0xA00;
	[sflag:s15] =	ssyncadd.s32 $0xFFFFE000  }
.LBB2_4:
0x6c: {  	[tilespmem:s28], [sflag:$0x5] =	stream.indirect.gather [hbm4b:s1+s19], $0x40, s3, s19, $0xb8;
	[tilespmem:$0x1B000] =	vst v63  }
0x6d: {  	s3 =	smov.u32 s16  }
0x6e: {  	p0 =	sne.s32 s16, $0x8C00;
	s16 =	sadd.s32 $0xA00, s16;
	_ =	swait.ge [sflag:s29], $0x2000  }
0x6f: {  	s22 =	sshra.s32 s3, $0x2;
	[sflag:s29] =	ssyncset.done $0x0  }
0x70: {  	s3 =	sadd.s32 $0x2800, s22;
	[sflag:s29] =	ssyncadd.s32 $0xFFFFE000  }
0x71: {  	[spmem:s2] =	stream.indirect.scatter.add.f32 [tilespmem:s20], [sflag:$0x6], $0x40, s3, s19, $0xb8;
	[tilespmem:$0x1B000] =	vst v63  }
0x72: {  	_ =	swait.ge [sflag:s15], $0x2000  }
0x73: {  	[sflag:s15] =	ssyncset.done $0x0  }
0x74: {  	s3 =	sadd.s32 $0x280, s22;
	[sflag:s15] =	ssyncadd.s32 $0xFFFFE000  }
0x75: {  	[tilespmem:s20], [sflag:$0x1] =	stream.indirect.gather [hbm4b:s1+s19], $0x40, s3, s19, $0xb8;
	[tilespmem:$0x1B000] =	vst v63  }
0x76: {  	_ =	swait.ge [sflag:s30], $0x2000  }
0x77: {  	[sflag:s30] =	ssyncset.done $0x0  }
0x78: {  	s3 =	sadd.s32 $0x2880, s22;
	[sflag:s30] =	ssyncadd.s32 $0xFFFFE000  }
0x79: {  	[spmem:s2] =	stream.indirect.scatter.add.f32 [tilespmem:s21], [sflag:$0x6], $0x40, s3, s19, $0xb8;
	[tilespmem:$0x1B000] =	vst v63  }
0x7a: {  	_ =	swait.ge [sflag:s15], $0x2000  }
0x7b: {  	[sflag:s15] =	ssyncset.done $0x0  }
0x7c: {  	s3 =	sadd.s32 $0x300, s22;
	[sflag:s15] =	ssyncadd.s32 $0xFFFFE000  }
0x7d: {  	[tilespmem:s21], [sflag:$0x2] =	stream.indirect.gather [hbm4b:s1+s19], $0x40, s3, s19, $0xb8;
	[tilespmem:$0x1B000] =	vst v63  }
0x7e: {  	_ =	swait.ge [sflag:s31], $0x2000  }
0x7f: {  	[sflag:s31] =	ssyncset.done $0x0  }
0x80: {  	s3 =	sadd.s32 $0x2900, s22;
	[sflag:s31] =	ssyncadd.s32 $0xFFFFE000  }
0x81: {  	[spmem:s2] =	stream.indirect.scatter.add.f32 [tilespmem:s23], [sflag:$0x6], $0x40, s3, s19, $0xb8;
	[tilespmem:$0x1B000] =	vst v63  }
0x82: {  	_ =	swait.ge [sflag:s15], $0x2000  }
0x83: {  	[sflag:s15] =	ssyncset.done $0x0  }
0x84: {  	s3 =	sadd.s32 $0x380, s22;
	[sflag:s15] =	ssyncadd.s32 $0xFFFFE000  }
0x85: {  	[tilespmem:s23], [sflag:$0x3] =	stream.indirect.gather [hbm4b:s1+s19], $0x40, s3, s19, $0xb8;
	[tilespmem:$0x1B000] =	vst v63  }
0x86: {  	_ =	swait.ge [sflag:s0], $0x2000  }
0x87: {  	[sflag:s0] =	ssyncset.done $0x0  }
0x88: {  	s3 =	sadd.s32 $0x2980, s22;
	[sflag:s0] =	ssyncadd.s32 $0xFFFFE000  }
0x89: {  	[spmem:s2] =	stream.indirect.scatter.add.f32 [tilespmem:s25], [sflag:$0x6], $0x40, s3, s19, $0xb8;
	[tilespmem:$0x1B000] =	vst v63  }
0x8a: {  	_ =	swait.ge [sflag:s15], $0x2000  }
0x8b: {  	[sflag:s15] =	ssyncset.done $0x0  }
0x8c: {  	s3 =	sadd.s32 $0x400, s22;
	[sflag:s15] =	ssyncadd.s32 $0xFFFFE000  }
0x8d: {  	[tilespmem:s25], [sflag:$0x4] =	stream.indirect.gather [hbm4b:s1+s19], $0x40, s3, s19, $0xb8;
	[tilespmem:$0x1B000] =	vst v63  }
0x8e: {  	_ =	swait.ge [sflag:s17], $0x2000  }
0x8f: {  	[sflag:s17] =	ssyncset.done $0x0  }
.Ltmp1:
0x90: {  	s3 =	sadd.s32 $0x2A00, s22;
	[sflag:s17] =	ssyncadd.s32 $0xFFFFE000;
	(pc) =	sbr.rel @p0 .LBB2_4-.Ltmp1, $4  }
0x91: {  	[spmem:s2] =	stream.indirect.scatter.add.f32 [tilespmem:s28], [sflag:$0x6], $0x40, s3, s19, $0xb8;
	[tilespmem:$0x1B000] =	vst v63  }
0x92: {  	_ =	swait.ge [sflag:s15], $0x2000  }
0x93: {  	[sflag:s15] =	ssyncset.done $0x0  }
0x94: {  	s3 =	sadd.s32 $0x480, s22;
	[sflag:s15] =	ssyncadd.s32 $0xFFFFE000  }
0x95: {  	[tilespmem:s28], [sflag:$0x5] =	stream.indirect.gather [hbm4b:s1+s19], $0x40, s3, s19, $0xb8;
	[tilespmem:$0x1B000] =	vst v63  }
0x96: {  	_ =	swait.ge [sflag:s29], $0x2000  }
0x97: {  	[sflag:s29] =	ssyncset.done $0x0  }
0x98: {  	s16 =	simm.s32 $0x4D80;
	[sflag:s29] =	ssyncadd.s32 $0xFFFFE000  }
0x99: {  	[spmem:s2] =	stream.indirect.scatter.add.f32 [tilespmem:s20], [sflag:$0x6], $0x40, s16, s19, $0xb8;
	[tilespmem:$0x1B000] =	vst v63  }
0x9a: {  	_ =	swait.ge [sflag:s15], $0x2000  }
0x9b: {  	[sflag:s15] =	ssyncset.done $0x0  }
0x9c: {  	[sflag:s15] =	ssyncadd.s32 $0xFFFFE000  }
0x9d: {  	_ =	swait.ge [sflag:s30], $0x2000  }
0x9e: {  	[sflag:s30] =	ssyncset.done $0x0  }
0x9f: {  	s22 =	simm.s32 $0x4E00;
	[sflag:s30] =	ssyncadd.s32 $0xFFFFE000  }
0xa0: {  	[spmem:s2] =	stream.indirect.scatter.add.f32 [tilespmem:s21], [sflag:$0x6], $0x40, s22, s19, $0xb8;
	[tilespmem:$0x1B000] =	vst v63  }
0xa1: {  	_ =	swait.ge [sflag:s15], $0x2000  }
0xa2: {  	[sflag:s15] =	ssyncset.done $0x0  }
0xa3: {  	[sflag:s15] =	ssyncadd.s32 $0xFFFFE000  }
0xa4: {  	_ =	swait.ge [sflag:s31], $0x2000  }
0xa5: {  	[sflag:s31] =	ssyncset.done $0x0  }
0xa6: {  	[sflag:s31] =	ssyncadd.s32 $0xFFFFE000  }
0xa7: {  	[spmem:s2] =	stream.indirect.scatter.add.f32 [tilespmem:s23], [sflag:$0x6], $0x40, s5, s19, $0xb8;
	[tilespmem:$0x1B000] =	vst v63  }
0xa8: {  	_ =	swait.ge [sflag:s15], $0x2000  }
0xa9: {  	[sflag:s15] =	ssyncset.done $0x0  }
0xaa: {  	[sflag:s15] =	ssyncadd.s32 $0xFFFFE000  }
0xab: {  	_ =	swait.ge [sflag:s0], $0x2000  }
0xac: {  	[sflag:s0] =	ssyncset.done $0x0  }
0xad: {  	[sflag:s0] =	ssyncadd.s32 $0xFFFFE000  }
0xae: {  	[spmem:s2] =	stream.indirect.scatter.add.f32 [tilespmem:s25], [sflag:$0x6], $0x40, s11, s19, $0xb8;
	[tilespmem:$0x1B000] =	vst v63  }
0xaf: {  	_ =	swait.ge [sflag:s15], $0x2000  }
0xb0: {  	[sflag:s15] =	ssyncset.done $0x0  }
0xb1: {  	[sflag:s15] =	ssyncadd.s32 $0xFFFFE000  }
0xb2: {  	_ =	swait.ge [sflag:s17], $0x2000  }
0xb3: {  	[sflag:s17] =	ssyncset.done $0x0  }
0xb4: {  	[sflag:s17] =	ssyncadd.s32 $0xFFFFE000  }
0xb5: {  	[spmem:s2] =	stream.indirect.scatter.add.f32 [tilespmem:s28], [sflag:$0x6], $0x40, s12, s19, $0xb8;
	[tilespmem:$0x1B000] =	vst v63  }
0xb6: {  	_ =	swait.ge [sflag:s15], $0x2000  }
0xb7: {  	[sflag:s15] =	ssyncset.done $0x0  }
0xb8: {  	[sflag:s15] =	ssyncadd.s32 $0xFFFFE000  }
0xb9: {  	[bflag:$0x0] =	sbarrier.arrive $0xFFFF  }
0xba: {  	s24 =	stileid.u32;
	s4 =	rddreg [dreg:$0x5]  }
0xbb: {  	s3 =	sshll.u32 s24, $0x6;
	s16 =	rddreg [dreg:$0x6]  }
0xbc: {  	s24 =	sshrl.u32 s6, $0x3;
	s22 =	sor.u32 $0x1C06, s3;
	s16 =	sadd.s32 s16, s4  }
0xbd: {  	[hbm:s16], [sflag:s22] =	dma.local [spmem:s24], $0x1400  }
0xbe: {  	_ =	swait.ge [sflag:s15], $0x1400  }
0xbf: {  	[sflag:s15] =	ssyncset.done $0x0  }
0xc0: {  	[sflag:s15] =	ssyncadd.s32 $0xFFFFEC00  }
0xc1: {  	[spmem:s6] =	stream.linear.scatter [tilespmem:s18], [sflag:$0x6], $0x2000, $0x38;
	[tilespmem:$0x1B000] =	vst v63  }
0xc2: {  	_ =	swait.ge [sflag:s15], $0x2000  }
0xc3: {  	[sflag:s15] =	ssyncset.done $0x0  }
0xc4: {  	[sflag:s15] =	ssyncadd.s32 $0xFFFFE000  }
0xc5: {  	[spmem:s7] =	stream.linear.scatter [tilespmem:s18], [sflag:$0x6], $0x2000, $0x38;
	[tilespmem:$0x1B000] =	vst v63  }
0xc6: {  	_ =	swait.ge [sflag:s15], $0x2000  }
0xc7: {  	[sflag:s15] =	ssyncset.done $0x0  }
0xc8: {  	[sflag:s15] =	ssyncadd.s32 $0xFFFFE000  }
0xc9: {  	[spmem:s8] =	stream.linear.scatter [tilespmem:s18], [sflag:$0x6], $0x2000, $0x38;
	[tilespmem:$0x1B000] =	vst v63  }
0xca: {  	_ =	swait.ge [sflag:s15], $0x2000  }
0xcb: {  	[sflag:s15] =	ssyncset.done $0x0  }
0xcc: {  	[sflag:s15] =	ssyncadd.s32 $0xFFFFE000  }
0xcd: {  	[spmem:s9] =	stream.linear.scatter [tilespmem:s18], [sflag:$0x6], $0x2000, $0x38;
	[tilespmem:$0x1B000] =	vst v63  }
0xce: {  	_ =	swait.ge [sflag:s15], $0x2000  }
0xcf: {  	[sflag:s15] =	ssyncset.done $0x0  }
0xd0: {  	[sflag:s15] =	ssyncadd.s32 $0xFFFFE000  }
0xd1: {  	[spmem:s10] =	stream.linear.scatter [tilespmem:s18], [sflag:$0x6], $0x2000, $0x38;
	[tilespmem:$0x1B000] =	vst v63  }
0xd2: {  	_ =	swait.ge [sflag:s15], $0x2000  }
0xd3: {  	[sflag:s15] =	ssyncset.done $0x0  }
0xd4: {  	[sflag:s15] =	ssyncadd.s32 $0xFFFFE000  }
0xd5: {  	s4 =	simm.s32 $0x0;
	[bflag:$0x0] =	sbarrier.arrive $0xFFFF  }
0xd6: {  	[tilespmem:s20], [sflag:$0x1] =	stream.indirect.gather [hbm4b:s13+s19], $0x40, s4, s19, $0xb8;
	[tilespmem:$0x1B000] =	vst v63  }
0xd7: {  	_ = 	snop  }
0xd8: {  	[tilespmem:s21], [sflag:$0x2] =	stream.indirect.gather [hbm4b:s13+s19], $0x40, s19, s19, $0xb8;
	[tilespmem:$0x1B000] =	vst v63  }
0xd9: {  	_ = 	snop  }
0xda: {  	[tilespmem:s23], [sflag:$0x3] =	stream.indirect.gather [hbm4b:s13+s19], $0x40, s26, s19, $0xb8;
	[tilespmem:$0x1B000] =	vst v63  }
0xdb: {  	s26 =	simm.s32 $0x180  }
0xdc: {  	[tilespmem:s25], [sflag:$0x4] =	stream.indirect.gather [hbm4b:s13+s19], $0x40, s26, s19, $0xb8;
	[tilespmem:$0x1B000] =	vst v63  }
0xdd: {  	s4 =	simm.s32 $0x200  }
0xde: {  	[tilespmem:s28], [sflag:$0x5] =	stream.indirect.gather [hbm4b:s13+s19], $0x40, s4, s19, $0xb8;
	[tilespmem:$0x1B000] =	vst v63  }
0xdf: {  	_ =	swait.ge [sflag:s29], $0x2000  }
0xe0: {  	[sflag:s29] =	ssyncset.done $0x0  }
0xe1: {  	s26 =	simm.s32 $0x2800;
	[sflag:s29] =	ssyncadd.s32 $0xFFFFE000  }
0xe2: {  	[spmem:s2] =	stream.indirect.scatter.add.f32 [tilespmem:s20], [sflag:$0x6], $0x40, s26, s19, $0xb8;
	[tilespmem:$0x1B000] =	vst v63  }
0xe3: {  	_ =	swait.ge [sflag:s15], $0x2000  }
0xe4: {  	[sflag:s15] =	ssyncset.done $0x0  }
0xe5: {  	s4 =	simm.s32 $0x280;
	[sflag:s15] =	ssyncadd.s32 $0xFFFFE000  }
0xe6: {  	[tilespmem:s20], [sflag:$0x1] =	stream.indirect.gather [hbm4b:s13+s19], $0x40, s4, s19, $0xb8;
	[tilespmem:$0x1B000] =	vst v63  }
0xe7: {  	_ =	swait.ge [sflag:s30], $0x2000  }
0xe8: {  	[sflag:s30] =	ssyncset.done $0x0  }
0xe9: {  	s26 =	simm.s32 $0x2880;
	[sflag:s30] =	ssyncadd.s32 $0xFFFFE000  }
0xea: {  	[spmem:s2] =	stream.indirect.scatter.add.f32 [tilespmem:s21], [sflag:$0x6], $0x40, s26, s19, $0xb8;
	[tilespmem:$0x1B000] =	vst v63  }
0xeb: {  	_ =	swait.ge [sflag:s15], $0x2000  }
0xec: {  	[sflag:s15] =	ssyncset.done $0x0  }
0xed: {  	s4 =	simm.s32 $0x300;
	[sflag:s15] =	ssyncadd.s32 $0xFFFFE000  }
0xee: {  	[tilespmem:s21], [sflag:$0x2] =	stream.indirect.gather [hbm4b:s13+s19], $0x40, s4, s19, $0xb8;
	[tilespmem:$0x1B000] =	vst v63  }
0xef: {  	_ =	swait.ge [sflag:s31], $0x2000  }
0xf0: {  	[sflag:s31] =	ssyncset.done $0x0  }
0xf1: {  	s26 =	simm.s32 $0x2900;
	[sflag:s31] =	ssyncadd.s32 $0xFFFFE000  }
0xf2: {  	[spmem:s2] =	stream.indirect.scatter.add.f32 [tilespmem:s23], [sflag:$0x6], $0x40, s26, s19, $0xb8;
	[tilespmem:$0x1B000] =	vst v63  }
0xf3: {  	_ =	swait.ge [sflag:s15], $0x2000  }
0xf4: {  	[sflag:s15] =	ssyncset.done $0x0  }
0xf5: {  	s4 =	simm.s32 $0x380;
	[sflag:s15] =	ssyncadd.s32 $0xFFFFE000  }
0xf6: {  	[tilespmem:s23], [sflag:$0x3] =	stream.indirect.gather [hbm4b:s13+s19], $0x40, s4, s19, $0xb8;
	[tilespmem:$0x1B000] =	vst v63  }
0xf7: {  	_ =	swait.ge [sflag:s0], $0x2000  }
0xf8: {  	[sflag:s0] =	ssyncset.done $0x0  }
0xf9: {  	s26 =	simm.s32 $0x2980;
	[sflag:s0] =	ssyncadd.s32 $0xFFFFE000  }
0xfa: {  	[spmem:s2] =	stream.indirect.scatter.add.f32 [tilespmem:s25], [sflag:$0x6], $0x40, s26, s19, $0xb8;
	[tilespmem:$0x1B000] =	vst v63  }
0xfb: {  	_ =	swait.ge [sflag:s15], $0x2000  }
0xfc: {  	[sflag:s15] =	ssyncset.done $0x0  }
0xfd: {  	s4 =	simm.s32 $0x400;
	[sflag:s15] =	ssyncadd.s32 $0xFFFFE000  }
0xfe: {  	[tilespmem:s25], [sflag:$0x4] =	stream.indirect.gather [hbm4b:s13+s19], $0x40, s4, s19, $0xb8;
	[tilespmem:$0x1B000] =	vst v63  }
0xff: {  	_ =	swait.ge [sflag:s17], $0x2000  }
0x100: {  	[sflag:s17] =	ssyncset.done $0x0  }
0x101: {  	s26 =	simm.s32 $0x2A00;
	[sflag:s17] =	ssyncadd.s32 $0xFFFFE000  }
0x102: {  	[spmem:s2] =	stream.indirect.scatter.add.f32 [tilespmem:s28], [sflag:$0x6], $0x40, s26, s19, $0xb8;
	[tilespmem:$0x1B000] =	vst v63  }
0x103: {  	_ =	swait.ge [sflag:s15], $0x2000  }
0x104: {  	[sflag:s15] =	ssyncset.done $0x0  }
0x105: {  	s3 =	simm.s32 $0x480;
	s26 =	simm.s32 $0xA00;
	[sflag:s15] =	ssyncadd.s32 $0xFFFFE000  }
.LBB2_6:
0x106: {  	[tilespmem:s28], [sflag:$0x5] =	stream.indirect.gather [hbm4b:s13+s19], $0x40, s3, s19, $0xb8;
	[tilespmem:$0x1B000] =	vst v63  }
0x107: {  	s3 =	smov.u32 s26  }
0x108: {  	p0 =	sne.s32 s26, $0x8C00;
	s26 =	sadd.s32 $0xA00, s26;
	_ =	swait.ge [sflag:s29], $0x2000  }
0x109: {  	s3 =	sshra.s32 s3, $0x2;
	[sflag:s29] =	ssyncset.done $0x0  }
0x10a: {  	s4 =	sadd.s32 $0x2800, s3;
	[sflag:s29] =	ssyncadd.s32 $0xFFFFE000  }
0x10b: {  	[spmem:s2] =	stream.indirect.scatter.add.f32 [tilespmem:s20], [sflag:$0x6], $0x40, s4, s19, $0xb8;
	[tilespmem:$0x1B000] =	vst v63  }
0x10c: {  	_ =	swait.ge [sflag:s15], $0x2000  }
0x10d: {  	[sflag:s15] =	ssyncset.done $0x0  }
0x10e: {  	s4 =	sadd.s32 $0x280, s3;
	[sflag:s15] =	ssyncadd.s32 $0xFFFFE000  }
0x10f: {  	[tilespmem:s20], [sflag:$0x1] =	stream.indirect.gather [hbm4b:s13+s19], $0x40, s4, s19, $0xb8;
	[tilespmem:$0x1B000] =	vst v63  }
0x110: {  	_ =	swait.ge [sflag:s30], $0x2000  }
0x111: {  	[sflag:s30] =	ssyncset.done $0x0  }
0x112: {  	s4 =	sadd.s32 $0x2880, s3;
	[sflag:s30] =	ssyncadd.s32 $0xFFFFE000  }
0x113: {  	[spmem:s2] =	stream.indirect.scatter.add.f32 [tilespmem:s21], [sflag:$0x6], $0x40, s4, s19, $0xb8;
	[tilespmem:$0x1B000] =	vst v63  }
0x114: {  	_ =	swait.ge [sflag:s15], $0x2000  }
0x115: {  	[sflag:s15] =	ssyncset.done $0x0  }
0x116: {  	s4 =	sadd.s32 $0x300, s3;
	[sflag:s15] =	ssyncadd.s32 $0xFFFFE000  }
0x117: {  	[tilespmem:s21], [sflag:$0x2] =	stream.indirect.gather [hbm4b:s13+s19], $0x40, s4, s19, $0xb8;
	[tilespmem:$0x1B000] =	vst v63  }
0x118: {  	_ =	swait.ge [sflag:s31], $0x2000  }
0x119: {  	[sflag:s31] =	ssyncset.done $0x0  }
0x11a: {  	s4 =	sadd.s32 $0x2900, s3;
	[sflag:s31] =	ssyncadd.s32 $0xFFFFE000  }
0x11b: {  	[spmem:s2] =	stream.indirect.scatter.add.f32 [tilespmem:s23], [sflag:$0x6], $0x40, s4, s19, $0xb8;
	[tilespmem:$0x1B000] =	vst v63  }
0x11c: {  	_ =	swait.ge [sflag:s15], $0x2000  }
0x11d: {  	[sflag:s15] =	ssyncset.done $0x0  }
0x11e: {  	s4 =	sadd.s32 $0x380, s3;
	[sflag:s15] =	ssyncadd.s32 $0xFFFFE000  }
0x11f: {  	[tilespmem:s23], [sflag:$0x3] =	stream.indirect.gather [hbm4b:s13+s19], $0x40, s4, s19, $0xb8;
	[tilespmem:$0x1B000] =	vst v63  }
0x120: {  	_ =	swait.ge [sflag:s0], $0x2000  }
0x121: {  	[sflag:s0] =	ssyncset.done $0x0  }
0x122: {  	s4 =	sadd.s32 $0x2980, s3;
	[sflag:s0] =	ssyncadd.s32 $0xFFFFE000  }
0x123: {  	[spmem:s2] =	stream.indirect.scatter.add.f32 [tilespmem:s25], [sflag:$0x6], $0x40, s4, s19, $0xb8;
	[tilespmem:$0x1B000] =	vst v63  }
0x124: {  	_ =	swait.ge [sflag:s15], $0x2000  }
0x125: {  	[sflag:s15] =	ssyncset.done $0x0  }
0x126: {  	s4 =	sadd.s32 $0x400, s3;
	[sflag:s15] =	ssyncadd.s32 $0xFFFFE000  }
0x127: {  	[tilespmem:s25], [sflag:$0x4] =	stream.indirect.gather [hbm4b:s13+s19], $0x40, s4, s19, $0xb8;
	[tilespmem:$0x1B000] =	vst v63  }
0x128: {  	_ =	swait.ge [sflag:s17], $0x2000  }
0x129: {  	[sflag:s17] =	ssyncset.done $0x0  }
.Ltmp2:
0x12a: {  	s4 =	sadd.s32 $0x2A00, s3;
	[sflag:s17] =	ssyncadd.s32 $0xFFFFE000;
	(pc) =	sbr.rel @p0 .LBB2_6-.Ltmp2, $4  }
0x12b: {  	[spmem:s2] =	stream.indirect.scatter.add.f32 [tilespmem:s28], [sflag:$0x6], $0x40, s4, s19, $0xb8;
	[tilespmem:$0x1B000] =	vst v63  }
0x12c: {  	_ =	swait.ge [sflag:s15], $0x2000  }
0x12d: {  	[sflag:s15] =	ssyncset.done $0x0  }
0x12e: {  	s3 =	sadd.s32 $0x480, s3;
	[sflag:s15] =	ssyncadd.s32 $0xFFFFE000  }
0x12f: {  	[tilespmem:s28], [sflag:$0x5] =	stream.indirect.gather [hbm4b:s13+s19], $0x40, s3, s19, $0xb8;
	[tilespmem:$0x1B000] =	vst v63  }
0x130: {  	_ =	swait.ge [sflag:s29], $0x2000  }
0x131: {  	[sflag:s29] =	ssyncset.done $0x0  }
0x132: {  	s26 =	simm.s32 $0x4D80;
	[sflag:s29] =	ssyncadd.s32 $0xFFFFE000  }
0x133: {  	[spmem:s2] =	stream.indirect.scatter.add.f32 [tilespmem:s20], [sflag:$0x6], $0x40, s26, s19, $0xb8;
	[tilespmem:$0x1B000] =	vst v63  }
0x134: {  	_ =	swait.ge [sflag:s15], $0x2000  }
0x135: {  	[sflag:s15] =	ssyncset.done $0x0  }
0x136: {  	[sflag:s15] =	ssyncadd.s32 $0xFFFFE000  }
0x137: {  	_ =	swait.ge [sflag:s30], $0x2000  }
0x138: {  	[sflag:s30] =	ssyncset.done $0x0  }
0x139: {  	s4 =	simm.s32 $0x4E00;
	[sflag:s30] =	ssyncadd.s32 $0xFFFFE000  }
0x13a: {  	[spmem:s2] =	stream.indirect.scatter.add.f32 [tilespmem:s21], [sflag:$0x6], $0x40, s4, s19, $0xb8;
	[tilespmem:$0x1B000] =	vst v63  }
0x13b: {  	_ =	swait.ge [sflag:s15], $0x2000  }
0x13c: {  	[sflag:s15] =	ssyncset.done $0x0  }
0x13d: {  	[sflag:s15] =	ssyncadd.s32 $0xFFFFE000  }
0x13e: {  	_ =	swait.ge [sflag:s31], $0x2000  }
0x13f: {  	[sflag:s31] =	ssyncset.done $0x0  }
0x140: {  	[sflag:s31] =	ssyncadd.s32 $0xFFFFE000  }
0x141: {  	[spmem:s2] =	stream.indirect.scatter.add.f32 [tilespmem:s23], [sflag:$0x6], $0x40, s5, s19, $0xb8;
	[tilespmem:$0x1B000] =	vst v63  }
0x142: {  	_ =	swait.ge [sflag:s15], $0x2000  }
0x143: {  	[sflag:s15] =	ssyncset.done $0x0  }
0x144: {  	[sflag:s15] =	ssyncadd.s32 $0xFFFFE000  }
0x145: {  	_ =	swait.ge [sflag:s0], $0x2000  }
0x146: {  	[sflag:s0] =	ssyncset.done $0x0  }
0x147: {  	[sflag:s0] =	ssyncadd.s32 $0xFFFFE000  }
0x148: {  	[spmem:s2] =	stream.indirect.scatter.add.f32 [tilespmem:s25], [sflag:$0x6], $0x40, s11, s19, $0xb8;
	[tilespmem:$0x1B000] =	vst v63  }
0x149: {  	_ =	swait.ge [sflag:s15], $0x2000  }
0x14a: {  	[sflag:s15] =	ssyncset.done $0x0  }
0x14b: {  	[sflag:s15] =	ssyncadd.s32 $0xFFFFE000  }
0x14c: {  	_ =	swait.ge [sflag:s17], $0x2000  }
0x14d: {  	[sflag:s17] =	ssyncset.done $0x0  }
0x14e: {  	[sflag:s17] =	ssyncadd.s32 $0xFFFFE000  }
0x14f: {  	[spmem:s2] =	stream.indirect.scatter.add.f32 [tilespmem:s28], [sflag:$0x6], $0x40, s12, s19, $0xb8;
	[tilespmem:$0x1B000] =	vst v63  }
0x150: {  	_ =	swait.ge [sflag:s15], $0x2000  }
0x151: {  	[sflag:s15] =	ssyncset.done $0x0  }
0x152: {  	[sflag:s15] =	ssyncadd.s32 $0xFFFFE000  }
0x153: {  	s16 =	sadd.s32 $0x14000, s16;
	[bflag:$0x0] =	sbarrier.arrive $0xFFFF  }
0x154: {  	[hbm:s16], [sflag:s22] =	dma.local [spmem:s24], $0x1400  }
0x155: {  	_ =	swait.ge [sflag:s15], $0x1400  }
0x156: {  	s14 =	sadd.s32 $0x1, s14;
	s26 =	rddreg [dreg:$0x7]  }
0x157: {  	p0 =	sne.s32 s14, s26  }
.Ltmp3:
0x158: {  	_ = 	snop;
	(pc) =	sbr.rel @p0 .LBB2_1-.Ltmp3, $3  }
0x159: {  	_ =	sdelay $0x1  }
0x15a: {  	[sflag:s15] =	ssyncset.done $0x0  }
0x15b: {  	[sflag:s15] =	ssyncadd.s32 $0xFFFFEC00;
	s26 =	simm.s32 $0x100  }
0x15c: {  	_ =	sfence.sel $0x180000  }
0x15d: {  	[bflag:$0x0] =	sbarrier.arrive $0xFFFF  }
0x15e: {  	_ =	strace $0x9000004A  }
0x15f: {  	s0 =	stileid.u32;
	[bflag:$0x2] =	sbarrier.arrive $0xFFFF  }
0x160: {  	p0 =	sne.s32 s0, $0x0;
	s0 =	rddreg [dreg:$0x3]  }
0x161: {  	s0 =	sadd.s32 @!p0 $0x100000, s0  }
0x162: {  	[sflag:s0] =	ssyncadd.tile.s32 @!p0 $0x1;
	_ =	shalt  }
.Lfunc_end2:
_tile_overlayer_lowered:
.L_overlay_start_2:
0x163: {  	(tag) =	ssettag $0x2  }
0x164: {  	s0 =	rddreg [dreg:$0x0];
	s2 =	stileid.u32  }
0x165: {  	s1 =	rddreg [dreg:$0x1];
	p0 =	sne.s32 s2, $0x0  }
0x166: {  	s3 =	rddreg [dreg:$0x2];
	[bflag:$0x3] =	sbarrier.arrive $0xFFFF;
	s2 =	simm.s32 @!p0 $0x1C06  }
0x167: {  	[timem:s3], [sflag:s2] =	dma.local @!p0 [hbm:s0], s1  }
0x168: {  	s0 =	simm.s32 @!p0 $0x6  }
0x169: {  	_ =	swait.ge @!p0 [sflag:s0], s1  }
0x16a: {  	s1 =	ssub.s32 @!p0 $0x0, s1;
	[sflag:s0] =	ssyncset.done @!p0 $0x0  }
0x16b: {  	[sflag:s0] =	ssyncadd.s32 @!p0 s1  }
0x16c: {  	[bflag:$0x3] =	sbarrier.arrive $0xFFFF  }
0x16d: {  	_ =	shalt  }

// kernel: kernel.16.cloned.1.call-start
scs
__scs_entry_jumppad:
0x0: {  	(pc) =	sbr.rel $0x88, $3  }
0x1: {  	(tag) =	ssettag $0x0;
	lr =	simm.s32 $0x1  }
0x2: {  	[smem:$0x3F99] =	sst lr;
	_ =	strace $0xD0000000  }
0x3: {  	_ = 	snop  }
0x4: {  	_ = 	snop  }
0x5: {  	_ = 	snop  }
0x6: {  	_ = 	snop  }
0x7: {  	_ = 	snop  }
__scs_overlays_trampoline_lowered:
0x8: {  	[smem:$0x3FA8] =	sst s0  }
0x9: {  	[smem:$0x3FA9] =	sst s1  }
0xa: {  	[smem:$0x3FAA] =	sst s2  }
0xb: {  	[smem:$0x3FAB] =	sst s3  }
0xc: {  	[smem:$0x3FAC] =	sst s4  }
0xd: {  	[smem:$0x3FAD] =	sst s5  }
0xe: {  	[smem:$0x3FAE] =	sst s6  }
0xf: {  	[smem:$0x3FAF] =	sst s7  }
0x10: {  	[smem:$0x3FB0] =	sst s8  }
0x11: {  	[smem:$0x3FB1] =	sst s9;
	s0 =	simm.s32 @!p0 $0x0  }
0x12: {  	s1 =	sld [smem:$0x3F97];
	s0 =	simm.s32 @p0 $0x1  }
0x13: {  	[smem:$0x3FB2] =	sst s0;
	s0 =	simm.s32 @!p1 $0x0  }
0x14: {  	s2 =	sld [smem:$0x3F96];
	s0 =	simm.s32 @p1 $0x1  }
0x15: {  	[smem:$0x3FB3] =	sst s0;
	s0 =	simm.s32 @!p2 $0x0  }
0x16: {  	s3 =	sld [smem:$0x3FDB];
	s0 =	simm.s32 @p2 $0x1  }
0x17: {  	s4 =	simm.s32 $0x1BF5;
	[smem:$0x3FB5] =	sst s0  }
0x18: {  	s0 =	sld [smem:$0x3F98];
	_ =	swait.ge [sflag:s4], $0x0  }
0x19: {  	s7 =	sld [smem:$0x3F99]  }
0x1a: {  	s8 =	sadd.s32 $0xFFFFE003, lr  }
0x1b: {  	s9 =	sadd.s32 $0xFFFFFEF7, lr;
	s5 =	simm.s32 $0xFFFFFFFF;
	p2 =	slt.u32 s8, $0xFFFFF086  }
0x1c: {  	p1 =	slt.u32 s9, $0xF7A;
	s5 =	simm.s32 @!p2 $0x0  }
0x1d: {  	s5 =	simm.s32 @p1 $0x1;
	p0 =	seq.s32 s7, s2  }
0x1e: {  	s7 =	smul.u32 @!p0 $0xF7A, s2;
	p2 =	seq.s32 @!p0 s5, $0x0  }
0x1f: {  	s9 =	smul.u32 $0xF7A, s1;
	s8 =	simm.s32 @!p0 $0x1BF5;
	p2 =	por !p2, p0  }
0x20: {  	[sflag:s8] =	ssyncset.s32 @!p0 $0xFFFFF086;
	s6 =	sadd.s32 @!p0 s3, s7;
	s7 =	simm.s32 @!p0 $0x108  }
0x21: {  	s3 =	sadd.s32 s3, s9;
	s6 =	sadd.s32 @!p0 $0x88, s6;
	s7 =	simm.s32 @p2 $0x1082  }
0x22: {  	[simem:s7], [sflag:s8] =	dma.local @!p0 [hbm:s6], $0xF7A  }
0x23: {  	s9 =	sor.u32 $0xD0000000, s2;
	s6 =	simm.s32 $0x108;
	_ =	swait.ge @!p0 [sflag:s8], $0x0  }
0x24: {  	s3 =	sadd.s32 $0x88, s3;
	s6 =	simm.s32 @!p1 $0x1082;
	[sflag:s4] =	ssyncset.s32 $0xFFFFF086  }
0x25: {  	[simem:s6], [sflag:s4] =	dma.local [hbm:s3], $0xF7A  }
0x26: {  	[smem:$0x3F99] =	sst s1;
	(tag) =	ssettag s2;
	_ =	strace s9  }
0x27: {  	s1 =	sld [smem:$0x3FA9]  }
0x28: {  	s2 =	sld [smem:$0x3FAA]  }
0x29: {  	s4 =	sld [smem:$0x3FAC]  }
0x2a: {  	p0 =	seq.s32 s5, $0x0;
	s5 =	sld [smem:$0x3FAD]  }
0x2b: {  	s6 =	sld [smem:$0x3FAE]  }
0x2c: {  	s7 =	sld [smem:$0x3FAF]  }
0x2d: {  	s3 =	simm.s32 $0x108;
	s8 =	sld [smem:$0x3FB0]  }
0x2e: {  	s3 =	simm.s32 @!p0 $0x1082;
	s9 =	sld [smem:$0x3FB1]  }
0x2f: {  	lr =	sadd.s32 s0, s3;
	s0 =	sld [smem:$0x3FA8]  }
0x30: {  	s3 =	sld [smem:$0x3FAB]  }
0x31: {  	[smem:$0x3FB4] =	sst s10  }
0x32: {  	s10 =	sld [smem:$0x3FB2];
	_ =	sdelay $0x3  }
0x33: {  	p0 =	seq.s32 s10, $0x1;
	s10 =	sld [smem:$0x3FB4];
	_ =	sdelay $0x3  }
0x34: {  	[smem:$0x3FB4] =	sst s10  }
0x35: {  	s10 =	sld [smem:$0x3FB3];
	_ =	sdelay $0x3  }
0x36: {  	p1 =	seq.s32 s10, $0x1;
	s10 =	sld [smem:$0x3FB4];
	_ =	sdelay $0x3  }
0x37: {  	[smem:$0x3FB4] =	sst s10  }
0x38: {  	s10 =	sld [smem:$0x3FB5]  }
0x39: {  	_ = 	snop;
	(pc) =	sbr.ind lr, $3  }
0x3a: {  	_ = 	snop  }
0x3b: {  	_ = 	snop  }
0x3c: {  	p2 =	seq.s32 s10, $0x1;
	s10 =	sld [smem:$0x3FB4]  }
0x3d: {  	_ =	shalt  }
0x3e: {  	_ =	shalt  }
0x3f: {  	_ =	shalt  }
0x40: {  	_ =	shalt  }
0x41: {  	_ =	shalt  }
0x42: {  	_ =	shalt  }
0x43: {  	_ =	shalt  }
0x44: {  	_ =	shalt  }
0x45: {  	_ =	shalt  }
0x46: {  	_ =	shalt  }
0x47: {  	_ =	shalt  }
0x48: {  	_ =	shalt  }
0x49: {  	_ =	shalt  }
0x4a: {  	_ =	shalt  }
0x4b: {  	_ =	shalt  }
0x4c: {  	_ =	shalt  }
0x4d: {  	_ =	shalt  }
0x4e: {  	_ =	shalt  }
0x4f: {  	_ =	shalt  }
0x50: {  	_ =	shalt  }
0x51: {  	_ =	shalt  }
0x52: {  	_ =	shalt  }
0x53: {  	_ =	shalt  }
0x54: {  	_ =	shalt  }
0x55: {  	_ =	shalt  }
0x56: {  	_ =	shalt  }
0x57: {  	_ =	shalt  }
0x58: {  	_ =	shalt  }
0x59: {  	_ =	shalt  }
0x5a: {  	_ =	shalt  }
0x5b: {  	_ =	shalt  }
0x5c: {  	_ =	shalt  }
0x5d: {  	_ =	shalt  }
0x5e: {  	_ =	shalt  }
0x5f: {  	_ =	shalt  }
0x60: {  	_ =	shalt  }
0x61: {  	_ =	shalt  }
0x62: {  	_ =	shalt  }
0x63: {  	_ =	shalt  }
0x64: {  	_ =	shalt  }
0x65: {  	_ =	shalt  }
0x66: {  	_ =	shalt  }
0x67: {  	_ =	shalt  }
0x68: {  	_ =	shalt  }
0x69: {  	_ =	shalt  }
0x6a: {  	_ =	shalt  }
0x6b: {  	_ =	shalt  }
0x6c: {  	_ =	shalt  }
0x6d: {  	_ =	shalt  }
0x6e: {  	_ =	shalt  }
0x6f: {  	_ =	shalt  }
0x70: {  	_ =	shalt  }
0x71: {  	_ =	shalt  }
0x72: {  	_ =	shalt  }
0x73: {  	_ =	shalt  }
0x74: {  	_ =	shalt  }
0x75: {  	_ =	shalt  }
0x76: {  	_ =	shalt  }
0x77: {  	_ =	shalt  }
0x78: {  	_ =	shalt  }
0x79: {  	_ =	shalt  }
0x7a: {  	_ =	shalt  }
0x7b: {  	_ =	shalt  }
0x7c: {  	_ =	shalt  }
0x7d: {  	_ =	shalt  }
0x7e: {  	_ =	shalt  }
0x7f: {  	_ =	shalt  }
0x80: {  	_ =	shalt  }
0x81: {  	_ =	shalt  }
0x82: {  	_ =	shalt  }
0x83: {  	_ =	shalt  }
0x84: {  	_ =	shalt  }
0x85: {  	_ =	shalt  }
0x86: {  	_ =	shalt  }
0x87: {  	_ =	shalt  }
.Lfunc_end0:
.L_simem_size_0:
called_computation.2_lowered:
.L_overlay_start_0:
0x88: {  	s2 =	sld [smem:$0x3FD9]  }
0x89: {  	s3 =	sld [smem:$0x3FFE];
	_ =	sdelay $0x1  }
0x8a: {  	s1 =	srdreg.scid  }
0x8b: {  	s0 =	sand.u32 $0x1, s1  }
0x8c: {  	s17 =	sshll.u32 s0, $0xA;
	s2 =	sadd.s32 s3, s2  }
0x8d: {  	s2 =	sadd.s32 s2, s17  }
0x8e: {  	[smem:$0x3FC0] =	sst s2  }
0x8f: {  	_ = 	snop  }
0x90: {  	s2 =	sld [smem:$0x3FD0];
	(tm) =	ssettm $0x1  }
0x91: {  	s18 =	sld [smem:$0x3FFB];
	_ =	sdelay $0x3  }
0x92: {  	_ =	strace s18  }
0x93: {  	s3 =	sld [smem:$0x3FFC];
	_ =	sdelay $0x3  }
0x94: {  	_ =	strace s3  }
0x95: {  	s3 =	sld [smem:$0x3FFD];
	_ =	sdelay $0x3  }
0x96: {  	_ =	strace s3  }
0x97: {  	_ =	strace $0x8FFFFFFF  }
0x98: {  	s19 =	sld [smem:$0x3FDB];
	_ =	sdelay $0x1  }
0x99: {  	s4 =	simm.s32 $_scs_section_size  }
0x9a: {  	s5 =	simm.s32 $_size__tile_overlayer_lowered;
	s6 =	simm.s32 $_tile_overlayer_lowered  }
0x9b: {  	s22 =	simm.s32 $0x1BFF;
	s21 =	sshll.u32 s6, $0x1;
	s3 =	sadd.s32 s4, s19  }
0x9c: {  	s7 =	simm.s32 $0x0;
	s20 =	sshll.u32 s5, $0x1;
	s5 =	sadd.s32 s21, s3  }
0x9d: {  	[timem:s7], [sflag:s22] =	dma.local [hbm:s5], s20  }
0x9e: {  	_ =	swait.ge [sflag:s22], s20  }
0x9f: {  	s4 =	ssub.s32 $0x0, s20;
	[sflag:s22] =	ssyncset.done $0x0  }
0xa0: {  	[sflag:s22] =	ssyncadd.s32 s4;
	_ =	sdelay $0x1  }
0xa1: {  	s23 =	simm.s32 $0x1B8B  }
0xa2: {  	_ =	swait.ge [sflag:s23], $0x1  }
0xa3: {  	[sflag:s23] =	ssyncset.done $0x0  }
0xa4: {  	s25 =	simm.s32 $0x1B8E;
	s24 =	sld [smem:$0x3FFE];
	[sflag:s23] =	ssyncadd.s32 $0xFFFFFFFF  }
0xa5: {  	s26 =	simm.s32 $execute0_lowered;
	[smem:$0x3FD2] =	sst s25  }
0xa6: {  	s5 =	sshll.u32 s26, $0x1;
	_ =	strace $0x8000004C;
	[dreg:$0x1] =	wrdreg $0xFFFFFFFF  }
0xa7: {  	s28 =	simm.s32 $_size_execute0_lowered;
	s3 =	sadd.s32 s3, s5;
	[dreg:$0x0] =	wrdreg $0x0  }
0xa8: {  	s5 =	sshll.u32 s28, $0x1;
	[dreg:$0x2] =	wrdreg s3  }
0xa9: {  	[dreg:$0x3] =	wrdreg s5  }
0xaa: {  	[dreg:$0x4] =	wrdreg $0xC0  }
0xab: {  	_ =	task [dreg:s7], $0x5FFFF  }
0xac: {  	[dreg:$0x1] =	wrdreg $0xFFFFFFFF  }
0xad: {  	[dreg:$0x0] =	wrdreg $0x60  }
0xae: {  	[dreg:$0x2] =	wrdreg s2  }
0xaf: {  	[dreg:$0x3] =	wrdreg s24  }
0xb0: {  	[dreg:$0x4] =	wrdreg $0x110000  }
0xb1: {  	[dreg:$0x5] =	wrdreg $0x9  }
0xb2: {  	_ =	task.clear_ibuf [dreg:s7], $0x6FFFF;
	_ =	strace $0x9000004C  }
0xb3: {  	s29 =	simm.s32 $0x9;
	_ =	strace $0x8000004E  }
0xb4: {  	_ =	swait.ge [sflag:s29], $0x1  }
0xb5: {  	[sflag:s29] =	ssyncadd.s32 $0xFFFFFFFF  }
0xb6: {  	_ =	strace $0x9000004E  }
0xb7: {  	_ =	sfence  }
0xb8: {  	s30 =	sld [smem:$0x0];
	_ =	sdelay $0x2  }
0xb9: {  	s31 =	sshll.u32 s1, $0xD;
	s1 =	sshrl.u32 s1, $0x2  }
0xba: {  	s3 =	sand.u32 $0x4000, s31;
	s1 =	sadd.s32 s1, s30  }
0xbb: {  	s0 =	sor.u32 s3, s0;
	s1 =	sshll.u32 s1, $0x11  }
0xbc: {  	s0 =	sor.u32 s1, s0  }
0xbd: {  	s0 =	sadd.s32 $0x8F2B, s0  }
0xbe: {  	[sflag:s0] =	ssyncadd.remote.s32 $0x1  }
0xbf: {  	_ =	sfence.sel $0xFFFF  }
0xc0: {  	[dreg:$0x0] =	wrdreg $0xFFFFFFFF;
	(pc) =	sbr.abs _section_cstart, $3  }
0xc1: {  	[dreg:$0x1] =	wrdreg $0xFFFFFFFF  }
0xc2: {  	_ =	task.clear_ibuf [dreg:s7], $0x2FFFF;
	_ =	strace $0x9FFFFFFF  }
0xc3: {  	(tm) =	ssettm $0x7FFFFFFF  }
tec
execute0_lowered:
.L_overlay_start_1:
0x0: {  	(tag) =	ssettag $0x1  }
0x1: {  	s1 =	rddreg [dreg:$0x0]  }
0x2: {  	s0 =	rddreg [dreg:$0x1];
	s3 =	srdreg.scid  }
0x3: {  	s2 =	rddreg [dreg:$0x2];
	s6 =	simm.s32 $0x0;
	s8 =	stileid.u32  }
0x4: {  	s15 =	simm.s32 $0x6;
	s18 =	simm.s32 $0xF000;
	s19 =	simm.s32 $0x80  }
0x5: {  	s28 =	simm.s32 $0xD000;
	s29 =	simm.s32 $0x1;
	s11 =	smul.u32 $0x500, s8  }
0x6: {  	s30 =	simm.s32 $0x2;
	s31 =	simm.s32 $0x3;
	s7 =	smul.u32 $0x28000, s8  }
0x7: {  	s17 =	simm.s32 $0x5;
	s3 =	sand.u32 $0x1, s3;
	s12 =	smul.u32 $0xA000, s8  }
0x8: {  	s14 =	simm.s32 $0x0;
	[smem:$0x7FF] =	sst s6;
	s4 =	smul.u32 $0x5000, s3  }
0x9: {  	s13 =	sadd.s32 $0x13880, s1;
	s5 =	smul.u32 $0x28000, s3;
	s3 =	ssub.s32 $0x2, s3  }
0xa: {  	_ =	strace $0x8000004D;
	s20 =	sshrl.u32 s3, $0x1;
	s22 =	sshrl.u32 s7, $0x2  }
0xb: {  	s6 =	sadd.s32 s12, s2;
	s24 =	sshrl.u32 s12, $0x3;
	s12 =	simm.s32 $0x4F80  }
0xc: {  	s4 =	sadd.s32 s4, s0;
	s0 =	sadd.s32 s5, s0;
	s3 =	ssub.s32 s3, s20  }
0xd: {  	s23 =	sadd.s32 s22, s2;
	[dreg:$0x6] =	wrdreg s24;
	s20 =	simm.s32 $0x5000  }
0xe: {  	s21 =	sadd.s32 s11, s4;
	s4 =	sadd.s32 $0x3E00, s4;
	s7 =	sadd.s32 $0x2000, s23  }
0xf: {  	s8 =	sadd.s32 $0x4000, s23;
	s9 =	sadd.s32 $0x6000, s23;
	s0 =	sadd.s32 $0x17E00, s0  }
0x10: {  	s10 =	sadd.s32 $0x8000, s23;
	s25 =	smax.u32 s3, $0x1;
	[dreg:$0x5] =	wrdreg s0  }
0x11: {  	s23 =	simm.s32 $0x9000;
	s5 =	sadd.s32 $0xDE00, s21;
	[dreg:$0x7] =	wrdreg s25  }
0x12: {  	s26 =	sadd.s32 s11, s4;
	s21 =	simm.s32 $0x7000;
	s25 =	simm.s32 $0xB000  }
0x13: {  	s0 =	simm.s32 $0x4;
	s11 =	simm.s32 $0x4F00;
	[dreg:$0x4] =	wrdreg s5  }
0x14: {  	v0 =	vimm.f32 $0.0e+00;
	[dreg:$0x8] =	wrdreg s26;
	s26 =	simm.s32 $0x100;
	s5 =	simm.s32 $0x4E80  }
.LBB2_1:
0x15: {  	s3 =	simm.s32 $0x0;
	s4 =	rddreg [dreg:$0x4]  }
0x16: {  	[tilespmem:s3], [sflag:$0x6] =	stream.linear.gather [hbm4b:s4+s3], $0x2800, $0x38;
	[tilespmem:$0x1B000] =	vst v63  }
0x17: {  	_ =	swait.ge [sflag:s15], $0x2800  }
0x18: {  	[sflag:s15] =	ssyncset.done $0x0  }
0x19: {  	s16 =	simm.s32 $0x2800;
	s24 =	rddreg [dreg:$0x8];
	[sflag:s15] =	ssyncadd.s32 $0xFFFFD800  }
0x1a: {  	[tilespmem:s16], [sflag:$0x6] =	stream.linear.gather [hbm4b:s24+s3], $0x2800, $0x38;
	[tilespmem:$0x1B000] =	vst v63  }
0x1b: {  	_ =	swait.ge [sflag:s15], $0x2800  }
0x1c: {  	[sflag:s15] =	ssyncset.done $0x0  }
0x1d: {  	s16 =	simm.s32 $0x100;
	s3 =	simm.s32 $0x0;
	[sflag:s15] =	ssyncadd.s32 $0xFFFFD800  }
.LBB2_2:
0x1e: {  	p0 =	sne.s32 s16, $0x7F00;
	[tilespmem:s3+$0xF030] =	vst v0;
	s22 =	smov.u32 s16;
	s16 =	sadd.s32 $0x100, s16  }
.Ltmp0:
0x1f: {  	[tilespmem:s3+$0xF020] =	vst v0;
	(pc) =	sbr.rel @p0 .LBB2_2-.Ltmp0, $3  }
0x20: {  	[tilespmem:s3+$0xF000] =	vst v0  }
0x21: {  	[tilespmem:s3+$0xF010] =	vst v0;
	_ =	sdelay $0x1  }
0x22: {  	s3 =	sshra.s32 s22, $0x2  }
0x23: {  	[tilespmem:s3+$0xF030] =	vst v0  }
0x24: {  	[tilespmem:s3+$0xF020] =	vst v0  }
0x25: {  	[tilespmem:s3+$0xF000] =	vst v0  }
0x26: {  	[tilespmem:s3+$0xF010] =	vst v0  }
0x27: {  	[spmem:s6] =	stream.linear.scatter [tilespmem:s18], [sflag:$0x6], $0x2000, $0x38;
	[tilespmem:$0x1B000] =	vst v63  }
0x28: {  	_ =	swait.ge [sflag:s15], $0x2000  }
0x29: {  	[sflag:s15] =	ssyncset.done $0x0  }
0x2a: {  	[sflag:s15] =	ssyncadd.s32 $0xFFFFE000  }
0x2b: {  	[spmem:s7] =	stream.linear.scatter [tilespmem:s18], [sflag:$0x6], $0x2000, $0x38;
	[tilespmem:$0x1B000] =	vst v63  }
0x2c: {  	_ =	swait.ge [sflag:s15], $0x2000  }
0x2d: {  	[sflag:s15] =	ssyncset.done $0x0  }
0x2e: {  	[sflag:s15] =	ssyncadd.s32 $0xFFFFE000  }
0x2f: {  	[spmem:s8] =	stream.linear.scatter [tilespmem:s18], [sflag:$0x6], $0x2000, $0x38;
	[tilespmem:$0x1B000] =	vst v63  }
0x30: {  	_ =	swait.ge [sflag:s15], $0x2000  }
0x31: {  	[sflag:s15] =	ssyncset.done $0x0  }
0x32: {  	[sflag:s15] =	ssyncadd.s32 $0xFFFFE000  }
0x33: {  	[spmem:s9] =	stream.linear.scatter [tilespmem:s18], [sflag:$0x6], $0x2000, $0x38;
	[tilespmem:$0x1B000] =	vst v63  }
0x34: {  	_ =	swait.ge [sflag:s15], $0x2000  }
0x35: {  	[sflag:s15] =	ssyncset.done $0x0  }
0x36: {  	[sflag:s15] =	ssyncadd.s32 $0xFFFFE000  }
0x37: {  	[spmem:s10] =	stream.linear.scatter [tilespmem:s18], [sflag:$0x6], $0x2000, $0x38;
	[tilespmem:$0x1B000] =	vst v63  }
0x38: {  	_ =	swait.ge [sflag:s15], $0x2000  }
0x39: {  	[sflag:s15] =	ssyncset.done $0x0  }
0x3a: {  	[sflag:s15] =	ssyncadd.s32 $0xFFFFE000  }
0x3b: {  	s4 =	simm.s32 $0x0;
	[bflag:$0x0] =	sbarrier.arrive $0xFFFF  }
0x3c: {  	[tilespmem:s20], [sflag:$0x1] =	stream.indirect.gather [hbm4b:s1+s19], $0x40, s4, s19, $0xb8;
	[tilespmem:$0x1B000] =	vst v63  }
0x3d: {  	_ = 	snop  }
0x3e: {  	[tilespmem:s21], [sflag:$0x2] =	stream.indirect.gather [hbm4b:s1+s19], $0x40, s19, s19, $0xb8;
	[tilespmem:$0x1B000] =	vst v63  }
0x3f: {  	_ = 	snop  }
0x40: {  	[tilespmem:s23], [sflag:$0x3] =	stream.indirect.gather [hbm4b:s1+s19], $0x40, s26, s19, $0xb8;
	[tilespmem:$0x1B000] =	vst v63  }
0x41: {  	s16 =	simm.s32 $0x180  }
0x42: {  	[tilespmem:s25], [sflag:$0x4] =	stream.indirect.gather [hbm4b:s1+s19], $0x40, s16, s19, $0xb8;
	[tilespmem:$0x1B000] =	vst v63  }
0x43: {  	s22 =	simm.s32 $0x200  }
0x44: {  	[tilespmem:s28], [sflag:$0x5] =	stream.indirect.gather [hbm4b:s1+s19], $0x40, s22, s19, $0xb8;
	[tilespmem:$0x1B000] =	vst v63  }
0x45: {  	_ =	swait.ge [sflag:s29], $0x2000  }
0x46: {  	[sflag:s29] =	ssyncset.done $0x0  }
0x47: {  	s24 =	simm.s32 $0x2800;
	[sflag:s29] =	ssyncadd.s32 $0xFFFFE000  }
0x48: {  	[spmem:s2] =	stream.indirect.scatter.add.f32 [tilespmem:s20], [sflag:$0x6], $0x40, s24, s19, $0xb8;
	[tilespmem:$0x1B000] =	vst v63  }
0x49: {  	_ =	swait.ge [sflag:s15], $0x2000  }
0x4a: {  	[sflag:s15] =	ssyncset.done $0x0  }
0x4b: {  	s4 =	simm.s32 $0x280;
	[sflag:s15] =	ssyncadd.s32 $0xFFFFE000  }
0x4c: {  	[tilespmem:s20], [sflag:$0x1] =	stream.indirect.gather [hbm4b:s1+s19], $0x40, s4, s19, $0xb8;
	[tilespmem:$0x1B000] =	vst v63  }
0x4d: {  	_ =	swait.ge [sflag:s30], $0x2000  }
0x4e: {  	[sflag:s30] =	ssyncset.done $0x0  }
0x4f: {  	s16 =	simm.s32 $0x2880;
	[sflag:s30] =	ssyncadd.s32 $0xFFFFE000  }
0x50: {  	[spmem:s2] =	stream.indirect.scatter.add.f32 [tilespmem:s21], [sflag:$0x6], $0x40, s16, s19, $0xb8;
	[tilespmem:$0x1B000] =	vst v63  }
0x51: {  	_ =	swait.ge [sflag:s15], $0x2000  }
0x52: {  	[sflag:s15] =	ssyncset.done $0x0  }
0x53: {  	s22 =	simm.s32 $0x300;
	[sflag:s15] =	ssyncadd.s32 $0xFFFFE000  }
0x54: {  	[tilespmem:s21], [sflag:$0x2] =	stream.indirect.gather [hbm4b:s1+s19], $0x40, s22, s19, $0xb8;
	[tilespmem:$0x1B000] =	vst v63  }
0x55: {  	_ =	swait.ge [sflag:s31], $0x2000  }
0x56: {  	[sflag:s31] =	ssyncset.done $0x0  }
0x57: {  	s24 =	simm.s32 $0x2900;
	[sflag:s31] =	ssyncadd.s32 $0xFFFFE000  }
0x58: {  	[spmem:s2] =	stream.indirect.scatter.add.f32 [tilespmem:s23], [sflag:$0x6], $0x40, s24, s19, $0xb8;
	[tilespmem:$0x1B000] =	vst v63  }
0x59: {  	_ =	swait.ge [sflag:s15], $0x2000  }
0x5a: {  	[sflag:s15] =	ssyncset.done $0x0  }
0x5b: {  	s4 =	simm.s32 $0x380;
	[sflag:s15] =	ssyncadd.s32 $0xFFFFE000  }
0x5c: {  	[tilespmem:s23], [sflag:$0x3] =	stream.indirect.gather [hbm4b:s1+s19], $0x40, s4, s19, $0xb8;
	[tilespmem:$0x1B000] =	vst v63  }
0x5d: {  	_ =	swait.ge [sflag:s0], $0x2000  }
0x5e: {  	[sflag:s0] =	ssyncset.done $0x0  }
0x5f: {  	s16 =	simm.s32 $0x2980;
	[sflag:s0] =	ssyncadd.s32 $0xFFFFE000  }
0x60: {  	[spmem:s2] =	stream.indirect.scatter.add.f32 [tilespmem:s25], [sflag:$0x6], $0x40, s16, s19, $0xb8;
	[tilespmem:$0x1B000] =	vst v63  }
0x61: {  	_ =	swait.ge [sflag:s15], $0x2000  }
0x62: {  	[sflag:s15] =	ssyncset.done $0x0  }
0x63: {  	s22 =	simm.s32 $0x400;
	[sflag:s15] =	ssyncadd.s32 $0xFFFFE000  }
0x64: {  	[tilespmem:s25], [sflag:$0x4] =	stream.indirect.gather [hbm4b:s1+s19], $0x40, s22, s19, $0xb8;
	[tilespmem:$0x1B000] =	vst v63  }
0x65: {  	_ =	swait.ge [sflag:s17], $0x2000  }
0x66: {  	[sflag:s17] =	ssyncset.done $0x0  }
0x67: {  	s24 =	simm.s32 $0x2A00;
	[sflag:s17] =	ssyncadd.s32 $0xFFFFE000  }
0x68: {  	[spmem:s2] =	stream.indirect.scatter.add.f32 [tilespmem:s28], [sflag:$0x6], $0x40, s24, s19, $0xb8;
	[tilespmem:$0x1B000] =	vst v63  }
0x69: {  	_ =	swait.ge [sflag:s15], $0x2000  }
0x6a: {  	[sflag:s15] =	ssyncset.done $0x0  }
0x6b: {  	s3 =	simm.s32 $0x480;
	s16 =	simm.s32 $0xA00;
	[sflag:s15] =	ssyncadd.s32 $0xFFFFE000  }
.LBB2_4:
0x6c: {  	[tilespmem:s28], [sflag:$0x5] =	stream.indirect.gather [hbm4b:s1+s19], $0x40, s3, s19, $0xb8;
	[tilespmem:$0x1B000] =	vst v63  }
0x6d: {  	s3 =	smov.u32 s16  }
0x6e: {  	p0 =	sne.s32 s16, $0x8C00;
	s16 =	sadd.s32 $0xA00, s16;
	_ =	swait.ge [sflag:s29], $0x2000  }
0x6f: {  	s22 =	sshra.s32 s3, $0x2;
	[sflag:s29] =	ssyncset.done $0x0  }
0x70: {  	s3 =	sadd.s32 $0x2800, s22;
	[sflag:s29] =	ssyncadd.s32 $0xFFFFE000  }
0x71: {  	[spmem:s2] =	stream.indirect.scatter.add.f32 [tilespmem:s20], [sflag:$0x6], $0x40, s3, s19, $0xb8;
	[tilespmem:$0x1B000] =	vst v63  }
0x72: {  	_ =	swait.ge [sflag:s15], $0x2000  }
0x73: {  	[sflag:s15] =	ssyncset.done $0x0  }
0x74: {  	s3 =	sadd.s32 $0x280, s22;
	[sflag:s15] =	ssyncadd.s32 $0xFFFFE000  }
0x75: {  	[tilespmem:s20], [sflag:$0x1] =	stream.indirect.gather [hbm4b:s1+s19], $0x40, s3, s19, $0xb8;
	[tilespmem:$0x1B000] =	vst v63  }
0x76: {  	_ =	swait.ge [sflag:s30], $0x2000  }
0x77: {  	[sflag:s30] =	ssyncset.done $0x0  }
0x78: {  	s3 =	sadd.s32 $0x2880, s22;
	[sflag:s30] =	ssyncadd.s32 $0xFFFFE000  }
0x79: {  	[spmem:s2] =	stream.indirect.scatter.add.f32 [tilespmem:s21], [sflag:$0x6], $0x40, s3, s19, $0xb8;
	[tilespmem:$0x1B000] =	vst v63  }
0x7a: {  	_ =	swait.ge [sflag:s15], $0x2000  }
0x7b: {  	[sflag:s15] =	ssyncset.done $0x0  }
0x7c: {  	s3 =	sadd.s32 $0x300, s22;
	[sflag:s15] =	ssyncadd.s32 $0xFFFFE000  }
0x7d: {  	[tilespmem:s21], [sflag:$0x2] =	stream.indirect.gather [hbm4b:s1+s19], $0x40, s3, s19, $0xb8;
	[tilespmem:$0x1B000] =	vst v63  }
0x7e: {  	_ =	swait.ge [sflag:s31], $0x2000  }
0x7f: {  	[sflag:s31] =	ssyncset.done $0x0  }
0x80: {  	s3 =	sadd.s32 $0x2900, s22;
	[sflag:s31] =	ssyncadd.s32 $0xFFFFE000  }
0x81: {  	[spmem:s2] =	stream.indirect.scatter.add.f32 [tilespmem:s23], [sflag:$0x6], $0x40, s3, s19, $0xb8;
	[tilespmem:$0x1B000] =	vst v63  }
0x82: {  	_ =	swait.ge [sflag:s15], $0x2000  }
0x83: {  	[sflag:s15] =	ssyncset.done $0x0  }
0x84: {  	s3 =	sadd.s32 $0x380, s22;
	[sflag:s15] =	ssyncadd.s32 $0xFFFFE000  }
0x85: {  	[tilespmem:s23], [sflag:$0x3] =	stream.indirect.gather [hbm4b:s1+s19], $0x40, s3, s19, $0xb8;
	[tilespmem:$0x1B000] =	vst v63  }
0x86: {  	_ =	swait.ge [sflag:s0], $0x2000  }
0x87: {  	[sflag:s0] =	ssyncset.done $0x0  }
0x88: {  	s3 =	sadd.s32 $0x2980, s22;
	[sflag:s0] =	ssyncadd.s32 $0xFFFFE000  }
0x89: {  	[spmem:s2] =	stream.indirect.scatter.add.f32 [tilespmem:s25], [sflag:$0x6], $0x40, s3, s19, $0xb8;
	[tilespmem:$0x1B000] =	vst v63  }
0x8a: {  	_ =	swait.ge [sflag:s15], $0x2000  }
0x8b: {  	[sflag:s15] =	ssyncset.done $0x0  }
0x8c: {  	s3 =	sadd.s32 $0x400, s22;
	[sflag:s15] =	ssyncadd.s32 $0xFFFFE000  }
0x8d: {  	[tilespmem:s25], [sflag:$0x4] =	stream.indirect.gather [hbm4b:s1+s19], $0x40, s3, s19, $0xb8;
	[tilespmem:$0x1B000] =	vst v63  }
0x8e: {  	_ =	swait.ge [sflag:s17], $0x2000  }
0x8f: {  	[sflag:s17] =	ssyncset.done $0x0  }
.Ltmp1:
0x90: {  	s3 =	sadd.s32 $0x2A00, s22;
	[sflag:s17] =	ssyncadd.s32 $0xFFFFE000;
	(pc) =	sbr.rel @p0 .LBB2_4-.Ltmp1, $4  }
0x91: {  	[spmem:s2] =	stream.indirect.scatter.add.f32 [tilespmem:s28], [sflag:$0x6], $0x40, s3, s19, $0xb8;
	[tilespmem:$0x1B000] =	vst v63  }
0x92: {  	_ =	swait.ge [sflag:s15], $0x2000  }
0x93: {  	[sflag:s15] =	ssyncset.done $0x0  }
0x94: {  	s3 =	sadd.s32 $0x480, s22;
	[sflag:s15] =	ssyncadd.s32 $0xFFFFE000  }
0x95: {  	[tilespmem:s28], [sflag:$0x5] =	stream.indirect.gather [hbm4b:s1+s19], $0x40, s3, s19, $0xb8;
	[tilespmem:$0x1B000] =	vst v63  }
0x96: {  	_ =	swait.ge [sflag:s29], $0x2000  }
0x97: {  	[sflag:s29] =	ssyncset.done $0x0  }
0x98: {  	s16 =	simm.s32 $0x4D80;
	[sflag:s29] =	ssyncadd.s32 $0xFFFFE000  }
0x99: {  	[spmem:s2] =	stream.indirect.scatter.add.f32 [tilespmem:s20], [sflag:$0x6], $0x40, s16, s19, $0xb8;
	[tilespmem:$0x1B000] =	vst v63  }
0x9a: {  	_ =	swait.ge [sflag:s15], $0x2000  }
0x9b: {  	[sflag:s15] =	ssyncset.done $0x0  }
0x9c: {  	[sflag:s15] =	ssyncadd.s32 $0xFFFFE000  }
0x9d: {  	_ =	swait.ge [sflag:s30], $0x2000  }
0x9e: {  	[sflag:s30] =	ssyncset.done $0x0  }
0x9f: {  	s22 =	simm.s32 $0x4E00;
	[sflag:s30] =	ssyncadd.s32 $0xFFFFE000  }
0xa0: {  	[spmem:s2] =	stream.indirect.scatter.add.f32 [tilespmem:s21], [sflag:$0x6], $0x40, s22, s19, $0xb8;
	[tilespmem:$0x1B000] =	vst v63  }
0xa1: {  	_ =	swait.ge [sflag:s15], $0x2000  }
0xa2: {  	[sflag:s15] =	ssyncset.done $0x0  }
0xa3: {  	[sflag:s15] =	ssyncadd.s32 $0xFFFFE000  }
0xa4: {  	_ =	swait.ge [sflag:s31], $0x2000  }
0xa5: {  	[sflag:s31] =	ssyncset.done $0x0  }
0xa6: {  	[sflag:s31] =	ssyncadd.s32 $0xFFFFE000  }
0xa7: {  	[spmem:s2] =	stream.indirect.scatter.add.f32 [tilespmem:s23], [sflag:$0x6], $0x40, s5, s19, $0xb8;
	[tilespmem:$0x1B000] =	vst v63  }
0xa8: {  	_ =	swait.ge [sflag:s15], $0x2000  }
0xa9: {  	[sflag:s15] =	ssyncset.done $0x0  }
0xaa: {  	[sflag:s15] =	ssyncadd.s32 $0xFFFFE000  }
0xab: {  	_ =	swait.ge [sflag:s0], $0x2000  }
0xac: {  	[sflag:s0] =	ssyncset.done $0x0  }
0xad: {  	[sflag:s0] =	ssyncadd.s32 $0xFFFFE000  }
0xae: {  	[spmem:s2] =	stream.indirect.scatter.add.f32 [tilespmem:s25], [sflag:$0x6], $0x40, s11, s19, $0xb8;
	[tilespmem:$0x1B000] =	vst v63  }
0xaf: {  	_ =	swait.ge [sflag:s15], $0x2000  }
0xb0: {  	[sflag:s15] =	ssyncset.done $0x0  }
0xb1: {  	[sflag:s15] =	ssyncadd.s32 $0xFFFFE000  }
0xb2: {  	_ =	swait.ge [sflag:s17], $0x2000  }
0xb3: {  	[sflag:s17] =	ssyncset.done $0x0  }
0xb4: {  	[sflag:s17] =	ssyncadd.s32 $0xFFFFE000  }
0xb5: {  	[spmem:s2] =	stream.indirect.scatter.add.f32 [tilespmem:s28], [sflag:$0x6], $0x40, s12, s19, $0xb8;
	[tilespmem:$0x1B000] =	vst v63  }
0xb6: {  	_ =	swait.ge [sflag:s15], $0x2000  }
0xb7: {  	[sflag:s15] =	ssyncset.done $0x0  }
0xb8: {  	[sflag:s15] =	ssyncadd.s32 $0xFFFFE000  }
0xb9: {  	[bflag:$0x0] =	sbarrier.arrive $0xFFFF  }
0xba: {  	s24 =	stileid.u32;
	s4 =	rddreg [dreg:$0x5]  }
0xbb: {  	s3 =	sshll.u32 s24, $0x6;
	s16 =	rddreg [dreg:$0x6]  }
0xbc: {  	s24 =	sshrl.u32 s6, $0x3;
	s22 =	sor.u32 $0x1C06, s3;
	s16 =	sadd.s32 s16, s4  }
0xbd: {  	[hbm:s16], [sflag:s22] =	dma.local [spmem:s24], $0x1400  }
0xbe: {  	_ =	swait.ge [sflag:s15], $0x1400  }
0xbf: {  	[sflag:s15] =	ssyncset.done $0x0  }
0xc0: {  	[sflag:s15] =	ssyncadd.s32 $0xFFFFEC00  }
0xc1: {  	[spmem:s6] =	stream.linear.scatter [tilespmem:s18], [sflag:$0x6], $0x2000, $0x38;
	[tilespmem:$0x1B000] =	vst v63  }
0xc2: {  	_ =	swait.ge [sflag:s15], $0x2000  }
0xc3: {  	[sflag:s15] =	ssyncset.done $0x0  }
0xc4: {  	[sflag:s15] =	ssyncadd.s32 $0xFFFFE000  }
0xc5: {  	[spmem:s7] =	stream.linear.scatter [tilespmem:s18], [sflag:$0x6], $0x2000, $0x38;
	[tilespmem:$0x1B000] =	vst v63  }
0xc6: {  	_ =	swait.ge [sflag:s15], $0x2000  }
0xc7: {  	[sflag:s15] =	ssyncset.done $0x0  }
0xc8: {  	[sflag:s15] =	ssyncadd.s32 $0xFFFFE000  }
0xc9: {  	[spmem:s8] =	stream.linear.scatter [tilespmem:s18], [sflag:$0x6], $0x2000, $0x38;
	[tilespmem:$0x1B000] =	vst v63  }
0xca: {  	_ =	swait.ge [sflag:s15], $0x2000  }
0xcb: {  	[sflag:s15] =	ssyncset.done $0x0  }
0xcc: {  	[sflag:s15] =	ssyncadd.s32 $0xFFFFE000  }
0xcd: {  	[spmem:s9] =	stream.linear.scatter [tilespmem:s18], [sflag:$0x6], $0x2000, $0x38;
	[tilespmem:$0x1B000] =	vst v63  }
0xce: {  	_ =	swait.ge [sflag:s15], $0x2000  }
0xcf: {  	[sflag:s15] =	ssyncset.done $0x0  }
0xd0: {  	[sflag:s15] =	ssyncadd.s32 $0xFFFFE000  }
0xd1: {  	[spmem:s10] =	stream.linear.scatter [tilespmem:s18], [sflag:$0x6], $0x2000, $0x38;
	[tilespmem:$0x1B000] =	vst v63  }
0xd2: {  	_ =	swait.ge [sflag:s15], $0x2000  }
0xd3: {  	[sflag:s15] =	ssyncset.done $0x0  }
0xd4: {  	[sflag:s15] =	ssyncadd.s32 $0xFFFFE000  }
0xd5: {  	s4 =	simm.s32 $0x0;
	[bflag:$0x0] =	sbarrier.arrive $0xFFFF  }
0xd6: {  	[tilespmem:s20], [sflag:$0x1] =	stream.indirect.gather [hbm4b:s13+s19], $0x40, s4, s19, $0xb8;
	[tilespmem:$0x1B000] =	vst v63  }
0xd7: {  	_ = 	snop  }
0xd8: {  	[tilespmem:s21], [sflag:$0x2] =	stream.indirect.gather [hbm4b:s13+s19], $0x40, s19, s19, $0xb8;
	[tilespmem:$0x1B000] =	vst v63  }
0xd9: {  	_ = 	snop  }
0xda: {  	[tilespmem:s23], [sflag:$0x3] =	stream.indirect.gather [hbm4b:s13+s19], $0x40, s26, s19, $0xb8;
	[tilespmem:$0x1B000] =	vst v63  }
0xdb: {  	s26 =	simm.s32 $0x180  }
0xdc: {  	[tilespmem:s25], [sflag:$0x4] =	stream.indirect.gather [hbm4b:s13+s19], $0x40, s26, s19, $0xb8;
	[tilespmem:$0x1B000] =	vst v63  }
0xdd: {  	s4 =	simm.s32 $0x200  }
0xde: {  	[tilespmem:s28], [sflag:$0x5] =	stream.indirect.gather [hbm4b:s13+s19], $0x40, s4, s19, $0xb8;
	[tilespmem:$0x1B000] =	vst v63  }
0xdf: {  	_ =	swait.ge [sflag:s29], $0x2000  }
0xe0: {  	[sflag:s29] =	ssyncset.done $0x0  }
0xe1: {  	s26 =	simm.s32 $0x2800;
	[sflag:s29] =	ssyncadd.s32 $0xFFFFE000  }
0xe2: {  	[spmem:s2] =	stream.indirect.scatter.add.f32 [tilespmem:s20], [sflag:$0x6], $0x40, s26, s19, $0xb8;
	[tilespmem:$0x1B000] =	vst v63  }
0xe3: {  	_ =	swait.ge [sflag:s15], $0x2000  }
0xe4: {  	[sflag:s15] =	ssyncset.done $0x0  }
0xe5: {  	s4 =	simm.s32 $0x280;
	[sflag:s15] =	ssyncadd.s32 $0xFFFFE000  }
0xe6: {  	[tilespmem:s20], [sflag:$0x1] =	stream.indirect.gather [hbm4b:s13+s19], $0x40, s4, s19, $0xb8;
	[tilespmem:$0x1B000] =	vst v63  }
0xe7: {  	_ =	swait.ge [sflag:s30], $0x2000  }
0xe8: {  	[sflag:s30] =	ssyncset.done $0x0  }
0xe9: {  	s26 =	simm.s32 $0x2880;
	[sflag:s30] =	ssyncadd.s32 $0xFFFFE000  }
0xea: {  	[spmem:s2] =	stream.indirect.scatter.add.f32 [tilespmem:s21], [sflag:$0x6], $0x40, s26, s19, $0xb8;
	[tilespmem:$0x1B000] =	vst v63  }
0xeb: {  	_ =	swait.ge [sflag:s15], $0x2000  }
0xec: {  	[sflag:s15] =	ssyncset.done $0x0  }
0xed: {  	s4 =	simm.s32 $0x300;
	[sflag:s15] =	ssyncadd.s32 $0xFFFFE000  }
0xee: {  	[tilespmem:s21], [sflag:$0x2] =	stream.indirect.gather [hbm4b:s13+s19], $0x40, s4, s19, $0xb8;
	[tilespmem:$0x1B000] =	vst v63  }
0xef: {  	_ =	swait.ge [sflag:s31], $0x2000  }
0xf0: {  	[sflag:s31] =	ssyncset.done $0x0  }
0xf1: {  	s26 =	simm.s32 $0x2900;
	[sflag:s31] =	ssyncadd.s32 $0xFFFFE000  }
0xf2: {  	[spmem:s2] =	stream.indirect.scatter.add.f32 [tilespmem:s23], [sflag:$0x6], $0x40, s26, s19, $0xb8;
	[tilespmem:$0x1B000] =	vst v63  }
0xf3: {  	_ =	swait.ge [sflag:s15], $0x2000  }
0xf4: {  	[sflag:s15] =	ssyncset.done $0x0  }
0xf5: {  	s4 =	simm.s32 $0x380;
	[sflag:s15] =	ssyncadd.s32 $0xFFFFE000  }
0xf6: {  	[tilespmem:s23], [sflag:$0x3] =	stream.indirect.gather [hbm4b:s13+s19], $0x40, s4, s19, $0xb8;
	[tilespmem:$0x1B000] =	vst v63  }
0xf7: {  	_ =	swait.ge [sflag:s0], $0x2000  }
0xf8: {  	[sflag:s0] =	ssyncset.done $0x0  }
0xf9: {  	s26 =	simm.s32 $0x2980;
	[sflag:s0] =	ssyncadd.s32 $0xFFFFE000  }
0xfa: {  	[spmem:s2] =	stream.indirect.scatter.add.f32 [tilespmem:s25], [sflag:$0x6], $0x40, s26, s19, $0xb8;
	[tilespmem:$0x1B000] =	vst v63  }
0xfb: {  	_ =	swait.ge [sflag:s15], $0x2000  }
0xfc: {  	[sflag:s15] =	ssyncset.done $0x0  }
0xfd: {  	s4 =	simm.s32 $0x400;
	[sflag:s15] =	ssyncadd.s32 $0xFFFFE000  }
0xfe: {  	[tilespmem:s25], [sflag:$0x4] =	stream.indirect.gather [hbm4b:s13+s19], $0x40, s4, s19, $0xb8;
	[tilespmem:$0x1B000] =	vst v63  }
0xff: {  	_ =	swait.ge [sflag:s17], $0x2000  }
0x100: {  	[sflag:s17] =	ssyncset.done $0x0  }
0x101: {  	s26 =	simm.s32 $0x2A00;
	[sflag:s17] =	ssyncadd.s32 $0xFFFFE000  }
0x102: {  	[spmem:s2] =	stream.indirect.scatter.add.f32 [tilespmem:s28], [sflag:$0x6], $0x40, s26, s19, $0xb8;
	[tilespmem:$0x1B000] =	vst v63  }
0x103: {  	_ =	swait.ge [sflag:s15], $0x2000  }
0x104: {  	[sflag:s15] =	ssyncset.done $0x0  }
0x105: {  	s3 =	simm.s32 $0x480;
	s26 =	simm.s32 $0xA00;
	[sflag:s15] =	ssyncadd.s32 $0xFFFFE000  }
.LBB2_6:
0x106: {  	[tilespmem:s28], [sflag:$0x5] =	stream.indirect.gather [hbm4b:s13+s19], $0x40, s3, s19, $0xb8;
	[tilespmem:$0x1B000] =	vst v63  }
0x107: {  	s3 =	smov.u32 s26  }
0x108: {  	p0 =	sne.s32 s26, $0x8C00;
	s26 =	sadd.s32 $0xA00, s26;
	_ =	swait.ge [sflag:s29], $0x2000  }
0x109: {  	s3 =	sshra.s32 s3, $0x2;
	[sflag:s29] =	ssyncset.done $0x0  }
0x10a: {  	s4 =	sadd.s32 $0x2800, s3;
	[sflag:s29] =	ssyncadd.s32 $0xFFFFE000  }
0x10b: {  	[spmem:s2] =	stream.indirect.scatter.add.f32 [tilespmem:s20], [sflag:$0x6], $0x40, s4, s19, $0xb8;
	[tilespmem:$0x1B000] =	vst v63  }
0x10c: {  	_ =	swait.ge [sflag:s15], $0x2000  }
0x10d: {  	[sflag:s15] =	ssyncset.done $0x0  }
0x10e: {  	s4 =	sadd.s32 $0x280, s3;
	[sflag:s15] =	ssyncadd.s32 $0xFFFFE000  }
0x10f: {  	[tilespmem:s20], [sflag:$0x1] =	stream.indirect.gather [hbm4b:s13+s19], $0x40, s4, s19, $0xb8;
	[tilespmem:$0x1B000] =	vst v63  }
0x110: {  	_ =	swait.ge [sflag:s30], $0x2000  }
0x111: {  	[sflag:s30] =	ssyncset.done $0x0  }
0x112: {  	s4 =	sadd.s32 $0x2880, s3;
	[sflag:s30] =	ssyncadd.s32 $0xFFFFE000  }
0x113: {  	[spmem:s2] =	stream.indirect.scatter.add.f32 [tilespmem:s21], [sflag:$0x6], $0x40, s4, s19, $0xb8;
	[tilespmem:$0x1B000] =	vst v63  }
0x114: {  	_ =	swait.ge [sflag:s15], $0x2000  }
0x115: {  	[sflag:s15] =	ssyncset.done $0x0  }
0x116: {  	s4 =	sadd.s32 $0x300, s3;
	[sflag:s15] =	ssyncadd.s32 $0xFFFFE000  }
0x117: {  	[tilespmem:s21], [sflag:$0x2] =	stream.indirect.gather [hbm4b:s13+s19], $0x40, s4, s19, $0xb8;
	[tilespmem:$0x1B000] =	vst v63  }
0x118: {  	_ =	swait.ge [sflag:s31], $0x2000  }
0x119: {  	[sflag:s31] =	ssyncset.done $0x0  }
0x11a: {  	s4 =	sadd.s32 $0x2900, s3;
	[sflag:s31] =	ssyncadd.s32 $0xFFFFE000  }
0x11b: {  	[spmem:s2] =	stream.indirect.scatter.add.f32 [tilespmem:s23], [sflag:$0x6], $0x40, s4, s19, $0xb8;
	[tilespmem:$0x1B000] =	vst v63  }
0x11c: {  	_ =	swait.ge [sflag:s15], $0x2000  }
0x11d: {  	[sflag:s15] =	ssyncset.done $0x0  }
0x11e: {  	s4 =	sadd.s32 $0x380, s3;
	[sflag:s15] =	ssyncadd.s32 $0xFFFFE000  }
0x11f: {  	[tilespmem:s23], [sflag:$0x3] =	stream.indirect.gather [hbm4b:s13+s19], $0x40, s4, s19, $0xb8;
	[tilespmem:$0x1B000] =	vst v63  }
0x120: {  	_ =	swait.ge [sflag:s0], $0x2000  }
0x121: {  	[sflag:s0] =	ssyncset.done $0x0  }
0x122: {  	s4 =	sadd.s32 $0x2980, s3;
	[sflag:s0] =	ssyncadd.s32 $0xFFFFE000  }
0x123: {  	[spmem:s2] =	stream.indirect.scatter.add.f32 [tilespmem:s25], [sflag:$0x6], $0x40, s4, s19, $0xb8;
	[tilespmem:$0x1B000] =	vst v63  }
0x124: {  	_ =	swait.ge [sflag:s15], $0x2000  }
0x125: {  	[sflag:s15] =	ssyncset.done $0x0  }
0x126: {  	s4 =	sadd.s32 $0x400, s3;
	[sflag:s15] =	ssyncadd.s32 $0xFFFFE000  }
0x127: {  	[tilespmem:s25], [sflag:$0x4] =	stream.indirect.gather [hbm4b:s13+s19], $0x40, s4, s19, $0xb8;
	[tilespmem:$0x1B000] =	vst v63  }
0x128: {  	_ =	swait.ge [sflag:s17], $0x2000  }
0x129: {  	[sflag:s17] =	ssyncset.done $0x0  }
.Ltmp2:
0x12a: {  	s4 =	sadd.s32 $0x2A00, s3;
	[sflag:s17] =	ssyncadd.s32 $0xFFFFE000;
	(pc) =	sbr.rel @p0 .LBB2_6-.Ltmp2, $4  }
0x12b: {  	[spmem:s2] =	stream.indirect.scatter.add.f32 [tilespmem:s28], [sflag:$0x6], $0x40, s4, s19, $0xb8;
	[tilespmem:$0x1B000] =	vst v63  }
0x12c: {  	_ =	swait.ge [sflag:s15], $0x2000  }
0x12d: {  	[sflag:s15] =	ssyncset.done $0x0  }
0x12e: {  	s3 =	sadd.s32 $0x480, s3;
	[sflag:s15] =	ssyncadd.s32 $0xFFFFE000  }
0x12f: {  	[tilespmem:s28], [sflag:$0x5] =	stream.indirect.gather [hbm4b:s13+s19], $0x40, s3, s19, $0xb8;
	[tilespmem:$0x1B000] =	vst v63  }
0x130: {  	_ =	swait.ge [sflag:s29], $0x2000  }
0x131: {  	[sflag:s29] =	ssyncset.done $0x0  }
0x132: {  	s26 =	simm.s32 $0x4D80;
	[sflag:s29] =	ssyncadd.s32 $0xFFFFE000  }
0x133: {  	[spmem:s2] =	stream.indirect.scatter.add.f32 [tilespmem:s20], [sflag:$0x6], $0x40, s26, s19, $0xb8;
	[tilespmem:$0x1B000] =	vst v63  }
0x134: {  	_ =	swait.ge [sflag:s15], $0x2000  }
0x135: {  	[sflag:s15] =	ssyncset.done $0x0  }
0x136: {  	[sflag:s15] =	ssyncadd.s32 $0xFFFFE000  }
0x137: {  	_ =	swait.ge [sflag:s30], $0x2000  }
0x138: {  	[sflag:s30] =	ssyncset.done $0x0  }
0x139: {  	s4 =	simm.s32 $0x4E00;
	[sflag:s30] =	ssyncadd.s32 $0xFFFFE000  }
0x13a: {  	[spmem:s2] =	stream.indirect.scatter.add.f32 [tilespmem:s21], [sflag:$0x6], $0x40, s4, s19, $0xb8;
	[tilespmem:$0x1B000] =	vst v63  }
0x13b: {  	_ =	swait.ge [sflag:s15], $0x2000  }
0x13c: {  	[sflag:s15] =	ssyncset.done $0x0  }
0x13d: {  	[sflag:s15] =	ssyncadd.s32 $0xFFFFE000  }
0x13e: {  	_ =	swait.ge [sflag:s31], $0x2000  }
0x13f: {  	[sflag:s31] =	ssyncset.done $0x0  }
0x140: {  	[sflag:s31] =	ssyncadd.s32 $0xFFFFE000  }
0x141: {  	[spmem:s2] =	stream.indirect.scatter.add.f32 [tilespmem:s23], [sflag:$0x6], $0x40, s5, s19, $0xb8;
	[tilespmem:$0x1B000] =	vst v63  }
0x142: {  	_ =	swait.ge [sflag:s15], $0x2000  }
0x143: {  	[sflag:s15] =	ssyncset.done $0x0  }
0x144: {  	[sflag:s15] =	ssyncadd.s32 $0xFFFFE000  }
0x145: {  	_ =	swait.ge [sflag:s0], $0x2000  }
0x146: {  	[sflag:s0] =	ssyncset.done $0x0  }
0x147: {  	[sflag:s0] =	ssyncadd.s32 $0xFFFFE000  }
0x148: {  	[spmem:s2] =	stream.indirect.scatter.add.f32 [tilespmem:s25], [sflag:$0x6], $0x40, s11, s19, $0xb8;
	[tilespmem:$0x1B000] =	vst v63  }
0x149: {  	_ =	swait.ge [sflag:s15], $0x2000  }
0x14a: {  	[sflag:s15] =	ssyncset.done $0x0  }
0x14b: {  	[sflag:s15] =	ssyncadd.s32 $0xFFFFE000  }
0x14c: {  	_ =	swait.ge [sflag:s17], $0x2000  }
0x14d: {  	[sflag:s17] =	ssyncset.done $0x0  }
0x14e: {  	[sflag:s17] =	ssyncadd.s32 $0xFFFFE000  }
0x14f: {  	[spmem:s2] =	stream.indirect.scatter.add.f32 [tilespmem:s28], [sflag:$0x6], $0x40, s12, s19, $0xb8;
	[tilespmem:$0x1B000] =	vst v63  }
0x150: {  	_ =	swait.ge [sflag:s15], $0x2000  }
0x151: {  	[sflag:s15] =	ssyncset.done $0x0  }
0x152: {  	[sflag:s15] =	ssyncadd.s32 $0xFFFFE000  }
0x153: {  	s16 =	sadd.s32 $0x14000, s16;
	[bflag:$0x0] =	sbarrier.arrive $0xFFFF  }
0x154: {  	[hbm:s16], [sflag:s22] =	dma.local [spmem:s24], $0x1400  }
0x155: {  	_ =	swait.ge [sflag:s15], $0x1400  }
0x156: {  	s14 =	sadd.s32 $0x1, s14;
	s26 =	rddreg [dreg:$0x7]  }
0x157: {  	p0 =	sne.s32 s14, s26  }
.Ltmp3:
0x158: {  	_ = 	snop;
	(pc) =	sbr.rel @p0 .LBB2_1-.Ltmp3, $3  }
0x159: {  	_ =	sdelay $0x1  }
0x15a: {  	[sflag:s15] =	ssyncset.done $0x0  }
0x15b: {  	[sflag:s15] =	ssyncadd.s32 $0xFFFFEC00;
	s26 =	simm.s32 $0x100  }
0x15c: {  	_ =	sfence.sel $0x180000  }
0x15d: {  	[bflag:$0x0] =	sbarrier.arrive $0xFFFF  }
0x15e: {  	_ =	strace $0x9000004D  }
0x15f: {  	s0 =	stileid.u32;
	[bflag:$0x2] =	sbarrier.arrive $0xFFFF  }
0x160: {  	p0 =	sne.s32 s0, $0x0;
	s0 =	rddreg [dreg:$0x3]  }
0x161: {  	s0 =	sadd.s32 @!p0 $0x100000, s0  }
0x162: {  	[sflag:s0] =	ssyncadd.tile.s32 @!p0 $0x1;
	_ =	shalt  }
.Lfunc_end2:
_tile_overlayer_lowered:
.L_overlay_start_2:
0x163: {  	(tag) =	ssettag $0x2  }
0x164: {  	s0 =	rddreg [dreg:$0x0];
	s2 =	stileid.u32  }
0x165: {  	s1 =	rddreg [dreg:$0x1];
	p0 =	sne.s32 s2, $0x0  }
0x166: {  	s3 =	rddreg [dreg:$0x2];
	[bflag:$0x3] =	sbarrier.arrive $0xFFFF;
	s2 =	simm.s32 @!p0 $0x1C06  }
0x167: {  	[timem:s3], [sflag:s2] =	dma.local @!p0 [hbm:s0], s1  }
0x168: {  	s0 =	simm.s32 @!p0 $0x6  }
0x169: {  	_ =	swait.ge @!p0 [sflag:s0], s1  }
0x16a: {  	s1 =	ssub.s32 @!p0 $0x0, s1;
	[sflag:s0] =	ssyncset.done @!p0 $0x0  }
0x16b: {  	[sflag:s0] =	ssyncadd.s32 @!p0 s1  }
0x16c: {  	[bflag:$0x3] =	sbarrier.arrive $0xFFFF  }
0x16d: {  	_ =	shalt  }

// kernel: kernel.19.cloned.1.call-start
scs
__scs_entry_jumppad:
0x0: {  	(pc) =	sbr.rel $0x88, $3  }
0x1: {  	(tag) =	ssettag $0x0;
	lr =	simm.s32 $0x1  }
0x2: {  	[smem:$0x3F99] =	sst lr;
	_ =	strace $0xD0000000  }
0x3: {  	_ = 	snop  }
0x4: {  	_ = 	snop  }
0x5: {  	_ = 	snop  }
0x6: {  	_ = 	snop  }
0x7: {  	_ = 	snop  }
__scs_overlays_trampoline_lowered:
0x8: {  	[smem:$0x3FA8] =	sst s0  }
0x9: {  	[smem:$0x3FA9] =	sst s1  }
0xa: {  	[smem:$0x3FAA] =	sst s2  }
0xb: {  	[smem:$0x3FAB] =	sst s3  }
0xc: {  	[smem:$0x3FAC] =	sst s4  }
0xd: {  	[smem:$0x3FAD] =	sst s5  }
0xe: {  	[smem:$0x3FAE] =	sst s6  }
0xf: {  	[smem:$0x3FAF] =	sst s7  }
0x10: {  	[smem:$0x3FB0] =	sst s8  }
0x11: {  	[smem:$0x3FB1] =	sst s9;
	s0 =	simm.s32 @!p0 $0x0  }
0x12: {  	s1 =	sld [smem:$0x3F97];
	s0 =	simm.s32 @p0 $0x1  }
0x13: {  	[smem:$0x3FB2] =	sst s0;
	s0 =	simm.s32 @!p1 $0x0  }
0x14: {  	s2 =	sld [smem:$0x3F96];
	s0 =	simm.s32 @p1 $0x1  }
0x15: {  	[smem:$0x3FB3] =	sst s0;
	s0 =	simm.s32 @!p2 $0x0  }
0x16: {  	s3 =	sld [smem:$0x3FDB];
	s0 =	simm.s32 @p2 $0x1  }
0x17: {  	s4 =	simm.s32 $0x1BF5;
	[smem:$0x3FB5] =	sst s0  }
0x18: {  	s0 =	sld [smem:$0x3F98];
	_ =	swait.ge [sflag:s4], $0x0  }
0x19: {  	s7 =	sld [smem:$0x3F99]  }
0x1a: {  	s8 =	sadd.s32 $0xFFFFE003, lr  }
0x1b: {  	s9 =	sadd.s32 $0xFFFFFEF7, lr;
	s5 =	simm.s32 $0xFFFFFFFF;
	p2 =	slt.u32 s8, $0xFFFFF086  }
0x1c: {  	p1 =	slt.u32 s9, $0xF7A;
	s5 =	simm.s32 @!p2 $0x0  }
0x1d: {  	s5 =	simm.s32 @p1 $0x1;
	p0 =	seq.s32 s7, s2  }
0x1e: {  	s7 =	smul.u32 @!p0 $0xF7A, s2;
	p2 =	seq.s32 @!p0 s5, $0x0  }
0x1f: {  	s9 =	smul.u32 $0xF7A, s1;
	s8 =	simm.s32 @!p0 $0x1BF5;
	p2 =	por !p2, p0  }
0x20: {  	[sflag:s8] =	ssyncset.s32 @!p0 $0xFFFFF086;
	s6 =	sadd.s32 @!p0 s3, s7;
	s7 =	simm.s32 @!p0 $0x108  }
0x21: {  	s3 =	sadd.s32 s3, s9;
	s6 =	sadd.s32 @!p0 $0x88, s6;
	s7 =	simm.s32 @p2 $0x1082  }
0x22: {  	[simem:s7], [sflag:s8] =	dma.local @!p0 [hbm:s6], $0xF7A  }
0x23: {  	s9 =	sor.u32 $0xD0000000, s2;
	s6 =	simm.s32 $0x108;
	_ =	swait.ge @!p0 [sflag:s8], $0x0  }
0x24: {  	s3 =	sadd.s32 $0x88, s3;
	s6 =	simm.s32 @!p1 $0x1082;
	[sflag:s4] =	ssyncset.s32 $0xFFFFF086  }
0x25: {  	[simem:s6], [sflag:s4] =	dma.local [hbm:s3], $0xF7A  }
0x26: {  	[smem:$0x3F99] =	sst s1;
	(tag) =	ssettag s2;
	_ =	strace s9  }
0x27: {  	s1 =	sld [smem:$0x3FA9]  }
0x28: {  	s2 =	sld [smem:$0x3FAA]  }
0x29: {  	s4 =	sld [smem:$0x3FAC]  }
0x2a: {  	p0 =	seq.s32 s5, $0x0;
	s5 =	sld [smem:$0x3FAD]  }
0x2b: {  	s6 =	sld [smem:$0x3FAE]  }
0x2c: {  	s7 =	sld [smem:$0x3FAF]  }
0x2d: {  	s3 =	simm.s32 $0x108;
	s8 =	sld [smem:$0x3FB0]  }
0x2e: {  	s3 =	simm.s32 @!p0 $0x1082;
	s9 =	sld [smem:$0x3FB1]  }
0x2f: {  	lr =	sadd.s32 s0, s3;
	s0 =	sld [smem:$0x3FA8]  }
0x30: {  	s3 =	sld [smem:$0x3FAB]  }
0x31: {  	[smem:$0x3FB4] =	sst s10  }
0x32: {  	s10 =	sld [smem:$0x3FB2];
	_ =	sdelay $0x3  }
0x33: {  	p0 =	seq.s32 s10, $0x1;
	s10 =	sld [smem:$0x3FB4];
	_ =	sdelay $0x3  }
0x34: {  	[smem:$0x3FB4] =	sst s10  }
0x35: {  	s10 =	sld [smem:$0x3FB3];
	_ =	sdelay $0x3  }
0x36: {  	p1 =	seq.s32 s10, $0x1;
	s10 =	sld [smem:$0x3FB4];
	_ =	sdelay $0x3  }
0x37: {  	[smem:$0x3FB4] =	sst s10  }
0x38: {  	s10 =	sld [smem:$0x3FB5]  }
0x39: {  	_ = 	snop;
	(pc) =	sbr.ind lr, $3  }
0x3a: {  	_ = 	snop  }
0x3b: {  	_ = 	snop  }
0x3c: {  	p2 =	seq.s32 s10, $0x1;
	s10 =	sld [smem:$0x3FB4]  }
0x3d: {  	_ =	shalt  }
0x3e: {  	_ =	shalt  }
0x3f: {  	_ =	shalt  }
0x40: {  	_ =	shalt  }
0x41: {  	_ =	shalt  }
0x42: {  	_ =	shalt  }
0x43: {  	_ =	shalt  }
0x44: {  	_ =	shalt  }
0x45: {  	_ =	shalt  }
0x46: {  	_ =	shalt  }
0x47: {  	_ =	shalt  }
0x48: {  	_ =	shalt  }
0x49: {  	_ =	shalt  }
0x4a: {  	_ =	shalt  }
0x4b: {  	_ =	shalt  }
0x4c: {  	_ =	shalt  }
0x4d: {  	_ =	shalt  }
0x4e: {  	_ =	shalt  }
0x4f: {  	_ =	shalt  }
0x50: {  	_ =	shalt  }
0x51: {  	_ =	shalt  }
0x52: {  	_ =	shalt  }
0x53: {  	_ =	shalt  }
0x54: {  	_ =	shalt  }
0x55: {  	_ =	shalt  }
0x56: {  	_ =	shalt  }
0x57: {  	_ =	shalt  }
0x58: {  	_ =	shalt  }
0x59: {  	_ =	shalt  }
0x5a: {  	_ =	shalt  }
0x5b: {  	_ =	shalt  }
0x5c: {  	_ =	shalt  }
0x5d: {  	_ =	shalt  }
0x5e: {  	_ =	shalt  }
0x5f: {  	_ =	shalt  }
0x60: {  	_ =	shalt  }
0x61: {  	_ =	shalt  }
0x62: {  	_ =	shalt  }
0x63: {  	_ =	shalt  }
0x64: {  	_ =	shalt  }
0x65: {  	_ =	shalt  }
0x66: {  	_ =	shalt  }
0x67: {  	_ =	shalt  }
0x68: {  	_ =	shalt  }
0x69: {  	_ =	shalt  }
0x6a: {  	_ =	shalt  }
0x6b: {  	_ =	shalt  }
0x6c: {  	_ =	shalt  }
0x6d: {  	_ =	shalt  }
0x6e: {  	_ =	shalt  }
0x6f: {  	_ =	shalt  }
0x70: {  	_ =	shalt  }
0x71: {  	_ =	shalt  }
0x72: {  	_ =	shalt  }
0x73: {  	_ =	shalt  }
0x74: {  	_ =	shalt  }
0x75: {  	_ =	shalt  }
0x76: {  	_ =	shalt  }
0x77: {  	_ =	shalt  }
0x78: {  	_ =	shalt  }
0x79: {  	_ =	shalt  }
0x7a: {  	_ =	shalt  }
0x7b: {  	_ =	shalt  }
0x7c: {  	_ =	shalt  }
0x7d: {  	_ =	shalt  }
0x7e: {  	_ =	shalt  }
0x7f: {  	_ =	shalt  }
0x80: {  	_ =	shalt  }
0x81: {  	_ =	shalt  }
0x82: {  	_ =	shalt  }
0x83: {  	_ =	shalt  }
0x84: {  	_ =	shalt  }
0x85: {  	_ =	shalt  }
0x86: {  	_ =	shalt  }
0x87: {  	_ =	shalt  }
.Lfunc_end0:
.L_simem_size_0:
called_computation.3_lowered:
.L_overlay_start_0:
0x88: {  	s2 =	sld [smem:$0x3FD9]  }
0x89: {  	s3 =	sld [smem:$0x3FFE];
	_ =	sdelay $0x1  }
0x8a: {  	s1 =	srdreg.scid  }
0x8b: {  	s0 =	sand.u32 $0x1, s1  }
0x8c: {  	s17 =	sshll.u32 s0, $0xA;
	s2 =	sadd.s32 s3, s2  }
0x8d: {  	s2 =	sadd.s32 s2, s17  }
0x8e: {  	[smem:$0x3FC0] =	sst s2  }
0x8f: {  	_ = 	snop  }
0x90: {  	s2 =	sld [smem:$0x3FD0];
	(tm) =	ssettm $0x1  }
0x91: {  	s18 =	sld [smem:$0x3FFB];
	_ =	sdelay $0x3  }
0x92: {  	_ =	strace s18  }
0x93: {  	s3 =	sld [smem:$0x3FFC];
	_ =	sdelay $0x3  }
0x94: {  	_ =	strace s3  }
0x95: {  	s3 =	sld [smem:$0x3FFD];
	_ =	sdelay $0x3  }
0x96: {  	_ =	strace s3  }
0x97: {  	_ =	strace $0x8FFFFFFF  }
0x98: {  	s19 =	sld [smem:$0x3FDB];
	_ =	sdelay $0x1  }
0x99: {  	s4 =	simm.s32 $_scs_section_size  }
0x9a: {  	s5 =	simm.s32 $_size__tile_overlayer_lowered;
	s6 =	simm.s32 $_tile_overlayer_lowered  }
0x9b: {  	s22 =	simm.s32 $0x1BFF;
	s21 =	sshll.u32 s6, $0x1;
	s3 =	sadd.s32 s4, s19  }
0x9c: {  	s7 =	simm.s32 $0x0;
	s20 =	sshll.u32 s5, $0x1;
	s5 =	sadd.s32 s21, s3  }
0x9d: {  	[timem:s7], [sflag:s22] =	dma.local [hbm:s5], s20  }
0x9e: {  	_ =	swait.ge [sflag:s22], s20  }
0x9f: {  	s4 =	ssub.s32 $0x0, s20;
	[sflag:s22] =	ssyncset.done $0x0  }
0xa0: {  	[sflag:s22] =	ssyncadd.s32 s4;
	_ =	sdelay $0x1  }
0xa1: {  	s23 =	simm.s32 $0x1B8B  }
0xa2: {  	_ =	swait.ge [sflag:s23], $0x1  }
0xa3: {  	[sflag:s23] =	ssyncset.done $0x0  }
0xa4: {  	s25 =	simm.s32 $0x1B8E;
	s24 =	sld [smem:$0x3FFE];
	[sflag:s23] =	ssyncadd.s32 $0xFFFFFFFF  }
0xa5: {  	s26 =	simm.s32 $execute0_lowered;
	[smem:$0x3FD2] =	sst s25  }
0xa6: {  	s5 =	sshll.u32 s26, $0x1;
	_ =	strace $0x8000004F;
	[dreg:$0x1] =	wrdreg $0xFFFFFFFF  }
0xa7: {  	s28 =	simm.s32 $_size_execute0_lowered;
	s3 =	sadd.s32 s3, s5;
	[dreg:$0x0] =	wrdreg $0x0  }
0xa8: {  	s5 =	sshll.u32 s28, $0x1;
	[dreg:$0x2] =	wrdreg s3  }
0xa9: {  	[dreg:$0x3] =	wrdreg s5  }
0xaa: {  	[dreg:$0x4] =	wrdreg $0xC0  }
0xab: {  	_ =	task [dreg:s7], $0x5FFFF  }
0xac: {  	[dreg:$0x1] =	wrdreg $0xFFFFFFFF  }
0xad: {  	[dreg:$0x0] =	wrdreg $0x60  }
0xae: {  	[dreg:$0x2] =	wrdreg s2  }
0xaf: {  	[dreg:$0x3] =	wrdreg s24  }
0xb0: {  	[dreg:$0x4] =	wrdreg $0x110000  }
0xb1: {  	[dreg:$0x5] =	wrdreg $0x9  }
0xb2: {  	_ =	task.clear_ibuf [dreg:s7], $0x6FFFF;
	_ =	strace $0x9000004F  }
0xb3: {  	s29 =	simm.s32 $0x9;
	_ =	strace $0x80000051  }
0xb4: {  	_ =	swait.ge [sflag:s29], $0x1  }
0xb5: {  	[sflag:s29] =	ssyncadd.s32 $0xFFFFFFFF  }
0xb6: {  	_ =	strace $0x90000051  }
0xb7: {  	_ =	sfence  }
0xb8: {  	s30 =	sld [smem:$0x0];
	_ =	sdelay $0x2  }
0xb9: {  	s31 =	sshll.u32 s1, $0xD;
	s1 =	sshrl.u32 s1, $0x2  }
0xba: {  	s3 =	sand.u32 $0x4000, s31;
	s1 =	sadd.s32 s1, s30  }
0xbb: {  	s0 =	sor.u32 s3, s0;
	s1 =	sshll.u32 s1, $0x11  }
0xbc: {  	s0 =	sor.u32 s1, s0  }
0xbd: {  	s0 =	sadd.s32 $0x8F2B, s0  }
0xbe: {  	[sflag:s0] =	ssyncadd.remote.s32 $0x1  }
0xbf: {  	_ =	sfence.sel $0xFFFF  }
0xc0: {  	[dreg:$0x0] =	wrdreg $0xFFFFFFFF;
	(pc) =	sbr.abs _section_cstart, $3  }
0xc1: {  	[dreg:$0x1] =	wrdreg $0xFFFFFFFF  }
0xc2: {  	_ =	task.clear_ibuf [dreg:s7], $0x2FFFF;
	_ =	strace $0x9FFFFFFF  }
0xc3: {  	(tm) =	ssettm $0x7FFFFFFF  }
tec
execute0_lowered:
.L_overlay_start_1:
0x0: {  	(tag) =	ssettag $0x1  }
0x1: {  	s1 =	rddreg [dreg:$0x0]  }
0x2: {  	s0 =	rddreg [dreg:$0x1];
	s3 =	srdreg.scid  }
0x3: {  	s2 =	rddreg [dreg:$0x2];
	s6 =	simm.s32 $0x0;
	s8 =	stileid.u32  }
0x4: {  	s15 =	simm.s32 $0x6;
	s18 =	simm.s32 $0xF000;
	s19 =	simm.s32 $0x80  }
0x5: {  	s28 =	simm.s32 $0xD000;
	s29 =	simm.s32 $0x1;
	s11 =	smul.u32 $0x500, s8  }
0x6: {  	s30 =	simm.s32 $0x2;
	s31 =	simm.s32 $0x3;
	s7 =	smul.u32 $0x28000, s8  }
0x7: {  	s17 =	simm.s32 $0x5;
	s3 =	sand.u32 $0x1, s3;
	s12 =	smul.u32 $0xA000, s8  }
0x8: {  	s14 =	simm.s32 $0x0;
	[smem:$0x7FF] =	sst s6;
	s4 =	smul.u32 $0x5000, s3  }
0x9: {  	s13 =	sadd.s32 $0x13880, s1;
	s5 =	smul.u32 $0x28000, s3;
	s3 =	ssub.s32 $0x2, s3  }
0xa: {  	_ =	strace $0x80000050;
	s20 =	sshrl.u32 s3, $0x1;
	s22 =	sshrl.u32 s7, $0x2  }
0xb: {  	s6 =	sadd.s32 s12, s2;
	s24 =	sshrl.u32 s12, $0x3;
	s12 =	simm.s32 $0x4F80  }
0xc: {  	s4 =	sadd.s32 s4, s0;
	s0 =	sadd.s32 s5, s0;
	s3 =	ssub.s32 s3, s20  }
0xd: {  	s23 =	sadd.s32 s22, s2;
	[dreg:$0x6] =	wrdreg s24;
	s20 =	simm.s32 $0x5000  }
0xe: {  	s21 =	sadd.s32 s11, s4;
	s4 =	sadd.s32 $0x3E00, s4;
	s7 =	sadd.s32 $0x2000, s23  }
0xf: {  	s8 =	sadd.s32 $0x4000, s23;
	s9 =	sadd.s32 $0x6000, s23;
	s0 =	sadd.s32 $0x17E00, s0  }
0x10: {  	s10 =	sadd.s32 $0x8000, s23;
	s25 =	smax.u32 s3, $0x1;
	[dreg:$0x5] =	wrdreg s0  }
0x11: {  	s23 =	simm.s32 $0x9000;
	s5 =	sadd.s32 $0xDE00, s21;
	[dreg:$0x7] =	wrdreg s25  }
0x12: {  	s26 =	sadd.s32 s11, s4;
	s21 =	simm.s32 $0x7000;
	s25 =	simm.s32 $0xB000  }
0x13: {  	s0 =	simm.s32 $0x4;
	s11 =	simm.s32 $0x4F00;
	[dreg:$0x4] =	wrdreg s5  }
0x14: {  	v0 =	vimm.f32 $0.0e+00;
	[dreg:$0x8] =	wrdreg s26;
	s26 =	simm.s32 $0x100;
	s5 =	simm.s32 $0x4E80  }
.LBB2_1:
0x15: {  	s3 =	simm.s32 $0x0;
	s4 =	rddreg [dreg:$0x4]  }
0x16: {  	[tilespmem:s3], [sflag:$0x6] =	stream.linear.gather [hbm4b:s4+s3], $0x2800, $0x38;
	[tilespmem:$0x1B000] =	vst v63  }
0x17: {  	_ =	swait.ge [sflag:s15], $0x2800  }
0x18: {  	[sflag:s15] =	ssyncset.done $0x0  }
0x19: {  	s16 =	simm.s32 $0x2800;
	s24 =	rddreg [dreg:$0x8];
	[sflag:s15] =	ssyncadd.s32 $0xFFFFD800  }
0x1a: {  	[tilespmem:s16], [sflag:$0x6] =	stream.linear.gather [hbm4b:s24+s3], $0x2800, $0x38;
	[tilespmem:$0x1B000] =	vst v63  }
0x1b: {  	_ =	swait.ge [sflag:s15], $0x2800  }
0x1c: {  	[sflag:s15] =	ssyncset.done $0x0  }
0x1d: {  	s16 =	simm.s32 $0x100;
	s3 =	simm.s32 $0x0;
	[sflag:s15] =	ssyncadd.s32 $0xFFFFD800  }
.LBB2_2:
0x1e: {  	p0 =	sne.s32 s16, $0x7F00;
	[tilespmem:s3+$0xF030] =	vst v0;
	s22 =	smov.u32 s16;
	s16 =	sadd.s32 $0x100, s16  }
.Ltmp0:
0x1f: {  	[tilespmem:s3+$0xF020] =	vst v0;
	(pc) =	sbr.rel @p0 .LBB2_2-.Ltmp0, $3  }
0x20: {  	[tilespmem:s3+$0xF000] =	vst v0  }
0x21: {  	[tilespmem:s3+$0xF010] =	vst v0;
	_ =	sdelay $0x1  }
0x22: {  	s3 =	sshra.s32 s22, $0x2  }
0x23: {  	[tilespmem:s3+$0xF030] =	vst v0  }
0x24: {  	[tilespmem:s3+$0xF020] =	vst v0  }
0x25: {  	[tilespmem:s3+$0xF000] =	vst v0  }
0x26: {  	[tilespmem:s3+$0xF010] =	vst v0  }
0x27: {  	[spmem:s6] =	stream.linear.scatter [tilespmem:s18], [sflag:$0x6], $0x2000, $0x38;
	[tilespmem:$0x1B000] =	vst v63  }
0x28: {  	_ =	swait.ge [sflag:s15], $0x2000  }
0x29: {  	[sflag:s15] =	ssyncset.done $0x0  }
0x2a: {  	[sflag:s15] =	ssyncadd.s32 $0xFFFFE000  }
0x2b: {  	[spmem:s7] =	stream.linear.scatter [tilespmem:s18], [sflag:$0x6], $0x2000, $0x38;
	[tilespmem:$0x1B000] =	vst v63  }
0x2c: {  	_ =	swait.ge [sflag:s15], $0x2000  }
0x2d: {  	[sflag:s15] =	ssyncset.done $0x0  }
0x2e: {  	[sflag:s15] =	ssyncadd.s32 $0xFFFFE000  }
0x2f: {  	[spmem:s8] =	stream.linear.scatter [tilespmem:s18], [sflag:$0x6], $0x2000, $0x38;
	[tilespmem:$0x1B000] =	vst v63  }
0x30: {  	_ =	swait.ge [sflag:s15], $0x2000  }
0x31: {  	[sflag:s15] =	ssyncset.done $0x0  }
0x32: {  	[sflag:s15] =	ssyncadd.s32 $0xFFFFE000  }
0x33: {  	[spmem:s9] =	stream.linear.scatter [tilespmem:s18], [sflag:$0x6], $0x2000, $0x38;
	[tilespmem:$0x1B000] =	vst v63  }
0x34: {  	_ =	swait.ge [sflag:s15], $0x2000  }
0x35: {  	[sflag:s15] =	ssyncset.done $0x0  }
0x36: {  	[sflag:s15] =	ssyncadd.s32 $0xFFFFE000  }
0x37: {  	[spmem:s10] =	stream.linear.scatter [tilespmem:s18], [sflag:$0x6], $0x2000, $0x38;
	[tilespmem:$0x1B000] =	vst v63  }
0x38: {  	_ =	swait.ge [sflag:s15], $0x2000  }
0x39: {  	[sflag:s15] =	ssyncset.done $0x0  }
0x3a: {  	[sflag:s15] =	ssyncadd.s32 $0xFFFFE000  }
0x3b: {  	s4 =	simm.s32 $0x0;
	[bflag:$0x0] =	sbarrier.arrive $0xFFFF  }
0x3c: {  	[tilespmem:s20], [sflag:$0x1] =	stream.indirect.gather [hbm4b:s1+s19], $0x40, s4, s19, $0xb8;
	[tilespmem:$0x1B000] =	vst v63  }
0x3d: {  	_ = 	snop  }
0x3e: {  	[tilespmem:s21], [sflag:$0x2] =	stream.indirect.gather [hbm4b:s1+s19], $0x40, s19, s19, $0xb8;
	[tilespmem:$0x1B000] =	vst v63  }
0x3f: {  	_ = 	snop  }
0x40: {  	[tilespmem:s23], [sflag:$0x3] =	stream.indirect.gather [hbm4b:s1+s19], $0x40, s26, s19, $0xb8;
	[tilespmem:$0x1B000] =	vst v63  }
0x41: {  	s16 =	simm.s32 $0x180  }
0x42: {  	[tilespmem:s25], [sflag:$0x4] =	stream.indirect.gather [hbm4b:s1+s19], $0x40, s16, s19, $0xb8;
	[tilespmem:$0x1B000] =	vst v63  }
0x43: {  	s22 =	simm.s32 $0x200  }
0x44: {  	[tilespmem:s28], [sflag:$0x5] =	stream.indirect.gather [hbm4b:s1+s19], $0x40, s22, s19, $0xb8;
	[tilespmem:$0x1B000] =	vst v63  }
0x45: {  	_ =	swait.ge [sflag:s29], $0x2000  }
0x46: {  	[sflag:s29] =	ssyncset.done $0x0  }
0x47: {  	s24 =	simm.s32 $0x2800;
	[sflag:s29] =	ssyncadd.s32 $0xFFFFE000  }
0x48: {  	[spmem:s2] =	stream.indirect.scatter.add.f32 [tilespmem:s20], [sflag:$0x6], $0x40, s24, s19, $0xb8;
	[tilespmem:$0x1B000] =	vst v63  }
0x49: {  	_ =	swait.ge [sflag:s15], $0x2000  }
0x4a: {  	[sflag:s15] =	ssyncset.done $0x0  }
0x4b: {  	s4 =	simm.s32 $0x280;
	[sflag:s15] =	ssyncadd.s32 $0xFFFFE000  }
0x4c: {  	[tilespmem:s20], [sflag:$0x1] =	stream.indirect.gather [hbm4b:s1+s19], $0x40, s4, s19, $0xb8;
	[tilespmem:$0x1B000] =	vst v63  }
0x4d: {  	_ =	swait.ge [sflag:s30], $0x2000  }
0x4e: {  	[sflag:s30] =	ssyncset.done $0x0  }
0x4f: {  	s16 =	simm.s32 $0x2880;
	[sflag:s30] =	ssyncadd.s32 $0xFFFFE000  }
0x50: {  	[spmem:s2] =	stream.indirect.scatter.add.f32 [tilespmem:s21], [sflag:$0x6], $0x40, s16, s19, $0xb8;
	[tilespmem:$0x1B000] =	vst v63  }
0x51: {  	_ =	swait.ge [sflag:s15], $0x2000  }
0x52: {  	[sflag:s15] =	ssyncset.done $0x0  }
0x53: {  	s22 =	simm.s32 $0x300;
	[sflag:s15] =	ssyncadd.s32 $0xFFFFE000  }
0x54: {  	[tilespmem:s21], [sflag:$0x2] =	stream.indirect.gather [hbm4b:s1+s19], $0x40, s22, s19, $0xb8;
	[tilespmem:$0x1B000] =	vst v63  }
0x55: {  	_ =	swait.ge [sflag:s31], $0x2000  }
0x56: {  	[sflag:s31] =	ssyncset.done $0x0  }
0x57: {  	s24 =	simm.s32 $0x2900;
	[sflag:s31] =	ssyncadd.s32 $0xFFFFE000  }
0x58: {  	[spmem:s2] =	stream.indirect.scatter.add.f32 [tilespmem:s23], [sflag:$0x6], $0x40, s24, s19, $0xb8;
	[tilespmem:$0x1B000] =	vst v63  }
0x59: {  	_ =	swait.ge [sflag:s15], $0x2000  }
0x5a: {  	[sflag:s15] =	ssyncset.done $0x0  }
0x5b: {  	s4 =	simm.s32 $0x380;
	[sflag:s15] =	ssyncadd.s32 $0xFFFFE000  }
0x5c: {  	[tilespmem:s23], [sflag:$0x3] =	stream.indirect.gather [hbm4b:s1+s19], $0x40, s4, s19, $0xb8;
	[tilespmem:$0x1B000] =	vst v63  }
0x5d: {  	_ =	swait.ge [sflag:s0], $0x2000  }
0x5e: {  	[sflag:s0] =	ssyncset.done $0x0  }
0x5f: {  	s16 =	simm.s32 $0x2980;
	[sflag:s0] =	ssyncadd.s32 $0xFFFFE000  }
0x60: {  	[spmem:s2] =	stream.indirect.scatter.add.f32 [tilespmem:s25], [sflag:$0x6], $0x40, s16, s19, $0xb8;
	[tilespmem:$0x1B000] =	vst v63  }
0x61: {  	_ =	swait.ge [sflag:s15], $0x2000  }
0x62: {  	[sflag:s15] =	ssyncset.done $0x0  }
0x63: {  	s22 =	simm.s32 $0x400;
	[sflag:s15] =	ssyncadd.s32 $0xFFFFE000  }
0x64: {  	[tilespmem:s25], [sflag:$0x4] =	stream.indirect.gather [hbm4b:s1+s19], $0x40, s22, s19, $0xb8;
	[tilespmem:$0x1B000] =	vst v63  }
0x65: {  	_ =	swait.ge [sflag:s17], $0x2000  }
0x66: {  	[sflag:s17] =	ssyncset.done $0x0  }
0x67: {  	s24 =	simm.s32 $0x2A00;
	[sflag:s17] =	ssyncadd.s32 $0xFFFFE000  }
0x68: {  	[spmem:s2] =	stream.indirect.scatter.add.f32 [tilespmem:s28], [sflag:$0x6], $0x40, s24, s19, $0xb8;
	[tilespmem:$0x1B000] =	vst v63  }
0x69: {  	_ =	swait.ge [sflag:s15], $0x2000  }
0x6a: {  	[sflag:s15] =	ssyncset.done $0x0  }
0x6b: {  	s3 =	simm.s32 $0x480;
	s16 =	simm.s32 $0xA00;
	[sflag:s15] =	ssyncadd.s32 $0xFFFFE000  }
.LBB2_4:
0x6c: {  	[tilespmem:s28], [sflag:$0x5] =	stream.indirect.gather [hbm4b:s1+s19], $0x40, s3, s19, $0xb8;
	[tilespmem:$0x1B000] =	vst v63  }
0x6d: {  	s3 =	smov.u32 s16  }
0x6e: {  	p0 =	sne.s32 s16, $0x8C00;
	s16 =	sadd.s32 $0xA00, s16;
	_ =	swait.ge [sflag:s29], $0x2000  }
0x6f: {  	s22 =	sshra.s32 s3, $0x2;
	[sflag:s29] =	ssyncset.done $0x0  }
0x70: {  	s3 =	sadd.s32 $0x2800, s22;
	[sflag:s29] =	ssyncadd.s32 $0xFFFFE000  }
0x71: {  	[spmem:s2] =	stream.indirect.scatter.add.f32 [tilespmem:s20], [sflag:$0x6], $0x40, s3, s19, $0xb8;
	[tilespmem:$0x1B000] =	vst v63  }
0x72: {  	_ =	swait.ge [sflag:s15], $0x2000  }
0x73: {  	[sflag:s15] =	ssyncset.done $0x0  }
0x74: {  	s3 =	sadd.s32 $0x280, s22;
	[sflag:s15] =	ssyncadd.s32 $0xFFFFE000  }
0x75: {  	[tilespmem:s20], [sflag:$0x1] =	stream.indirect.gather [hbm4b:s1+s19], $0x40, s3, s19, $0xb8;
	[tilespmem:$0x1B000] =	vst v63  }
0x76: {  	_ =	swait.ge [sflag:s30], $0x2000  }
0x77: {  	[sflag:s30] =	ssyncset.done $0x0  }
0x78: {  	s3 =	sadd.s32 $0x2880, s22;
	[sflag:s30] =	ssyncadd.s32 $0xFFFFE000  }
0x79: {  	[spmem:s2] =	stream.indirect.scatter.add.f32 [tilespmem:s21], [sflag:$0x6], $0x40, s3, s19, $0xb8;
	[tilespmem:$0x1B000] =	vst v63  }
0x7a: {  	_ =	swait.ge [sflag:s15], $0x2000  }
0x7b: {  	[sflag:s15] =	ssyncset.done $0x0  }
0x7c: {  	s3 =	sadd.s32 $0x300, s22;
	[sflag:s15] =	ssyncadd.s32 $0xFFFFE000  }
0x7d: {  	[tilespmem:s21], [sflag:$0x2] =	stream.indirect.gather [hbm4b:s1+s19], $0x40, s3, s19, $0xb8;
	[tilespmem:$0x1B000] =	vst v63  }
0x7e: {  	_ =	swait.ge [sflag:s31], $0x2000  }
0x7f: {  	[sflag:s31] =	ssyncset.done $0x0  }
0x80: {  	s3 =	sadd.s32 $0x2900, s22;
	[sflag:s31] =	ssyncadd.s32 $0xFFFFE000  }
0x81: {  	[spmem:s2] =	stream.indirect.scatter.add.f32 [tilespmem:s23], [sflag:$0x6], $0x40, s3, s19, $0xb8;
	[tilespmem:$0x1B000] =	vst v63  }
0x82: {  	_ =	swait.ge [sflag:s15], $0x2000  }
0x83: {  	[sflag:s15] =	ssyncset.done $0x0  }
0x84: {  	s3 =	sadd.s32 $0x380, s22;
	[sflag:s15] =	ssyncadd.s32 $0xFFFFE000  }
0x85: {  	[tilespmem:s23], [sflag:$0x3] =	stream.indirect.gather [hbm4b:s1+s19], $0x40, s3, s19, $0xb8;
	[tilespmem:$0x1B000] =	vst v63  }
0x86: {  	_ =	swait.ge [sflag:s0], $0x2000  }
0x87: {  	[sflag:s0] =	ssyncset.done $0x0  }
0x88: {  	s3 =	sadd.s32 $0x2980, s22;
	[sflag:s0] =	ssyncadd.s32 $0xFFFFE000  }
0x89: {  	[spmem:s2] =	stream.indirect.scatter.add.f32 [tilespmem:s25], [sflag:$0x6], $0x40, s3, s19, $0xb8;
	[tilespmem:$0x1B000] =	vst v63  }
0x8a: {  	_ =	swait.ge [sflag:s15], $0x2000  }
0x8b: {  	[sflag:s15] =	ssyncset.done $0x0  }
0x8c: {  	s3 =	sadd.s32 $0x400, s22;
	[sflag:s15] =	ssyncadd.s32 $0xFFFFE000  }
0x8d: {  	[tilespmem:s25], [sflag:$0x4] =	stream.indirect.gather [hbm4b:s1+s19], $0x40, s3, s19, $0xb8;
	[tilespmem:$0x1B000] =	vst v63  }
0x8e: {  	_ =	swait.ge [sflag:s17], $0x2000  }
0x8f: {  	[sflag:s17] =	ssyncset.done $0x0  }
.Ltmp1:
0x90: {  	s3 =	sadd.s32 $0x2A00, s22;
	[sflag:s17] =	ssyncadd.s32 $0xFFFFE000;
	(pc) =	sbr.rel @p0 .LBB2_4-.Ltmp1, $4  }
0x91: {  	[spmem:s2] =	stream.indirect.scatter.add.f32 [tilespmem:s28], [sflag:$0x6], $0x40, s3, s19, $0xb8;
	[tilespmem:$0x1B000] =	vst v63  }
0x92: {  	_ =	swait.ge [sflag:s15], $0x2000  }
0x93: {  	[sflag:s15] =	ssyncset.done $0x0  }
0x94: {  	s3 =	sadd.s32 $0x480, s22;
	[sflag:s15] =	ssyncadd.s32 $0xFFFFE000  }
0x95: {  	[tilespmem:s28], [sflag:$0x5] =	stream.indirect.gather [hbm4b:s1+s19], $0x40, s3, s19, $0xb8;
	[tilespmem:$0x1B000] =	vst v63  }
0x96: {  	_ =	swait.ge [sflag:s29], $0x2000  }
0x97: {  	[sflag:s29] =	ssyncset.done $0x0  }
0x98: {  	s16 =	simm.s32 $0x4D80;
	[sflag:s29] =	ssyncadd.s32 $0xFFFFE000  }
0x99: {  	[spmem:s2] =	stream.indirect.scatter.add.f32 [tilespmem:s20], [sflag:$0x6], $0x40, s16, s19, $0xb8;
	[tilespmem:$0x1B000] =	vst v63  }
0x9a: {  	_ =	swait.ge [sflag:s15], $0x2000  }
0x9b: {  	[sflag:s15] =	ssyncset.done $0x0  }
0x9c: {  	[sflag:s15] =	ssyncadd.s32 $0xFFFFE000  }
0x9d: {  	_ =	swait.ge [sflag:s30], $0x2000  }
0x9e: {  	[sflag:s30] =	ssyncset.done $0x0  }
0x9f: {  	s22 =	simm.s32 $0x4E00;
	[sflag:s30] =	ssyncadd.s32 $0xFFFFE000  }
0xa0: {  	[spmem:s2] =	stream.indirect.scatter.add.f32 [tilespmem:s21], [sflag:$0x6], $0x40, s22, s19, $0xb8;
	[tilespmem:$0x1B000] =	vst v63  }
0xa1: {  	_ =	swait.ge [sflag:s15], $0x2000  }
0xa2: {  	[sflag:s15] =	ssyncset.done $0x0  }
0xa3: {  	[sflag:s15] =	ssyncadd.s32 $0xFFFFE000  }
0xa4: {  	_ =	swait.ge [sflag:s31], $0x2000  }
0xa5: {  	[sflag:s31] =	ssyncset.done $0x0  }
0xa6: {  	[sflag:s31] =	ssyncadd.s32 $0xFFFFE000  }
0xa7: {  	[spmem:s2] =	stream.indirect.scatter.add.f32 [tilespmem:s23], [sflag:$0x6], $0x40, s5, s19, $0xb8;
	[tilespmem:$0x1B000] =	vst v63  }
0xa8: {  	_ =	swait.ge [sflag:s15], $0x2000  }
0xa9: {  	[sflag:s15] =	ssyncset.done $0x0  }
0xaa: {  	[sflag:s15] =	ssyncadd.s32 $0xFFFFE000  }
0xab: {  	_ =	swait.ge [sflag:s0], $0x2000  }
0xac: {  	[sflag:s0] =	ssyncset.done $0x0  }
0xad: {  	[sflag:s0] =	ssyncadd.s32 $0xFFFFE000  }
0xae: {  	[spmem:s2] =	stream.indirect.scatter.add.f32 [tilespmem:s25], [sflag:$0x6], $0x40, s11, s19, $0xb8;
	[tilespmem:$0x1B000] =	vst v63  }
0xaf: {  	_ =	swait.ge [sflag:s15], $0x2000  }
0xb0: {  	[sflag:s15] =	ssyncset.done $0x0  }
0xb1: {  	[sflag:s15] =	ssyncadd.s32 $0xFFFFE000  }
0xb2: {  	_ =	swait.ge [sflag:s17], $0x2000  }
0xb3: {  	[sflag:s17] =	ssyncset.done $0x0  }
0xb4: {  	[sflag:s17] =	ssyncadd.s32 $0xFFFFE000  }
0xb5: {  	[spmem:s2] =	stream.indirect.scatter.add.f32 [tilespmem:s28], [sflag:$0x6], $0x40, s12, s19, $0xb8;
	[tilespmem:$0x1B000] =	vst v63  }
0xb6: {  	_ =	swait.ge [sflag:s15], $0x2000  }
0xb7: {  	[sflag:s15] =	ssyncset.done $0x0  }
0xb8: {  	[sflag:s15] =	ssyncadd.s32 $0xFFFFE000  }
0xb9: {  	[bflag:$0x0] =	sbarrier.arrive $0xFFFF  }
0xba: {  	s24 =	stileid.u32;
	s4 =	rddreg [dreg:$0x5]  }
0xbb: {  	s3 =	sshll.u32 s24, $0x6;
	s16 =	rddreg [dreg:$0x6]  }
0xbc: {  	s24 =	sshrl.u32 s6, $0x3;
	s22 =	sor.u32 $0x1C06, s3;
	s16 =	sadd.s32 s16, s4  }
0xbd: {  	[hbm:s16], [sflag:s22] =	dma.local [spmem:s24], $0x1400  }
0xbe: {  	_ =	swait.ge [sflag:s15], $0x1400  }
0xbf: {  	[sflag:s15] =	ssyncset.done $0x0  }
0xc0: {  	[sflag:s15] =	ssyncadd.s32 $0xFFFFEC00  }
0xc1: {  	[spmem:s6] =	stream.linear.scatter [tilespmem:s18], [sflag:$0x6], $0x2000, $0x38;
	[tilespmem:$0x1B000] =	vst v63  }
0xc2: {  	_ =	swait.ge [sflag:s15], $0x2000  }
0xc3: {  	[sflag:s15] =	ssyncset.done $0x0  }
0xc4: {  	[sflag:s15] =	ssyncadd.s32 $0xFFFFE000  }
0xc5: {  	[spmem:s7] =	stream.linear.scatter [tilespmem:s18], [sflag:$0x6], $0x2000, $0x38;
	[tilespmem:$0x1B000] =	vst v63  }
0xc6: {  	_ =	swait.ge [sflag:s15], $0x2000  }
0xc7: {  	[sflag:s15] =	ssyncset.done $0x0  }
0xc8: {  	[sflag:s15] =	ssyncadd.s32 $0xFFFFE000  }
0xc9: {  	[spmem:s8] =	stream.linear.scatter [tilespmem:s18], [sflag:$0x6], $0x2000, $0x38;
	[tilespmem:$0x1B000] =	vst v63  }
0xca: {  	_ =	swait.ge [sflag:s15], $0x2000  }
0xcb: {  	[sflag:s15] =	ssyncset.done $0x0  }
0xcc: {  	[sflag:s15] =	ssyncadd.s32 $0xFFFFE000  }
0xcd: {  	[spmem:s9] =	stream.linear.scatter [tilespmem:s18], [sflag:$0x6], $0x2000, $0x38;
	[tilespmem:$0x1B000] =	vst v63  }
0xce: {  	_ =	swait.ge [sflag:s15], $0x2000  }
0xcf: {  	[sflag:s15] =	ssyncset.done $0x0  }
0xd0: {  	[sflag:s15] =	ssyncadd.s32 $0xFFFFE000  }
0xd1: {  	[spmem:s10] =	stream.linear.scatter [tilespmem:s18], [sflag:$0x6], $0x2000, $0x38;
	[tilespmem:$0x1B000] =	vst v63  }
0xd2: {  	_ =	swait.ge [sflag:s15], $0x2000  }
0xd3: {  	[sflag:s15] =	ssyncset.done $0x0  }
0xd4: {  	[sflag:s15] =	ssyncadd.s32 $0xFFFFE000  }
0xd5: {  	s4 =	simm.s32 $0x0;
	[bflag:$0x0] =	sbarrier.arrive $0xFFFF  }
0xd6: {  	[tilespmem:s20], [sflag:$0x1] =	stream.indirect.gather [hbm4b:s13+s19], $0x40, s4, s19, $0xb8;
	[tilespmem:$0x1B000] =	vst v63  }
0xd7: {  	_ = 	snop  }
0xd8: {  	[tilespmem:s21], [sflag:$0x2] =	stream.indirect.gather [hbm4b:s13+s19], $0x40, s19, s19, $0xb8;
	[tilespmem:$0x1B000] =	vst v63  }
0xd9: {  	_ = 	snop  }
0xda: {  	[tilespmem:s23], [sflag:$0x3] =	stream.indirect.gather [hbm4b:s13+s19], $0x40, s26, s19, $0xb8;
	[tilespmem:$0x1B000] =	vst v63  }
0xdb: {  	s26 =	simm.s32 $0x180  }
0xdc: {  	[tilespmem:s25], [sflag:$0x4] =	stream.indirect.gather [hbm4b:s13+s19], $0x40, s26, s19, $0xb8;
	[tilespmem:$0x1B000] =	vst v63  }
0xdd: {  	s4 =	simm.s32 $0x200  }
0xde: {  	[tilespmem:s28], [sflag:$0x5] =	stream.indirect.gather [hbm4b:s13+s19], $0x40, s4, s19, $0xb8;
	[tilespmem:$0x1B000] =	vst v63  }
0xdf: {  	_ =	swait.ge [sflag:s29], $0x2000  }
0xe0: {  	[sflag:s29] =	ssyncset.done $0x0  }
0xe1: {  	s26 =	simm.s32 $0x2800;
	[sflag:s29] =	ssyncadd.s32 $0xFFFFE000  }
0xe2: {  	[spmem:s2] =	stream.indirect.scatter.add.f32 [tilespmem:s20], [sflag:$0x6], $0x40, s26, s19, $0xb8;
	[tilespmem:$0x1B000] =	vst v63  }
0xe3: {  	_ =	swait.ge [sflag:s15], $0x2000  }
0xe4: {  	[sflag:s15] =	ssyncset.done $0x0  }
0xe5: {  	s4 =	simm.s32 $0x280;
	[sflag:s15] =	ssyncadd.s32 $0xFFFFE000  }
0xe6: {  	[tilespmem:s20], [sflag:$0x1] =	stream.indirect.gather [hbm4b:s13+s19], $0x40, s4, s19, $0xb8;
	[tilespmem:$0x1B000] =	vst v63  }
0xe7: {  	_ =	swait.ge [sflag:s30], $0x2000  }
0xe8: {  	[sflag:s30] =	ssyncset.done $0x0  }
0xe9: {  	s26 =	simm.s32 $0x2880;
	[sflag:s30] =	ssyncadd.s32 $0xFFFFE000  }
0xea: {  	[spmem:s2] =	stream.indirect.scatter.add.f32 [tilespmem:s21], [sflag:$0x6], $0x40, s26, s19, $0xb8;
	[tilespmem:$0x1B000] =	vst v63  }
0xeb: {  	_ =	swait.ge [sflag:s15], $0x2000  }
0xec: {  	[sflag:s15] =	ssyncset.done $0x0  }
0xed: {  	s4 =	simm.s32 $0x300;
	[sflag:s15] =	ssyncadd.s32 $0xFFFFE000  }
0xee: {  	[tilespmem:s21], [sflag:$0x2] =	stream.indirect.gather [hbm4b:s13+s19], $0x40, s4, s19, $0xb8;
	[tilespmem:$0x1B000] =	vst v63  }
0xef: {  	_ =	swait.ge [sflag:s31], $0x2000  }
0xf0: {  	[sflag:s31] =	ssyncset.done $0x0  }
0xf1: {  	s26 =	simm.s32 $0x2900;
	[sflag:s31] =	ssyncadd.s32 $0xFFFFE000  }
0xf2: {  	[spmem:s2] =	stream.indirect.scatter.add.f32 [tilespmem:s23], [sflag:$0x6], $0x40, s26, s19, $0xb8;
	[tilespmem:$0x1B000] =	vst v63  }
0xf3: {  	_ =	swait.ge [sflag:s15], $0x2000  }
0xf4: {  	[sflag:s15] =	ssyncset.done $0x0  }
0xf5: {  	s4 =	simm.s32 $0x380;
	[sflag:s15] =	ssyncadd.s32 $0xFFFFE000  }
0xf6: {  	[tilespmem:s23], [sflag:$0x3] =	stream.indirect.gather [hbm4b:s13+s19], $0x40, s4, s19, $0xb8;
	[tilespmem:$0x1B000] =	vst v63  }
0xf7: {  	_ =	swait.ge [sflag:s0], $0x2000  }
0xf8: {  	[sflag:s0] =	ssyncset.done $0x0  }
0xf9: {  	s26 =	simm.s32 $0x2980;
	[sflag:s0] =	ssyncadd.s32 $0xFFFFE000  }
0xfa: {  	[spmem:s2] =	stream.indirect.scatter.add.f32 [tilespmem:s25], [sflag:$0x6], $0x40, s26, s19, $0xb8;
	[tilespmem:$0x1B000] =	vst v63  }
0xfb: {  	_ =	swait.ge [sflag:s15], $0x2000  }
0xfc: {  	[sflag:s15] =	ssyncset.done $0x0  }
0xfd: {  	s4 =	simm.s32 $0x400;
	[sflag:s15] =	ssyncadd.s32 $0xFFFFE000  }
0xfe: {  	[tilespmem:s25], [sflag:$0x4] =	stream.indirect.gather [hbm4b:s13+s19], $0x40, s4, s19, $0xb8;
	[tilespmem:$0x1B000] =	vst v63  }
0xff: {  	_ =	swait.ge [sflag:s17], $0x2000  }
0x100: {  	[sflag:s17] =	ssyncset.done $0x0  }
0x101: {  	s26 =	simm.s32 $0x2A00;
	[sflag:s17] =	ssyncadd.s32 $0xFFFFE000  }
0x102: {  	[spmem:s2] =	stream.indirect.scatter.add.f32 [tilespmem:s28], [sflag:$0x6], $0x40, s26, s19, $0xb8;
	[tilespmem:$0x1B000] =	vst v63  }
0x103: {  	_ =	swait.ge [sflag:s15], $0x2000  }
0x104: {  	[sflag:s15] =	ssyncset.done $0x0  }
0x105: {  	s3 =	simm.s32 $0x480;
	s26 =	simm.s32 $0xA00;
	[sflag:s15] =	ssyncadd.s32 $0xFFFFE000  }
.LBB2_6:
0x106: {  	[tilespmem:s28], [sflag:$0x5] =	stream.indirect.gather [hbm4b:s13+s19], $0x40, s3, s19, $0xb8;
	[tilespmem:$0x1B000] =	vst v63  }
0x107: {  	s3 =	smov.u32 s26  }
0x108: {  	p0 =	sne.s32 s26, $0x8C00;
	s26 =	sadd.s32 $0xA00, s26;
	_ =	swait.ge [sflag:s29], $0x2000  }
0x109: {  	s3 =	sshra.s32 s3, $0x2;
	[sflag:s29] =	ssyncset.done $0x0  }
0x10a: {  	s4 =	sadd.s32 $0x2800, s3;
	[sflag:s29] =	ssyncadd.s32 $0xFFFFE000  }
0x10b: {  	[spmem:s2] =	stream.indirect.scatter.add.f32 [tilespmem:s20], [sflag:$0x6], $0x40, s4, s19, $0xb8;
	[tilespmem:$0x1B000] =	vst v63  }
0x10c: {  	_ =	swait.ge [sflag:s15], $0x2000  }
0x10d: {  	[sflag:s15] =	ssyncset.done $0x0  }
0x10e: {  	s4 =	sadd.s32 $0x280, s3;
	[sflag:s15] =	ssyncadd.s32 $0xFFFFE000  }
0x10f: {  	[tilespmem:s20], [sflag:$0x1] =	stream.indirect.gather [hbm4b:s13+s19], $0x40, s4, s19, $0xb8;
	[tilespmem:$0x1B000] =	vst v63  }
0x110: {  	_ =	swait.ge [sflag:s30], $0x2000  }
0x111: {  	[sflag:s30] =	ssyncset.done $0x0  }
0x112: {  	s4 =	sadd.s32 $0x2880, s3;
	[sflag:s30] =	ssyncadd.s32 $0xFFFFE000  }
0x113: {  	[spmem:s2] =	stream.indirect.scatter.add.f32 [tilespmem:s21], [sflag:$0x6], $0x40, s4, s19, $0xb8;
	[tilespmem:$0x1B000] =	vst v63  }
0x114: {  	_ =	swait.ge [sflag:s15], $0x2000  }
0x115: {  	[sflag:s15] =	ssyncset.done $0x0  }
0x116: {  	s4 =	sadd.s32 $0x300, s3;
	[sflag:s15] =	ssyncadd.s32 $0xFFFFE000  }
0x117: {  	[tilespmem:s21], [sflag:$0x2] =	stream.indirect.gather [hbm4b:s13+s19], $0x40, s4, s19, $0xb8;
	[tilespmem:$0x1B000] =	vst v63  }
0x118: {  	_ =	swait.ge [sflag:s31], $0x2000  }
0x119: {  	[sflag:s31] =	ssyncset.done $0x0  }
0x11a: {  	s4 =	sadd.s32 $0x2900, s3;
	[sflag:s31] =	ssyncadd.s32 $0xFFFFE000  }
0x11b: {  	[spmem:s2] =	stream.indirect.scatter.add.f32 [tilespmem:s23], [sflag:$0x6], $0x40, s4, s19, $0xb8;
	[tilespmem:$0x1B000] =	vst v63  }
0x11c: {  	_ =	swait.ge [sflag:s15], $0x2000  }
0x11d: {  	[sflag:s15] =	ssyncset.done $0x0  }
0x11e: {  	s4 =	sadd.s32 $0x380, s3;
	[sflag:s15] =	ssyncadd.s32 $0xFFFFE000  }
0x11f: {  	[tilespmem:s23], [sflag:$0x3] =	stream.indirect.gather [hbm4b:s13+s19], $0x40, s4, s19, $0xb8;
	[tilespmem:$0x1B000] =	vst v63  }
0x120: {  	_ =	swait.ge [sflag:s0], $0x2000  }
0x121: {  	[sflag:s0] =	ssyncset.done $0x0  }
0x122: {  	s4 =	sadd.s32 $0x2980, s3;
	[sflag:s0] =	ssyncadd.s32 $0xFFFFE000  }
0x123: {  	[spmem:s2] =	stream.indirect.scatter.add.f32 [tilespmem:s25], [sflag:$0x6], $0x40, s4, s19, $0xb8;
	[tilespmem:$0x1B000] =	vst v63  }
0x124: {  	_ =	swait.ge [sflag:s15], $0x2000  }
0x125: {  	[sflag:s15] =	ssyncset.done $0x0  }
0x126: {  	s4 =	sadd.s32 $0x400, s3;
	[sflag:s15] =	ssyncadd.s32 $0xFFFFE000  }
0x127: {  	[tilespmem:s25], [sflag:$0x4] =	stream.indirect.gather [hbm4b:s13+s19], $0x40, s4, s19, $0xb8;
	[tilespmem:$0x1B000] =	vst v63  }
0x128: {  	_ =	swait.ge [sflag:s17], $0x2000  }
0x129: {  	[sflag:s17] =	ssyncset.done $0x0  }
.Ltmp2:
0x12a: {  	s4 =	sadd.s32 $0x2A00, s3;
	[sflag:s17] =	ssyncadd.s32 $0xFFFFE000;
	(pc) =	sbr.rel @p0 .LBB2_6-.Ltmp2, $4  }
0x12b: {  	[spmem:s2] =	stream.indirect.scatter.add.f32 [tilespmem:s28], [sflag:$0x6], $0x40, s4, s19, $0xb8;
	[tilespmem:$0x1B000] =	vst v63  }
0x12c: {  	_ =	swait.ge [sflag:s15], $0x2000  }
0x12d: {  	[sflag:s15] =	ssyncset.done $0x0  }
0x12e: {  	s3 =	sadd.s32 $0x480, s3;
	[sflag:s15] =	ssyncadd.s32 $0xFFFFE000  }
0x12f: {  	[tilespmem:s28], [sflag:$0x5] =	stream.indirect.gather [hbm4b:s13+s19], $0x40, s3, s19, $0xb8;
	[tilespmem:$0x1B000] =	vst v63  }
0x130: {  	_ =	swait.ge [sflag:s29], $0x2000  }
0x131: {  	[sflag:s29] =	ssyncset.done $0x0  }
0x132: {  	s26 =	simm.s32 $0x4D80;
	[sflag:s29] =	ssyncadd.s32 $0xFFFFE000  }
0x133: {  	[spmem:s2] =	stream.indirect.scatter.add.f32 [tilespmem:s20], [sflag:$0x6], $0x40, s26, s19, $0xb8;
	[tilespmem:$0x1B000] =	vst v63  }
0x134: {  	_ =	swait.ge [sflag:s15], $0x2000  }
0x135: {  	[sflag:s15] =	ssyncset.done $0x0  }
0x136: {  	[sflag:s15] =	ssyncadd.s32 $0xFFFFE000  }
0x137: {  	_ =	swait.ge [sflag:s30], $0x2000  }
0x138: {  	[sflag:s30] =	ssyncset.done $0x0  }
0x139: {  	s4 =	simm.s32 $0x4E00;
	[sflag:s30] =	ssyncadd.s32 $0xFFFFE000  }
0x13a: {  	[spmem:s2] =	stream.indirect.scatter.add.f32 [tilespmem:s21], [sflag:$0x6], $0x40, s4, s19, $0xb8;
	[tilespmem:$0x1B000] =	vst v63  }
0x13b: {  	_ =	swait.ge [sflag:s15], $0x2000  }
0x13c: {  	[sflag:s15] =	ssyncset.done $0x0  }
0x13d: {  	[sflag:s15] =	ssyncadd.s32 $0xFFFFE000  }
0x13e: {  	_ =	swait.ge [sflag:s31], $0x2000  }
0x13f: {  	[sflag:s31] =	ssyncset.done $0x0  }
0x140: {  	[sflag:s31] =	ssyncadd.s32 $0xFFFFE000  }
0x141: {  	[spmem:s2] =	stream.indirect.scatter.add.f32 [tilespmem:s23], [sflag:$0x6], $0x40, s5, s19, $0xb8;
	[tilespmem:$0x1B000] =	vst v63  }
0x142: {  	_ =	swait.ge [sflag:s15], $0x2000  }
0x143: {  	[sflag:s15] =	ssyncset.done $0x0  }
0x144: {  	[sflag:s15] =	ssyncadd.s32 $0xFFFFE000  }
0x145: {  	_ =	swait.ge [sflag:s0], $0x2000  }
0x146: {  	[sflag:s0] =	ssyncset.done $0x0  }
0x147: {  	[sflag:s0] =	ssyncadd.s32 $0xFFFFE000  }
0x148: {  	[spmem:s2] =	stream.indirect.scatter.add.f32 [tilespmem:s25], [sflag:$0x6], $0x40, s11, s19, $0xb8;
	[tilespmem:$0x1B000] =	vst v63  }
0x149: {  	_ =	swait.ge [sflag:s15], $0x2000  }
0x14a: {  	[sflag:s15] =	ssyncset.done $0x0  }
0x14b: {  	[sflag:s15] =	ssyncadd.s32 $0xFFFFE000  }
0x14c: {  	_ =	swait.ge [sflag:s17], $0x2000  }
0x14d: {  	[sflag:s17] =	ssyncset.done $0x0  }
0x14e: {  	[sflag:s17] =	ssyncadd.s32 $0xFFFFE000  }
0x14f: {  	[spmem:s2] =	stream.indirect.scatter.add.f32 [tilespmem:s28], [sflag:$0x6], $0x40, s12, s19, $0xb8;
	[tilespmem:$0x1B000] =	vst v63  }
0x150: {  	_ =	swait.ge [sflag:s15], $0x2000  }
0x151: {  	[sflag:s15] =	ssyncset.done $0x0  }
0x152: {  	[sflag:s15] =	ssyncadd.s32 $0xFFFFE000  }
0x153: {  	s16 =	sadd.s32 $0x14000, s16;
	[bflag:$0x0] =	sbarrier.arrive $0xFFFF  }
0x154: {  	[hbm:s16], [sflag:s22] =	dma.local [spmem:s24], $0x1400  }
0x155: {  	_ =	swait.ge [sflag:s15], $0x1400  }
0x156: {  	s14 =	sadd.s32 $0x1, s14;
	s26 =	rddreg [dreg:$0x7]  }
0x157: {  	p0 =	sne.s32 s14, s26  }
.Ltmp3:
0x158: {  	_ = 	snop;
	(pc) =	sbr.rel @p0 .LBB2_1-.Ltmp3, $3  }
0x159: {  	_ =	sdelay $0x1  }
0x15a: {  	[sflag:s15] =	ssyncset.done $0x0  }
0x15b: {  	[sflag:s15] =	ssyncadd.s32 $0xFFFFEC00;
	s26 =	simm.s32 $0x100  }
0x15c: {  	_ =	sfence.sel $0x180000  }
0x15d: {  	[bflag:$0x0] =	sbarrier.arrive $0xFFFF  }
0x15e: {  	_ =	strace $0x90000050  }
0x15f: {  	s0 =	stileid.u32;
	[bflag:$0x2] =	sbarrier.arrive $0xFFFF  }
0x160: {  	p0 =	sne.s32 s0, $0x0;
	s0 =	rddreg [dreg:$0x3]  }
0x161: {  	s0 =	sadd.s32 @!p0 $0x100000, s0  }
0x162: {  	[sflag:s0] =	ssyncadd.tile.s32 @!p0 $0x1;
	_ =	shalt  }
.Lfunc_end2:
_tile_overlayer_lowered:
.L_overlay_start_2:
0x163: {  	(tag) =	ssettag $0x2  }
0x164: {  	s0 =	rddreg [dreg:$0x0];
	s2 =	stileid.u32  }
0x165: {  	s1 =	rddreg [dreg:$0x1];
	p0 =	sne.s32 s2, $0x0  }
0x166: {  	s3 =	rddreg [dreg:$0x2];
	[bflag:$0x3] =	sbarrier.arrive $0xFFFF;
	s2 =	simm.s32 @!p0 $0x1C06  }
0x167: {  	[timem:s3], [sflag:s2] =	dma.local @!p0 [hbm:s0], s1  }
0x168: {  	s0 =	simm.s32 @!p0 $0x6  }
0x169: {  	_ =	swait.ge @!p0 [sflag:s0], s1  }
0x16a: {  	s1 =	ssub.s32 @!p0 $0x0, s1;
	[sflag:s0] =	ssyncset.done @!p0 $0x0  }
0x16b: {  	[sflag:s0] =	ssyncadd.s32 @!p0 s1  }
0x16c: {  	[bflag:$0x3] =	sbarrier.arrive $0xFFFF  }
0x16d: {  	_ =	shalt  }

</sc_bundles>
